<compile_context>
chip_gen: v7x
topology: tpu7x:2x2x1
jax: 0.10.2.dev20260603
libtpu: 0.0.44.dev20260713+nightly
codegen_flags: <defaults>
</compile_context>

<pallas_src>
import functools

import jax
import jax.numpy as jnp
from jax import lax
from jax.experimental import pallas as pl
from jax.experimental.pallas import tpu as pltpu
from jax.experimental.pallas import tpu_sc as plsc

MASK_TOKEN_ID = 1024
TEMPERATURE = 4.0
EPS = 1e-20

B, N = 64, 8192
L = 16
NV = N // L
K_TOP = N // 2
R_RAND = N - K_TOP
R_CONF = K_TOP - 1
NB1 = 2048
SH1 = 21
NB2 = 512
SH2 = 12
LOWBITS = (1 << SH2) - 1
MININT = -(2 ** 31)
MAXINT = 2 ** 31 - 1
U = 1



def _conf_body(p_ref, u_ref, o_ref):
    p = p_ref[...]
    u = u_ref[...]
    gumbel = -jnp.log(-jnp.log(jnp.maximum(u, EPS)))
    o_ref[...] = jnp.log(jnp.maximum(p, EPS)) + TEMPERATURE * gumbel


def _confidence(probs, noise_u):
    return pl.pallas_call(
        _conf_body,
        out_shape=jax.ShapeDtypeStruct((B, N), jnp.float32),
    )(probs, noise_u)



def _keys(v):
    bits = lax.bitcast_convert_type(v, jnp.int32)
    return bits ^ ((bits >> 31) | MININT)


def _sc_body(rand_hbm, conf_hbm, s_hbm, sM_hbm, mask_hbm,
             frand, fconf, srow, keybuf, obufA, obufB,
             cbuf, cibuf, cbuf2, cibuf2, hist,
             sr0, sr1, ss0, ss1, sc0, sc1, so0, so1, sm0, sm1):
    c_ax = lax.axis_index("c")
    s_ax = lax.axis_index("s")
    wid = s_ax * 2 + c_ax

    iota = lax.iota(jnp.int32, L)
    zeros16 = jnp.zeros((L,), jnp.int32)
    ones16 = jnp.ones((L,), jnp.int32)

    def clear_hist(nb):
        def clr(j, _):
            for u in range(4):
                hist[pl.ds((j * 4 + u) * L, L)] = zeros16
            return 0
        lax.fori_loop(0, nb // L // 4, clr, 0)

    def scan_hist(nb, rank_left):
        def scan(i, carry):
            cum, e1v = carry
            h = hist[pl.ds(i * L, L)]
            cs = plsc.cumsum(h)
            incl = cum + cs
            enc = jnp.where(incl > rank_left,
                            ((i * L + iota) << 14) | (incl - h), MAXINT)
            return cum + cs[L - 1], jnp.minimum(e1v, enc)
        _, e1v = lax.fori_loop(
            0, nb // L, scan,
            (jnp.int32(0), jnp.full((L,), MAXINT, jnp.int32)))
        e1 = jnp.min(e1v)
        return e1 >> 14, e1 & 16383

    def select(srcref, rank, store_keys):
        clear_hist(NB1)
        def build(j, _):
            for u in range(U):
                i = j * U + u
                key = _keys(srcref[pl.ds(i * L, L)])
                if store_keys:
                    keybuf[pl.ds(i * L, L)] = key
                plsc.addupdate_scatter(
                    hist, [lax.shift_right_logical(key, SH1)], ones16)
            return 0
        lax.fori_loop(0, NV // U, build, 0)
        b1, cnt_b1 = scan_hist(NB1, rank)

        def compact(j, off):
            for u in range(U):
                i = j * U + u
                key = _keys(srcref[pl.ds(i * L, L)])
                m = lax.shift_right_logical(key, SH1) == b1
                plsc.store_compressed(cbuf.at[pl.ds(off, L)], key, mask=m)
                if store_keys:
                    plsc.store_compressed(cibuf.at[pl.ds(off, L)],
                                          i * L + iota, mask=m)
                off = off + plsc.all_reduce_population_count(m)[0]
            return off
        cnt1 = lax.fori_loop(0, NV // U, compact, jnp.int32(0))
        nvc1 = (cnt1 + L - 1) >> 4
        rank2 = rank - cnt_b1

        clear_hist(NB2)
        def build2(i, _):
            k = cbuf[pl.ds(i * L, L)]
            valid = (i * L + iota) < cnt1
            bkt = lax.shift_right_logical(k, SH2) & (NB2 - 1)
            plsc.addupdate_scatter(hist, [bkt], ones16, mask=valid)
            return 0
        lax.fori_loop(0, nvc1, build2, 0)
        b2, cnt_b2 = scan_hist(NB2, rank2)

        def compact2(i, off):
            k = cbuf[pl.ds(i * L, L)]
            valid = (i * L + iota) < cnt1
            m = valid & ((lax.shift_right_logical(k, SH2) & (NB2 - 1)) == b2)
            plsc.store_compressed(cbuf2.at[pl.ds(off, L)], k, mask=m)
            if store_keys:
                gi = cibuf[pl.ds(i * L, L)]
                plsc.store_compressed(cibuf2.at[pl.ds(off, L)], gi, mask=m)
            return off + plsc.all_reduce_population_count(m)[0]
        cnt2 = lax.fori_loop(0, nvc1, compact2, jnp.int32(0))
        nvc2 = (cnt2 + L - 1) >> 4
        rank3 = rank2 - cnt_b2

        def bis(_, st):
            lo, hi = st
            mid = (lo + hi) >> 1
            def cnt_body(i, acc):
                k = cbuf2[pl.ds(i * L, L)]
                valid = (i * L + iota) < cnt2
                return acc + jnp.sum(jnp.where(valid & ((k & LOWBITS) <= mid),
                                               1, 0).astype(jnp.int32))
            cnt = lax.fori_loop(0, nvc2, cnt_body, jnp.int32(0))
            take = cnt > rank3
            return (jnp.where(take, lo, mid + 1), jnp.where(take, mid, hi))
        lowT, _ = lax.fori_loop(0, SH2, bis,
                                (jnp.int32(0), jnp.int32(LOWBITS)))
        T_key = (b1 << SH1) | (b2 << SH2) | lowT

        def eqcnt(i, acc):
            lt, eq = acc
            k = cbuf2[pl.ds(i * L, L)]
            valid = (i * L + iota) < cnt2
            kl = k & LOWBITS
            lt = lt + jnp.sum(jnp.where(valid & (kl < lowT), 1, 0).astype(jnp.int32))
            eq = eq + jnp.sum(jnp.where(valid & (kl == lowT), 1, 0).astype(jnp.int32))
            return lt, eq
        lt_in, c_eq = lax.fori_loop(0, nvc2, eqcnt,
                                    (jnp.int32(0), jnp.int32(0)))
        return T_key, cnt_b1 + cnt_b2 + lt_in, c_eq, cnt2, nvc2

    sem_r = [sr0, sr1]; sem_s = [ss0, ss1]; sem_c = [sc0, sc1]
    sem_o = [so0, so1]; sem_m = [sm0, sm1]
    hr = [None, None]; hs = [None, None]; hc = [None, None]
    ho = [None, None]; hm = [None, None]
    for off in range(2):
        row = wid * 2 + off
        hr[off] = pltpu.async_copy(rand_hbm.at[row], frand.at[pl.ds(off * N, N)], sem_r[off])
        hs[off] = pltpu.async_copy(s_hbm.at[row], srow.at[pl.ds(off * N, N)], sem_s[off])
        hc[off] = pltpu.async_copy(conf_hbm.at[row], fconf.at[pl.ds(off * N, N)], sem_c[off])

    for off in range(2):
        row = wid * 2 + off

        hr[off].wait()
        T_key, cnt_lt, c_eq, cnt2, nvc2 = select(frand.at[pl.ds(off * N, N)],
                                                 jnp.int32(R_RAND), True)
        need = cnt_lt + c_eq - K_TOP
        def tie(i, st):
            cum, Iv = st
            k = cbuf2[pl.ds(i * L, L)]
            valid = (i * L + iota) < cnt2
            eqm = valid & (k == T_key)
            ci = plsc.cumsum(jnp.where(eqm, 1, 0).astype(jnp.int32))
            hit = eqm & ((cum + ci) == need)
            gi = cibuf2[pl.ds(i * L, L)]
            return cum + ci[L - 1], jnp.maximum(Iv, jnp.where(hit, gi, -1))
        _, Iv = lax.fori_loop(0, nvc2, tie,
                              (jnp.int32(0), jnp.full((L,), -1, jnp.int32)))
        I = jnp.max(Iv)

        hs[off].wait()
        if off == 1:
            ho[0].wait()
        Ts = T_key ^ MININT
        sref = srow.at[pl.ds(off * N, N)]
        def smask(j, _):
            for u in range(U):
                i = j * U + u
                key = keybuf[pl.ds(i * L, L)]
                m = (((key ^ MININT) > Ts)
                     | ((key == T_key) & ((i * L + iota) <= I)))
                sv = sref[pl.ds(i * L, L)]
                obufA[pl.ds(i * L, L)] = jnp.where(m, sv, MASK_TOKEN_ID)
            return 0
        lax.fori_loop(0, NV // U, smask, 0)
        ho[off] = pltpu.async_copy(obufA, sM_hbm.at[row], sem_o[off])

        hc[off].wait()
        T_key_c, _, _, _, _ = select(fconf.at[pl.ds(off * N, N)], jnp.int32(R_CONF), False)
        bits_c = jnp.where(T_key_c < 0, T_key_c ^ MININT, ~T_key_c)
        cutv = lax.bitcast_convert_type(zeros16 + bits_c, jnp.float32)
        if off == 1:
            hm[0].wait()
        cref = fconf.at[pl.ds(off * N, N)]
        def msweep(j, _):
            for u in range(U):
                i = j * U + u
                v = cref[pl.ds(i * L, L)]
                obufB[pl.ds(i * L, L)] = jnp.where(v < cutv, 1, 0).astype(jnp.int32)
            return 0
        lax.fori_loop(0, NV // U, msweep, 0)
        hm[off] = pltpu.async_copy(obufB, mask_hbm.at[row], sem_m[off])

    ho[1].wait()
    hm[1].wait()


_sc_call = functools.partial(
    pl.kernel,
    out_type=(jax.ShapeDtypeStruct((B, N), jnp.int32),
              jax.ShapeDtypeStruct((B, N), jnp.int32)),
    mesh=plsc.VectorSubcoreMesh(core_axis_name="c", subcore_axis_name="s"),
    scratch_types=[
        pltpu.VMEM((2 * N,), jnp.float32),
        pltpu.VMEM((2 * N,), jnp.float32),
        pltpu.VMEM((2 * N,), jnp.int32),
        pltpu.VMEM((N,), jnp.int32),
        pltpu.VMEM((N,), jnp.int32),
        pltpu.VMEM((N,), jnp.int32),
        pltpu.VMEM((N + L,), jnp.int32),
        pltpu.VMEM((N + L,), jnp.int32),
        pltpu.VMEM((N + L,), jnp.int32),
        pltpu.VMEM((N + L,), jnp.int32),
        pltpu.VMEM((NB1,), jnp.int32),
    ] + [pltpu.SemaphoreType.DMA] * 10,
    compiler_params=pltpu.CompilerParams(needs_layout_passes=False),
)(_sc_body)


def kernel(probs, noise_u, rand_scores, s, n_masks):
    del n_masks
    conf = _confidence(probs, noise_u)
    s_M, mask_i = _sc_call(rand_scores, conf, s)
    return s_M, conf, mask_i.astype(bool)

# --- scband reference (transcript-rebuilt; emitter-appended) ---
"""Pipeline reference for scband-mask-git-30614526885903 (READ-ONLY COPY).

The authoritative reference and input builder live on the scoring server;
editing this copy changes nothing except your own understanding.
"""

import jax, jax.numpy as jnp
import numpy as np

MASK_TOKEN_ID = 1024  # config['VQ-VAE']['codebook_sizes']['lf']
TEMPERATURE = 4.0     # choice_temperatures['lf']
EPS = 1e-20


def setup_inputs(seed: int = 0) -> dict:
    key = jax.random.key(seed)
    k1, k2, k3, k4 = jax.random.split(key, 4)
    B, N = 64, 8192
    probs = jax.random.uniform(k1, (B, N), jnp.float32, minval=1e-6, maxval=1.0)
    noise_u = jax.random.uniform(k2, (B, N), jnp.float32, minval=1e-6, maxval=1.0 - 1e-6)
    rand_scores = jax.random.uniform(k3, (B, N), jnp.float32)
    s = jax.random.randint(k4, (B, N), 0, 1024, dtype=jnp.int32)
    n_masks = 4096  # floor(gamma(t) * N) with t=0.5, cosine schedule
    return {"probs": probs, "noise_u": noise_u, "rand_scores": rand_scores, "s": s, "n_masks": n_masks}


def reference(probs, noise_u, rand_scores, s, n_masks):
    B, N = probs.shape
    n_masks_static = N // 2  # floor(gamma(0.5) * N), cosine schedule => N // 2
    # --- training-style random top-k token masking (MaskGIT.forward) ---
    # mask.scatter_(dim=1, index=rand.topk(n_masks, dim=1).indices, value=True)
    topk_idx = jax.lax.top_k(rand_scores, n_masks_static)[1]
    mask = jnp.zeros((B, N), dtype=bool).at[jnp.arange(B)[:, None], topk_idx].set(True)
    # s_M = mask * s + ~mask * mask_token_ids  (faithful to original quirk)
    s_M = jnp.where(mask, s, jnp.int32(MASK_TOKEN_ID))
    # --- mask_by_random_topk (sampling-time confidence masking) ---
    # gumbel_noise(t) = -log(-log(uniform(0,1)))
    gumbel = -jnp.log(-jnp.log(jnp.clip(noise_u, EPS, None)))
    confidence = jnp.log(jnp.clip(probs, EPS, None)) + TEMPERATURE * gumbel
    sorted_confidence = jnp.sort(confidence, axis=-1)
    cut_off = jax.lax.dynamic_slice_in_dim(sorted_confidence, n_masks - 1, 1, axis=1)
    masking = confidence < cut_off
    return (s_M, confidence, masking)

if __name__ == "__main__":
    import jax
    _d = setup_inputs()
    print(jax.jit(kernel)(*tuple(_d.values())))

</pallas_src>

<mosaic_0001>
#map = affine_map<(d0, d1) -> (0, 0)>
module attributes {stable_mosaic.version = 14 : i64} {
  func.func @_sc_body(%arg0: i32, %arg1: i32, %arg2: memref<64x8192xf32, #tpu.memory_space<hbm>>, %arg3: memref<64x8192xf32, #tpu.memory_space<hbm>>, %arg4: memref<64x8192xi32, #tpu.memory_space<hbm>>, %arg5: memref<64x8192xi32, #tpu.memory_space<hbm>>, %arg6: memref<64x8192xi32, #tpu.memory_space<hbm>>, %arg7: memref<16384xf32, #tpu.memory_space<vmem>>, %arg8: memref<16384xf32, #tpu.memory_space<vmem>>, %arg9: memref<16384xi32, #tpu.memory_space<vmem>>, %arg10: memref<8192xi32, #tpu.memory_space<vmem>>, %arg11: memref<8192xi32, #tpu.memory_space<vmem>>, %arg12: memref<8192xi32, #tpu.memory_space<vmem>>, %arg13: memref<8208xi32, #tpu.memory_space<vmem>>, %arg14: memref<8208xi32, #tpu.memory_space<vmem>>, %arg15: memref<8208xi32, #tpu.memory_space<vmem>>, %arg16: memref<8208xi32, #tpu.memory_space<vmem>>, %arg17: memref<2048xi32, #tpu.memory_space<vmem>>, %arg18: memref<!tpu.dma_semaphore, #tpu.memory_space<semaphore_mem>>, %arg19: memref<!tpu.dma_semaphore, #tpu.memory_space<semaphore_mem>>, %arg20: memref<!tpu.dma_semaphore, #tpu.memory_space<semaphore_mem>>, %arg21: memref<!tpu.dma_semaphore, #tpu.memory_space<semaphore_mem>>, %arg22: memref<!tpu.dma_semaphore, #tpu.memory_space<semaphore_mem>>, %arg23: memref<!tpu.dma_semaphore, #tpu.memory_space<semaphore_mem>>, %arg24: memref<!tpu.dma_semaphore, #tpu.memory_space<semaphore_mem>>, %arg25: memref<!tpu.dma_semaphore, #tpu.memory_space<semaphore_mem>>, %arg26: memref<!tpu.dma_semaphore, #tpu.memory_space<semaphore_mem>>, %arg27: memref<!tpu.dma_semaphore, #tpu.memory_space<semaphore_mem>>) attributes {dimension_semantics = [#tpu.dimension_semantics<core_parallel>, #tpu.dimension_semantics<subcore_parallel>], iteration_bounds = array<i64: 2, 16>, scalar_prefetch = 0 : i64, scratch_operands = 21 : i64, tpu.core_type = #tpu.core_type<sc_vector_subcore>, window_params = [{transform_indices = #map}, {transform_indices = #map}, {transform_indices = #map}, {transform_indices = #map}, {transform_indices = #map}]} {
    %mul3A = arith.constant 2 : i32
    %mul3A_0 = arith.muli %arg1, %mul3A : i32
    %add3A = arith.addi %mul3A_0, %arg0 : i32
    %iota3A = tpu.iota {dimensions = array<i32: 0>} : vector<16xi32>
    %broadcast_in_dim3A = arith.constant 0 : i32
    %broadcast_in_dim3A_1 = vector.broadcast %broadcast_in_dim3A : i32 to vector<16xi32>
    %broadcast_in_dim3A_2 = arith.constant 1 : i32
    %broadcast_in_dim3A_3 = vector.broadcast %broadcast_in_dim3A_2 : i32 to vector<16xi32>
    %mul3A_4 = arith.constant 2 : i32
    %mul3A_5 = arith.muli %add3A, %mul3A_4 : i32
    %add3A_6 = arith.constant 0 : i32
    %add3A_7 = arith.addi %mul3A_5, %add3A_6 : i32
    %dma_start3A = arith.constant 0 : i32
    %dma_start3A_8 = tpu.memref_slice %arg7[%dma_start3A] : memref<16384xf32, #tpu.memory_space<vmem>> -> memref<8192xf32, #tpu.memory_space<vmem>>
    %dma_start3A_9 = arith.constant 0 : i32
    %dma_start3A_10 = tpu.memref_slice %arg2[%add3A_7, %dma_start3A_9] : memref<64x8192xf32, #tpu.memory_space<hbm>> -> memref<1x8192xf32, #tpu.memory_space<hbm>>
    %dma_start3A_11 = tpu.memref_squeeze %dma_start3A_10 : memref<1x8192xf32, #tpu.memory_space<hbm>> -> memref<8192xf32, #tpu.memory_space<hbm>>
    %dma_start3A_12 = arith.constant 0 : i32
    %dma_start3A_13 = tpu.memref_slice %arg7[%dma_start3A_12] : memref<16384xf32, #tpu.memory_space<vmem>> -> memref<8192xf32, #tpu.memory_space<vmem>>
    %dma_start3A_14 = arith.constant 0 : i32
    %dma_start3A_15 = tpu.memref_slice %arg2[%add3A_7, %dma_start3A_14] : memref<64x8192xf32, #tpu.memory_space<hbm>> -> memref<1x8192xf32, #tpu.memory_space<hbm>>
    %dma_start3A_16 = tpu.memref_squeeze %dma_start3A_15 : memref<1x8192xf32, #tpu.memory_space<hbm>> -> memref<8192xf32, #tpu.memory_space<hbm>>
    tpu.enqueue_dma source(%dma_start3A_16 : memref<8192xf32, #tpu.memory_space<hbm>>) target(%dma_start3A_13 : memref<8192xf32, #tpu.memory_space<vmem>>) target_semaphore(%arg18 : memref<!tpu.dma_semaphore, #tpu.memory_space<semaphore_mem>>)
    %dma_start3A_17 = arith.constant 0 : i32
    %dma_start3A_18 = tpu.memref_slice %arg9[%dma_start3A_17] : memref<16384xi32, #tpu.memory_space<vmem>> -> memref<8192xi32, #tpu.memory_space<vmem>>
    %dma_start3A_19 = arith.constant 0 : i32
    %dma_start3A_20 = tpu.memref_slice %arg4[%add3A_7, %dma_start3A_19] : memref<64x8192xi32, #tpu.memory_space<hbm>> -> memref<1x8192xi32, #tpu.memory_space<hbm>>
    %dma_start3A_21 = tpu.memref_squeeze %dma_start3A_20 : memref<1x8192xi32, #tpu.memory_space<hbm>> -> memref<8192xi32, #tpu.memory_space<hbm>>
    %dma_start3A_22 = arith.constant 0 : i32
    %dma_start3A_23 = tpu.memref_slice %arg9[%dma_start3A_22] : memref<16384xi32, #tpu.memory_space<vmem>> -> memref<8192xi32, #tpu.memory_space<vmem>>
    %dma_start3A_24 = arith.constant 0 : i32
    %dma_start3A_25 = tpu.memref_slice %arg4[%add3A_7, %dma_start3A_24] : memref<64x8192xi32, #tpu.memory_space<hbm>> -> memref<1x8192xi32, #tpu.memory_space<hbm>>
    %dma_start3A_26 = tpu.memref_squeeze %dma_start3A_25 : memref<1x8192xi32, #tpu.memory_space<hbm>> -> memref<8192xi32, #tpu.memory_space<hbm>>
    tpu.enqueue_dma source(%dma_start3A_26 : memref<8192xi32, #tpu.memory_space<hbm>>) target(%dma_start3A_23 : memref<8192xi32, #tpu.memory_space<vmem>>) target_semaphore(%arg20 : memref<!tpu.dma_semaphore, #tpu.memory_space<semaphore_mem>>)
    %dma_start3A_27 = arith.constant 0 : i32
    %dma_start3A_28 = tpu.memref_slice %arg8[%dma_start3A_27] : memref<16384xf32, #tpu.memory_space<vmem>> -> memref<8192xf32, #tpu.memory_space<vmem>>
    %dma_start3A_29 = arith.constant 0 : i32
    %dma_start3A_30 = tpu.memref_slice %arg3[%add3A_7, %dma_start3A_29] : memref<64x8192xf32, #tpu.memory_space<hbm>> -> memref<1x8192xf32, #tpu.memory_space<hbm>>
    %dma_start3A_31 = tpu.memref_squeeze %dma_start3A_30 : memref<1x8192xf32, #tpu.memory_space<hbm>> -> memref<8192xf32, #tpu.memory_space<hbm>>
    %dma_start3A_32 = arith.constant 0 : i32
    %dma_start3A_33 = tpu.memref_slice %arg8[%dma_start3A_32] : memref<16384xf32, #tpu.memory_space<vmem>> -> memref<8192xf32, #tpu.memory_space<vmem>>
    %dma_start3A_34 = arith.constant 0 : i32
    %dma_start3A_35 = tpu.memref_slice %arg3[%add3A_7, %dma_start3A_34] : memref<64x8192xf32, #tpu.memory_space<hbm>> -> memref<1x8192xf32, #tpu.memory_space<hbm>>
    %dma_start3A_36 = tpu.memref_squeeze %dma_start3A_35 : memref<1x8192xf32, #tpu.memory_space<hbm>> -> memref<8192xf32, #tpu.memory_space<hbm>>
    tpu.enqueue_dma source(%dma_start3A_36 : memref<8192xf32, #tpu.memory_space<hbm>>) target(%dma_start3A_33 : memref<8192xf32, #tpu.memory_space<vmem>>) target_semaphore(%arg22 : memref<!tpu.dma_semaphore, #tpu.memory_space<semaphore_mem>>)
    %mul3A_37 = arith.constant 2 : i32
    %mul3A_38 = arith.muli %add3A, %mul3A_37 : i32
    %add3A_39 = arith.constant 1 : i32
    %add3A_40 = arith.addi %mul3A_38, %add3A_39 : i32
    %dma_start3A_41 = arith.constant 8192 : i32
    %dma_start3A_42 = tpu.memref_slice %arg7[%dma_start3A_41] : memref<16384xf32, #tpu.memory_space<vmem>> -> memref<8192xf32, #tpu.memory_space<vmem>>
    %dma_start3A_43 = arith.constant 0 : i32
    %dma_start3A_44 = tpu.memref_slice %arg2[%add3A_40, %dma_start3A_43] : memref<64x8192xf32, #tpu.memory_space<hbm>> -> memref<1x8192xf32, #tpu.memory_space<hbm>>
    %dma_start3A_45 = tpu.memref_squeeze %dma_start3A_44 : memref<1x8192xf32, #tpu.memory_space<hbm>> -> memref<8192xf32, #tpu.memory_space<hbm>>
    %dma_start3A_46 = arith.constant 8192 : i32
    %dma_start3A_47 = tpu.memref_slice %arg7[%dma_start3A_46] : memref<16384xf32, #tpu.memory_space<vmem>> -> memref<8192xf32, #tpu.memory_space<vmem>>
    %dma_start3A_48 = arith.constant 0 : i32
    %dma_start3A_49 = tpu.memref_slice %arg2[%add3A_40, %dma_start3A_48] : memref<64x8192xf32, #tpu.memory_space<hbm>> -> memref<1x8192xf32, #tpu.memory_space<hbm>>
    %dma_start3A_50 = tpu.memref_squeeze %dma_start3A_49 : memref<1x8192xf32, #tpu.memory_space<hbm>> -> memref<8192xf32, #tpu.memory_space<hbm>>
    tpu.enqueue_dma source(%dma_start3A_50 : memref<8192xf32, #tpu.memory_space<hbm>>) target(%dma_start3A_47 : memref<8192xf32, #tpu.memory_space<vmem>>) target_semaphore(%arg19 : memref<!tpu.dma_semaphore, #tpu.memory_space<semaphore_mem>>)
    %dma_start3A_51 = arith.constant 8192 : i32
    %dma_start3A_52 = tpu.memref_slice %arg9[%dma_start3A_51] : memref<16384xi32, #tpu.memory_space<vmem>> -> memref<8192xi32, #tpu.memory_space<vmem>>
    %dma_start3A_53 = arith.constant 0 : i32
    %dma_start3A_54 = tpu.memref_slice %arg4[%add3A_40, %dma_start3A_53] : memref<64x8192xi32, #tpu.memory_space<hbm>> -> memref<1x8192xi32, #tpu.memory_space<hbm>>
    %dma_start3A_55 = tpu.memref_squeeze %dma_start3A_54 : memref<1x8192xi32, #tpu.memory_space<hbm>> -> memref<8192xi32, #tpu.memory_space<hbm>>
    %dma_start3A_56 = arith.constant 8192 : i32
    %dma_start3A_57 = tpu.memref_slice %arg9[%dma_start3A_56] : memref<16384xi32, #tpu.memory_space<vmem>> -> memref<8192xi32, #tpu.memory_space<vmem>>
    %dma_start3A_58 = arith.constant 0 : i32
    %dma_start3A_59 = tpu.memref_slice %arg4[%add3A_40, %dma_start3A_58] : memref<64x8192xi32, #tpu.memory_space<hbm>> -> memref<1x8192xi32, #tpu.memory_space<hbm>>
    %dma_start3A_60 = tpu.memref_squeeze %dma_start3A_59 : memref<1x8192xi32, #tpu.memory_space<hbm>> -> memref<8192xi32, #tpu.memory_space<hbm>>
    tpu.enqueue_dma source(%dma_start3A_60 : memref<8192xi32, #tpu.memory_space<hbm>>) target(%dma_start3A_57 : memref<8192xi32, #tpu.memory_space<vmem>>) target_semaphore(%arg21 : memref<!tpu.dma_semaphore, #tpu.memory_space<semaphore_mem>>)
    %dma_start3A_61 = arith.constant 8192 : i32
    %dma_start3A_62 = tpu.memref_slice %arg8[%dma_start3A_61] : memref<16384xf32, #tpu.memory_space<vmem>> -> memref<8192xf32, #tpu.memory_space<vmem>>
    %dma_start3A_63 = arith.constant 0 : i32
    %dma_start3A_64 = tpu.memref_slice %arg3[%add3A_40, %dma_start3A_63] : memref<64x8192xf32, #tpu.memory_space<hbm>> -> memref<1x8192xf32, #tpu.memory_space<hbm>>
    %dma_start3A_65 = tpu.memref_squeeze %dma_start3A_64 : memref<1x8192xf32, #tpu.memory_space<hbm>> -> memref<8192xf32, #tpu.memory_space<hbm>>
    %dma_start3A_66 = arith.constant 8192 : i32
    %dma_start3A_67 = tpu.memref_slice %arg8[%dma_start3A_66] : memref<16384xf32, #tpu.memory_space<vmem>> -> memref<8192xf32, #tpu.memory_space<vmem>>
    %dma_start3A_68 = arith.constant 0 : i32
    %dma_start3A_69 = tpu.memref_slice %arg3[%add3A_40, %dma_start3A_68] : memref<64x8192xf32, #tpu.memory_space<hbm>> -> memref<1x8192xf32, #tpu.memory_space<hbm>>
    %dma_start3A_70 = tpu.memref_squeeze %dma_start3A_69 : memref<1x8192xf32, #tpu.memory_space<hbm>> -> memref<8192xf32, #tpu.memory_space<hbm>>
    tpu.enqueue_dma source(%dma_start3A_70 : memref<8192xf32, #tpu.memory_space<hbm>>) target(%dma_start3A_67 : memref<8192xf32, #tpu.memory_space<vmem>>) target_semaphore(%arg23 : memref<!tpu.dma_semaphore, #tpu.memory_space<semaphore_mem>>)
    %mul3A_71 = arith.constant 2 : i32
    %mul3A_72 = arith.muli %add3A, %mul3A_71 : i32
    %add3A_73 = arith.constant 0 : i32
    %add3A_74 = arith.addi %mul3A_72, %add3A_73 : i32
    %dma_wait3A = arith.constant 0 : i32
    %dma_wait3A_75 = tpu.memref_slice %arg7[%dma_wait3A] : memref<16384xf32, #tpu.memory_space<vmem>> -> memref<8192xf32, #tpu.memory_space<vmem>>
    %dma_wait3A_76 = arith.constant 0 : i32
    %dma_wait3A_77 = tpu.memref_slice %arg2[%add3A_7, %dma_wait3A_76] : memref<64x8192xf32, #tpu.memory_space<hbm>> -> memref<1x8192xf32, #tpu.memory_space<hbm>>
    %dma_wait3A_78 = tpu.memref_squeeze %dma_wait3A_77 : memref<1x8192xf32, #tpu.memory_space<hbm>> -> memref<8192xf32, #tpu.memory_space<hbm>>
    %dma_wait3A_79 = arith.constant 0 : i32
    %dma_wait3A_80 = tpu.memref_slice %arg7[%dma_wait3A_79] : memref<16384xf32, #tpu.memory_space<vmem>> -> memref<8192xf32, #tpu.memory_space<vmem>>
    %dma_wait3A_81 = arith.constant 0 : i32
    %dma_wait3A_82 = tpu.memref_slice %arg2[%add3A_7, %dma_wait3A_81] : memref<64x8192xf32, #tpu.memory_space<hbm>> -> memref<1x8192xf32, #tpu.memory_space<hbm>>
    %dma_wait3A_83 = tpu.memref_squeeze %dma_wait3A_82 : memref<1x8192xf32, #tpu.memory_space<hbm>> -> memref<8192xf32, #tpu.memory_space<hbm>>
    tpu.wait_dma2 semaphore(%arg18 : memref<!tpu.dma_semaphore, #tpu.memory_space<semaphore_mem>>) src(%dma_wait3A_83 : memref<8192xf32, #tpu.memory_space<hbm>>) dst(%dma_wait3A_80 : memref<8192xf32, #tpu.memory_space<vmem>>)
    %scan3A = arith.constant 0 : i32
    %scan3A_84 = arith.constant 0 : i32
    %scan3A_85 = arith.constant 32 : i32
    %scan3A_86 = arith.addi %scan3A_84, %scan3A_85 : i32
    %scan3A_87 = arith.constant 1 : i32
    %scan3A_88 = scf.for %scan3A_830 = %scan3A_84 to %scan3A_86 step %scan3A_87 iter_args(%scan3A_831 = %scan3A) -> (i32)  : i32 {
      %mul3A_832 = arith.constant 4 : i32
      %mul3A_833 = arith.muli %scan3A_830, %mul3A_832 : i32
      %add3A_834 = arith.constant 0 : i32
      %add3A_835 = arith.addi %mul3A_833, %add3A_834 : i32
      %mul3A_836 = arith.constant 16 : i32
      %mul3A_837 = arith.muli %add3A_835, %mul3A_836 : i32
      %swap3A = arith.index_cast %mul3A_837 : i32 to index
      %swap3A_838 = tpu.vector_load %arg17[%swap3A] {strides = array<i32>} : memref<2048xi32, #tpu.memory_space<vmem>>, vector<16xi32>,
      tpu.vector_store %arg17[%swap3A], %broadcast_in_dim3A_1 {strides = array<i32>} : memref<2048xi32, #tpu.memory_space<vmem>>, vector<16xi32>,
      %mul3A_839 = arith.constant 4 : i32
      %mul3A_840 = arith.muli %scan3A_830, %mul3A_839 : i32
      %add3A_841 = arith.constant 1 : i32
      %add3A_842 = arith.addi %mul3A_840, %add3A_841 : i32
      %mul3A_843 = arith.constant 16 : i32
      %mul3A_844 = arith.muli %add3A_842, %mul3A_843 : i32
      %swap3A_845 = arith.index_cast %mul3A_844 : i32 to index
      %swap3A_846 = tpu.vector_load %arg17[%swap3A_845] {strides = array<i32>} : memref<2048xi32, #tpu.memory_space<vmem>>, vector<16xi32>,
      tpu.vector_store %arg17[%swap3A_845], %broadcast_in_dim3A_1 {strides = array<i32>} : memref<2048xi32, #tpu.memory_space<vmem>>, vector<16xi32>,
      %mul3A_847 = arith.constant 4 : i32
      %mul3A_848 = arith.muli %scan3A_830, %mul3A_847 : i32
      %add3A_849 = arith.constant 2 : i32
      %add3A_850 = arith.addi %mul3A_848, %add3A_849 : i32
      %mul3A_851 = arith.constant 16 : i32
      %mul3A_852 = arith.muli %add3A_850, %mul3A_851 : i32
      %swap3A_853 = arith.index_cast %mul3A_852 : i32 to index
      %swap3A_854 = tpu.vector_load %arg17[%swap3A_853] {strides = array<i32>} : memref<2048xi32, #tpu.memory_space<vmem>>, vector<16xi32>,
      tpu.vector_store %arg17[%swap3A_853], %broadcast_in_dim3A_1 {strides = array<i32>} : memref<2048xi32, #tpu.memory_space<vmem>>, vector<16xi32>,
      %mul3A_855 = arith.constant 4 : i32
      %mul3A_856 = arith.muli %scan3A_830, %mul3A_855 : i32
      %add3A_857 = arith.constant 3 : i32
      %add3A_858 = arith.addi %mul3A_856, %add3A_857 : i32
      %mul3A_859 = arith.constant 16 : i32
      %mul3A_860 = arith.muli %add3A_858, %mul3A_859 : i32
      %swap3A_861 = arith.index_cast %mul3A_860 : i32 to index
      %swap3A_862 = tpu.vector_load %arg17[%swap3A_861] {strides = array<i32>} : memref<2048xi32, #tpu.memory_space<vmem>>, vector<16xi32>,
      tpu.vector_store %arg17[%swap3A_861], %broadcast_in_dim3A_1 {strides = array<i32>} : memref<2048xi32, #tpu.memory_space<vmem>>, vector<16xi32>,
      %scan3A_863 = arith.constant 0 : i32
      scf.yield %scan3A_863 : i32
    }
    %scan3A_89 = arith.constant 32 : i32
    %scan3A_90 = arith.constant 0 : i32
    %scan3A_91 = arith.constant 0 : i32
    %scan3A_92 = arith.constant 512 : i32
    %scan3A_93 = arith.addi %scan3A_91, %scan3A_92 : i32
    %scan3A_94 = arith.constant 1 : i32
    %scan3A_95 = scf.for %scan3A_830 = %scan3A_91 to %scan3A_93 step %scan3A_94 iter_args(%scan3A_831 = %scan3A_90) -> (i32)  : i32 {
      %mul3A_832 = arith.constant 1 : i32
      %mul3A_833 = arith.muli %scan3A_830, %mul3A_832 : i32
      %add3A_834 = arith.constant 0 : i32
      %add3A_835 = arith.addi %mul3A_833, %add3A_834 : i32
      %mul3A_836 = arith.constant 16 : i32
      %mul3A_837 = arith.muli %add3A_835, %mul3A_836 : i32
      %get3A = arith.constant 0 : i32
      %get3A_838 = tpu.memref_slice %arg7[%get3A] : memref<16384xf32, #tpu.memory_space<vmem>> -> memref<8192xf32, #tpu.memory_space<vmem>>
      %get3A_839 = arith.index_cast %mul3A_837 : i32 to index
      %get3A_840 = tpu.vector_load %get3A_838[%get3A_839] {strides = array<i32>} : memref<8192xf32, #tpu.memory_space<vmem>>, vector<16xf32>,
      %bitcast_convert_type3A_841 = tpu.bitcast %get3A_840 : vector<16xf32> -> vector<16xi32>
      %shift_right_arithmetic3A_842 = arith.constant 31 : i32
      %shift_right_arithmetic3A_843 = vector.broadcast %shift_right_arithmetic3A_842 : i32 to vector<16xi32>
      %shift_right_arithmetic3A_844 = arith.shrsi %bitcast_convert_type3A_841, %shift_right_arithmetic3A_843 : vector<16xi32>
      %or3A_845 = arith.constant -2147483648 : i32
      %or3A_846 = vector.broadcast %or3A_845 : i32 to vector<16xi32>
      %or3A_847 = arith.ori %shift_right_arithmetic3A_844, %or3A_846 : vector<16xi32>
      %xor3A_848 = arith.xori %bitcast_convert_type3A_841, %or3A_847 : vector<16xi32>
      %mul3A_849 = arith.constant 16 : i32
      %mul3A_850 = arith.muli %add3A_835, %mul3A_849 : i32
      %swap3A = arith.index_cast %mul3A_850 : i32 to index
      %swap3A_851 = tpu.vector_load %arg10[%swap3A] {strides = array<i32>} : memref<8192xi32, #tpu.memory_space<vmem>>, vector<16xi32>,
      tpu.vector_store %arg10[%swap3A], %xor3A_848 {strides = array<i32>} : memref<8192xi32, #tpu.memory_space<vmem>>, vector<16xi32>,
      %shift_right_logical3A = arith.constant 21 : i32
      %shift_right_logical3A_852 = vector.broadcast %shift_right_logical3A : i32 to vector<16xi32>
      %shift_right_logical3A_853 = arith.shrui %xor3A_848, %shift_right_logical3A_852 : vector<16xi32>
      tpu.vector_store_idx %arg17[%shift_right_logical3A_853], %broadcast_in_dim3A_3 {add = true} : memref<2048xi32, #tpu.memory_space<vmem>>[vector<16xi32>], vector<16xi32>,
      %scan3A_854 = arith.constant 0 : i32
      scf.yield %scan3A_854 : i32
    }
    %scan3A_96 = arith.constant 512 : i32
    %broadcast_in_dim3A_97 = arith.constant 2147483647 : i32
    %broadcast_in_dim3A_98 = vector.broadcast %broadcast_in_dim3A_97 : i32 to vector<16xi32>
    %scan3A_99 = arith.constant 4096 : i32
    %scan3A_100 = arith.constant 0 : i32
    %scan3A_101 = arith.constant 0 : i32
    %scan3A_102 = arith.constant 128 : i32
    %scan3A_103 = arith.addi %scan3A_101, %scan3A_102 : i32
    %scan3A_104 = arith.constant 1 : i32
    %scan3A_105:2 = scf.for %scan3A_830 = %scan3A_101 to %scan3A_103 step %scan3A_104 iter_args(%scan3A_831 = %scan3A_100, %scan3A_832 = %broadcast_in_dim3A_98) -> (i32, vector<16xi32>)  : i32 {
      %mul3A_833 = arith.constant 16 : i32
      %mul3A_834 = arith.muli %scan3A_830, %mul3A_833 : i32
      %get3A = arith.index_cast %mul3A_834 : i32 to index
      %get3A_835 = tpu.vector_load %arg17[%get3A] {strides = array<i32>} : memref<2048xi32, #tpu.memory_space<vmem>>, vector<16xi32>,
      %broadcast_in_dim3A_836 = arith.constant true
      %broadcast_in_dim3A_837 = vector.broadcast %broadcast_in_dim3A_836 : i1 to vector<16xi1>
      %masked_cumsum3A = tpu.scan <sum>, %get3A_835 masked %broadcast_in_dim3A_837 : vector<16xi32>, vector<16xi1> -> vector<16xi32>
      %add3A_838 = vector.broadcast %scan3A_831 : i32 to vector<16xi32>
      %add3A_839 = arith.addi %add3A_838, %masked_cumsum3A : vector<16xi32>
      %gt3A = vector.broadcast %scan3A_99 : i32 to vector<16xi32>
      %gt3A_840 = arith.cmpi sgt, %add3A_839, %gt3A : vector<16xi32>
      %mul3A_841 = arith.constant 16 : i32
      %mul3A_842 = arith.muli %scan3A_830, %mul3A_841 : i32
      %add3A_843 = vector.broadcast %mul3A_842 : i32 to vector<16xi32>
      %add3A_844 = arith.addi %add3A_843, %iota3A : vector<16xi32>
      %shift_left3A_845 = arith.constant 14 : i32
      %shift_left3A_846 = vector.broadcast %shift_left3A_845 : i32 to vector<16xi32>
      %shift_left3A_847 = arith.shli %add3A_844, %shift_left3A_846 : vector<16xi32>
      %sub3A_848 = arith.subi %add3A_839, %get3A_835 : vector<16xi32>
      %or3A_849 = arith.ori %shift_left3A_847, %sub3A_848 : vector<16xi32>
      %jit3A = arith.constant 2147483647 : i32
      %broadcast_in_dim3A_850 = vector.broadcast %jit3A : i32 to vector<16xi32>
      %select_n3A_851 = arith.select %gt3A_840, %or3A_849, %broadcast_in_dim3A_850 : vector<16xi1>, vector<16xi32>
      %slice3A = vector.extract_strided_slice %masked_cumsum3A {offsets = [15], sizes = [1], strides = [1]} : vector<16xi32> to vector<1xi32>
      %squeeze3A = vector.extract %slice3A[0] : i32 from vector<1xi32>
      %add3A_852 = arith.addi %scan3A_831, %squeeze3A : i32
      %min3A = arith.minsi %scan3A_832, %select_n3A_851 : vector<16xi32>
      scf.yield %add3A_852, %min3A : i32, vector<16xi32>
    }
    %scan3A_106 = arith.constant 128 : i32
    %reduce_min3A = arith.constant true
    %reduce_min3A_107 = vector.broadcast %reduce_min3A : i1 to vector<16xi1>
    %reduce_min3A_108 = arith.constant -2147483648 : i32
    %reduce_min3A_109 = vector.broadcast %reduce_min3A_108 : i32 to vector<16xi32>
    %reduce_min3A_110 = arith.xori %scan3A_105#1, %reduce_min3A_109 : vector<16xi32>
    %reduce_min3A_111 = tpu.scan <min>, %reduce_min3A_110 masked %reduce_min3A_107 : vector<16xi32>, vector<16xi1> -> vector<16xi32>
    %reduce_min3A_112 = arith.xori %reduce_min3A_111, %reduce_min3A_109 : vector<16xi32>
    %reduce_min3A_113 = vector.extract %reduce_min3A_112[15] : i32 from vector<16xi32>
    %shift_right_arithmetic3A = arith.constant 14 : i32
    %shift_right_arithmetic3A_114 = arith.shrsi %reduce_min3A_113, %shift_right_arithmetic3A : i32
    %and3A = arith.constant 16383 : i32
    %and3A_115 = arith.andi %reduce_min3A_113, %and3A : i32
    %scan3A_116 = arith.constant 0 : i32
    %scan3A_117 = arith.constant 0 : i32
    %scan3A_118 = arith.constant 512 : i32
    %scan3A_119 = arith.addi %scan3A_117, %scan3A_118 : i32
    %scan3A_120 = arith.constant 1 : i32
    %scan3A_121 = scf.for %scan3A_830 = %scan3A_117 to %scan3A_119 step %scan3A_120 iter_args(%scan3A_831 = %scan3A_116) -> (i32)  : i32 {
      %mul3A_832 = arith.constant 1 : i32
      %mul3A_833 = arith.muli %scan3A_830, %mul3A_832 : i32
      %add3A_834 = arith.constant 0 : i32
      %add3A_835 = arith.addi %mul3A_833, %add3A_834 : i32
      %mul3A_836 = arith.constant 16 : i32
      %mul3A_837 = arith.muli %add3A_835, %mul3A_836 : i32
      %get3A = arith.constant 0 : i32
      %get3A_838 = tpu.memref_slice %arg7[%get3A] : memref<16384xf32, #tpu.memory_space<vmem>> -> memref<8192xf32, #tpu.memory_space<vmem>>
      %get3A_839 = arith.index_cast %mul3A_837 : i32 to index
      %get3A_840 = tpu.vector_load %get3A_838[%get3A_839] {strides = array<i32>} : memref<8192xf32, #tpu.memory_space<vmem>>, vector<16xf32>,
      %bitcast_convert_type3A_841 = tpu.bitcast %get3A_840 : vector<16xf32> -> vector<16xi32>
      %shift_right_arithmetic3A_842 = arith.constant 31 : i32
      %shift_right_arithmetic3A_843 = vector.broadcast %shift_right_arithmetic3A_842 : i32 to vector<16xi32>
      %shift_right_arithmetic3A_844 = arith.shrsi %bitcast_convert_type3A_841, %shift_right_arithmetic3A_843 : vector<16xi32>
      %or3A_845 = arith.constant -2147483648 : i32
      %or3A_846 = vector.broadcast %or3A_845 : i32 to vector<16xi32>
      %or3A_847 = arith.ori %shift_right_arithmetic3A_844, %or3A_846 : vector<16xi32>
      %xor3A_848 = arith.xori %bitcast_convert_type3A_841, %or3A_847 : vector<16xi32>
      %shift_right_logical3A = arith.constant 21 : i32
      %shift_right_logical3A_849 = vector.broadcast %shift_right_logical3A : i32 to vector<16xi32>
      %shift_right_logical3A_850 = arith.shrui %xor3A_848, %shift_right_logical3A_849 : vector<16xi32>
      %eq3A = vector.broadcast %shift_right_arithmetic3A_114 : i32 to vector<16xi32>
      %eq3A_851 = arith.cmpi eq, %shift_right_logical3A_850, %eq3A : vector<16xi32>
      %swap3A = arith.index_cast %scan3A_831 : i32 to index
      %swap3A_852 = tpu.vector_load %arg13[%swap3A] masked %eq3A_851 {strides = array<i32>} : memref<8208xi32, #tpu.memory_space<vmem>>, vector<16xi32>, vector<16xi1>
      tpu.vector_store %arg13[%swap3A], %xor3A_848 masked %eq3A_851 {strides = array<i32>} : memref<8208xi32, #tpu.memory_space<vmem>>, vector<16xi32>, vector<16xi1>
      %mul3A_853 = arith.constant 16 : i32
      %mul3A_854 = arith.muli %add3A_835, %mul3A_853 : i32
      %add3A_855 = vector.broadcast %mul3A_854 : i32 to vector<16xi32>
      %add3A_856 = arith.addi %add3A_855, %iota3A : vector<16xi32>
      %swap3A_857 = arith.index_cast %scan3A_831 : i32 to index
      %swap3A_858 = tpu.vector_load %arg14[%swap3A_857] masked %eq3A_851 {strides = array<i32>} : memref<8208xi32, #tpu.memory_space<vmem>>, vector<16xi32>, vector<16xi1>
      tpu.vector_store %arg14[%swap3A_857], %add3A_856 masked %eq3A_851 {strides = array<i32>} : memref<8208xi32, #tpu.memory_space<vmem>>, vector<16xi32>, vector<16xi1>
      %all_reduce_population_count3A = tpu.all_reduce %eq3A_851 {dim = 0 : i64, kind = #tpu.reduction_kind<sum>} : vector<16xi1> -> vector<16xi32>
      %slice3A = vector.extract_strided_slice %all_reduce_population_count3A {offsets = [0], sizes = [1], strides = [1]} : vector<16xi32> to vector<1xi32>
      %squeeze3A = vector.extract %slice3A[0] : i32 from vector<1xi32>
      %add3A_859 = arith.addi %scan3A_831, %squeeze3A : i32
      scf.yield %add3A_859 : i32
    }
    %scan3A_122 = arith.constant 512 : i32
    %add3A_123 = arith.constant 16 : i32
    %add3A_124 = arith.addi %scan3A_121, %add3A_123 : i32
    %sub3A = arith.constant 1 : i32
    %sub3A_125 = arith.subi %add3A_124, %sub3A : i32
    %shift_right_arithmetic3A_126 = arith.constant 4 : i32
    %shift_right_arithmetic3A_127 = arith.shrsi %sub3A_125, %shift_right_arithmetic3A_126 : i32
    %sub3A_128 = arith.constant 4096 : i32
    %sub3A_129 = arith.subi %sub3A_128, %and3A_115 : i32
    %scan3A_130 = arith.constant 0 : i32
    %scan3A_131 = arith.constant 0 : i32
    %scan3A_132 = arith.constant 8 : i32
    %scan3A_133 = arith.addi %scan3A_131, %scan3A_132 : i32
    %scan3A_134 = arith.constant 1 : i32
    %scan3A_135 = scf.for %scan3A_830 = %scan3A_131 to %scan3A_133 step %scan3A_134 iter_args(%scan3A_831 = %scan3A_130) -> (i32)  : i32 {
      %mul3A_832 = arith.constant 4 : i32
      %mul3A_833 = arith.muli %scan3A_830, %mul3A_832 : i32
      %add3A_834 = arith.constant 0 : i32
      %add3A_835 = arith.addi %mul3A_833, %add3A_834 : i32
      %mul3A_836 = arith.constant 16 : i32
      %mul3A_837 = arith.muli %add3A_835, %mul3A_836 : i32
      %swap3A = arith.index_cast %mul3A_837 : i32 to index
      %swap3A_838 = tpu.vector_load %arg17[%swap3A] {strides = array<i32>} : memref<2048xi32, #tpu.memory_space<vmem>>, vector<16xi32>,
      tpu.vector_store %arg17[%swap3A], %broadcast_in_dim3A_1 {strides = array<i32>} : memref<2048xi32, #tpu.memory_space<vmem>>, vector<16xi32>,
      %mul3A_839 = arith.constant 4 : i32
      %mul3A_840 = arith.muli %scan3A_830, %mul3A_839 : i32
      %add3A_841 = arith.constant 1 : i32
      %add3A_842 = arith.addi %mul3A_840, %add3A_841 : i32
      %mul3A_843 = arith.constant 16 : i32
      %mul3A_844 = arith.muli %add3A_842, %mul3A_843 : i32
      %swap3A_845 = arith.index_cast %mul3A_844 : i32 to index
      %swap3A_846 = tpu.vector_load %arg17[%swap3A_845] {strides = array<i32>} : memref<2048xi32, #tpu.memory_space<vmem>>, vector<16xi32>,
      tpu.vector_store %arg17[%swap3A_845], %broadcast_in_dim3A_1 {strides = array<i32>} : memref<2048xi32, #tpu.memory_space<vmem>>, vector<16xi32>,
      %mul3A_847 = arith.constant 4 : i32
      %mul3A_848 = arith.muli %scan3A_830, %mul3A_847 : i32
      %add3A_849 = arith.constant 2 : i32
      %add3A_850 = arith.addi %mul3A_848, %add3A_849 : i32
      %mul3A_851 = arith.constant 16 : i32
      %mul3A_852 = arith.muli %add3A_850, %mul3A_851 : i32
      %swap3A_853 = arith.index_cast %mul3A_852 : i32 to index
      %swap3A_854 = tpu.vector_load %arg17[%swap3A_853] {strides = array<i32>} : memref<2048xi32, #tpu.memory_space<vmem>>, vector<16xi32>,
      tpu.vector_store %arg17[%swap3A_853], %broadcast_in_dim3A_1 {strides = array<i32>} : memref<2048xi32, #tpu.memory_space<vmem>>, vector<16xi32>,
      %mul3A_855 = arith.constant 4 : i32
      %mul3A_856 = arith.muli %scan3A_830, %mul3A_855 : i32
      %add3A_857 = arith.constant 3 : i32
      %add3A_858 = arith.addi %mul3A_856, %add3A_857 : i32
      %mul3A_859 = arith.constant 16 : i32
      %mul3A_860 = arith.muli %add3A_858, %mul3A_859 : i32
      %swap3A_861 = arith.index_cast %mul3A_860 : i32 to index
      %swap3A_862 = tpu.vector_load %arg17[%swap3A_861] {strides = array<i32>} : memref<2048xi32, #tpu.memory_space<vmem>>, vector<16xi32>,
      tpu.vector_store %arg17[%swap3A_861], %broadcast_in_dim3A_1 {strides = array<i32>} : memref<2048xi32, #tpu.memory_space<vmem>>, vector<16xi32>,
      %scan3A_863 = arith.constant 0 : i32
      scf.yield %scan3A_863 : i32
    }
    %scan3A_136 = arith.constant 8 : i32
    %while3A = arith.constant 0 : i32
    %while3A_137 = arith.constant 0 : i32
    %while3A_138 = arith.subi %shift_right_arithmetic3A_127, %while3A : i32
    %while3A_139 = arith.addi %while3A, %while3A_138 : i32
    %while3A_140 = arith.constant 1 : i32
    %while3A_141 = arith.divsi %while3A_138, %while3A_140 : i32
    %while3A_142 = arith.muli %while3A_141, %while3A_140 : i32
    %while3A_143 = arith.addi %while3A, %while3A_142 : i32
    %while3A_144 = arith.constant 1 : i32
    %while3A_145 = scf.for %while3A_830 = %while3A to %while3A_143 step %while3A_144 iter_args(%while3A_831 = %while3A_137) -> (i32)  : i32 {
      %mul3A_832 = arith.constant 16 : i32
      %mul3A_833 = arith.muli %while3A_830, %mul3A_832 : i32
      %get3A = arith.index_cast %mul3A_833 : i32 to index
      %get3A_834 = tpu.vector_load %arg13[%get3A] {strides = array<i32>} : memref<8208xi32, #tpu.memory_space<vmem>>, vector<16xi32>,
      %mul3A_835 = arith.constant 16 : i32
      %mul3A_836 = arith.muli %while3A_830, %mul3A_835 : i32
      %add3A_837 = vector.broadcast %mul3A_836 : i32 to vector<16xi32>
      %add3A_838 = arith.addi %add3A_837, %iota3A : vector<16xi32>
      %lt3A_839 = vector.broadcast %scan3A_121 : i32 to vector<16xi32>
      %lt3A_840 = arith.cmpi slt, %add3A_838, %lt3A_839 : vector<16xi32>
      %shift_right_logical3A = arith.constant 12 : i32
      %shift_right_logical3A_841 = vector.broadcast %shift_right_logical3A : i32 to vector<16xi32>
      %shift_right_logical3A_842 = arith.shrui %get3A_834, %shift_right_logical3A_841 : vector<16xi32>
      %and3A_843 = arith.constant 511 : i32
      %and3A_844 = vector.broadcast %and3A_843 : i32 to vector<16xi32>
      %and3A_845 = arith.andi %shift_right_logical3A_842, %and3A_844 : vector<16xi32>
      tpu.vector_store_idx %arg17[%and3A_845], %broadcast_in_dim3A_3 masked %lt3A_840 {add = true} : memref<2048xi32, #tpu.memory_space<vmem>>[vector<16xi32>], vector<16xi32>, vector<16xi1>
      %while3A_846 = arith.constant 0 : i32
      scf.yield %while3A_846 : i32
    }
    %while3A_146 = arith.constant 1 : i32
    %while3A_147 = scf.for %while3A_830 = %while3A_143 to %while3A_139 step %while3A_146 iter_args(%while3A_831 = %while3A_145) -> (i32)  : i32 {
      %mul3A_832 = arith.constant 16 : i32
      %mul3A_833 = arith.muli %while3A_830, %mul3A_832 : i32
      %get3A = arith.index_cast %mul3A_833 : i32 to index
      %get3A_834 = tpu.vector_load %arg13[%get3A] {strides = array<i32>} : memref<8208xi32, #tpu.memory_space<vmem>>, vector<16xi32>,
      %mul3A_835 = arith.constant 16 : i32
      %mul3A_836 = arith.muli %while3A_830, %mul3A_835 : i32
      %add3A_837 = vector.broadcast %mul3A_836 : i32 to vector<16xi32>
      %add3A_838 = arith.addi %add3A_837, %iota3A : vector<16xi32>
      %lt3A_839 = vector.broadcast %scan3A_121 : i32 to vector<16xi32>
      %lt3A_840 = arith.cmpi slt, %add3A_838, %lt3A_839 : vector<16xi32>
      %shift_right_logical3A = arith.constant 12 : i32
      %shift_right_logical3A_841 = vector.broadcast %shift_right_logical3A : i32 to vector<16xi32>
      %shift_right_logical3A_842 = arith.shrui %get3A_834, %shift_right_logical3A_841 : vector<16xi32>
      %and3A_843 = arith.constant 511 : i32
      %and3A_844 = vector.broadcast %and3A_843 : i32 to vector<16xi32>
      %and3A_845 = arith.andi %shift_right_logical3A_842, %and3A_844 : vector<16xi32>
      tpu.vector_store_idx %arg17[%and3A_845], %broadcast_in_dim3A_3 masked %lt3A_840 {add = true} : memref<2048xi32, #tpu.memory_space<vmem>>[vector<16xi32>], vector<16xi32>, vector<16xi1>
      %while3A_846 = arith.constant 0 : i32
      scf.yield %while3A_846 : i32
    }
    %broadcast_in_dim3A_148 = arith.constant 2147483647 : i32
    %broadcast_in_dim3A_149 = vector.broadcast %broadcast_in_dim3A_148 : i32 to vector<16xi32>
    %scan3A_150 = arith.constant 0 : i32
    %scan3A_151 = arith.constant 0 : i32
    %scan3A_152 = arith.constant 32 : i32
    %scan3A_153 = arith.addi %scan3A_151, %scan3A_152 : i32
    %scan3A_154 = arith.constant 1 : i32
    %scan3A_155:2 = scf.for %scan3A_830 = %scan3A_151 to %scan3A_153 step %scan3A_154 iter_args(%scan3A_831 = %scan3A_150, %scan3A_832 = %broadcast_in_dim3A_149) -> (i32, vector<16xi32>)  : i32 {
      %mul3A_833 = arith.constant 16 : i32
      %mul3A_834 = arith.muli %scan3A_830, %mul3A_833 : i32
      %get3A = arith.index_cast %mul3A_834 : i32 to index
      %get3A_835 = tpu.vector_load %arg17[%get3A] {strides = array<i32>} : memref<2048xi32, #tpu.memory_space<vmem>>, vector<16xi32>,
      %broadcast_in_dim3A_836 = arith.constant true
      %broadcast_in_dim3A_837 = vector.broadcast %broadcast_in_dim3A_836 : i1 to vector<16xi1>
      %masked_cumsum3A = tpu.scan <sum>, %get3A_835 masked %broadcast_in_dim3A_837 : vector<16xi32>, vector<16xi1> -> vector<16xi32>
      %add3A_838 = vector.broadcast %scan3A_831 : i32 to vector<16xi32>
      %add3A_839 = arith.addi %add3A_838, %masked_cumsum3A : vector<16xi32>
      %gt3A = vector.broadcast %sub3A_129 : i32 to vector<16xi32>
      %gt3A_840 = arith.cmpi sgt, %add3A_839, %gt3A : vector<16xi32>
      %mul3A_841 = arith.constant 16 : i32
      %mul3A_842 = arith.muli %scan3A_830, %mul3A_841 : i32
      %add3A_843 = vector.broadcast %mul3A_842 : i32 to vector<16xi32>
      %add3A_844 = arith.addi %add3A_843, %iota3A : vector<16xi32>
      %shift_left3A_845 = arith.constant 14 : i32
      %shift_left3A_846 = vector.broadcast %shift_left3A_845 : i32 to vector<16xi32>
      %shift_left3A_847 = arith.shli %add3A_844, %shift_left3A_846 : vector<16xi32>
      %sub3A_848 = arith.subi %add3A_839, %get3A_835 : vector<16xi32>
      %or3A_849 = arith.ori %shift_left3A_847, %sub3A_848 : vector<16xi32>
      %jit3A = arith.constant 2147483647 : i32
      %broadcast_in_dim3A_850 = vector.broadcast %jit3A : i32 to vector<16xi32>
      %select_n3A_851 = arith.select %gt3A_840, %or3A_849, %broadcast_in_dim3A_850 : vector<16xi1>, vector<16xi32>
      %slice3A = vector.extract_strided_slice %masked_cumsum3A {offsets = [15], sizes = [1], strides = [1]} : vector<16xi32> to vector<1xi32>
      %squeeze3A = vector.extract %slice3A[0] : i32 from vector<1xi32>
      %add3A_852 = arith.addi %scan3A_831, %squeeze3A : i32
      %min3A = arith.minsi %scan3A_832, %select_n3A_851 : vector<16xi32>
      scf.yield %add3A_852, %min3A : i32, vector<16xi32>
    }
    %scan3A_156 = arith.constant 32 : i32
    %reduce_min3A_157 = arith.constant true
    %reduce_min3A_158 = vector.broadcast %reduce_min3A_157 : i1 to vector<16xi1>
    %reduce_min3A_159 = arith.constant -2147483648 : i32
    %reduce_min3A_160 = vector.broadcast %reduce_min3A_159 : i32 to vector<16xi32>
    %reduce_min3A_161 = arith.xori %scan3A_155#1, %reduce_min3A_160 : vector<16xi32>
    %reduce_min3A_162 = tpu.scan <min>, %reduce_min3A_161 masked %reduce_min3A_158 : vector<16xi32>, vector<16xi1> -> vector<16xi32>
    %reduce_min3A_163 = arith.xori %reduce_min3A_162, %reduce_min3A_160 : vector<16xi32>
    %reduce_min3A_164 = vector.extract %reduce_min3A_163[15] : i32 from vector<16xi32>
    %shift_right_arithmetic3A_165 = arith.constant 14 : i32
    %shift_right_arithmetic3A_166 = arith.shrsi %reduce_min3A_164, %shift_right_arithmetic3A_165 : i32
    %and3A_167 = arith.constant 16383 : i32
    %and3A_168 = arith.andi %reduce_min3A_164, %and3A_167 : i32
    %while3A_169 = arith.constant 0 : i32
    %while3A_170 = arith.constant 0 : i32
    %while3A_171 = arith.subi %shift_right_arithmetic3A_127, %while3A_169 : i32
    %while3A_172 = arith.addi %while3A_169, %while3A_171 : i32
    %while3A_173 = arith.constant 1 : i32
    %while3A_174 = arith.divsi %while3A_171, %while3A_173 : i32
    %while3A_175 = arith.muli %while3A_174, %while3A_173 : i32
    %while3A_176 = arith.addi %while3A_169, %while3A_175 : i32
    %while3A_177 = arith.constant 1 : i32
    %while3A_178 = scf.for %while3A_830 = %while3A_169 to %while3A_176 step %while3A_177 iter_args(%while3A_831 = %while3A_170) -> (i32)  : i32 {
      %mul3A_832 = arith.constant 16 : i32
      %mul3A_833 = arith.muli %while3A_830, %mul3A_832 : i32
      %get3A = arith.index_cast %mul3A_833 : i32 to index
      %get3A_834 = tpu.vector_load %arg13[%get3A] {strides = array<i32>} : memref<8208xi32, #tpu.memory_space<vmem>>, vector<16xi32>,
      %mul3A_835 = arith.constant 16 : i32
      %mul3A_836 = arith.muli %while3A_830, %mul3A_835 : i32
      %add3A_837 = vector.broadcast %mul3A_836 : i32 to vector<16xi32>
      %add3A_838 = arith.addi %add3A_837, %iota3A : vector<16xi32>
      %lt3A_839 = vector.broadcast %scan3A_121 : i32 to vector<16xi32>
      %lt3A_840 = arith.cmpi slt, %add3A_838, %lt3A_839 : vector<16xi32>
      %shift_right_logical3A = arith.constant 12 : i32
      %shift_right_logical3A_841 = vector.broadcast %shift_right_logical3A : i32 to vector<16xi32>
      %shift_right_logical3A_842 = arith.shrui %get3A_834, %shift_right_logical3A_841 : vector<16xi32>
      %and3A_843 = arith.constant 511 : i32
      %and3A_844 = vector.broadcast %and3A_843 : i32 to vector<16xi32>
      %and3A_845 = arith.andi %shift_right_logical3A_842, %and3A_844 : vector<16xi32>
      %eq3A = vector.broadcast %shift_right_arithmetic3A_166 : i32 to vector<16xi32>
      %eq3A_846 = arith.cmpi eq, %and3A_845, %eq3A : vector<16xi32>
      %and3A_847 = arith.andi %lt3A_840, %eq3A_846 : vector<16xi1>
      %swap3A = arith.index_cast %while3A_831 : i32 to index
      %swap3A_848 = tpu.vector_load %arg15[%swap3A] masked %and3A_847 {strides = array<i32>} : memref<8208xi32, #tpu.memory_space<vmem>>, vector<16xi32>, vector<16xi1>
      tpu.vector_store %arg15[%swap3A], %get3A_834 masked %and3A_847 {strides = array<i32>} : memref<8208xi32, #tpu.memory_space<vmem>>, vector<16xi32>, vector<16xi1>
      %mul3A_849 = arith.constant 16 : i32
      %mul3A_850 = arith.muli %while3A_830, %mul3A_849 : i32
      %get3A_851 = arith.index_cast %mul3A_850 : i32 to index
      %get3A_852 = tpu.vector_load %arg14[%get3A_851] {strides = array<i32>} : memref<8208xi32, #tpu.memory_space<vmem>>, vector<16xi32>,
      %swap3A_853 = arith.index_cast %while3A_831 : i32 to index
      %swap3A_854 = tpu.vector_load %arg16[%swap3A_853] masked %and3A_847 {strides = array<i32>} : memref<8208xi32, #tpu.memory_space<vmem>>, vector<16xi32>, vector<16xi1>
      tpu.vector_store %arg16[%swap3A_853], %get3A_852 masked %and3A_847 {strides = array<i32>} : memref<8208xi32, #tpu.memory_space<vmem>>, vector<16xi32>, vector<16xi1>
      %all_reduce_population_count3A = tpu.all_reduce %and3A_847 {dim = 0 : i64, kind = #tpu.reduction_kind<sum>} : vector<16xi1> -> vector<16xi32>
      %slice3A = vector.extract_strided_slice %all_reduce_population_count3A {offsets = [0], sizes = [1], strides = [1]} : vector<16xi32> to vector<1xi32>
      %squeeze3A = vector.extract %slice3A[0] : i32 from vector<1xi32>
      %add3A_855 = arith.addi %while3A_831, %squeeze3A : i32
      scf.yield %add3A_855 : i32
    }
    %while3A_179 = arith.constant 1 : i32
    %while3A_180 = scf.for %while3A_830 = %while3A_176 to %while3A_172 step %while3A_179 iter_args(%while3A_831 = %while3A_178) -> (i32)  : i32 {
      %mul3A_832 = arith.constant 16 : i32
      %mul3A_833 = arith.muli %while3A_830, %mul3A_832 : i32
      %get3A = arith.index_cast %mul3A_833 : i32 to index
      %get3A_834 = tpu.vector_load %arg13[%get3A] {strides = array<i32>} : memref<8208xi32, #tpu.memory_space<vmem>>, vector<16xi32>,
      %mul3A_835 = arith.constant 16 : i32
      %mul3A_836 = arith.muli %while3A_830, %mul3A_835 : i32
      %add3A_837 = vector.broadcast %mul3A_836 : i32 to vector<16xi32>
      %add3A_838 = arith.addi %add3A_837, %iota3A : vector<16xi32>
      %lt3A_839 = vector.broadcast %scan3A_121 : i32 to vector<16xi32>
      %lt3A_840 = arith.cmpi slt, %add3A_838, %lt3A_839 : vector<16xi32>
      %shift_right_logical3A = arith.constant 12 : i32
      %shift_right_logical3A_841 = vector.broadcast %shift_right_logical3A : i32 to vector<16xi32>
      %shift_right_logical3A_842 = arith.shrui %get3A_834, %shift_right_logical3A_841 : vector<16xi32>
      %and3A_843 = arith.constant 511 : i32
      %and3A_844 = vector.broadcast %and3A_843 : i32 to vector<16xi32>
      %and3A_845 = arith.andi %shift_right_logical3A_842, %and3A_844 : vector<16xi32>
      %eq3A = vector.broadcast %shift_right_arithmetic3A_166 : i32 to vector<16xi32>
      %eq3A_846 = arith.cmpi eq, %and3A_845, %eq3A : vector<16xi32>
      %and3A_847 = arith.andi %lt3A_840, %eq3A_846 : vector<16xi1>
      %swap3A = arith.index_cast %while3A_831 : i32 to index
      %swap3A_848 = tpu.vector_load %arg15[%swap3A] masked %and3A_847 {strides = array<i32>} : memref<8208xi32, #tpu.memory_space<vmem>>, vector<16xi32>, vector<16xi1>
      tpu.vector_store %arg15[%swap3A], %get3A_834 masked %and3A_847 {strides = array<i32>} : memref<8208xi32, #tpu.memory_space<vmem>>, vector<16xi32>, vector<16xi1>
      %mul3A_849 = arith.constant 16 : i32
      %mul3A_850 = arith.muli %while3A_830, %mul3A_849 : i32
      %get3A_851 = arith.index_cast %mul3A_850 : i32 to index
      %get3A_852 = tpu.vector_load %arg14[%get3A_851] {strides = array<i32>} : memref<8208xi32, #tpu.memory_space<vmem>>, vector<16xi32>,
      %swap3A_853 = arith.index_cast %while3A_831 : i32 to index
      %swap3A_854 = tpu.vector_load %arg16[%swap3A_853] masked %and3A_847 {strides = array<i32>} : memref<8208xi32, #tpu.memory_space<vmem>>, vector<16xi32>, vector<16xi1>
      tpu.vector_store %arg16[%swap3A_853], %get3A_852 masked %and3A_847 {strides = array<i32>} : memref<8208xi32, #tpu.memory_space<vmem>>, vector<16xi32>, vector<16xi1>
      %all_reduce_population_count3A = tpu.all_reduce %and3A_847 {dim = 0 : i64, kind = #tpu.reduction_kind<sum>} : vector<16xi1> -> vector<16xi32>
      %slice3A = vector.extract_strided_slice %all_reduce_population_count3A {offsets = [0], sizes = [1], strides = [1]} : vector<16xi32> to vector<1xi32>
      %squeeze3A = vector.extract %slice3A[0] : i32 from vector<1xi32>
      %add3A_855 = arith.addi %while3A_831, %squeeze3A : i32
      scf.yield %add3A_855 : i32
    }
    %add3A_181 = arith.constant 16 : i32
    %add3A_182 = arith.addi %while3A_180, %add3A_181 : i32
    %sub3A_183 = arith.constant 1 : i32
    %sub3A_184 = arith.subi %add3A_182, %sub3A_183 : i32
    %shift_right_arithmetic3A_185 = arith.constant 4 : i32
    %shift_right_arithmetic3A_186 = arith.shrsi %sub3A_184, %shift_right_arithmetic3A_185 : i32
    %sub3A_187 = arith.subi %sub3A_129, %and3A_168 : i32
    %scan3A_188 = arith.constant 0 : i32
    %scan3A_189 = arith.constant 4095 : i32
    %scan3A_190 = arith.constant 0 : i32
    %scan3A_191 = arith.constant 12 : i32
    %scan3A_192 = arith.addi %scan3A_190, %scan3A_191 : i32
    %scan3A_193 = arith.constant 1 : i32
    %scan3A_194:2 = scf.for %scan3A_830 = %scan3A_190 to %scan3A_192 step %scan3A_193 iter_args(%scan3A_831 = %scan3A_188, %scan3A_832 = %scan3A_189) -> (i32, i32)  : i32 {
      %add3A_833 = arith.addi %scan3A_831, %scan3A_832 : i32
      %shift_right_arithmetic3A_834 = arith.constant 1 : i32
      %shift_right_arithmetic3A_835 = arith.shrsi %add3A_833, %shift_right_arithmetic3A_834 : i32
      %while3A_836 = arith.constant 0 : i32
      %while3A_837 = arith.constant 0 : i32
      %while3A_838 = arith.subi %shift_right_arithmetic3A_186, %while3A_836 : i32
      %while3A_839 = arith.addi %while3A_836, %while3A_838 : i32
      %while3A_840 = arith.constant 1 : i32
      %while3A_841 = arith.divsi %while3A_838, %while3A_840 : i32
      %while3A_842 = arith.muli %while3A_841, %while3A_840 : i32
      %while3A_843 = arith.addi %while3A_836, %while3A_842 : i32
      %while3A_844 = arith.constant 1 : i32
      %while3A_845 = scf.for %while3A_852 = %while3A_836 to %while3A_843 step %while3A_844 iter_args(%while3A_853 = %while3A_837) -> (i32)  : i32 {
        %mul3A_854 = arith.constant 16 : i32
        %mul3A_855 = arith.muli %while3A_852, %mul3A_854 : i32
        %get3A = arith.index_cast %mul3A_855 : i32 to index
        %get3A_856 = tpu.vector_load %arg15[%get3A] {strides = array<i32>} : memref<8208xi32, #tpu.memory_space<vmem>>, vector<16xi32>,
        %mul3A_857 = arith.constant 16 : i32
        %mul3A_858 = arith.muli %while3A_852, %mul3A_857 : i32
        %add3A_859 = vector.broadcast %mul3A_858 : i32 to vector<16xi32>
        %add3A_860 = arith.addi %add3A_859, %iota3A : vector<16xi32>
        %lt3A_861 = vector.broadcast %while3A_180 : i32 to vector<16xi32>
        %lt3A_862 = arith.cmpi slt, %add3A_860, %lt3A_861 : vector<16xi32>
        %and3A_863 = arith.constant 4095 : i32
        %and3A_864 = vector.broadcast %and3A_863 : i32 to vector<16xi32>
        %and3A_865 = arith.andi %get3A_856, %and3A_864 : vector<16xi32>
        %le3A = vector.broadcast %shift_right_arithmetic3A_835 : i32 to vector<16xi32>
        %le3A_866 = arith.cmpi sle, %and3A_865, %le3A : vector<16xi32>
        %and3A_867 = arith.andi %lt3A_862, %le3A_866 : vector<16xi1>
        %jit3A = arith.constant 1 : i32
        %jit3A_868 = arith.constant 0 : i32
        %broadcast_in_dim3A_869 = vector.broadcast %jit3A : i32 to vector<16xi32>
        %broadcast_in_dim3A_870 = vector.broadcast %jit3A_868 : i32 to vector<16xi32>
        %select_n3A_871 = arith.select %and3A_867, %broadcast_in_dim3A_869, %broadcast_in_dim3A_870 : vector<16xi1>, vector<16xi32>
        %reduce_sum3A = arith.constant true
        %reduce_sum3A_872 = vector.broadcast %reduce_sum3A : i1 to vector<16xi1>
        %reduce_sum3A_873 = tpu.scan <sum>, %select_n3A_871 masked %reduce_sum3A_872 : vector<16xi32>, vector<16xi1> -> vector<16xi32>
        %reduce_sum3A_874 = vector.extract %reduce_sum3A_873[15] : i32 from vector<16xi32>
        %add3A_875 = arith.addi %while3A_853, %reduce_sum3A_874 : i32
        scf.yield %add3A_875 : i32
      }
      %while3A_846 = arith.constant 1 : i32
      %while3A_847 = scf.for %while3A_852 = %while3A_843 to %while3A_839 step %while3A_846 iter_args(%while3A_853 = %while3A_845) -> (i32)  : i32 {
        %mul3A_854 = arith.constant 16 : i32
        %mul3A_855 = arith.muli %while3A_852, %mul3A_854 : i32
        %get3A = arith.index_cast %mul3A_855 : i32 to index
        %get3A_856 = tpu.vector_load %arg15[%get3A] {strides = array<i32>} : memref<8208xi32, #tpu.memory_space<vmem>>, vector<16xi32>,
        %mul3A_857 = arith.constant 16 : i32
        %mul3A_858 = arith.muli %while3A_852, %mul3A_857 : i32
        %add3A_859 = vector.broadcast %mul3A_858 : i32 to vector<16xi32>
        %add3A_860 = arith.addi %add3A_859, %iota3A : vector<16xi32>
        %lt3A_861 = vector.broadcast %while3A_180 : i32 to vector<16xi32>
        %lt3A_862 = arith.cmpi slt, %add3A_860, %lt3A_861 : vector<16xi32>
        %and3A_863 = arith.constant 4095 : i32
        %and3A_864 = vector.broadcast %and3A_863 : i32 to vector<16xi32>
        %and3A_865 = arith.andi %get3A_856, %and3A_864 : vector<16xi32>
        %le3A = vector.broadcast %shift_right_arithmetic3A_835 : i32 to vector<16xi32>
        %le3A_866 = arith.cmpi sle, %and3A_865, %le3A : vector<16xi32>
        %and3A_867 = arith.andi %lt3A_862, %le3A_866 : vector<16xi1>
        %jit3A = arith.constant 1 : i32
        %jit3A_868 = arith.constant 0 : i32
        %broadcast_in_dim3A_869 = vector.broadcast %jit3A : i32 to vector<16xi32>
        %broadcast_in_dim3A_870 = vector.broadcast %jit3A_868 : i32 to vector<16xi32>
        %select_n3A_871 = arith.select %and3A_867, %broadcast_in_dim3A_869, %broadcast_in_dim3A_870 : vector<16xi1>, vector<16xi32>
        %reduce_sum3A = arith.constant true
        %reduce_sum3A_872 = vector.broadcast %reduce_sum3A : i1 to vector<16xi1>
        %reduce_sum3A_873 = tpu.scan <sum>, %select_n3A_871 masked %reduce_sum3A_872 : vector<16xi32>, vector<16xi1> -> vector<16xi32>
        %reduce_sum3A_874 = vector.extract %reduce_sum3A_873[15] : i32 from vector<16xi32>
        %add3A_875 = arith.addi %while3A_853, %reduce_sum3A_874 : i32
        scf.yield %add3A_875 : i32
      }
      %gt3A = arith.cmpi sgt, %while3A_847, %sub3A_187 : i32
      %add3A_848 = arith.constant 1 : i32
      %add3A_849 = arith.addi %shift_right_arithmetic3A_835, %add3A_848 : i32
      %select_n3A_850 = arith.select %gt3A, %scan3A_831, %add3A_849 : i32
      %select_n3A_851 = arith.select %gt3A, %shift_right_arithmetic3A_835, %scan3A_832 : i32
      scf.yield %select_n3A_850, %select_n3A_851 : i32, i32
    }
    %scan3A_195 = arith.constant 12 : i32
    %shift_left3A = arith.constant 21 : i32
    %shift_left3A_196 = arith.shli %shift_right_arithmetic3A_114, %shift_left3A : i32
    %shift_left3A_197 = arith.constant 12 : i32
    %shift_left3A_198 = arith.shli %shift_right_arithmetic3A_166, %shift_left3A_197 : i32
    %or3A = arith.ori %shift_left3A_196, %shift_left3A_198 : i32
    %or3A_199 = arith.ori %or3A, %scan3A_194#0 : i32
    %while3A_200 = arith.constant 0 : i32
    %while3A_201 = arith.constant 0 : i32
    %while3A_202 = arith.constant 0 : i32
    %while3A_203 = arith.subi %shift_right_arithmetic3A_186, %while3A_200 : i32
    %while3A_204 = arith.addi %while3A_200, %while3A_203 : i32
    %while3A_205 = arith.constant 1 : i32
    %while3A_206 = arith.divsi %while3A_203, %while3A_205 : i32
    %while3A_207 = arith.muli %while3A_206, %while3A_205 : i32
    %while3A_208 = arith.addi %while3A_200, %while3A_207 : i32
    %while3A_209 = arith.constant 1 : i32
    %while3A_210:2 = scf.for %while3A_830 = %while3A_200 to %while3A_208 step %while3A_209 iter_args(%while3A_831 = %while3A_201, %while3A_832 = %while3A_202) -> (i32, i32)  : i32 {
      %mul3A_833 = arith.constant 16 : i32
      %mul3A_834 = arith.muli %while3A_830, %mul3A_833 : i32
      %get3A = arith.index_cast %mul3A_834 : i32 to index
      %get3A_835 = tpu.vector_load %arg15[%get3A] {strides = array<i32>} : memref<8208xi32, #tpu.memory_space<vmem>>, vector<16xi32>,
      %mul3A_836 = arith.constant 16 : i32
      %mul3A_837 = arith.muli %while3A_830, %mul3A_836 : i32
      %add3A_838 = vector.broadcast %mul3A_837 : i32 to vector<16xi32>
      %add3A_839 = arith.addi %add3A_838, %iota3A : vector<16xi32>
      %lt3A_840 = vector.broadcast %while3A_180 : i32 to vector<16xi32>
      %lt3A_841 = arith.cmpi slt, %add3A_839, %lt3A_840 : vector<16xi32>
      %and3A_842 = arith.constant 4095 : i32
      %and3A_843 = vector.broadcast %and3A_842 : i32 to vector<16xi32>
      %and3A_844 = arith.andi %get3A_835, %and3A_843 : vector<16xi32>
      %lt3A_845 = vector.broadcast %scan3A_194#0 : i32 to vector<16xi32>
      %lt3A_846 = arith.cmpi slt, %and3A_844, %lt3A_845 : vector<16xi32>
      %and3A_847 = arith.andi %lt3A_841, %lt3A_846 : vector<16xi1>
      %jit3A = arith.constant 1 : i32
      %jit3A_848 = arith.constant 0 : i32
      %broadcast_in_dim3A_849 = vector.broadcast %jit3A : i32 to vector<16xi32>
      %broadcast_in_dim3A_850 = vector.broadcast %jit3A_848 : i32 to vector<16xi32>
      %select_n3A_851 = arith.select %and3A_847, %broadcast_in_dim3A_849, %broadcast_in_dim3A_850 : vector<16xi1>, vector<16xi32>
      %reduce_sum3A = arith.constant true
      %reduce_sum3A_852 = vector.broadcast %reduce_sum3A : i1 to vector<16xi1>
      %reduce_sum3A_853 = tpu.scan <sum>, %select_n3A_851 masked %reduce_sum3A_852 : vector<16xi32>, vector<16xi1> -> vector<16xi32>
      %reduce_sum3A_854 = vector.extract %reduce_sum3A_853[15] : i32 from vector<16xi32>
      %add3A_855 = arith.addi %while3A_831, %reduce_sum3A_854 : i32
      %eq3A = vector.broadcast %scan3A_194#0 : i32 to vector<16xi32>
      %eq3A_856 = arith.cmpi eq, %and3A_844, %eq3A : vector<16xi32>
      %and3A_857 = arith.andi %lt3A_841, %eq3A_856 : vector<16xi1>
      %jit3A_858 = arith.constant 1 : i32
      %jit3A_859 = arith.constant 0 : i32
      %broadcast_in_dim3A_860 = vector.broadcast %jit3A_858 : i32 to vector<16xi32>
      %broadcast_in_dim3A_861 = vector.broadcast %jit3A_859 : i32 to vector<16xi32>
      %select_n3A_862 = arith.select %and3A_857, %broadcast_in_dim3A_860, %broadcast_in_dim3A_861 : vector<16xi1>, vector<16xi32>
      %reduce_sum3A_863 = arith.constant true
      %reduce_sum3A_864 = vector.broadcast %reduce_sum3A_863 : i1 to vector<16xi1>
      %reduce_sum3A_865 = tpu.scan <sum>, %select_n3A_862 masked %reduce_sum3A_864 : vector<16xi32>, vector<16xi1> -> vector<16xi32>
      %reduce_sum3A_866 = vector.extract %reduce_sum3A_865[15] : i32 from vector<16xi32>
      %add3A_867 = arith.addi %while3A_832, %reduce_sum3A_866 : i32
      scf.yield %add3A_855, %add3A_867 : i32, i32
    }
    %while3A_211 = arith.constant 1 : i32
    %while3A_212:2 = scf.for %while3A_830 = %while3A_208 to %while3A_204 step %while3A_211 iter_args(%while3A_831 = %while3A_210#0, %while3A_832 = %while3A_210#1) -> (i32, i32)  : i32 {
      %mul3A_833 = arith.constant 16 : i32
      %mul3A_834 = arith.muli %while3A_830, %mul3A_833 : i32
      %get3A = arith.index_cast %mul3A_834 : i32 to index
      %get3A_835 = tpu.vector_load %arg15[%get3A] {strides = array<i32>} : memref<8208xi32, #tpu.memory_space<vmem>>, vector<16xi32>,
      %mul3A_836 = arith.constant 16 : i32
      %mul3A_837 = arith.muli %while3A_830, %mul3A_836 : i32
      %add3A_838 = vector.broadcast %mul3A_837 : i32 to vector<16xi32>
      %add3A_839 = arith.addi %add3A_838, %iota3A : vector<16xi32>
      %lt3A_840 = vector.broadcast %while3A_180 : i32 to vector<16xi32>
      %lt3A_841 = arith.cmpi slt, %add3A_839, %lt3A_840 : vector<16xi32>
      %and3A_842 = arith.constant 4095 : i32
      %and3A_843 = vector.broadcast %and3A_842 : i32 to vector<16xi32>
      %and3A_844 = arith.andi %get3A_835, %and3A_843 : vector<16xi32>
      %lt3A_845 = vector.broadcast %scan3A_194#0 : i32 to vector<16xi32>
      %lt3A_846 = arith.cmpi slt, %and3A_844, %lt3A_845 : vector<16xi32>
      %and3A_847 = arith.andi %lt3A_841, %lt3A_846 : vector<16xi1>
      %jit3A = arith.constant 1 : i32
      %jit3A_848 = arith.constant 0 : i32
      %broadcast_in_dim3A_849 = vector.broadcast %jit3A : i32 to vector<16xi32>
      %broadcast_in_dim3A_850 = vector.broadcast %jit3A_848 : i32 to vector<16xi32>
      %select_n3A_851 = arith.select %and3A_847, %broadcast_in_dim3A_849, %broadcast_in_dim3A_850 : vector<16xi1>, vector<16xi32>
      %reduce_sum3A = arith.constant true
      %reduce_sum3A_852 = vector.broadcast %reduce_sum3A : i1 to vector<16xi1>
      %reduce_sum3A_853 = tpu.scan <sum>, %select_n3A_851 masked %reduce_sum3A_852 : vector<16xi32>, vector<16xi1> -> vector<16xi32>
      %reduce_sum3A_854 = vector.extract %reduce_sum3A_853[15] : i32 from vector<16xi32>
      %add3A_855 = arith.addi %while3A_831, %reduce_sum3A_854 : i32
      %eq3A = vector.broadcast %scan3A_194#0 : i32 to vector<16xi32>
      %eq3A_856 = arith.cmpi eq, %and3A_844, %eq3A : vector<16xi32>
      %and3A_857 = arith.andi %lt3A_841, %eq3A_856 : vector<16xi1>
      %jit3A_858 = arith.constant 1 : i32
      %jit3A_859 = arith.constant 0 : i32
      %broadcast_in_dim3A_860 = vector.broadcast %jit3A_858 : i32 to vector<16xi32>
      %broadcast_in_dim3A_861 = vector.broadcast %jit3A_859 : i32 to vector<16xi32>
      %select_n3A_862 = arith.select %and3A_857, %broadcast_in_dim3A_860, %broadcast_in_dim3A_861 : vector<16xi1>, vector<16xi32>
      %reduce_sum3A_863 = arith.constant true
      %reduce_sum3A_864 = vector.broadcast %reduce_sum3A_863 : i1 to vector<16xi1>
      %reduce_sum3A_865 = tpu.scan <sum>, %select_n3A_862 masked %reduce_sum3A_864 : vector<16xi32>, vector<16xi1> -> vector<16xi32>
      %reduce_sum3A_866 = vector.extract %reduce_sum3A_865[15] : i32 from vector<16xi32>
      %add3A_867 = arith.addi %while3A_832, %reduce_sum3A_866 : i32
      scf.yield %add3A_855, %add3A_867 : i32, i32
    }
    %add3A_213 = arith.addi %and3A_115, %and3A_168 : i32
    %add3A_214 = arith.addi %add3A_213, %while3A_212#0 : i32
    %add3A_215 = arith.addi %add3A_214, %while3A_212#1 : i32
    %sub3A_216 = arith.constant 4096 : i32
    %sub3A_217 = arith.subi %add3A_215, %sub3A_216 : i32
    %broadcast_in_dim3A_218 = arith.constant -1 : i32
    %broadcast_in_dim3A_219 = vector.broadcast %broadcast_in_dim3A_218 : i32 to vector<16xi32>
    %while3A_220 = arith.constant 0 : i32
    %while3A_221 = arith.constant 0 : i32
    %while3A_222 = arith.subi %shift_right_arithmetic3A_186, %while3A_220 : i32
    %while3A_223 = arith.addi %while3A_220, %while3A_222 : i32
    %while3A_224 = arith.constant 1 : i32
    %while3A_225 = arith.divsi %while3A_222, %while3A_224 : i32
    %while3A_226 = arith.muli %while3A_225, %while3A_224 : i32
    %while3A_227 = arith.addi %while3A_220, %while3A_226 : i32
    %while3A_228 = arith.constant 1 : i32
    %while3A_229:2 = scf.for %while3A_830 = %while3A_220 to %while3A_227 step %while3A_228 iter_args(%while3A_831 = %while3A_221, %while3A_832 = %broadcast_in_dim3A_219) -> (i32, vector<16xi32>)  : i32 {
      %mul3A_833 = arith.constant 16 : i32
      %mul3A_834 = arith.muli %while3A_830, %mul3A_833 : i32
      %get3A = arith.index_cast %mul3A_834 : i32 to index
      %get3A_835 = tpu.vector_load %arg15[%get3A] {strides = array<i32>} : memref<8208xi32, #tpu.memory_space<vmem>>, vector<16xi32>,
      %mul3A_836 = arith.constant 16 : i32
      %mul3A_837 = arith.muli %while3A_830, %mul3A_836 : i32
      %add3A_838 = vector.broadcast %mul3A_837 : i32 to vector<16xi32>
      %add3A_839 = arith.addi %add3A_838, %iota3A : vector<16xi32>
      %lt3A_840 = vector.broadcast %while3A_180 : i32 to vector<16xi32>
      %lt3A_841 = arith.cmpi slt, %add3A_839, %lt3A_840 : vector<16xi32>
      %eq3A = vector.broadcast %or3A_199 : i32 to vector<16xi32>
      %eq3A_842 = arith.cmpi eq, %get3A_835, %eq3A : vector<16xi32>
      %and3A_843 = arith.andi %lt3A_841, %eq3A_842 : vector<16xi1>
      %jit3A = arith.constant 1 : i32
      %jit3A_844 = arith.constant 0 : i32
      %broadcast_in_dim3A_845 = vector.broadcast %jit3A : i32 to vector<16xi32>
      %broadcast_in_dim3A_846 = vector.broadcast %jit3A_844 : i32 to vector<16xi32>
      %select_n3A_847 = arith.select %and3A_843, %broadcast_in_dim3A_845, %broadcast_in_dim3A_846 : vector<16xi1>, vector<16xi32>
      %broadcast_in_dim3A_848 = arith.constant true
      %broadcast_in_dim3A_849 = vector.broadcast %broadcast_in_dim3A_848 : i1 to vector<16xi1>
      %masked_cumsum3A = tpu.scan <sum>, %select_n3A_847 masked %broadcast_in_dim3A_849 : vector<16xi32>, vector<16xi1> -> vector<16xi32>
      %add3A_850 = vector.broadcast %while3A_831 : i32 to vector<16xi32>
      %add3A_851 = arith.addi %add3A_850, %masked_cumsum3A : vector<16xi32>
      %eq3A_852 = vector.broadcast %sub3A_217 : i32 to vector<16xi32>
      %eq3A_853 = arith.cmpi eq, %add3A_851, %eq3A_852 : vector<16xi32>
      %and3A_854 = arith.andi %and3A_843, %eq3A_853 : vector<16xi1>
      %mul3A_855 = arith.constant 16 : i32
      %mul3A_856 = arith.muli %while3A_830, %mul3A_855 : i32
      %get3A_857 = arith.index_cast %mul3A_856 : i32 to index
      %get3A_858 = tpu.vector_load %arg16[%get3A_857] {strides = array<i32>} : memref<8208xi32, #tpu.memory_space<vmem>>, vector<16xi32>,
      %slice3A = vector.extract_strided_slice %masked_cumsum3A {offsets = [15], sizes = [1], strides = [1]} : vector<16xi32> to vector<1xi32>
      %squeeze3A = vector.extract %slice3A[0] : i32 from vector<1xi32>
      %add3A_859 = arith.addi %while3A_831, %squeeze3A : i32
      %jit3A_860 = arith.constant -1 : i32
      %broadcast_in_dim3A_861 = vector.broadcast %jit3A_860 : i32 to vector<16xi32>
      %select_n3A_862 = arith.select %and3A_854, %get3A_858, %broadcast_in_dim3A_861 : vector<16xi1>, vector<16xi32>
      %max3A = arith.maxsi %while3A_832, %select_n3A_862 : vector<16xi32>
      scf.yield %add3A_859, %max3A : i32, vector<16xi32>
    }
    %while3A_230 = arith.constant 1 : i32
    %while3A_231:2 = scf.for %while3A_830 = %while3A_227 to %while3A_223 step %while3A_230 iter_args(%while3A_831 = %while3A_229#0, %while3A_832 = %while3A_229#1) -> (i32, vector<16xi32>)  : i32 {
      %mul3A_833 = arith.constant 16 : i32
      %mul3A_834 = arith.muli %while3A_830, %mul3A_833 : i32
      %get3A = arith.index_cast %mul3A_834 : i32 to index
      %get3A_835 = tpu.vector_load %arg15[%get3A] {strides = array<i32>} : memref<8208xi32, #tpu.memory_space<vmem>>, vector<16xi32>,
      %mul3A_836 = arith.constant 16 : i32
      %mul3A_837 = arith.muli %while3A_830, %mul3A_836 : i32
      %add3A_838 = vector.broadcast %mul3A_837 : i32 to vector<16xi32>
      %add3A_839 = arith.addi %add3A_838, %iota3A : vector<16xi32>
      %lt3A_840 = vector.broadcast %while3A_180 : i32 to vector<16xi32>
      %lt3A_841 = arith.cmpi slt, %add3A_839, %lt3A_840 : vector<16xi32>
      %eq3A = vector.broadcast %or3A_199 : i32 to vector<16xi32>
      %eq3A_842 = arith.cmpi eq, %get3A_835, %eq3A : vector<16xi32>
      %and3A_843 = arith.andi %lt3A_841, %eq3A_842 : vector<16xi1>
      %jit3A = arith.constant 1 : i32
      %jit3A_844 = arith.constant 0 : i32
      %broadcast_in_dim3A_845 = vector.broadcast %jit3A : i32 to vector<16xi32>
      %broadcast_in_dim3A_846 = vector.broadcast %jit3A_844 : i32 to vector<16xi32>
      %select_n3A_847 = arith.select %and3A_843, %broadcast_in_dim3A_845, %broadcast_in_dim3A_846 : vector<16xi1>, vector<16xi32>
      %broadcast_in_dim3A_848 = arith.constant true
      %broadcast_in_dim3A_849 = vector.broadcast %broadcast_in_dim3A_848 : i1 to vector<16xi1>
      %masked_cumsum3A = tpu.scan <sum>, %select_n3A_847 masked %broadcast_in_dim3A_849 : vector<16xi32>, vector<16xi1> -> vector<16xi32>
      %add3A_850 = vector.broadcast %while3A_831 : i32 to vector<16xi32>
      %add3A_851 = arith.addi %add3A_850, %masked_cumsum3A : vector<16xi32>
      %eq3A_852 = vector.broadcast %sub3A_217 : i32 to vector<16xi32>
      %eq3A_853 = arith.cmpi eq, %add3A_851, %eq3A_852 : vector<16xi32>
      %and3A_854 = arith.andi %and3A_843, %eq3A_853 : vector<16xi1>
      %mul3A_855 = arith.constant 16 : i32
      %mul3A_856 = arith.muli %while3A_830, %mul3A_855 : i32
      %get3A_857 = arith.index_cast %mul3A_856 : i32 to index
      %get3A_858 = tpu.vector_load %arg16[%get3A_857] {strides = array<i32>} : memref<8208xi32, #tpu.memory_space<vmem>>, vector<16xi32>,
      %slice3A = vector.extract_strided_slice %masked_cumsum3A {offsets = [15], sizes = [1], strides = [1]} : vector<16xi32> to vector<1xi32>
      %squeeze3A = vector.extract %slice3A[0] : i32 from vector<1xi32>
      %add3A_859 = arith.addi %while3A_831, %squeeze3A : i32
      %jit3A_860 = arith.constant -1 : i32
      %broadcast_in_dim3A_861 = vector.broadcast %jit3A_860 : i32 to vector<16xi32>
      %select_n3A_862 = arith.select %and3A_854, %get3A_858, %broadcast_in_dim3A_861 : vector<16xi1>, vector<16xi32>
      %max3A = arith.maxsi %while3A_832, %select_n3A_862 : vector<16xi32>
      scf.yield %add3A_859, %max3A : i32, vector<16xi32>
    }
    %reduce_max3A = arith.constant true
    %reduce_max3A_232 = vector.broadcast %reduce_max3A : i1 to vector<16xi1>
    %reduce_max3A_233 = arith.constant -2147483648 : i32
    %reduce_max3A_234 = vector.broadcast %reduce_max3A_233 : i32 to vector<16xi32>
    %reduce_max3A_235 = arith.xori %while3A_231#1, %reduce_max3A_234 : vector<16xi32>
    %reduce_max3A_236 = tpu.scan <max>, %reduce_max3A_235 masked %reduce_max3A_232 : vector<16xi32>, vector<16xi1> -> vector<16xi32>
    %reduce_max3A_237 = arith.xori %reduce_max3A_236, %reduce_max3A_234 : vector<16xi32>
    %reduce_max3A_238 = vector.extract %reduce_max3A_237[15] : i32 from vector<16xi32>
    %dma_wait3A_239 = arith.constant 0 : i32
    %dma_wait3A_240 = tpu.memref_slice %arg9[%dma_wait3A_239] : memref<16384xi32, #tpu.memory_space<vmem>> -> memref<8192xi32, #tpu.memory_space<vmem>>
    %dma_wait3A_241 = arith.constant 0 : i32
    %dma_wait3A_242 = tpu.memref_slice %arg4[%add3A_7, %dma_wait3A_241] : memref<64x8192xi32, #tpu.memory_space<hbm>> -> memref<1x8192xi32, #tpu.memory_space<hbm>>
    %dma_wait3A_243 = tpu.memref_squeeze %dma_wait3A_242 : memref<1x8192xi32, #tpu.memory_space<hbm>> -> memref<8192xi32, #tpu.memory_space<hbm>>
    %dma_wait3A_244 = arith.constant 0 : i32
    %dma_wait3A_245 = tpu.memref_slice %arg9[%dma_wait3A_244] : memref<16384xi32, #tpu.memory_space<vmem>> -> memref<8192xi32, #tpu.memory_space<vmem>>
    %dma_wait3A_246 = arith.constant 0 : i32
    %dma_wait3A_247 = tpu.memref_slice %arg4[%add3A_7, %dma_wait3A_246] : memref<64x8192xi32, #tpu.memory_space<hbm>> -> memref<1x8192xi32, #tpu.memory_space<hbm>>
    %dma_wait3A_248 = tpu.memref_squeeze %dma_wait3A_247 : memref<1x8192xi32, #tpu.memory_space<hbm>> -> memref<8192xi32, #tpu.memory_space<hbm>>
    tpu.wait_dma2 semaphore(%arg20 : memref<!tpu.dma_semaphore, #tpu.memory_space<semaphore_mem>>) src(%dma_wait3A_248 : memref<8192xi32, #tpu.memory_space<hbm>>) dst(%dma_wait3A_245 : memref<8192xi32, #tpu.memory_space<vmem>>)
    %xor3A = arith.constant -2147483648 : i32
    %xor3A_249 = arith.xori %or3A_199, %xor3A : i32
    %scan3A_250 = arith.constant 0 : i32
    %scan3A_251 = arith.constant 0 : i32
    %scan3A_252 = arith.constant 512 : i32
    %scan3A_253 = arith.addi %scan3A_251, %scan3A_252 : i32
    %scan3A_254 = arith.constant 1 : i32
    %scan3A_255 = scf.for %scan3A_830 = %scan3A_251 to %scan3A_253 step %scan3A_254 iter_args(%scan3A_831 = %scan3A_250) -> (i32)  : i32 {
      %mul3A_832 = arith.constant 1 : i32
      %mul3A_833 = arith.muli %scan3A_830, %mul3A_832 : i32
      %add3A_834 = arith.constant 0 : i32
      %add3A_835 = arith.addi %mul3A_833, %add3A_834 : i32
      %mul3A_836 = arith.constant 16 : i32
      %mul3A_837 = arith.muli %add3A_835, %mul3A_836 : i32
      %get3A = arith.index_cast %mul3A_837 : i32 to index
      %get3A_838 = tpu.vector_load %arg10[%get3A] {strides = array<i32>} : memref<8192xi32, #tpu.memory_space<vmem>>, vector<16xi32>,
      %xor3A_839 = arith.constant -2147483648 : i32
      %xor3A_840 = vector.broadcast %xor3A_839 : i32 to vector<16xi32>
      %xor3A_841 = arith.xori %get3A_838, %xor3A_840 : vector<16xi32>
      %gt3A = vector.broadcast %xor3A_249 : i32 to vector<16xi32>
      %gt3A_842 = arith.cmpi sgt, %xor3A_841, %gt3A : vector<16xi32>
      %eq3A = vector.broadcast %or3A_199 : i32 to vector<16xi32>
      %eq3A_843 = arith.cmpi eq, %get3A_838, %eq3A : vector<16xi32>
      %mul3A_844 = arith.constant 16 : i32
      %mul3A_845 = arith.muli %add3A_835, %mul3A_844 : i32
      %add3A_846 = vector.broadcast %mul3A_845 : i32 to vector<16xi32>
      %add3A_847 = arith.addi %add3A_846, %iota3A : vector<16xi32>
      %le3A = vector.broadcast %reduce_max3A_238 : i32 to vector<16xi32>
      %le3A_848 = arith.cmpi sle, %add3A_847, %le3A : vector<16xi32>
      %and3A_849 = arith.andi %eq3A_843, %le3A_848 : vector<16xi1>
      %or3A_850 = arith.ori %gt3A_842, %and3A_849 : vector<16xi1>
      %mul3A_851 = arith.constant 16 : i32
      %mul3A_852 = arith.muli %add3A_835, %mul3A_851 : i32
      %get3A_853 = arith.constant 0 : i32
      %get3A_854 = tpu.memref_slice %arg9[%get3A_853] : memref<16384xi32, #tpu.memory_space<vmem>> -> memref<8192xi32, #tpu.memory_space<vmem>>
      %get3A_855 = arith.index_cast %mul3A_852 : i32 to index
      %get3A_856 = tpu.vector_load %get3A_854[%get3A_855] {strides = array<i32>} : memref<8192xi32, #tpu.memory_space<vmem>>, vector<16xi32>,
      %jit3A = arith.constant 1024 : i32
      %broadcast_in_dim3A_857 = vector.broadcast %jit3A : i32 to vector<16xi32>
      %select_n3A_858 = arith.select %or3A_850, %get3A_856, %broadcast_in_dim3A_857 : vector<16xi1>, vector<16xi32>
      %mul3A_859 = arith.constant 16 : i32
      %mul3A_860 = arith.muli %add3A_835, %mul3A_859 : i32
      %swap3A = arith.index_cast %mul3A_860 : i32 to index
      %swap3A_861 = tpu.vector_load %arg11[%swap3A] {strides = array<i32>} : memref<8192xi32, #tpu.memory_space<vmem>>, vector<16xi32>,
      tpu.vector_store %arg11[%swap3A], %select_n3A_858 {strides = array<i32>} : memref<8192xi32, #tpu.memory_space<vmem>>, vector<16xi32>,
      %scan3A_862 = arith.constant 0 : i32
      scf.yield %scan3A_862 : i32
    }
    %scan3A_256 = arith.constant 512 : i32
    %dma_start3A_257 = arith.constant 0 : i32
    %dma_start3A_258 = tpu.memref_slice %arg5[%add3A_74, %dma_start3A_257] : memref<64x8192xi32, #tpu.memory_space<hbm>> -> memref<1x8192xi32, #tpu.memory_space<hbm>>
    %dma_start3A_259 = tpu.memref_squeeze %dma_start3A_258 : memref<1x8192xi32, #tpu.memory_space<hbm>> -> memref<8192xi32, #tpu.memory_space<hbm>>
    %dma_start3A_260 = arith.constant 0 : i32
    %dma_start3A_261 = tpu.memref_slice %arg5[%add3A_74, %dma_start3A_260] : memref<64x8192xi32, #tpu.memory_space<hbm>> -> memref<1x8192xi32, #tpu.memory_space<hbm>>
    %dma_start3A_262 = tpu.memref_squeeze %dma_start3A_261 : memref<1x8192xi32, #tpu.memory_space<hbm>> -> memref<8192xi32, #tpu.memory_space<hbm>>
    tpu.enqueue_dma source(%arg11 : memref<8192xi32, #tpu.memory_space<vmem>>) target(%dma_start3A_262 : memref<8192xi32, #tpu.memory_space<hbm>>) target_semaphore(%arg24 : memref<!tpu.dma_semaphore, #tpu.memory_space<semaphore_mem>>)
    %dma_wait3A_263 = arith.constant 0 : i32
    %dma_wait3A_264 = tpu.memref_slice %arg8[%dma_wait3A_263] : memref<16384xf32, #tpu.memory_space<vmem>> -> memref<8192xf32, #tpu.memory_space<vmem>>
    %dma_wait3A_265 = arith.constant 0 : i32
    %dma_wait3A_266 = tpu.memref_slice %arg3[%add3A_7, %dma_wait3A_265] : memref<64x8192xf32, #tpu.memory_space<hbm>> -> memref<1x8192xf32, #tpu.memory_space<hbm>>
    %dma_wait3A_267 = tpu.memref_squeeze %dma_wait3A_266 : memref<1x8192xf32, #tpu.memory_space<hbm>> -> memref<8192xf32, #tpu.memory_space<hbm>>
    %dma_wait3A_268 = arith.constant 0 : i32
    %dma_wait3A_269 = tpu.memref_slice %arg8[%dma_wait3A_268] : memref<16384xf32, #tpu.memory_space<vmem>> -> memref<8192xf32, #tpu.memory_space<vmem>>
    %dma_wait3A_270 = arith.constant 0 : i32
    %dma_wait3A_271 = tpu.memref_slice %arg3[%add3A_7, %dma_wait3A_270] : memref<64x8192xf32, #tpu.memory_space<hbm>> -> memref<1x8192xf32, #tpu.memory_space<hbm>>
    %dma_wait3A_272 = tpu.memref_squeeze %dma_wait3A_271 : memref<1x8192xf32, #tpu.memory_space<hbm>> -> memref<8192xf32, #tpu.memory_space<hbm>>
    tpu.wait_dma2 semaphore(%arg22 : memref<!tpu.dma_semaphore, #tpu.memory_space<semaphore_mem>>) src(%dma_wait3A_272 : memref<8192xf32, #tpu.memory_space<hbm>>) dst(%dma_wait3A_269 : memref<8192xf32, #tpu.memory_space<vmem>>)
    %scan3A_273 = arith.constant 0 : i32
    %scan3A_274 = arith.constant 0 : i32
    %scan3A_275 = arith.constant 32 : i32
    %scan3A_276 = arith.addi %scan3A_274, %scan3A_275 : i32
    %scan3A_277 = arith.constant 1 : i32
    %scan3A_278 = scf.for %scan3A_830 = %scan3A_274 to %scan3A_276 step %scan3A_277 iter_args(%scan3A_831 = %scan3A_273) -> (i32)  : i32 {
      %mul3A_832 = arith.constant 4 : i32
      %mul3A_833 = arith.muli %scan3A_830, %mul3A_832 : i32
      %add3A_834 = arith.constant 0 : i32
      %add3A_835 = arith.addi %mul3A_833, %add3A_834 : i32
      %mul3A_836 = arith.constant 16 : i32
      %mul3A_837 = arith.muli %add3A_835, %mul3A_836 : i32
      %swap3A = arith.index_cast %mul3A_837 : i32 to index
      %swap3A_838 = tpu.vector_load %arg17[%swap3A] {strides = array<i32>} : memref<2048xi32, #tpu.memory_space<vmem>>, vector<16xi32>,
      tpu.vector_store %arg17[%swap3A], %broadcast_in_dim3A_1 {strides = array<i32>} : memref<2048xi32, #tpu.memory_space<vmem>>, vector<16xi32>,
      %mul3A_839 = arith.constant 4 : i32
      %mul3A_840 = arith.muli %scan3A_830, %mul3A_839 : i32
      %add3A_841 = arith.constant 1 : i32
      %add3A_842 = arith.addi %mul3A_840, %add3A_841 : i32
      %mul3A_843 = arith.constant 16 : i32
      %mul3A_844 = arith.muli %add3A_842, %mul3A_843 : i32
      %swap3A_845 = arith.index_cast %mul3A_844 : i32 to index
      %swap3A_846 = tpu.vector_load %arg17[%swap3A_845] {strides = array<i32>} : memref<2048xi32, #tpu.memory_space<vmem>>, vector<16xi32>,
      tpu.vector_store %arg17[%swap3A_845], %broadcast_in_dim3A_1 {strides = array<i32>} : memref<2048xi32, #tpu.memory_space<vmem>>, vector<16xi32>,
      %mul3A_847 = arith.constant 4 : i32
      %mul3A_848 = arith.muli %scan3A_830, %mul3A_847 : i32
      %add3A_849 = arith.constant 2 : i32
      %add3A_850 = arith.addi %mul3A_848, %add3A_849 : i32
      %mul3A_851 = arith.constant 16 : i32
      %mul3A_852 = arith.muli %add3A_850, %mul3A_851 : i32
      %swap3A_853 = arith.index_cast %mul3A_852 : i32 to index
      %swap3A_854 = tpu.vector_load %arg17[%swap3A_853] {strides = array<i32>} : memref<2048xi32, #tpu.memory_space<vmem>>, vector<16xi32>,
      tpu.vector_store %arg17[%swap3A_853], %broadcast_in_dim3A_1 {strides = array<i32>} : memref<2048xi32, #tpu.memory_space<vmem>>, vector<16xi32>,
      %mul3A_855 = arith.constant 4 : i32
      %mul3A_856 = arith.muli %scan3A_830, %mul3A_855 : i32
      %add3A_857 = arith.constant 3 : i32
      %add3A_858 = arith.addi %mul3A_856, %add3A_857 : i32
      %mul3A_859 = arith.constant 16 : i32
      %mul3A_860 = arith.muli %add3A_858, %mul3A_859 : i32
      %swap3A_861 = arith.index_cast %mul3A_860 : i32 to index
      %swap3A_862 = tpu.vector_load %arg17[%swap3A_861] {strides = array<i32>} : memref<2048xi32, #tpu.memory_space<vmem>>, vector<16xi32>,
      tpu.vector_store %arg17[%swap3A_861], %broadcast_in_dim3A_1 {strides = array<i32>} : memref<2048xi32, #tpu.memory_space<vmem>>, vector<16xi32>,
      %scan3A_863 = arith.constant 0 : i32
      scf.yield %scan3A_863 : i32
    }
    %scan3A_279 = arith.constant 32 : i32
    %scan3A_280 = arith.constant 0 : i32
    %scan3A_281 = arith.constant 0 : i32
    %scan3A_282 = arith.constant 512 : i32
    %scan3A_283 = arith.addi %scan3A_281, %scan3A_282 : i32
    %scan3A_284 = arith.constant 1 : i32
    %scan3A_285 = scf.for %scan3A_830 = %scan3A_281 to %scan3A_283 step %scan3A_284 iter_args(%scan3A_831 = %scan3A_280) -> (i32)  : i32 {
      %mul3A_832 = arith.constant 1 : i32
      %mul3A_833 = arith.muli %scan3A_830, %mul3A_832 : i32
      %add3A_834 = arith.constant 0 : i32
      %add3A_835 = arith.addi %mul3A_833, %add3A_834 : i32
      %mul3A_836 = arith.constant 16 : i32
      %mul3A_837 = arith.muli %add3A_835, %mul3A_836 : i32
      %get3A = arith.constant 0 : i32
      %get3A_838 = tpu.memref_slice %arg8[%get3A] : memref<16384xf32, #tpu.memory_space<vmem>> -> memref<8192xf32, #tpu.memory_space<vmem>>
      %get3A_839 = arith.index_cast %mul3A_837 : i32 to index
      %get3A_840 = tpu.vector_load %get3A_838[%get3A_839] {strides = array<i32>} : memref<8192xf32, #tpu.memory_space<vmem>>, vector<16xf32>,
      %bitcast_convert_type3A_841 = tpu.bitcast %get3A_840 : vector<16xf32> -> vector<16xi32>
      %shift_right_arithmetic3A_842 = arith.constant 31 : i32
      %shift_right_arithmetic3A_843 = vector.broadcast %shift_right_arithmetic3A_842 : i32 to vector<16xi32>
      %shift_right_arithmetic3A_844 = arith.shrsi %bitcast_convert_type3A_841, %shift_right_arithmetic3A_843 : vector<16xi32>
      %or3A_845 = arith.constant -2147483648 : i32
      %or3A_846 = vector.broadcast %or3A_845 : i32 to vector<16xi32>
      %or3A_847 = arith.ori %shift_right_arithmetic3A_844, %or3A_846 : vector<16xi32>
      %xor3A_848 = arith.xori %bitcast_convert_type3A_841, %or3A_847 : vector<16xi32>
      %shift_right_logical3A = arith.constant 21 : i32
      %shift_right_logical3A_849 = vector.broadcast %shift_right_logical3A : i32 to vector<16xi32>
      %shift_right_logical3A_850 = arith.shrui %xor3A_848, %shift_right_logical3A_849 : vector<16xi32>
      tpu.vector_store_idx %arg17[%shift_right_logical3A_850], %broadcast_in_dim3A_3 {add = true} : memref<2048xi32, #tpu.memory_space<vmem>>[vector<16xi32>], vector<16xi32>,
      %scan3A_851 = arith.constant 0 : i32
      scf.yield %scan3A_851 : i32
    }
    %scan3A_286 = arith.constant 512 : i32
    %broadcast_in_dim3A_287 = arith.constant 2147483647 : i32
    %broadcast_in_dim3A_288 = vector.broadcast %broadcast_in_dim3A_287 : i32 to vector<16xi32>
    %scan3A_289 = arith.constant 4095 : i32
    %scan3A_290 = arith.constant 0 : i32
    %scan3A_291 = arith.constant 0 : i32
    %scan3A_292 = arith.constant 128 : i32
    %scan3A_293 = arith.addi %scan3A_291, %scan3A_292 : i32
    %scan3A_294 = arith.constant 1 : i32
    %scan3A_295:2 = scf.for %scan3A_830 = %scan3A_291 to %scan3A_293 step %scan3A_294 iter_args(%scan3A_831 = %scan3A_290, %scan3A_832 = %broadcast_in_dim3A_288) -> (i32, vector<16xi32>)  : i32 {
      %mul3A_833 = arith.constant 16 : i32
      %mul3A_834 = arith.muli %scan3A_830, %mul3A_833 : i32
      %get3A = arith.index_cast %mul3A_834 : i32 to index
      %get3A_835 = tpu.vector_load %arg17[%get3A] {strides = array<i32>} : memref<2048xi32, #tpu.memory_space<vmem>>, vector<16xi32>,
      %broadcast_in_dim3A_836 = arith.constant true
      %broadcast_in_dim3A_837 = vector.broadcast %broadcast_in_dim3A_836 : i1 to vector<16xi1>
      %masked_cumsum3A = tpu.scan <sum>, %get3A_835 masked %broadcast_in_dim3A_837 : vector<16xi32>, vector<16xi1> -> vector<16xi32>
      %add3A_838 = vector.broadcast %scan3A_831 : i32 to vector<16xi32>
      %add3A_839 = arith.addi %add3A_838, %masked_cumsum3A : vector<16xi32>
      %gt3A = vector.broadcast %scan3A_289 : i32 to vector<16xi32>
      %gt3A_840 = arith.cmpi sgt, %add3A_839, %gt3A : vector<16xi32>
      %mul3A_841 = arith.constant 16 : i32
      %mul3A_842 = arith.muli %scan3A_830, %mul3A_841 : i32
      %add3A_843 = vector.broadcast %mul3A_842 : i32 to vector<16xi32>
      %add3A_844 = arith.addi %add3A_843, %iota3A : vector<16xi32>
      %shift_left3A_845 = arith.constant 14 : i32
      %shift_left3A_846 = vector.broadcast %shift_left3A_845 : i32 to vector<16xi32>
      %shift_left3A_847 = arith.shli %add3A_844, %shift_left3A_846 : vector<16xi32>
      %sub3A_848 = arith.subi %add3A_839, %get3A_835 : vector<16xi32>
      %or3A_849 = arith.ori %shift_left3A_847, %sub3A_848 : vector<16xi32>
      %jit3A = arith.constant 2147483647 : i32
      %broadcast_in_dim3A_850 = vector.broadcast %jit3A : i32 to vector<16xi32>
      %select_n3A_851 = arith.select %gt3A_840, %or3A_849, %broadcast_in_dim3A_850 : vector<16xi1>, vector<16xi32>
      %slice3A = vector.extract_strided_slice %masked_cumsum3A {offsets = [15], sizes = [1], strides = [1]} : vector<16xi32> to vector<1xi32>
      %squeeze3A = vector.extract %slice3A[0] : i32 from vector<1xi32>
      %add3A_852 = arith.addi %scan3A_831, %squeeze3A : i32
      %min3A = arith.minsi %scan3A_832, %select_n3A_851 : vector<16xi32>
      scf.yield %add3A_852, %min3A : i32, vector<16xi32>
    }
    %scan3A_296 = arith.constant 128 : i32
    %reduce_min3A_297 = arith.constant true
    %reduce_min3A_298 = vector.broadcast %reduce_min3A_297 : i1 to vector<16xi1>
    %reduce_min3A_299 = arith.constant -2147483648 : i32
    %reduce_min3A_300 = vector.broadcast %reduce_min3A_299 : i32 to vector<16xi32>
    %reduce_min3A_301 = arith.xori %scan3A_295#1, %reduce_min3A_300 : vector<16xi32>
    %reduce_min3A_302 = tpu.scan <min>, %reduce_min3A_301 masked %reduce_min3A_298 : vector<16xi32>, vector<16xi1> -> vector<16xi32>
    %reduce_min3A_303 = arith.xori %reduce_min3A_302, %reduce_min3A_300 : vector<16xi32>
    %reduce_min3A_304 = vector.extract %reduce_min3A_303[15] : i32 from vector<16xi32>
    %shift_right_arithmetic3A_305 = arith.constant 14 : i32
    %shift_right_arithmetic3A_306 = arith.shrsi %reduce_min3A_304, %shift_right_arithmetic3A_305 : i32
    %and3A_307 = arith.constant 16383 : i32
    %and3A_308 = arith.andi %reduce_min3A_304, %and3A_307 : i32
    %scan3A_309 = arith.constant 0 : i32
    %scan3A_310 = arith.constant 0 : i32
    %scan3A_311 = arith.constant 512 : i32
    %scan3A_312 = arith.addi %scan3A_310, %scan3A_311 : i32
    %scan3A_313 = arith.constant 1 : i32
    %scan3A_314 = scf.for %scan3A_830 = %scan3A_310 to %scan3A_312 step %scan3A_313 iter_args(%scan3A_831 = %scan3A_309) -> (i32)  : i32 {
      %mul3A_832 = arith.constant 1 : i32
      %mul3A_833 = arith.muli %scan3A_830, %mul3A_832 : i32
      %add3A_834 = arith.constant 0 : i32
      %add3A_835 = arith.addi %mul3A_833, %add3A_834 : i32
      %mul3A_836 = arith.constant 16 : i32
      %mul3A_837 = arith.muli %add3A_835, %mul3A_836 : i32
      %get3A = arith.constant 0 : i32
      %get3A_838 = tpu.memref_slice %arg8[%get3A] : memref<16384xf32, #tpu.memory_space<vmem>> -> memref<8192xf32, #tpu.memory_space<vmem>>
      %get3A_839 = arith.index_cast %mul3A_837 : i32 to index
      %get3A_840 = tpu.vector_load %get3A_838[%get3A_839] {strides = array<i32>} : memref<8192xf32, #tpu.memory_space<vmem>>, vector<16xf32>,
      %bitcast_convert_type3A_841 = tpu.bitcast %get3A_840 : vector<16xf32> -> vector<16xi32>
      %shift_right_arithmetic3A_842 = arith.constant 31 : i32
      %shift_right_arithmetic3A_843 = vector.broadcast %shift_right_arithmetic3A_842 : i32 to vector<16xi32>
      %shift_right_arithmetic3A_844 = arith.shrsi %bitcast_convert_type3A_841, %shift_right_arithmetic3A_843 : vector<16xi32>
      %or3A_845 = arith.constant -2147483648 : i32
      %or3A_846 = vector.broadcast %or3A_845 : i32 to vector<16xi32>
      %or3A_847 = arith.ori %shift_right_arithmetic3A_844, %or3A_846 : vector<16xi32>
      %xor3A_848 = arith.xori %bitcast_convert_type3A_841, %or3A_847 : vector<16xi32>
      %shift_right_logical3A = arith.constant 21 : i32
      %shift_right_logical3A_849 = vector.broadcast %shift_right_logical3A : i32 to vector<16xi32>
      %shift_right_logical3A_850 = arith.shrui %xor3A_848, %shift_right_logical3A_849 : vector<16xi32>
      %eq3A = vector.broadcast %shift_right_arithmetic3A_306 : i32 to vector<16xi32>
      %eq3A_851 = arith.cmpi eq, %shift_right_logical3A_850, %eq3A : vector<16xi32>
      %swap3A = arith.index_cast %scan3A_831 : i32 to index
      %swap3A_852 = tpu.vector_load %arg13[%swap3A] masked %eq3A_851 {strides = array<i32>} : memref<8208xi32, #tpu.memory_space<vmem>>, vector<16xi32>, vector<16xi1>
      tpu.vector_store %arg13[%swap3A], %xor3A_848 masked %eq3A_851 {strides = array<i32>} : memref<8208xi32, #tpu.memory_space<vmem>>, vector<16xi32>, vector<16xi1>
      %all_reduce_population_count3A = tpu.all_reduce %eq3A_851 {dim = 0 : i64, kind = #tpu.reduction_kind<sum>} : vector<16xi1> -> vector<16xi32>
      %slice3A = vector.extract_strided_slice %all_reduce_population_count3A {offsets = [0], sizes = [1], strides = [1]} : vector<16xi32> to vector<1xi32>
      %squeeze3A = vector.extract %slice3A[0] : i32 from vector<1xi32>
      %add3A_853 = arith.addi %scan3A_831, %squeeze3A : i32
      scf.yield %add3A_853 : i32
    }
    %scan3A_315 = arith.constant 512 : i32
    %add3A_316 = arith.constant 16 : i32
    %add3A_317 = arith.addi %scan3A_314, %add3A_316 : i32
    %sub3A_318 = arith.constant 1 : i32
    %sub3A_319 = arith.subi %add3A_317, %sub3A_318 : i32
    %shift_right_arithmetic3A_320 = arith.constant 4 : i32
    %shift_right_arithmetic3A_321 = arith.shrsi %sub3A_319, %shift_right_arithmetic3A_320 : i32
    %sub3A_322 = arith.constant 4095 : i32
    %sub3A_323 = arith.subi %sub3A_322, %and3A_308 : i32
    %scan3A_324 = arith.constant 0 : i32
    %scan3A_325 = arith.constant 0 : i32
    %scan3A_326 = arith.constant 8 : i32
    %scan3A_327 = arith.addi %scan3A_325, %scan3A_326 : i32
    %scan3A_328 = arith.constant 1 : i32
    %scan3A_329 = scf.for %scan3A_830 = %scan3A_325 to %scan3A_327 step %scan3A_328 iter_args(%scan3A_831 = %scan3A_324) -> (i32)  : i32 {
      %mul3A_832 = arith.constant 4 : i32
      %mul3A_833 = arith.muli %scan3A_830, %mul3A_832 : i32
      %add3A_834 = arith.constant 0 : i32
      %add3A_835 = arith.addi %mul3A_833, %add3A_834 : i32
      %mul3A_836 = arith.constant 16 : i32
      %mul3A_837 = arith.muli %add3A_835, %mul3A_836 : i32
      %swap3A = arith.index_cast %mul3A_837 : i32 to index
      %swap3A_838 = tpu.vector_load %arg17[%swap3A] {strides = array<i32>} : memref<2048xi32, #tpu.memory_space<vmem>>, vector<16xi32>,
      tpu.vector_store %arg17[%swap3A], %broadcast_in_dim3A_1 {strides = array<i32>} : memref<2048xi32, #tpu.memory_space<vmem>>, vector<16xi32>,
      %mul3A_839 = arith.constant 4 : i32
      %mul3A_840 = arith.muli %scan3A_830, %mul3A_839 : i32
      %add3A_841 = arith.constant 1 : i32
      %add3A_842 = arith.addi %mul3A_840, %add3A_841 : i32
      %mul3A_843 = arith.constant 16 : i32
      %mul3A_844 = arith.muli %add3A_842, %mul3A_843 : i32
      %swap3A_845 = arith.index_cast %mul3A_844 : i32 to index
      %swap3A_846 = tpu.vector_load %arg17[%swap3A_845] {strides = array<i32>} : memref<2048xi32, #tpu.memory_space<vmem>>, vector<16xi32>,
      tpu.vector_store %arg17[%swap3A_845], %broadcast_in_dim3A_1 {strides = array<i32>} : memref<2048xi32, #tpu.memory_space<vmem>>, vector<16xi32>,
      %mul3A_847 = arith.constant 4 : i32
      %mul3A_848 = arith.muli %scan3A_830, %mul3A_847 : i32
      %add3A_849 = arith.constant 2 : i32
      %add3A_850 = arith.addi %mul3A_848, %add3A_849 : i32
      %mul3A_851 = arith.constant 16 : i32
      %mul3A_852 = arith.muli %add3A_850, %mul3A_851 : i32
      %swap3A_853 = arith.index_cast %mul3A_852 : i32 to index
      %swap3A_854 = tpu.vector_load %arg17[%swap3A_853] {strides = array<i32>} : memref<2048xi32, #tpu.memory_space<vmem>>, vector<16xi32>,
      tpu.vector_store %arg17[%swap3A_853], %broadcast_in_dim3A_1 {strides = array<i32>} : memref<2048xi32, #tpu.memory_space<vmem>>, vector<16xi32>,
      %mul3A_855 = arith.constant 4 : i32
      %mul3A_856 = arith.muli %scan3A_830, %mul3A_855 : i32
      %add3A_857 = arith.constant 3 : i32
      %add3A_858 = arith.addi %mul3A_856, %add3A_857 : i32
      %mul3A_859 = arith.constant 16 : i32
      %mul3A_860 = arith.muli %add3A_858, %mul3A_859 : i32
      %swap3A_861 = arith.index_cast %mul3A_860 : i32 to index
      %swap3A_862 = tpu.vector_load %arg17[%swap3A_861] {strides = array<i32>} : memref<2048xi32, #tpu.memory_space<vmem>>, vector<16xi32>,
      tpu.vector_store %arg17[%swap3A_861], %broadcast_in_dim3A_1 {strides = array<i32>} : memref<2048xi32, #tpu.memory_space<vmem>>, vector<16xi32>,
      %scan3A_863 = arith.constant 0 : i32
      scf.yield %scan3A_863 : i32
    }
    %scan3A_330 = arith.constant 8 : i32
    %while3A_331 = arith.constant 0 : i32
    %while3A_332 = arith.constant 0 : i32
    %while3A_333 = arith.subi %shift_right_arithmetic3A_321, %while3A_331 : i32
    %while3A_334 = arith.addi %while3A_331, %while3A_333 : i32
    %while3A_335 = arith.constant 1 : i32
    %while3A_336 = arith.divsi %while3A_333, %while3A_335 : i32
    %while3A_337 = arith.muli %while3A_336, %while3A_335 : i32
    %while3A_338 = arith.addi %while3A_331, %while3A_337 : i32
    %while3A_339 = arith.constant 1 : i32
    %while3A_340 = scf.for %while3A_830 = %while3A_331 to %while3A_338 step %while3A_339 iter_args(%while3A_831 = %while3A_332) -> (i32)  : i32 {
      %mul3A_832 = arith.constant 16 : i32
      %mul3A_833 = arith.muli %while3A_830, %mul3A_832 : i32
      %get3A = arith.index_cast %mul3A_833 : i32 to index
      %get3A_834 = tpu.vector_load %arg13[%get3A] {strides = array<i32>} : memref<8208xi32, #tpu.memory_space<vmem>>, vector<16xi32>,
      %mul3A_835 = arith.constant 16 : i32
      %mul3A_836 = arith.muli %while3A_830, %mul3A_835 : i32
      %add3A_837 = vector.broadcast %mul3A_836 : i32 to vector<16xi32>
      %add3A_838 = arith.addi %add3A_837, %iota3A : vector<16xi32>
      %lt3A_839 = vector.broadcast %scan3A_314 : i32 to vector<16xi32>
      %lt3A_840 = arith.cmpi slt, %add3A_838, %lt3A_839 : vector<16xi32>
      %shift_right_logical3A = arith.constant 12 : i32
      %shift_right_logical3A_841 = vector.broadcast %shift_right_logical3A : i32 to vector<16xi32>
      %shift_right_logical3A_842 = arith.shrui %get3A_834, %shift_right_logical3A_841 : vector<16xi32>
      %and3A_843 = arith.constant 511 : i32
      %and3A_844 = vector.broadcast %and3A_843 : i32 to vector<16xi32>
      %and3A_845 = arith.andi %shift_right_logical3A_842, %and3A_844 : vector<16xi32>
      tpu.vector_store_idx %arg17[%and3A_845], %broadcast_in_dim3A_3 masked %lt3A_840 {add = true} : memref<2048xi32, #tpu.memory_space<vmem>>[vector<16xi32>], vector<16xi32>, vector<16xi1>
      %while3A_846 = arith.constant 0 : i32
      scf.yield %while3A_846 : i32
    }
    %while3A_341 = arith.constant 1 : i32
    %while3A_342 = scf.for %while3A_830 = %while3A_338 to %while3A_334 step %while3A_341 iter_args(%while3A_831 = %while3A_340) -> (i32)  : i32 {
      %mul3A_832 = arith.constant 16 : i32
      %mul3A_833 = arith.muli %while3A_830, %mul3A_832 : i32
      %get3A = arith.index_cast %mul3A_833 : i32 to index
      %get3A_834 = tpu.vector_load %arg13[%get3A] {strides = array<i32>} : memref<8208xi32, #tpu.memory_space<vmem>>, vector<16xi32>,
      %mul3A_835 = arith.constant 16 : i32
      %mul3A_836 = arith.muli %while3A_830, %mul3A_835 : i32
      %add3A_837 = vector.broadcast %mul3A_836 : i32 to vector<16xi32>
      %add3A_838 = arith.addi %add3A_837, %iota3A : vector<16xi32>
      %lt3A_839 = vector.broadcast %scan3A_314 : i32 to vector<16xi32>
      %lt3A_840 = arith.cmpi slt, %add3A_838, %lt3A_839 : vector<16xi32>
      %shift_right_logical3A = arith.constant 12 : i32
      %shift_right_logical3A_841 = vector.broadcast %shift_right_logical3A : i32 to vector<16xi32>
      %shift_right_logical3A_842 = arith.shrui %get3A_834, %shift_right_logical3A_841 : vector<16xi32>
      %and3A_843 = arith.constant 511 : i32
      %and3A_844 = vector.broadcast %and3A_843 : i32 to vector<16xi32>
      %and3A_845 = arith.andi %shift_right_logical3A_842, %and3A_844 : vector<16xi32>
      tpu.vector_store_idx %arg17[%and3A_845], %broadcast_in_dim3A_3 masked %lt3A_840 {add = true} : memref<2048xi32, #tpu.memory_space<vmem>>[vector<16xi32>], vector<16xi32>, vector<16xi1>
      %while3A_846 = arith.constant 0 : i32
      scf.yield %while3A_846 : i32
    }
    %broadcast_in_dim3A_343 = arith.constant 2147483647 : i32
    %broadcast_in_dim3A_344 = vector.broadcast %broadcast_in_dim3A_343 : i32 to vector<16xi32>
    %scan3A_345 = arith.constant 0 : i32
    %scan3A_346 = arith.constant 0 : i32
    %scan3A_347 = arith.constant 32 : i32
    %scan3A_348 = arith.addi %scan3A_346, %scan3A_347 : i32
    %scan3A_349 = arith.constant 1 : i32
    %scan3A_350:2 = scf.for %scan3A_830 = %scan3A_346 to %scan3A_348 step %scan3A_349 iter_args(%scan3A_831 = %scan3A_345, %scan3A_832 = %broadcast_in_dim3A_344) -> (i32, vector<16xi32>)  : i32 {
      %mul3A_833 = arith.constant 16 : i32
      %mul3A_834 = arith.muli %scan3A_830, %mul3A_833 : i32
      %get3A = arith.index_cast %mul3A_834 : i32 to index
      %get3A_835 = tpu.vector_load %arg17[%get3A] {strides = array<i32>} : memref<2048xi32, #tpu.memory_space<vmem>>, vector<16xi32>,
      %broadcast_in_dim3A_836 = arith.constant true
      %broadcast_in_dim3A_837 = vector.broadcast %broadcast_in_dim3A_836 : i1 to vector<16xi1>
      %masked_cumsum3A = tpu.scan <sum>, %get3A_835 masked %broadcast_in_dim3A_837 : vector<16xi32>, vector<16xi1> -> vector<16xi32>
      %add3A_838 = vector.broadcast %scan3A_831 : i32 to vector<16xi32>
      %add3A_839 = arith.addi %add3A_838, %masked_cumsum3A : vector<16xi32>
      %gt3A = vector.broadcast %sub3A_323 : i32 to vector<16xi32>
      %gt3A_840 = arith.cmpi sgt, %add3A_839, %gt3A : vector<16xi32>
      %mul3A_841 = arith.constant 16 : i32
      %mul3A_842 = arith.muli %scan3A_830, %mul3A_841 : i32
      %add3A_843 = vector.broadcast %mul3A_842 : i32 to vector<16xi32>
      %add3A_844 = arith.addi %add3A_843, %iota3A : vector<16xi32>
      %shift_left3A_845 = arith.constant 14 : i32
      %shift_left3A_846 = vector.broadcast %shift_left3A_845 : i32 to vector<16xi32>
      %shift_left3A_847 = arith.shli %add3A_844, %shift_left3A_846 : vector<16xi32>
      %sub3A_848 = arith.subi %add3A_839, %get3A_835 : vector<16xi32>
      %or3A_849 = arith.ori %shift_left3A_847, %sub3A_848 : vector<16xi32>
      %jit3A = arith.constant 2147483647 : i32
      %broadcast_in_dim3A_850 = vector.broadcast %jit3A : i32 to vector<16xi32>
      %select_n3A_851 = arith.select %gt3A_840, %or3A_849, %broadcast_in_dim3A_850 : vector<16xi1>, vector<16xi32>
      %slice3A = vector.extract_strided_slice %masked_cumsum3A {offsets = [15], sizes = [1], strides = [1]} : vector<16xi32> to vector<1xi32>
      %squeeze3A = vector.extract %slice3A[0] : i32 from vector<1xi32>
      %add3A_852 = arith.addi %scan3A_831, %squeeze3A : i32
      %min3A = arith.minsi %scan3A_832, %select_n3A_851 : vector<16xi32>
      scf.yield %add3A_852, %min3A : i32, vector<16xi32>
    }
    %scan3A_351 = arith.constant 32 : i32
    %reduce_min3A_352 = arith.constant true
    %reduce_min3A_353 = vector.broadcast %reduce_min3A_352 : i1 to vector<16xi1>
    %reduce_min3A_354 = arith.constant -2147483648 : i32
    %reduce_min3A_355 = vector.broadcast %reduce_min3A_354 : i32 to vector<16xi32>
    %reduce_min3A_356 = arith.xori %scan3A_350#1, %reduce_min3A_355 : vector<16xi32>
    %reduce_min3A_357 = tpu.scan <min>, %reduce_min3A_356 masked %reduce_min3A_353 : vector<16xi32>, vector<16xi1> -> vector<16xi32>
    %reduce_min3A_358 = arith.xori %reduce_min3A_357, %reduce_min3A_355 : vector<16xi32>
    %reduce_min3A_359 = vector.extract %reduce_min3A_358[15] : i32 from vector<16xi32>
    %shift_right_arithmetic3A_360 = arith.constant 14 : i32
    %shift_right_arithmetic3A_361 = arith.shrsi %reduce_min3A_359, %shift_right_arithmetic3A_360 : i32
    %and3A_362 = arith.constant 16383 : i32
    %and3A_363 = arith.andi %reduce_min3A_359, %and3A_362 : i32
    %while3A_364 = arith.constant 0 : i32
    %while3A_365 = arith.constant 0 : i32
    %while3A_366 = arith.subi %shift_right_arithmetic3A_321, %while3A_364 : i32
    %while3A_367 = arith.addi %while3A_364, %while3A_366 : i32
    %while3A_368 = arith.constant 1 : i32
    %while3A_369 = arith.divsi %while3A_366, %while3A_368 : i32
    %while3A_370 = arith.muli %while3A_369, %while3A_368 : i32
    %while3A_371 = arith.addi %while3A_364, %while3A_370 : i32
    %while3A_372 = arith.constant 1 : i32
    %while3A_373 = scf.for %while3A_830 = %while3A_364 to %while3A_371 step %while3A_372 iter_args(%while3A_831 = %while3A_365) -> (i32)  : i32 {
      %mul3A_832 = arith.constant 16 : i32
      %mul3A_833 = arith.muli %while3A_830, %mul3A_832 : i32
      %get3A = arith.index_cast %mul3A_833 : i32 to index
      %get3A_834 = tpu.vector_load %arg13[%get3A] {strides = array<i32>} : memref<8208xi32, #tpu.memory_space<vmem>>, vector<16xi32>,
      %mul3A_835 = arith.constant 16 : i32
      %mul3A_836 = arith.muli %while3A_830, %mul3A_835 : i32
      %add3A_837 = vector.broadcast %mul3A_836 : i32 to vector<16xi32>
      %add3A_838 = arith.addi %add3A_837, %iota3A : vector<16xi32>
      %lt3A_839 = vector.broadcast %scan3A_314 : i32 to vector<16xi32>
      %lt3A_840 = arith.cmpi slt, %add3A_838, %lt3A_839 : vector<16xi32>
      %shift_right_logical3A = arith.constant 12 : i32
      %shift_right_logical3A_841 = vector.broadcast %shift_right_logical3A : i32 to vector<16xi32>
      %shift_right_logical3A_842 = arith.shrui %get3A_834, %shift_right_logical3A_841 : vector<16xi32>
      %and3A_843 = arith.constant 511 : i32
      %and3A_844 = vector.broadcast %and3A_843 : i32 to vector<16xi32>
      %and3A_845 = arith.andi %shift_right_logical3A_842, %and3A_844 : vector<16xi32>
      %eq3A = vector.broadcast %shift_right_arithmetic3A_361 : i32 to vector<16xi32>
      %eq3A_846 = arith.cmpi eq, %and3A_845, %eq3A : vector<16xi32>
      %and3A_847 = arith.andi %lt3A_840, %eq3A_846 : vector<16xi1>
      %swap3A = arith.index_cast %while3A_831 : i32 to index
      %swap3A_848 = tpu.vector_load %arg15[%swap3A] masked %and3A_847 {strides = array<i32>} : memref<8208xi32, #tpu.memory_space<vmem>>, vector<16xi32>, vector<16xi1>
      tpu.vector_store %arg15[%swap3A], %get3A_834 masked %and3A_847 {strides = array<i32>} : memref<8208xi32, #tpu.memory_space<vmem>>, vector<16xi32>, vector<16xi1>
      %all_reduce_population_count3A = tpu.all_reduce %and3A_847 {dim = 0 : i64, kind = #tpu.reduction_kind<sum>} : vector<16xi1> -> vector<16xi32>
      %slice3A = vector.extract_strided_slice %all_reduce_population_count3A {offsets = [0], sizes = [1], strides = [1]} : vector<16xi32> to vector<1xi32>
      %squeeze3A = vector.extract %slice3A[0] : i32 from vector<1xi32>
      %add3A_849 = arith.addi %while3A_831, %squeeze3A : i32
      scf.yield %add3A_849 : i32
    }
    %while3A_374 = arith.constant 1 : i32
    %while3A_375 = scf.for %while3A_830 = %while3A_371 to %while3A_367 step %while3A_374 iter_args(%while3A_831 = %while3A_373) -> (i32)  : i32 {
      %mul3A_832 = arith.constant 16 : i32
      %mul3A_833 = arith.muli %while3A_830, %mul3A_832 : i32
      %get3A = arith.index_cast %mul3A_833 : i32 to index
      %get3A_834 = tpu.vector_load %arg13[%get3A] {strides = array<i32>} : memref<8208xi32, #tpu.memory_space<vmem>>, vector<16xi32>,
      %mul3A_835 = arith.constant 16 : i32
      %mul3A_836 = arith.muli %while3A_830, %mul3A_835 : i32
      %add3A_837 = vector.broadcast %mul3A_836 : i32 to vector<16xi32>
      %add3A_838 = arith.addi %add3A_837, %iota3A : vector<16xi32>
      %lt3A_839 = vector.broadcast %scan3A_314 : i32 to vector<16xi32>
      %lt3A_840 = arith.cmpi slt, %add3A_838, %lt3A_839 : vector<16xi32>
      %shift_right_logical3A = arith.constant 12 : i32
      %shift_right_logical3A_841 = vector.broadcast %shift_right_logical3A : i32 to vector<16xi32>
      %shift_right_logical3A_842 = arith.shrui %get3A_834, %shift_right_logical3A_841 : vector<16xi32>
      %and3A_843 = arith.constant 511 : i32
      %and3A_844 = vector.broadcast %and3A_843 : i32 to vector<16xi32>
      %and3A_845 = arith.andi %shift_right_logical3A_842, %and3A_844 : vector<16xi32>
      %eq3A = vector.broadcast %shift_right_arithmetic3A_361 : i32 to vector<16xi32>
      %eq3A_846 = arith.cmpi eq, %and3A_845, %eq3A : vector<16xi32>
      %and3A_847 = arith.andi %lt3A_840, %eq3A_846 : vector<16xi1>
      %swap3A = arith.index_cast %while3A_831 : i32 to index
      %swap3A_848 = tpu.vector_load %arg15[%swap3A] masked %and3A_847 {strides = array<i32>} : memref<8208xi32, #tpu.memory_space<vmem>>, vector<16xi32>, vector<16xi1>
      tpu.vector_store %arg15[%swap3A], %get3A_834 masked %and3A_847 {strides = array<i32>} : memref<8208xi32, #tpu.memory_space<vmem>>, vector<16xi32>, vector<16xi1>
      %all_reduce_population_count3A = tpu.all_reduce %and3A_847 {dim = 0 : i64, kind = #tpu.reduction_kind<sum>} : vector<16xi1> -> vector<16xi32>
      %slice3A = vector.extract_strided_slice %all_reduce_population_count3A {offsets = [0], sizes = [1], strides = [1]} : vector<16xi32> to vector<1xi32>
      %squeeze3A = vector.extract %slice3A[0] : i32 from vector<1xi32>
      %add3A_849 = arith.addi %while3A_831, %squeeze3A : i32
      scf.yield %add3A_849 : i32
    }
    %add3A_376 = arith.constant 16 : i32
    %add3A_377 = arith.addi %while3A_375, %add3A_376 : i32
    %sub3A_378 = arith.constant 1 : i32
    %sub3A_379 = arith.subi %add3A_377, %sub3A_378 : i32
    %shift_right_arithmetic3A_380 = arith.constant 4 : i32
    %shift_right_arithmetic3A_381 = arith.shrsi %sub3A_379, %shift_right_arithmetic3A_380 : i32
    %sub3A_382 = arith.subi %sub3A_323, %and3A_363 : i32
    %scan3A_383 = arith.constant 0 : i32
    %scan3A_384 = arith.constant 4095 : i32
    %scan3A_385 = arith.constant 0 : i32
    %scan3A_386 = arith.constant 12 : i32
    %scan3A_387 = arith.addi %scan3A_385, %scan3A_386 : i32
    %scan3A_388 = arith.constant 1 : i32
    %scan3A_389:2 = scf.for %scan3A_830 = %scan3A_385 to %scan3A_387 step %scan3A_388 iter_args(%scan3A_831 = %scan3A_383, %scan3A_832 = %scan3A_384) -> (i32, i32)  : i32 {
      %add3A_833 = arith.addi %scan3A_831, %scan3A_832 : i32
      %shift_right_arithmetic3A_834 = arith.constant 1 : i32
      %shift_right_arithmetic3A_835 = arith.shrsi %add3A_833, %shift_right_arithmetic3A_834 : i32
      %while3A_836 = arith.constant 0 : i32
      %while3A_837 = arith.constant 0 : i32
      %while3A_838 = arith.subi %shift_right_arithmetic3A_381, %while3A_836 : i32
      %while3A_839 = arith.addi %while3A_836, %while3A_838 : i32
      %while3A_840 = arith.constant 1 : i32
      %while3A_841 = arith.divsi %while3A_838, %while3A_840 : i32
      %while3A_842 = arith.muli %while3A_841, %while3A_840 : i32
      %while3A_843 = arith.addi %while3A_836, %while3A_842 : i32
      %while3A_844 = arith.constant 1 : i32
      %while3A_845 = scf.for %while3A_852 = %while3A_836 to %while3A_843 step %while3A_844 iter_args(%while3A_853 = %while3A_837) -> (i32)  : i32 {
        %mul3A_854 = arith.constant 16 : i32
        %mul3A_855 = arith.muli %while3A_852, %mul3A_854 : i32
        %get3A = arith.index_cast %mul3A_855 : i32 to index
        %get3A_856 = tpu.vector_load %arg15[%get3A] {strides = array<i32>} : memref<8208xi32, #tpu.memory_space<vmem>>, vector<16xi32>,
        %mul3A_857 = arith.constant 16 : i32
        %mul3A_858 = arith.muli %while3A_852, %mul3A_857 : i32
        %add3A_859 = vector.broadcast %mul3A_858 : i32 to vector<16xi32>
        %add3A_860 = arith.addi %add3A_859, %iota3A : vector<16xi32>
        %lt3A_861 = vector.broadcast %while3A_375 : i32 to vector<16xi32>
        %lt3A_862 = arith.cmpi slt, %add3A_860, %lt3A_861 : vector<16xi32>
        %and3A_863 = arith.constant 4095 : i32
        %and3A_864 = vector.broadcast %and3A_863 : i32 to vector<16xi32>
        %and3A_865 = arith.andi %get3A_856, %and3A_864 : vector<16xi32>
        %le3A = vector.broadcast %shift_right_arithmetic3A_835 : i32 to vector<16xi32>
        %le3A_866 = arith.cmpi sle, %and3A_865, %le3A : vector<16xi32>
        %and3A_867 = arith.andi %lt3A_862, %le3A_866 : vector<16xi1>
        %jit3A = arith.constant 1 : i32
        %jit3A_868 = arith.constant 0 : i32
        %broadcast_in_dim3A_869 = vector.broadcast %jit3A : i32 to vector<16xi32>
        %broadcast_in_dim3A_870 = vector.broadcast %jit3A_868 : i32 to vector<16xi32>
        %select_n3A_871 = arith.select %and3A_867, %broadcast_in_dim3A_869, %broadcast_in_dim3A_870 : vector<16xi1>, vector<16xi32>
        %reduce_sum3A = arith.constant true
        %reduce_sum3A_872 = vector.broadcast %reduce_sum3A : i1 to vector<16xi1>
        %reduce_sum3A_873 = tpu.scan <sum>, %select_n3A_871 masked %reduce_sum3A_872 : vector<16xi32>, vector<16xi1> -> vector<16xi32>
        %reduce_sum3A_874 = vector.extract %reduce_sum3A_873[15] : i32 from vector<16xi32>
        %add3A_875 = arith.addi %while3A_853, %reduce_sum3A_874 : i32
        scf.yield %add3A_875 : i32
      }
      %while3A_846 = arith.constant 1 : i32
      %while3A_847 = scf.for %while3A_852 = %while3A_843 to %while3A_839 step %while3A_846 iter_args(%while3A_853 = %while3A_845) -> (i32)  : i32 {
        %mul3A_854 = arith.constant 16 : i32
        %mul3A_855 = arith.muli %while3A_852, %mul3A_854 : i32
        %get3A = arith.index_cast %mul3A_855 : i32 to index
        %get3A_856 = tpu.vector_load %arg15[%get3A] {strides = array<i32>} : memref<8208xi32, #tpu.memory_space<vmem>>, vector<16xi32>,
        %mul3A_857 = arith.constant 16 : i32
        %mul3A_858 = arith.muli %while3A_852, %mul3A_857 : i32
        %add3A_859 = vector.broadcast %mul3A_858 : i32 to vector<16xi32>
        %add3A_860 = arith.addi %add3A_859, %iota3A : vector<16xi32>
        %lt3A_861 = vector.broadcast %while3A_375 : i32 to vector<16xi32>
        %lt3A_862 = arith.cmpi slt, %add3A_860, %lt3A_861 : vector<16xi32>
        %and3A_863 = arith.constant 4095 : i32
        %and3A_864 = vector.broadcast %and3A_863 : i32 to vector<16xi32>
        %and3A_865 = arith.andi %get3A_856, %and3A_864 : vector<16xi32>
        %le3A = vector.broadcast %shift_right_arithmetic3A_835 : i32 to vector<16xi32>
        %le3A_866 = arith.cmpi sle, %and3A_865, %le3A : vector<16xi32>
        %and3A_867 = arith.andi %lt3A_862, %le3A_866 : vector<16xi1>
        %jit3A = arith.constant 1 : i32
        %jit3A_868 = arith.constant 0 : i32
        %broadcast_in_dim3A_869 = vector.broadcast %jit3A : i32 to vector<16xi32>
        %broadcast_in_dim3A_870 = vector.broadcast %jit3A_868 : i32 to vector<16xi32>
        %select_n3A_871 = arith.select %and3A_867, %broadcast_in_dim3A_869, %broadcast_in_dim3A_870 : vector<16xi1>, vector<16xi32>
        %reduce_sum3A = arith.constant true
        %reduce_sum3A_872 = vector.broadcast %reduce_sum3A : i1 to vector<16xi1>
        %reduce_sum3A_873 = tpu.scan <sum>, %select_n3A_871 masked %reduce_sum3A_872 : vector<16xi32>, vector<16xi1> -> vector<16xi32>
        %reduce_sum3A_874 = vector.extract %reduce_sum3A_873[15] : i32 from vector<16xi32>
        %add3A_875 = arith.addi %while3A_853, %reduce_sum3A_874 : i32
        scf.yield %add3A_875 : i32
      }
      %gt3A = arith.cmpi sgt, %while3A_847, %sub3A_382 : i32
      %add3A_848 = arith.constant 1 : i32
      %add3A_849 = arith.addi %shift_right_arithmetic3A_835, %add3A_848 : i32
      %select_n3A_850 = arith.select %gt3A, %scan3A_831, %add3A_849 : i32
      %select_n3A_851 = arith.select %gt3A, %shift_right_arithmetic3A_835, %scan3A_832 : i32
      scf.yield %select_n3A_850, %select_n3A_851 : i32, i32
    }
    %scan3A_390 = arith.constant 12 : i32
    %shift_left3A_391 = arith.constant 21 : i32
    %shift_left3A_392 = arith.shli %shift_right_arithmetic3A_306, %shift_left3A_391 : i32
    %shift_left3A_393 = arith.constant 12 : i32
    %shift_left3A_394 = arith.shli %shift_right_arithmetic3A_361, %shift_left3A_393 : i32
    %or3A_395 = arith.ori %shift_left3A_392, %shift_left3A_394 : i32
    %or3A_396 = arith.ori %or3A_395, %scan3A_389#0 : i32
    %while3A_397 = arith.constant 0 : i32
    %while3A_398 = arith.constant 0 : i32
    %while3A_399 = arith.constant 0 : i32
    %while3A_400 = arith.subi %shift_right_arithmetic3A_381, %while3A_397 : i32
    %while3A_401 = arith.addi %while3A_397, %while3A_400 : i32
    %while3A_402 = arith.constant 1 : i32
    %while3A_403 = arith.divsi %while3A_400, %while3A_402 : i32
    %while3A_404 = arith.muli %while3A_403, %while3A_402 : i32
    %while3A_405 = arith.addi %while3A_397, %while3A_404 : i32
    %while3A_406 = arith.constant 1 : i32
    %while3A_407:2 = scf.for %while3A_830 = %while3A_397 to %while3A_405 step %while3A_406 iter_args(%while3A_831 = %while3A_398, %while3A_832 = %while3A_399) -> (i32, i32)  : i32 {
      %mul3A_833 = arith.constant 16 : i32
      %mul3A_834 = arith.muli %while3A_830, %mul3A_833 : i32
      %get3A = arith.index_cast %mul3A_834 : i32 to index
      %get3A_835 = tpu.vector_load %arg15[%get3A] {strides = array<i32>} : memref<8208xi32, #tpu.memory_space<vmem>>, vector<16xi32>,
      %mul3A_836 = arith.constant 16 : i32
      %mul3A_837 = arith.muli %while3A_830, %mul3A_836 : i32
      %add3A_838 = vector.broadcast %mul3A_837 : i32 to vector<16xi32>
      %add3A_839 = arith.addi %add3A_838, %iota3A : vector<16xi32>
      %lt3A_840 = vector.broadcast %while3A_375 : i32 to vector<16xi32>
      %lt3A_841 = arith.cmpi slt, %add3A_839, %lt3A_840 : vector<16xi32>
      %and3A_842 = arith.constant 4095 : i32
      %and3A_843 = vector.broadcast %and3A_842 : i32 to vector<16xi32>
      %and3A_844 = arith.andi %get3A_835, %and3A_843 : vector<16xi32>
      %lt3A_845 = vector.broadcast %scan3A_389#0 : i32 to vector<16xi32>
      %lt3A_846 = arith.cmpi slt, %and3A_844, %lt3A_845 : vector<16xi32>
      %and3A_847 = arith.andi %lt3A_841, %lt3A_846 : vector<16xi1>
      %jit3A = arith.constant 1 : i32
      %jit3A_848 = arith.constant 0 : i32
      %broadcast_in_dim3A_849 = vector.broadcast %jit3A : i32 to vector<16xi32>
      %broadcast_in_dim3A_850 = vector.broadcast %jit3A_848 : i32 to vector<16xi32>
      %select_n3A_851 = arith.select %and3A_847, %broadcast_in_dim3A_849, %broadcast_in_dim3A_850 : vector<16xi1>, vector<16xi32>
      %reduce_sum3A = arith.constant true
      %reduce_sum3A_852 = vector.broadcast %reduce_sum3A : i1 to vector<16xi1>
      %reduce_sum3A_853 = tpu.scan <sum>, %select_n3A_851 masked %reduce_sum3A_852 : vector<16xi32>, vector<16xi1> -> vector<16xi32>
      %reduce_sum3A_854 = vector.extract %reduce_sum3A_853[15] : i32 from vector<16xi32>
      %add3A_855 = arith.addi %while3A_831, %reduce_sum3A_854 : i32
      %eq3A = vector.broadcast %scan3A_389#0 : i32 to vector<16xi32>
      %eq3A_856 = arith.cmpi eq, %and3A_844, %eq3A : vector<16xi32>
      %and3A_857 = arith.andi %lt3A_841, %eq3A_856 : vector<16xi1>
      %jit3A_858 = arith.constant 1 : i32
      %jit3A_859 = arith.constant 0 : i32
      %broadcast_in_dim3A_860 = vector.broadcast %jit3A_858 : i32 to vector<16xi32>
      %broadcast_in_dim3A_861 = vector.broadcast %jit3A_859 : i32 to vector<16xi32>
      %select_n3A_862 = arith.select %and3A_857, %broadcast_in_dim3A_860, %broadcast_in_dim3A_861 : vector<16xi1>, vector<16xi32>
      %reduce_sum3A_863 = arith.constant true
      %reduce_sum3A_864 = vector.broadcast %reduce_sum3A_863 : i1 to vector<16xi1>
      %reduce_sum3A_865 = tpu.scan <sum>, %select_n3A_862 masked %reduce_sum3A_864 : vector<16xi32>, vector<16xi1> -> vector<16xi32>
      %reduce_sum3A_866 = vector.extract %reduce_sum3A_865[15] : i32 from vector<16xi32>
      %add3A_867 = arith.addi %while3A_832, %reduce_sum3A_866 : i32
      scf.yield %add3A_855, %add3A_867 : i32, i32
    }
    %while3A_408 = arith.constant 1 : i32
    %while3A_409:2 = scf.for %while3A_830 = %while3A_405 to %while3A_401 step %while3A_408 iter_args(%while3A_831 = %while3A_407#0, %while3A_832 = %while3A_407#1) -> (i32, i32)  : i32 {
      %mul3A_833 = arith.constant 16 : i32
      %mul3A_834 = arith.muli %while3A_830, %mul3A_833 : i32
      %get3A = arith.index_cast %mul3A_834 : i32 to index
      %get3A_835 = tpu.vector_load %arg15[%get3A] {strides = array<i32>} : memref<8208xi32, #tpu.memory_space<vmem>>, vector<16xi32>,
      %mul3A_836 = arith.constant 16 : i32
      %mul3A_837 = arith.muli %while3A_830, %mul3A_836 : i32
      %add3A_838 = vector.broadcast %mul3A_837 : i32 to vector<16xi32>
      %add3A_839 = arith.addi %add3A_838, %iota3A : vector<16xi32>
      %lt3A_840 = vector.broadcast %while3A_375 : i32 to vector<16xi32>
      %lt3A_841 = arith.cmpi slt, %add3A_839, %lt3A_840 : vector<16xi32>
      %and3A_842 = arith.constant 4095 : i32
      %and3A_843 = vector.broadcast %and3A_842 : i32 to vector<16xi32>
      %and3A_844 = arith.andi %get3A_835, %and3A_843 : vector<16xi32>
      %lt3A_845 = vector.broadcast %scan3A_389#0 : i32 to vector<16xi32>
      %lt3A_846 = arith.cmpi slt, %and3A_844, %lt3A_845 : vector<16xi32>
      %and3A_847 = arith.andi %lt3A_841, %lt3A_846 : vector<16xi1>
      %jit3A = arith.constant 1 : i32
      %jit3A_848 = arith.constant 0 : i32
      %broadcast_in_dim3A_849 = vector.broadcast %jit3A : i32 to vector<16xi32>
      %broadcast_in_dim3A_850 = vector.broadcast %jit3A_848 : i32 to vector<16xi32>
      %select_n3A_851 = arith.select %and3A_847, %broadcast_in_dim3A_849, %broadcast_in_dim3A_850 : vector<16xi1>, vector<16xi32>
      %reduce_sum3A = arith.constant true
      %reduce_sum3A_852 = vector.broadcast %reduce_sum3A : i1 to vector<16xi1>
      %reduce_sum3A_853 = tpu.scan <sum>, %select_n3A_851 masked %reduce_sum3A_852 : vector<16xi32>, vector<16xi1> -> vector<16xi32>
      %reduce_sum3A_854 = vector.extract %reduce_sum3A_853[15] : i32 from vector<16xi32>
      %add3A_855 = arith.addi %while3A_831, %reduce_sum3A_854 : i32
      %eq3A = vector.broadcast %scan3A_389#0 : i32 to vector<16xi32>
      %eq3A_856 = arith.cmpi eq, %and3A_844, %eq3A : vector<16xi32>
      %and3A_857 = arith.andi %lt3A_841, %eq3A_856 : vector<16xi1>
      %jit3A_858 = arith.constant 1 : i32
      %jit3A_859 = arith.constant 0 : i32
      %broadcast_in_dim3A_860 = vector.broadcast %jit3A_858 : i32 to vector<16xi32>
      %broadcast_in_dim3A_861 = vector.broadcast %jit3A_859 : i32 to vector<16xi32>
      %select_n3A_862 = arith.select %and3A_857, %broadcast_in_dim3A_860, %broadcast_in_dim3A_861 : vector<16xi1>, vector<16xi32>
      %reduce_sum3A_863 = arith.constant true
      %reduce_sum3A_864 = vector.broadcast %reduce_sum3A_863 : i1 to vector<16xi1>
      %reduce_sum3A_865 = tpu.scan <sum>, %select_n3A_862 masked %reduce_sum3A_864 : vector<16xi32>, vector<16xi1> -> vector<16xi32>
      %reduce_sum3A_866 = vector.extract %reduce_sum3A_865[15] : i32 from vector<16xi32>
      %add3A_867 = arith.addi %while3A_832, %reduce_sum3A_866 : i32
      scf.yield %add3A_855, %add3A_867 : i32, i32
    }
    %add3A_410 = arith.addi %and3A_308, %and3A_363 : i32
    %add3A_411 = arith.addi %add3A_410, %while3A_409#0 : i32
    %lt3A = arith.constant 0 : i32
    %lt3A_412 = arith.cmpi slt, %or3A_396, %lt3A : i32
    %xor3A_413 = arith.constant -2147483648 : i32
    %xor3A_414 = arith.xori %or3A_396, %xor3A_413 : i32
    %not3A = arith.constant -1 : i32
    %not3A_415 = arith.xori %or3A_396, %not3A : i32
    %select_n3A = arith.select %lt3A_412, %xor3A_414, %not3A_415 : i32
    %add3A_416 = vector.broadcast %select_n3A : i32 to vector<16xi32>
    %add3A_417 = arith.addi %broadcast_in_dim3A_1, %add3A_416 : vector<16xi32>
    %bitcast_convert_type3A = tpu.bitcast %add3A_417 : vector<16xi32> -> vector<16xf32>
    %scan3A_418 = arith.constant 0 : i32
    %scan3A_419 = arith.constant 0 : i32
    %scan3A_420 = arith.constant 512 : i32
    %scan3A_421 = arith.addi %scan3A_419, %scan3A_420 : i32
    %scan3A_422 = arith.constant 1 : i32
    %scan3A_423 = scf.for %scan3A_830 = %scan3A_419 to %scan3A_421 step %scan3A_422 iter_args(%scan3A_831 = %scan3A_418) -> (i32)  : i32 {
      %mul3A_832 = arith.constant 1 : i32
      %mul3A_833 = arith.muli %scan3A_830, %mul3A_832 : i32
      %add3A_834 = arith.constant 0 : i32
      %add3A_835 = arith.addi %mul3A_833, %add3A_834 : i32
      %mul3A_836 = arith.constant 16 : i32
      %mul3A_837 = arith.muli %add3A_835, %mul3A_836 : i32
      %get3A = arith.constant 0 : i32
      %get3A_838 = tpu.memref_slice %arg8[%get3A] : memref<16384xf32, #tpu.memory_space<vmem>> -> memref<8192xf32, #tpu.memory_space<vmem>>
      %get3A_839 = arith.index_cast %mul3A_837 : i32 to index
      %get3A_840 = tpu.vector_load %get3A_838[%get3A_839] {strides = array<i32>} : memref<8192xf32, #tpu.memory_space<vmem>>, vector<16xf32>,
      %lt3A_841 = arith.cmpf olt, %get3A_840, %bitcast_convert_type3A : vector<16xf32>
      %jit3A = arith.constant 1 : i32
      %jit3A_842 = arith.constant 0 : i32
      %broadcast_in_dim3A_843 = vector.broadcast %jit3A : i32 to vector<16xi32>
      %broadcast_in_dim3A_844 = vector.broadcast %jit3A_842 : i32 to vector<16xi32>
      %select_n3A_845 = arith.select %lt3A_841, %broadcast_in_dim3A_843, %broadcast_in_dim3A_844 : vector<16xi1>, vector<16xi32>
      %mul3A_846 = arith.constant 16 : i32
      %mul3A_847 = arith.muli %add3A_835, %mul3A_846 : i32
      %swap3A = arith.index_cast %mul3A_847 : i32 to index
      %swap3A_848 = tpu.vector_load %arg12[%swap3A] {strides = array<i32>} : memref<8192xi32, #tpu.memory_space<vmem>>, vector<16xi32>,
      tpu.vector_store %arg12[%swap3A], %select_n3A_845 {strides = array<i32>} : memref<8192xi32, #tpu.memory_space<vmem>>, vector<16xi32>,
      %scan3A_849 = arith.constant 0 : i32
      scf.yield %scan3A_849 : i32
    }
    %scan3A_424 = arith.constant 512 : i32
    %dma_start3A_425 = arith.constant 0 : i32
    %dma_start3A_426 = tpu.memref_slice %arg6[%add3A_74, %dma_start3A_425] : memref<64x8192xi32, #tpu.memory_space<hbm>> -> memref<1x8192xi32, #tpu.memory_space<hbm>>
    %dma_start3A_427 = tpu.memref_squeeze %dma_start3A_426 : memref<1x8192xi32, #tpu.memory_space<hbm>> -> memref<8192xi32, #tpu.memory_space<hbm>>
    %dma_start3A_428 = arith.constant 0 : i32
    %dma_start3A_429 = tpu.memref_slice %arg6[%add3A_74, %dma_start3A_428] : memref<64x8192xi32, #tpu.memory_space<hbm>> -> memref<1x8192xi32, #tpu.memory_space<hbm>>
    %dma_start3A_430 = tpu.memref_squeeze %dma_start3A_429 : memref<1x8192xi32, #tpu.memory_space<hbm>> -> memref<8192xi32, #tpu.memory_space<hbm>>
    tpu.enqueue_dma source(%arg12 : memref<8192xi32, #tpu.memory_space<vmem>>) target(%dma_start3A_430 : memref<8192xi32, #tpu.memory_space<hbm>>) target_semaphore(%arg26 : memref<!tpu.dma_semaphore, #tpu.memory_space<semaphore_mem>>)
    %mul3A_431 = arith.constant 2 : i32
    %mul3A_432 = arith.muli %add3A, %mul3A_431 : i32
    %add3A_433 = arith.constant 1 : i32
    %add3A_434 = arith.addi %mul3A_432, %add3A_433 : i32
    %dma_wait3A_435 = arith.constant 8192 : i32
    %dma_wait3A_436 = tpu.memref_slice %arg7[%dma_wait3A_435] : memref<16384xf32, #tpu.memory_space<vmem>> -> memref<8192xf32, #tpu.memory_space<vmem>>
    %dma_wait3A_437 = arith.constant 0 : i32
    %dma_wait3A_438 = tpu.memref_slice %arg2[%add3A_40, %dma_wait3A_437] : memref<64x8192xf32, #tpu.memory_space<hbm>> -> memref<1x8192xf32, #tpu.memory_space<hbm>>
    %dma_wait3A_439 = tpu.memref_squeeze %dma_wait3A_438 : memref<1x8192xf32, #tpu.memory_space<hbm>> -> memref<8192xf32, #tpu.memory_space<hbm>>
    %dma_wait3A_440 = arith.constant 8192 : i32
    %dma_wait3A_441 = tpu.memref_slice %arg7[%dma_wait3A_440] : memref<16384xf32, #tpu.memory_space<vmem>> -> memref<8192xf32, #tpu.memory_space<vmem>>
    %dma_wait3A_442 = arith.constant 0 : i32
    %dma_wait3A_443 = tpu.memref_slice %arg2[%add3A_40, %dma_wait3A_442] : memref<64x8192xf32, #tpu.memory_space<hbm>> -> memref<1x8192xf32, #tpu.memory_space<hbm>>
    %dma_wait3A_444 = tpu.memref_squeeze %dma_wait3A_443 : memref<1x8192xf32, #tpu.memory_space<hbm>> -> memref<8192xf32, #tpu.memory_space<hbm>>
    tpu.wait_dma2 semaphore(%arg19 : memref<!tpu.dma_semaphore, #tpu.memory_space<semaphore_mem>>) src(%dma_wait3A_444 : memref<8192xf32, #tpu.memory_space<hbm>>) dst(%dma_wait3A_441 : memref<8192xf32, #tpu.memory_space<vmem>>)
    %scan3A_445 = arith.constant 0 : i32
    %scan3A_446 = arith.constant 0 : i32
    %scan3A_447 = arith.constant 32 : i32
    %scan3A_448 = arith.addi %scan3A_446, %scan3A_447 : i32
    %scan3A_449 = arith.constant 1 : i32
    %scan3A_450 = scf.for %scan3A_830 = %scan3A_446 to %scan3A_448 step %scan3A_449 iter_args(%scan3A_831 = %scan3A_445) -> (i32)  : i32 {
      %mul3A_832 = arith.constant 4 : i32
      %mul3A_833 = arith.muli %scan3A_830, %mul3A_832 : i32
      %add3A_834 = arith.constant 0 : i32
      %add3A_835 = arith.addi %mul3A_833, %add3A_834 : i32
      %mul3A_836 = arith.constant 16 : i32
      %mul3A_837 = arith.muli %add3A_835, %mul3A_836 : i32
      %swap3A = arith.index_cast %mul3A_837 : i32 to index
      %swap3A_838 = tpu.vector_load %arg17[%swap3A] {strides = array<i32>} : memref<2048xi32, #tpu.memory_space<vmem>>, vector<16xi32>,
      tpu.vector_store %arg17[%swap3A], %broadcast_in_dim3A_1 {strides = array<i32>} : memref<2048xi32, #tpu.memory_space<vmem>>, vector<16xi32>,
      %mul3A_839 = arith.constant 4 : i32
      %mul3A_840 = arith.muli %scan3A_830, %mul3A_839 : i32
      %add3A_841 = arith.constant 1 : i32
      %add3A_842 = arith.addi %mul3A_840, %add3A_841 : i32
      %mul3A_843 = arith.constant 16 : i32
      %mul3A_844 = arith.muli %add3A_842, %mul3A_843 : i32
      %swap3A_845 = arith.index_cast %mul3A_844 : i32 to index
      %swap3A_846 = tpu.vector_load %arg17[%swap3A_845] {strides = array<i32>} : memref<2048xi32, #tpu.memory_space<vmem>>, vector<16xi32>,
      tpu.vector_store %arg17[%swap3A_845], %broadcast_in_dim3A_1 {strides = array<i32>} : memref<2048xi32, #tpu.memory_space<vmem>>, vector<16xi32>,
      %mul3A_847 = arith.constant 4 : i32
      %mul3A_848 = arith.muli %scan3A_830, %mul3A_847 : i32
      %add3A_849 = arith.constant 2 : i32
      %add3A_850 = arith.addi %mul3A_848, %add3A_849 : i32
      %mul3A_851 = arith.constant 16 : i32
      %mul3A_852 = arith.muli %add3A_850, %mul3A_851 : i32
      %swap3A_853 = arith.index_cast %mul3A_852 : i32 to index
      %swap3A_854 = tpu.vector_load %arg17[%swap3A_853] {strides = array<i32>} : memref<2048xi32, #tpu.memory_space<vmem>>, vector<16xi32>,
      tpu.vector_store %arg17[%swap3A_853], %broadcast_in_dim3A_1 {strides = array<i32>} : memref<2048xi32, #tpu.memory_space<vmem>>, vector<16xi32>,
      %mul3A_855 = arith.constant 4 : i32
      %mul3A_856 = arith.muli %scan3A_830, %mul3A_855 : i32
      %add3A_857 = arith.constant 3 : i32
      %add3A_858 = arith.addi %mul3A_856, %add3A_857 : i32
      %mul3A_859 = arith.constant 16 : i32
      %mul3A_860 = arith.muli %add3A_858, %mul3A_859 : i32
      %swap3A_861 = arith.index_cast %mul3A_860 : i32 to index
      %swap3A_862 = tpu.vector_load %arg17[%swap3A_861] {strides = array<i32>} : memref<2048xi32, #tpu.memory_space<vmem>>, vector<16xi32>,
      tpu.vector_store %arg17[%swap3A_861], %broadcast_in_dim3A_1 {strides = array<i32>} : memref<2048xi32, #tpu.memory_space<vmem>>, vector<16xi32>,
      %scan3A_863 = arith.constant 0 : i32
      scf.yield %scan3A_863 : i32
    }
    %scan3A_451 = arith.constant 32 : i32
    %scan3A_452 = arith.constant 0 : i32
    %scan3A_453 = arith.constant 0 : i32
    %scan3A_454 = arith.constant 512 : i32
    %scan3A_455 = arith.addi %scan3A_453, %scan3A_454 : i32
    %scan3A_456 = arith.constant 1 : i32
    %scan3A_457 = scf.for %scan3A_830 = %scan3A_453 to %scan3A_455 step %scan3A_456 iter_args(%scan3A_831 = %scan3A_452) -> (i32)  : i32 {
      %mul3A_832 = arith.constant 1 : i32
      %mul3A_833 = arith.muli %scan3A_830, %mul3A_832 : i32
      %add3A_834 = arith.constant 0 : i32
      %add3A_835 = arith.addi %mul3A_833, %add3A_834 : i32
      %mul3A_836 = arith.constant 16 : i32
      %mul3A_837 = arith.muli %add3A_835, %mul3A_836 : i32
      %get3A = arith.constant 8192 : i32
      %get3A_838 = tpu.memref_slice %arg7[%get3A] : memref<16384xf32, #tpu.memory_space<vmem>> -> memref<8192xf32, #tpu.memory_space<vmem>>
      %get3A_839 = arith.index_cast %mul3A_837 : i32 to index
      %get3A_840 = tpu.vector_load %get3A_838[%get3A_839] {strides = array<i32>} : memref<8192xf32, #tpu.memory_space<vmem>>, vector<16xf32>,
      %bitcast_convert_type3A_841 = tpu.bitcast %get3A_840 : vector<16xf32> -> vector<16xi32>
      %shift_right_arithmetic3A_842 = arith.constant 31 : i32
      %shift_right_arithmetic3A_843 = vector.broadcast %shift_right_arithmetic3A_842 : i32 to vector<16xi32>
      %shift_right_arithmetic3A_844 = arith.shrsi %bitcast_convert_type3A_841, %shift_right_arithmetic3A_843 : vector<16xi32>
      %or3A_845 = arith.constant -2147483648 : i32
      %or3A_846 = vector.broadcast %or3A_845 : i32 to vector<16xi32>
      %or3A_847 = arith.ori %shift_right_arithmetic3A_844, %or3A_846 : vector<16xi32>
      %xor3A_848 = arith.xori %bitcast_convert_type3A_841, %or3A_847 : vector<16xi32>
      %mul3A_849 = arith.constant 16 : i32
      %mul3A_850 = arith.muli %add3A_835, %mul3A_849 : i32
      %swap3A = arith.index_cast %mul3A_850 : i32 to index
      %swap3A_851 = tpu.vector_load %arg10[%swap3A] {strides = array<i32>} : memref<8192xi32, #tpu.memory_space<vmem>>, vector<16xi32>,
      tpu.vector_store %arg10[%swap3A], %xor3A_848 {strides = array<i32>} : memref<8192xi32, #tpu.memory_space<vmem>>, vector<16xi32>,
      %shift_right_logical3A = arith.constant 21 : i32
      %shift_right_logical3A_852 = vector.broadcast %shift_right_logical3A : i32 to vector<16xi32>
      %shift_right_logical3A_853 = arith.shrui %xor3A_848, %shift_right_logical3A_852 : vector<16xi32>
      tpu.vector_store_idx %arg17[%shift_right_logical3A_853], %broadcast_in_dim3A_3 {add = true} : memref<2048xi32, #tpu.memory_space<vmem>>[vector<16xi32>], vector<16xi32>,
      %scan3A_854 = arith.constant 0 : i32
      scf.yield %scan3A_854 : i32
    }
    %scan3A_458 = arith.constant 512 : i32
    %broadcast_in_dim3A_459 = arith.constant 2147483647 : i32
    %broadcast_in_dim3A_460 = vector.broadcast %broadcast_in_dim3A_459 : i32 to vector<16xi32>
    %scan3A_461 = arith.constant 4096 : i32
    %scan3A_462 = arith.constant 0 : i32
    %scan3A_463 = arith.constant 0 : i32
    %scan3A_464 = arith.constant 128 : i32
    %scan3A_465 = arith.addi %scan3A_463, %scan3A_464 : i32
    %scan3A_466 = arith.constant 1 : i32
    %scan3A_467:2 = scf.for %scan3A_830 = %scan3A_463 to %scan3A_465 step %scan3A_466 iter_args(%scan3A_831 = %scan3A_462, %scan3A_832 = %broadcast_in_dim3A_460) -> (i32, vector<16xi32>)  : i32 {
      %mul3A_833 = arith.constant 16 : i32
      %mul3A_834 = arith.muli %scan3A_830, %mul3A_833 : i32
      %get3A = arith.index_cast %mul3A_834 : i32 to index
      %get3A_835 = tpu.vector_load %arg17[%get3A] {strides = array<i32>} : memref<2048xi32, #tpu.memory_space<vmem>>, vector<16xi32>,
      %broadcast_in_dim3A_836 = arith.constant true
      %broadcast_in_dim3A_837 = vector.broadcast %broadcast_in_dim3A_836 : i1 to vector<16xi1>
      %masked_cumsum3A = tpu.scan <sum>, %get3A_835 masked %broadcast_in_dim3A_837 : vector<16xi32>, vector<16xi1> -> vector<16xi32>
      %add3A_838 = vector.broadcast %scan3A_831 : i32 to vector<16xi32>
      %add3A_839 = arith.addi %add3A_838, %masked_cumsum3A : vector<16xi32>
      %gt3A = vector.broadcast %scan3A_461 : i32 to vector<16xi32>
      %gt3A_840 = arith.cmpi sgt, %add3A_839, %gt3A : vector<16xi32>
      %mul3A_841 = arith.constant 16 : i32
      %mul3A_842 = arith.muli %scan3A_830, %mul3A_841 : i32
      %add3A_843 = vector.broadcast %mul3A_842 : i32 to vector<16xi32>
      %add3A_844 = arith.addi %add3A_843, %iota3A : vector<16xi32>
      %shift_left3A_845 = arith.constant 14 : i32
      %shift_left3A_846 = vector.broadcast %shift_left3A_845 : i32 to vector<16xi32>
      %shift_left3A_847 = arith.shli %add3A_844, %shift_left3A_846 : vector<16xi32>
      %sub3A_848 = arith.subi %add3A_839, %get3A_835 : vector<16xi32>
      %or3A_849 = arith.ori %shift_left3A_847, %sub3A_848 : vector<16xi32>
      %jit3A = arith.constant 2147483647 : i32
      %broadcast_in_dim3A_850 = vector.broadcast %jit3A : i32 to vector<16xi32>
      %select_n3A_851 = arith.select %gt3A_840, %or3A_849, %broadcast_in_dim3A_850 : vector<16xi1>, vector<16xi32>
      %slice3A = vector.extract_strided_slice %masked_cumsum3A {offsets = [15], sizes = [1], strides = [1]} : vector<16xi32> to vector<1xi32>
      %squeeze3A = vector.extract %slice3A[0] : i32 from vector<1xi32>
      %add3A_852 = arith.addi %scan3A_831, %squeeze3A : i32
      %min3A = arith.minsi %scan3A_832, %select_n3A_851 : vector<16xi32>
      scf.yield %add3A_852, %min3A : i32, vector<16xi32>
    }
    %scan3A_468 = arith.constant 128 : i32
    %reduce_min3A_469 = arith.constant true
    %reduce_min3A_470 = vector.broadcast %reduce_min3A_469 : i1 to vector<16xi1>
    %reduce_min3A_471 = arith.constant -2147483648 : i32
    %reduce_min3A_472 = vector.broadcast %reduce_min3A_471 : i32 to vector<16xi32>
    %reduce_min3A_473 = arith.xori %scan3A_467#1, %reduce_min3A_472 : vector<16xi32>
    %reduce_min3A_474 = tpu.scan <min>, %reduce_min3A_473 masked %reduce_min3A_470 : vector<16xi32>, vector<16xi1> -> vector<16xi32>
    %reduce_min3A_475 = arith.xori %reduce_min3A_474, %reduce_min3A_472 : vector<16xi32>
    %reduce_min3A_476 = vector.extract %reduce_min3A_475[15] : i32 from vector<16xi32>
    %shift_right_arithmetic3A_477 = arith.constant 14 : i32
    %shift_right_arithmetic3A_478 = arith.shrsi %reduce_min3A_476, %shift_right_arithmetic3A_477 : i32
    %and3A_479 = arith.constant 16383 : i32
    %and3A_480 = arith.andi %reduce_min3A_476, %and3A_479 : i32
    %scan3A_481 = arith.constant 0 : i32
    %scan3A_482 = arith.constant 0 : i32
    %scan3A_483 = arith.constant 512 : i32
    %scan3A_484 = arith.addi %scan3A_482, %scan3A_483 : i32
    %scan3A_485 = arith.constant 1 : i32
    %scan3A_486 = scf.for %scan3A_830 = %scan3A_482 to %scan3A_484 step %scan3A_485 iter_args(%scan3A_831 = %scan3A_481) -> (i32)  : i32 {
      %mul3A_832 = arith.constant 1 : i32
      %mul3A_833 = arith.muli %scan3A_830, %mul3A_832 : i32
      %add3A_834 = arith.constant 0 : i32
      %add3A_835 = arith.addi %mul3A_833, %add3A_834 : i32
      %mul3A_836 = arith.constant 16 : i32
      %mul3A_837 = arith.muli %add3A_835, %mul3A_836 : i32
      %get3A = arith.constant 8192 : i32
      %get3A_838 = tpu.memref_slice %arg7[%get3A] : memref<16384xf32, #tpu.memory_space<vmem>> -> memref<8192xf32, #tpu.memory_space<vmem>>
      %get3A_839 = arith.index_cast %mul3A_837 : i32 to index
      %get3A_840 = tpu.vector_load %get3A_838[%get3A_839] {strides = array<i32>} : memref<8192xf32, #tpu.memory_space<vmem>>, vector<16xf32>,
      %bitcast_convert_type3A_841 = tpu.bitcast %get3A_840 : vector<16xf32> -> vector<16xi32>
      %shift_right_arithmetic3A_842 = arith.constant 31 : i32
      %shift_right_arithmetic3A_843 = vector.broadcast %shift_right_arithmetic3A_842 : i32 to vector<16xi32>
      %shift_right_arithmetic3A_844 = arith.shrsi %bitcast_convert_type3A_841, %shift_right_arithmetic3A_843 : vector<16xi32>
      %or3A_845 = arith.constant -2147483648 : i32
      %or3A_846 = vector.broadcast %or3A_845 : i32 to vector<16xi32>
      %or3A_847 = arith.ori %shift_right_arithmetic3A_844, %or3A_846 : vector<16xi32>
      %xor3A_848 = arith.xori %bitcast_convert_type3A_841, %or3A_847 : vector<16xi32>
      %shift_right_logical3A = arith.constant 21 : i32
      %shift_right_logical3A_849 = vector.broadcast %shift_right_logical3A : i32 to vector<16xi32>
      %shift_right_logical3A_850 = arith.shrui %xor3A_848, %shift_right_logical3A_849 : vector<16xi32>
      %eq3A = vector.broadcast %shift_right_arithmetic3A_478 : i32 to vector<16xi32>
      %eq3A_851 = arith.cmpi eq, %shift_right_logical3A_850, %eq3A : vector<16xi32>
      %swap3A = arith.index_cast %scan3A_831 : i32 to index
      %swap3A_852 = tpu.vector_load %arg13[%swap3A] masked %eq3A_851 {strides = array<i32>} : memref<8208xi32, #tpu.memory_space<vmem>>, vector<16xi32>, vector<16xi1>
      tpu.vector_store %arg13[%swap3A], %xor3A_848 masked %eq3A_851 {strides = array<i32>} : memref<8208xi32, #tpu.memory_space<vmem>>, vector<16xi32>, vector<16xi1>
      %mul3A_853 = arith.constant 16 : i32
      %mul3A_854 = arith.muli %add3A_835, %mul3A_853 : i32
      %add3A_855 = vector.broadcast %mul3A_854 : i32 to vector<16xi32>
      %add3A_856 = arith.addi %add3A_855, %iota3A : vector<16xi32>
      %swap3A_857 = arith.index_cast %scan3A_831 : i32 to index
      %swap3A_858 = tpu.vector_load %arg14[%swap3A_857] masked %eq3A_851 {strides = array<i32>} : memref<8208xi32, #tpu.memory_space<vmem>>, vector<16xi32>, vector<16xi1>
      tpu.vector_store %arg14[%swap3A_857], %add3A_856 masked %eq3A_851 {strides = array<i32>} : memref<8208xi32, #tpu.memory_space<vmem>>, vector<16xi32>, vector<16xi1>
      %all_reduce_population_count3A = tpu.all_reduce %eq3A_851 {dim = 0 : i64, kind = #tpu.reduction_kind<sum>} : vector<16xi1> -> vector<16xi32>
      %slice3A = vector.extract_strided_slice %all_reduce_population_count3A {offsets = [0], sizes = [1], strides = [1]} : vector<16xi32> to vector<1xi32>
      %squeeze3A = vector.extract %slice3A[0] : i32 from vector<1xi32>
      %add3A_859 = arith.addi %scan3A_831, %squeeze3A : i32
      scf.yield %add3A_859 : i32
    }
    %scan3A_487 = arith.constant 512 : i32
    %add3A_488 = arith.constant 16 : i32
    %add3A_489 = arith.addi %scan3A_486, %add3A_488 : i32
    %sub3A_490 = arith.constant 1 : i32
    %sub3A_491 = arith.subi %add3A_489, %sub3A_490 : i32
    %shift_right_arithmetic3A_492 = arith.constant 4 : i32
    %shift_right_arithmetic3A_493 = arith.shrsi %sub3A_491, %shift_right_arithmetic3A_492 : i32
    %sub3A_494 = arith.constant 4096 : i32
    %sub3A_495 = arith.subi %sub3A_494, %and3A_480 : i32
    %scan3A_496 = arith.constant 0 : i32
    %scan3A_497 = arith.constant 0 : i32
    %scan3A_498 = arith.constant 8 : i32
    %scan3A_499 = arith.addi %scan3A_497, %scan3A_498 : i32
    %scan3A_500 = arith.constant 1 : i32
    %scan3A_501 = scf.for %scan3A_830 = %scan3A_497 to %scan3A_499 step %scan3A_500 iter_args(%scan3A_831 = %scan3A_496) -> (i32)  : i32 {
      %mul3A_832 = arith.constant 4 : i32
      %mul3A_833 = arith.muli %scan3A_830, %mul3A_832 : i32
      %add3A_834 = arith.constant 0 : i32
      %add3A_835 = arith.addi %mul3A_833, %add3A_834 : i32
      %mul3A_836 = arith.constant 16 : i32
      %mul3A_837 = arith.muli %add3A_835, %mul3A_836 : i32
      %swap3A = arith.index_cast %mul3A_837 : i32 to index
      %swap3A_838 = tpu.vector_load %arg17[%swap3A] {strides = array<i32>} : memref<2048xi32, #tpu.memory_space<vmem>>, vector<16xi32>,
      tpu.vector_store %arg17[%swap3A], %broadcast_in_dim3A_1 {strides = array<i32>} : memref<2048xi32, #tpu.memory_space<vmem>>, vector<16xi32>,
      %mul3A_839 = arith.constant 4 : i32
      %mul3A_840 = arith.muli %scan3A_830, %mul3A_839 : i32
      %add3A_841 = arith.constant 1 : i32
      %add3A_842 = arith.addi %mul3A_840, %add3A_841 : i32
      %mul3A_843 = arith.constant 16 : i32
      %mul3A_844 = arith.muli %add3A_842, %mul3A_843 : i32
      %swap3A_845 = arith.index_cast %mul3A_844 : i32 to index
      %swap3A_846 = tpu.vector_load %arg17[%swap3A_845] {strides = array<i32>} : memref<2048xi32, #tpu.memory_space<vmem>>, vector<16xi32>,
      tpu.vector_store %arg17[%swap3A_845], %broadcast_in_dim3A_1 {strides = array<i32>} : memref<2048xi32, #tpu.memory_space<vmem>>, vector<16xi32>,
      %mul3A_847 = arith.constant 4 : i32
      %mul3A_848 = arith.muli %scan3A_830, %mul3A_847 : i32
      %add3A_849 = arith.constant 2 : i32
      %add3A_850 = arith.addi %mul3A_848, %add3A_849 : i32
      %mul3A_851 = arith.constant 16 : i32
      %mul3A_852 = arith.muli %add3A_850, %mul3A_851 : i32
      %swap3A_853 = arith.index_cast %mul3A_852 : i32 to index
      %swap3A_854 = tpu.vector_load %arg17[%swap3A_853] {strides = array<i32>} : memref<2048xi32, #tpu.memory_space<vmem>>, vector<16xi32>,
      tpu.vector_store %arg17[%swap3A_853], %broadcast_in_dim3A_1 {strides = array<i32>} : memref<2048xi32, #tpu.memory_space<vmem>>, vector<16xi32>,
      %mul3A_855 = arith.constant 4 : i32
      %mul3A_856 = arith.muli %scan3A_830, %mul3A_855 : i32
      %add3A_857 = arith.constant 3 : i32
      %add3A_858 = arith.addi %mul3A_856, %add3A_857 : i32
      %mul3A_859 = arith.constant 16 : i32
      %mul3A_860 = arith.muli %add3A_858, %mul3A_859 : i32
      %swap3A_861 = arith.index_cast %mul3A_860 : i32 to index
      %swap3A_862 = tpu.vector_load %arg17[%swap3A_861] {strides = array<i32>} : memref<2048xi32, #tpu.memory_space<vmem>>, vector<16xi32>,
      tpu.vector_store %arg17[%swap3A_861], %broadcast_in_dim3A_1 {strides = array<i32>} : memref<2048xi32, #tpu.memory_space<vmem>>, vector<16xi32>,
      %scan3A_863 = arith.constant 0 : i32
      scf.yield %scan3A_863 : i32
    }
    %scan3A_502 = arith.constant 8 : i32
    %while3A_503 = arith.constant 0 : i32
    %while3A_504 = arith.constant 0 : i32
    %while3A_505 = arith.subi %shift_right_arithmetic3A_493, %while3A_503 : i32
    %while3A_506 = arith.addi %while3A_503, %while3A_505 : i32
    %while3A_507 = arith.constant 1 : i32
    %while3A_508 = arith.divsi %while3A_505, %while3A_507 : i32
    %while3A_509 = arith.muli %while3A_508, %while3A_507 : i32
    %while3A_510 = arith.addi %while3A_503, %while3A_509 : i32
    %while3A_511 = arith.constant 1 : i32
    %while3A_512 = scf.for %while3A_830 = %while3A_503 to %while3A_510 step %while3A_511 iter_args(%while3A_831 = %while3A_504) -> (i32)  : i32 {
      %mul3A_832 = arith.constant 16 : i32
      %mul3A_833 = arith.muli %while3A_830, %mul3A_832 : i32
      %get3A = arith.index_cast %mul3A_833 : i32 to index
      %get3A_834 = tpu.vector_load %arg13[%get3A] {strides = array<i32>} : memref<8208xi32, #tpu.memory_space<vmem>>, vector<16xi32>,
      %mul3A_835 = arith.constant 16 : i32
      %mul3A_836 = arith.muli %while3A_830, %mul3A_835 : i32
      %add3A_837 = vector.broadcast %mul3A_836 : i32 to vector<16xi32>
      %add3A_838 = arith.addi %add3A_837, %iota3A : vector<16xi32>
      %lt3A_839 = vector.broadcast %scan3A_486 : i32 to vector<16xi32>
      %lt3A_840 = arith.cmpi slt, %add3A_838, %lt3A_839 : vector<16xi32>
      %shift_right_logical3A = arith.constant 12 : i32
      %shift_right_logical3A_841 = vector.broadcast %shift_right_logical3A : i32 to vector<16xi32>
      %shift_right_logical3A_842 = arith.shrui %get3A_834, %shift_right_logical3A_841 : vector<16xi32>
      %and3A_843 = arith.constant 511 : i32
      %and3A_844 = vector.broadcast %and3A_843 : i32 to vector<16xi32>
      %and3A_845 = arith.andi %shift_right_logical3A_842, %and3A_844 : vector<16xi32>
      tpu.vector_store_idx %arg17[%and3A_845], %broadcast_in_dim3A_3 masked %lt3A_840 {add = true} : memref<2048xi32, #tpu.memory_space<vmem>>[vector<16xi32>], vector<16xi32>, vector<16xi1>
      %while3A_846 = arith.constant 0 : i32
      scf.yield %while3A_846 : i32
    }
    %while3A_513 = arith.constant 1 : i32
    %while3A_514 = scf.for %while3A_830 = %while3A_510 to %while3A_506 step %while3A_513 iter_args(%while3A_831 = %while3A_512) -> (i32)  : i32 {
      %mul3A_832 = arith.constant 16 : i32
      %mul3A_833 = arith.muli %while3A_830, %mul3A_832 : i32
      %get3A = arith.index_cast %mul3A_833 : i32 to index
      %get3A_834 = tpu.vector_load %arg13[%get3A] {strides = array<i32>} : memref<8208xi32, #tpu.memory_space<vmem>>, vector<16xi32>,
      %mul3A_835 = arith.constant 16 : i32
      %mul3A_836 = arith.muli %while3A_830, %mul3A_835 : i32
      %add3A_837 = vector.broadcast %mul3A_836 : i32 to vector<16xi32>
      %add3A_838 = arith.addi %add3A_837, %iota3A : vector<16xi32>
      %lt3A_839 = vector.broadcast %scan3A_486 : i32 to vector<16xi32>
      %lt3A_840 = arith.cmpi slt, %add3A_838, %lt3A_839 : vector<16xi32>
      %shift_right_logical3A = arith.constant 12 : i32
      %shift_right_logical3A_841 = vector.broadcast %shift_right_logical3A : i32 to vector<16xi32>
      %shift_right_logical3A_842 = arith.shrui %get3A_834, %shift_right_logical3A_841 : vector<16xi32>
      %and3A_843 = arith.constant 511 : i32
      %and3A_844 = vector.broadcast %and3A_843 : i32 to vector<16xi32>
      %and3A_845 = arith.andi %shift_right_logical3A_842, %and3A_844 : vector<16xi32>
      tpu.vector_store_idx %arg17[%and3A_845], %broadcast_in_dim3A_3 masked %lt3A_840 {add = true} : memref<2048xi32, #tpu.memory_space<vmem>>[vector<16xi32>], vector<16xi32>, vector<16xi1>
      %while3A_846 = arith.constant 0 : i32
      scf.yield %while3A_846 : i32
    }
    %broadcast_in_dim3A_515 = arith.constant 2147483647 : i32
    %broadcast_in_dim3A_516 = vector.broadcast %broadcast_in_dim3A_515 : i32 to vector<16xi32>
    %scan3A_517 = arith.constant 0 : i32
    %scan3A_518 = arith.constant 0 : i32
    %scan3A_519 = arith.constant 32 : i32
    %scan3A_520 = arith.addi %scan3A_518, %scan3A_519 : i32
    %scan3A_521 = arith.constant 1 : i32
    %scan3A_522:2 = scf.for %scan3A_830 = %scan3A_518 to %scan3A_520 step %scan3A_521 iter_args(%scan3A_831 = %scan3A_517, %scan3A_832 = %broadcast_in_dim3A_516) -> (i32, vector<16xi32>)  : i32 {
      %mul3A_833 = arith.constant 16 : i32
      %mul3A_834 = arith.muli %scan3A_830, %mul3A_833 : i32
      %get3A = arith.index_cast %mul3A_834 : i32 to index
      %get3A_835 = tpu.vector_load %arg17[%get3A] {strides = array<i32>} : memref<2048xi32, #tpu.memory_space<vmem>>, vector<16xi32>,
      %broadcast_in_dim3A_836 = arith.constant true
      %broadcast_in_dim3A_837 = vector.broadcast %broadcast_in_dim3A_836 : i1 to vector<16xi1>
      %masked_cumsum3A = tpu.scan <sum>, %get3A_835 masked %broadcast_in_dim3A_837 : vector<16xi32>, vector<16xi1> -> vector<16xi32>
      %add3A_838 = vector.broadcast %scan3A_831 : i32 to vector<16xi32>
      %add3A_839 = arith.addi %add3A_838, %masked_cumsum3A : vector<16xi32>
      %gt3A = vector.broadcast %sub3A_495 : i32 to vector<16xi32>
      %gt3A_840 = arith.cmpi sgt, %add3A_839, %gt3A : vector<16xi32>
      %mul3A_841 = arith.constant 16 : i32
      %mul3A_842 = arith.muli %scan3A_830, %mul3A_841 : i32
      %add3A_843 = vector.broadcast %mul3A_842 : i32 to vector<16xi32>
      %add3A_844 = arith.addi %add3A_843, %iota3A : vector<16xi32>
      %shift_left3A_845 = arith.constant 14 : i32
      %shift_left3A_846 = vector.broadcast %shift_left3A_845 : i32 to vector<16xi32>
      %shift_left3A_847 = arith.shli %add3A_844, %shift_left3A_846 : vector<16xi32>
      %sub3A_848 = arith.subi %add3A_839, %get3A_835 : vector<16xi32>
      %or3A_849 = arith.ori %shift_left3A_847, %sub3A_848 : vector<16xi32>
      %jit3A = arith.constant 2147483647 : i32
      %broadcast_in_dim3A_850 = vector.broadcast %jit3A : i32 to vector<16xi32>
      %select_n3A_851 = arith.select %gt3A_840, %or3A_849, %broadcast_in_dim3A_850 : vector<16xi1>, vector<16xi32>
      %slice3A = vector.extract_strided_slice %masked_cumsum3A {offsets = [15], sizes = [1], strides = [1]} : vector<16xi32> to vector<1xi32>
      %squeeze3A = vector.extract %slice3A[0] : i32 from vector<1xi32>
      %add3A_852 = arith.addi %scan3A_831, %squeeze3A : i32
      %min3A = arith.minsi %scan3A_832, %select_n3A_851 : vector<16xi32>
      scf.yield %add3A_852, %min3A : i32, vector<16xi32>
    }
    %scan3A_523 = arith.constant 32 : i32
    %reduce_min3A_524 = arith.constant true
    %reduce_min3A_525 = vector.broadcast %reduce_min3A_524 : i1 to vector<16xi1>
    %reduce_min3A_526 = arith.constant -2147483648 : i32
    %reduce_min3A_527 = vector.broadcast %reduce_min3A_526 : i32 to vector<16xi32>
    %reduce_min3A_528 = arith.xori %scan3A_522#1, %reduce_min3A_527 : vector<16xi32>
    %reduce_min3A_529 = tpu.scan <min>, %reduce_min3A_528 masked %reduce_min3A_525 : vector<16xi32>, vector<16xi1> -> vector<16xi32>
    %reduce_min3A_530 = arith.xori %reduce_min3A_529, %reduce_min3A_527 : vector<16xi32>
    %reduce_min3A_531 = vector.extract %reduce_min3A_530[15] : i32 from vector<16xi32>
    %shift_right_arithmetic3A_532 = arith.constant 14 : i32
    %shift_right_arithmetic3A_533 = arith.shrsi %reduce_min3A_531, %shift_right_arithmetic3A_532 : i32
    %and3A_534 = arith.constant 16383 : i32
    %and3A_535 = arith.andi %reduce_min3A_531, %and3A_534 : i32
    %while3A_536 = arith.constant 0 : i32
    %while3A_537 = arith.constant 0 : i32
    %while3A_538 = arith.subi %shift_right_arithmetic3A_493, %while3A_536 : i32
    %while3A_539 = arith.addi %while3A_536, %while3A_538 : i32
    %while3A_540 = arith.constant 1 : i32
    %while3A_541 = arith.divsi %while3A_538, %while3A_540 : i32
    %while3A_542 = arith.muli %while3A_541, %while3A_540 : i32
    %while3A_543 = arith.addi %while3A_536, %while3A_542 : i32
    %while3A_544 = arith.constant 1 : i32
    %while3A_545 = scf.for %while3A_830 = %while3A_536 to %while3A_543 step %while3A_544 iter_args(%while3A_831 = %while3A_537) -> (i32)  : i32 {
      %mul3A_832 = arith.constant 16 : i32
      %mul3A_833 = arith.muli %while3A_830, %mul3A_832 : i32
      %get3A = arith.index_cast %mul3A_833 : i32 to index
      %get3A_834 = tpu.vector_load %arg13[%get3A] {strides = array<i32>} : memref<8208xi32, #tpu.memory_space<vmem>>, vector<16xi32>,
      %mul3A_835 = arith.constant 16 : i32
      %mul3A_836 = arith.muli %while3A_830, %mul3A_835 : i32
      %add3A_837 = vector.broadcast %mul3A_836 : i32 to vector<16xi32>
      %add3A_838 = arith.addi %add3A_837, %iota3A : vector<16xi32>
      %lt3A_839 = vector.broadcast %scan3A_486 : i32 to vector<16xi32>
      %lt3A_840 = arith.cmpi slt, %add3A_838, %lt3A_839 : vector<16xi32>
      %shift_right_logical3A = arith.constant 12 : i32
      %shift_right_logical3A_841 = vector.broadcast %shift_right_logical3A : i32 to vector<16xi32>
      %shift_right_logical3A_842 = arith.shrui %get3A_834, %shift_right_logical3A_841 : vector<16xi32>
      %and3A_843 = arith.constant 511 : i32
      %and3A_844 = vector.broadcast %and3A_843 : i32 to vector<16xi32>
      %and3A_845 = arith.andi %shift_right_logical3A_842, %and3A_844 : vector<16xi32>
      %eq3A = vector.broadcast %shift_right_arithmetic3A_533 : i32 to vector<16xi32>
      %eq3A_846 = arith.cmpi eq, %and3A_845, %eq3A : vector<16xi32>
      %and3A_847 = arith.andi %lt3A_840, %eq3A_846 : vector<16xi1>
      %swap3A = arith.index_cast %while3A_831 : i32 to index
      %swap3A_848 = tpu.vector_load %arg15[%swap3A] masked %and3A_847 {strides = array<i32>} : memref<8208xi32, #tpu.memory_space<vmem>>, vector<16xi32>, vector<16xi1>
      tpu.vector_store %arg15[%swap3A], %get3A_834 masked %and3A_847 {strides = array<i32>} : memref<8208xi32, #tpu.memory_space<vmem>>, vector<16xi32>, vector<16xi1>
      %mul3A_849 = arith.constant 16 : i32
      %mul3A_850 = arith.muli %while3A_830, %mul3A_849 : i32
      %get3A_851 = arith.index_cast %mul3A_850 : i32 to index
      %get3A_852 = tpu.vector_load %arg14[%get3A_851] {strides = array<i32>} : memref<8208xi32, #tpu.memory_space<vmem>>, vector<16xi32>,
      %swap3A_853 = arith.index_cast %while3A_831 : i32 to index
      %swap3A_854 = tpu.vector_load %arg16[%swap3A_853] masked %and3A_847 {strides = array<i32>} : memref<8208xi32, #tpu.memory_space<vmem>>, vector<16xi32>, vector<16xi1>
      tpu.vector_store %arg16[%swap3A_853], %get3A_852 masked %and3A_847 {strides = array<i32>} : memref<8208xi32, #tpu.memory_space<vmem>>, vector<16xi32>, vector<16xi1>
      %all_reduce_population_count3A = tpu.all_reduce %and3A_847 {dim = 0 : i64, kind = #tpu.reduction_kind<sum>} : vector<16xi1> -> vector<16xi32>
      %slice3A = vector.extract_strided_slice %all_reduce_population_count3A {offsets = [0], sizes = [1], strides = [1]} : vector<16xi32> to vector<1xi32>
      %squeeze3A = vector.extract %slice3A[0] : i32 from vector<1xi32>
      %add3A_855 = arith.addi %while3A_831, %squeeze3A : i32
      scf.yield %add3A_855 : i32
    }
    %while3A_546 = arith.constant 1 : i32
    %while3A_547 = scf.for %while3A_830 = %while3A_543 to %while3A_539 step %while3A_546 iter_args(%while3A_831 = %while3A_545) -> (i32)  : i32 {
      %mul3A_832 = arith.constant 16 : i32
      %mul3A_833 = arith.muli %while3A_830, %mul3A_832 : i32
      %get3A = arith.index_cast %mul3A_833 : i32 to index
      %get3A_834 = tpu.vector_load %arg13[%get3A] {strides = array<i32>} : memref<8208xi32, #tpu.memory_space<vmem>>, vector<16xi32>,
      %mul3A_835 = arith.constant 16 : i32
      %mul3A_836 = arith.muli %while3A_830, %mul3A_835 : i32
      %add3A_837 = vector.broadcast %mul3A_836 : i32 to vector<16xi32>
      %add3A_838 = arith.addi %add3A_837, %iota3A : vector<16xi32>
      %lt3A_839 = vector.broadcast %scan3A_486 : i32 to vector<16xi32>
      %lt3A_840 = arith.cmpi slt, %add3A_838, %lt3A_839 : vector<16xi32>
      %shift_right_logical3A = arith.constant 12 : i32
      %shift_right_logical3A_841 = vector.broadcast %shift_right_logical3A : i32 to vector<16xi32>
      %shift_right_logical3A_842 = arith.shrui %get3A_834, %shift_right_logical3A_841 : vector<16xi32>
      %and3A_843 = arith.constant 511 : i32
      %and3A_844 = vector.broadcast %and3A_843 : i32 to vector<16xi32>
      %and3A_845 = arith.andi %shift_right_logical3A_842, %and3A_844 : vector<16xi32>
      %eq3A = vector.broadcast %shift_right_arithmetic3A_533 : i32 to vector<16xi32>
      %eq3A_846 = arith.cmpi eq, %and3A_845, %eq3A : vector<16xi32>
      %and3A_847 = arith.andi %lt3A_840, %eq3A_846 : vector<16xi1>
      %swap3A = arith.index_cast %while3A_831 : i32 to index
      %swap3A_848 = tpu.vector_load %arg15[%swap3A] masked %and3A_847 {strides = array<i32>} : memref<8208xi32, #tpu.memory_space<vmem>>, vector<16xi32>, vector<16xi1>
      tpu.vector_store %arg15[%swap3A], %get3A_834 masked %and3A_847 {strides = array<i32>} : memref<8208xi32, #tpu.memory_space<vmem>>, vector<16xi32>, vector<16xi1>
      %mul3A_849 = arith.constant 16 : i32
      %mul3A_850 = arith.muli %while3A_830, %mul3A_849 : i32
      %get3A_851 = arith.index_cast %mul3A_850 : i32 to index
      %get3A_852 = tpu.vector_load %arg14[%get3A_851] {strides = array<i32>} : memref<8208xi32, #tpu.memory_space<vmem>>, vector<16xi32>,
      %swap3A_853 = arith.index_cast %while3A_831 : i32 to index
      %swap3A_854 = tpu.vector_load %arg16[%swap3A_853] masked %and3A_847 {strides = array<i32>} : memref<8208xi32, #tpu.memory_space<vmem>>, vector<16xi32>, vector<16xi1>
      tpu.vector_store %arg16[%swap3A_853], %get3A_852 masked %and3A_847 {strides = array<i32>} : memref<8208xi32, #tpu.memory_space<vmem>>, vector<16xi32>, vector<16xi1>
      %all_reduce_population_count3A = tpu.all_reduce %and3A_847 {dim = 0 : i64, kind = #tpu.reduction_kind<sum>} : vector<16xi1> -> vector<16xi32>
      %slice3A = vector.extract_strided_slice %all_reduce_population_count3A {offsets = [0], sizes = [1], strides = [1]} : vector<16xi32> to vector<1xi32>
      %squeeze3A = vector.extract %slice3A[0] : i32 from vector<1xi32>
      %add3A_855 = arith.addi %while3A_831, %squeeze3A : i32
      scf.yield %add3A_855 : i32
    }
    %add3A_548 = arith.constant 16 : i32
    %add3A_549 = arith.addi %while3A_547, %add3A_548 : i32
    %sub3A_550 = arith.constant 1 : i32
    %sub3A_551 = arith.subi %add3A_549, %sub3A_550 : i32
    %shift_right_arithmetic3A_552 = arith.constant 4 : i32
    %shift_right_arithmetic3A_553 = arith.shrsi %sub3A_551, %shift_right_arithmetic3A_552 : i32
    %sub3A_554 = arith.subi %sub3A_495, %and3A_535 : i32
    %scan3A_555 = arith.constant 0 : i32
    %scan3A_556 = arith.constant 4095 : i32
    %scan3A_557 = arith.constant 0 : i32
    %scan3A_558 = arith.constant 12 : i32
    %scan3A_559 = arith.addi %scan3A_557, %scan3A_558 : i32
    %scan3A_560 = arith.constant 1 : i32
    %scan3A_561:2 = scf.for %scan3A_830 = %scan3A_557 to %scan3A_559 step %scan3A_560 iter_args(%scan3A_831 = %scan3A_555, %scan3A_832 = %scan3A_556) -> (i32, i32)  : i32 {
      %add3A_833 = arith.addi %scan3A_831, %scan3A_832 : i32
      %shift_right_arithmetic3A_834 = arith.constant 1 : i32
      %shift_right_arithmetic3A_835 = arith.shrsi %add3A_833, %shift_right_arithmetic3A_834 : i32
      %while3A_836 = arith.constant 0 : i32
      %while3A_837 = arith.constant 0 : i32
      %while3A_838 = arith.subi %shift_right_arithmetic3A_553, %while3A_836 : i32
      %while3A_839 = arith.addi %while3A_836, %while3A_838 : i32
      %while3A_840 = arith.constant 1 : i32
      %while3A_841 = arith.divsi %while3A_838, %while3A_840 : i32
      %while3A_842 = arith.muli %while3A_841, %while3A_840 : i32
      %while3A_843 = arith.addi %while3A_836, %while3A_842 : i32
      %while3A_844 = arith.constant 1 : i32
      %while3A_845 = scf.for %while3A_852 = %while3A_836 to %while3A_843 step %while3A_844 iter_args(%while3A_853 = %while3A_837) -> (i32)  : i32 {
        %mul3A_854 = arith.constant 16 : i32
        %mul3A_855 = arith.muli %while3A_852, %mul3A_854 : i32
        %get3A = arith.index_cast %mul3A_855 : i32 to index
        %get3A_856 = tpu.vector_load %arg15[%get3A] {strides = array<i32>} : memref<8208xi32, #tpu.memory_space<vmem>>, vector<16xi32>,
        %mul3A_857 = arith.constant 16 : i32
        %mul3A_858 = arith.muli %while3A_852, %mul3A_857 : i32
        %add3A_859 = vector.broadcast %mul3A_858 : i32 to vector<16xi32>
        %add3A_860 = arith.addi %add3A_859, %iota3A : vector<16xi32>
        %lt3A_861 = vector.broadcast %while3A_547 : i32 to vector<16xi32>
        %lt3A_862 = arith.cmpi slt, %add3A_860, %lt3A_861 : vector<16xi32>
        %and3A_863 = arith.constant 4095 : i32
        %and3A_864 = vector.broadcast %and3A_863 : i32 to vector<16xi32>
        %and3A_865 = arith.andi %get3A_856, %and3A_864 : vector<16xi32>
        %le3A = vector.broadcast %shift_right_arithmetic3A_835 : i32 to vector<16xi32>
        %le3A_866 = arith.cmpi sle, %and3A_865, %le3A : vector<16xi32>
        %and3A_867 = arith.andi %lt3A_862, %le3A_866 : vector<16xi1>
        %jit3A = arith.constant 1 : i32
        %jit3A_868 = arith.constant 0 : i32
        %broadcast_in_dim3A_869 = vector.broadcast %jit3A : i32 to vector<16xi32>
        %broadcast_in_dim3A_870 = vector.broadcast %jit3A_868 : i32 to vector<16xi32>
        %select_n3A_871 = arith.select %and3A_867, %broadcast_in_dim3A_869, %broadcast_in_dim3A_870 : vector<16xi1>, vector<16xi32>
        %reduce_sum3A = arith.constant true
        %reduce_sum3A_872 = vector.broadcast %reduce_sum3A : i1 to vector<16xi1>
        %reduce_sum3A_873 = tpu.scan <sum>, %select_n3A_871 masked %reduce_sum3A_872 : vector<16xi32>, vector<16xi1> -> vector<16xi32>
        %reduce_sum3A_874 = vector.extract %reduce_sum3A_873[15] : i32 from vector<16xi32>
        %add3A_875 = arith.addi %while3A_853, %reduce_sum3A_874 : i32
        scf.yield %add3A_875 : i32
      }
      %while3A_846 = arith.constant 1 : i32
      %while3A_847 = scf.for %while3A_852 = %while3A_843 to %while3A_839 step %while3A_846 iter_args(%while3A_853 = %while3A_845) -> (i32)  : i32 {
        %mul3A_854 = arith.constant 16 : i32
        %mul3A_855 = arith.muli %while3A_852, %mul3A_854 : i32
        %get3A = arith.index_cast %mul3A_855 : i32 to index
        %get3A_856 = tpu.vector_load %arg15[%get3A] {strides = array<i32>} : memref<8208xi32, #tpu.memory_space<vmem>>, vector<16xi32>,
        %mul3A_857 = arith.constant 16 : i32
        %mul3A_858 = arith.muli %while3A_852, %mul3A_857 : i32
        %add3A_859 = vector.broadcast %mul3A_858 : i32 to vector<16xi32>
        %add3A_860 = arith.addi %add3A_859, %iota3A : vector<16xi32>
        %lt3A_861 = vector.broadcast %while3A_547 : i32 to vector<16xi32>
        %lt3A_862 = arith.cmpi slt, %add3A_860, %lt3A_861 : vector<16xi32>
        %and3A_863 = arith.constant 4095 : i32
        %and3A_864 = vector.broadcast %and3A_863 : i32 to vector<16xi32>
        %and3A_865 = arith.andi %get3A_856, %and3A_864 : vector<16xi32>
        %le3A = vector.broadcast %shift_right_arithmetic3A_835 : i32 to vector<16xi32>
        %le3A_866 = arith.cmpi sle, %and3A_865, %le3A : vector<16xi32>
        %and3A_867 = arith.andi %lt3A_862, %le3A_866 : vector<16xi1>
        %jit3A = arith.constant 1 : i32
        %jit3A_868 = arith.constant 0 : i32
        %broadcast_in_dim3A_869 = vector.broadcast %jit3A : i32 to vector<16xi32>
        %broadcast_in_dim3A_870 = vector.broadcast %jit3A_868 : i32 to vector<16xi32>
        %select_n3A_871 = arith.select %and3A_867, %broadcast_in_dim3A_869, %broadcast_in_dim3A_870 : vector<16xi1>, vector<16xi32>
        %reduce_sum3A = arith.constant true
        %reduce_sum3A_872 = vector.broadcast %reduce_sum3A : i1 to vector<16xi1>
        %reduce_sum3A_873 = tpu.scan <sum>, %select_n3A_871 masked %reduce_sum3A_872 : vector<16xi32>, vector<16xi1> -> vector<16xi32>
        %reduce_sum3A_874 = vector.extract %reduce_sum3A_873[15] : i32 from vector<16xi32>
        %add3A_875 = arith.addi %while3A_853, %reduce_sum3A_874 : i32
        scf.yield %add3A_875 : i32
      }
      %gt3A = arith.cmpi sgt, %while3A_847, %sub3A_554 : i32
      %add3A_848 = arith.constant 1 : i32
      %add3A_849 = arith.addi %shift_right_arithmetic3A_835, %add3A_848 : i32
      %select_n3A_850 = arith.select %gt3A, %scan3A_831, %add3A_849 : i32
      %select_n3A_851 = arith.select %gt3A, %shift_right_arithmetic3A_835, %scan3A_832 : i32
      scf.yield %select_n3A_850, %select_n3A_851 : i32, i32
    }
    %scan3A_562 = arith.constant 12 : i32
    %shift_left3A_563 = arith.constant 21 : i32
    %shift_left3A_564 = arith.shli %shift_right_arithmetic3A_478, %shift_left3A_563 : i32
    %shift_left3A_565 = arith.constant 12 : i32
    %shift_left3A_566 = arith.shli %shift_right_arithmetic3A_533, %shift_left3A_565 : i32
    %or3A_567 = arith.ori %shift_left3A_564, %shift_left3A_566 : i32
    %or3A_568 = arith.ori %or3A_567, %scan3A_561#0 : i32
    %while3A_569 = arith.constant 0 : i32
    %while3A_570 = arith.constant 0 : i32
    %while3A_571 = arith.constant 0 : i32
    %while3A_572 = arith.subi %shift_right_arithmetic3A_553, %while3A_569 : i32
    %while3A_573 = arith.addi %while3A_569, %while3A_572 : i32
    %while3A_574 = arith.constant 1 : i32
    %while3A_575 = arith.divsi %while3A_572, %while3A_574 : i32
    %while3A_576 = arith.muli %while3A_575, %while3A_574 : i32
    %while3A_577 = arith.addi %while3A_569, %while3A_576 : i32
    %while3A_578 = arith.constant 1 : i32
    %while3A_579:2 = scf.for %while3A_830 = %while3A_569 to %while3A_577 step %while3A_578 iter_args(%while3A_831 = %while3A_570, %while3A_832 = %while3A_571) -> (i32, i32)  : i32 {
      %mul3A_833 = arith.constant 16 : i32
      %mul3A_834 = arith.muli %while3A_830, %mul3A_833 : i32
      %get3A = arith.index_cast %mul3A_834 : i32 to index
      %get3A_835 = tpu.vector_load %arg15[%get3A] {strides = array<i32>} : memref<8208xi32, #tpu.memory_space<vmem>>, vector<16xi32>,
      %mul3A_836 = arith.constant 16 : i32
      %mul3A_837 = arith.muli %while3A_830, %mul3A_836 : i32
      %add3A_838 = vector.broadcast %mul3A_837 : i32 to vector<16xi32>
      %add3A_839 = arith.addi %add3A_838, %iota3A : vector<16xi32>
      %lt3A_840 = vector.broadcast %while3A_547 : i32 to vector<16xi32>
      %lt3A_841 = arith.cmpi slt, %add3A_839, %lt3A_840 : vector<16xi32>
      %and3A_842 = arith.constant 4095 : i32
      %and3A_843 = vector.broadcast %and3A_842 : i32 to vector<16xi32>
      %and3A_844 = arith.andi %get3A_835, %and3A_843 : vector<16xi32>
      %lt3A_845 = vector.broadcast %scan3A_561#0 : i32 to vector<16xi32>
      %lt3A_846 = arith.cmpi slt, %and3A_844, %lt3A_845 : vector<16xi32>
      %and3A_847 = arith.andi %lt3A_841, %lt3A_846 : vector<16xi1>
      %jit3A = arith.constant 1 : i32
      %jit3A_848 = arith.constant 0 : i32
      %broadcast_in_dim3A_849 = vector.broadcast %jit3A : i32 to vector<16xi32>
      %broadcast_in_dim3A_850 = vector.broadcast %jit3A_848 : i32 to vector<16xi32>
      %select_n3A_851 = arith.select %and3A_847, %broadcast_in_dim3A_849, %broadcast_in_dim3A_850 : vector<16xi1>, vector<16xi32>
      %reduce_sum3A = arith.constant true
      %reduce_sum3A_852 = vector.broadcast %reduce_sum3A : i1 to vector<16xi1>
      %reduce_sum3A_853 = tpu.scan <sum>, %select_n3A_851 masked %reduce_sum3A_852 : vector<16xi32>, vector<16xi1> -> vector<16xi32>
      %reduce_sum3A_854 = vector.extract %reduce_sum3A_853[15] : i32 from vector<16xi32>
      %add3A_855 = arith.addi %while3A_831, %reduce_sum3A_854 : i32
      %eq3A = vector.broadcast %scan3A_561#0 : i32 to vector<16xi32>
      %eq3A_856 = arith.cmpi eq, %and3A_844, %eq3A : vector<16xi32>
      %and3A_857 = arith.andi %lt3A_841, %eq3A_856 : vector<16xi1>
      %jit3A_858 = arith.constant 1 : i32
      %jit3A_859 = arith.constant 0 : i32
      %broadcast_in_dim3A_860 = vector.broadcast %jit3A_858 : i32 to vector<16xi32>
      %broadcast_in_dim3A_861 = vector.broadcast %jit3A_859 : i32 to vector<16xi32>
      %select_n3A_862 = arith.select %and3A_857, %broadcast_in_dim3A_860, %broadcast_in_dim3A_861 : vector<16xi1>, vector<16xi32>
      %reduce_sum3A_863 = arith.constant true
      %reduce_sum3A_864 = vector.broadcast %reduce_sum3A_863 : i1 to vector<16xi1>
      %reduce_sum3A_865 = tpu.scan <sum>, %select_n3A_862 masked %reduce_sum3A_864 : vector<16xi32>, vector<16xi1> -> vector<16xi32>
      %reduce_sum3A_866 = vector.extract %reduce_sum3A_865[15] : i32 from vector<16xi32>
      %add3A_867 = arith.addi %while3A_832, %reduce_sum3A_866 : i32
      scf.yield %add3A_855, %add3A_867 : i32, i32
    }
    %while3A_580 = arith.constant 1 : i32
    %while3A_581:2 = scf.for %while3A_830 = %while3A_577 to %while3A_573 step %while3A_580 iter_args(%while3A_831 = %while3A_579#0, %while3A_832 = %while3A_579#1) -> (i32, i32)  : i32 {
      %mul3A_833 = arith.constant 16 : i32
      %mul3A_834 = arith.muli %while3A_830, %mul3A_833 : i32
      %get3A = arith.index_cast %mul3A_834 : i32 to index
      %get3A_835 = tpu.vector_load %arg15[%get3A] {strides = array<i32>} : memref<8208xi32, #tpu.memory_space<vmem>>, vector<16xi32>,
      %mul3A_836 = arith.constant 16 : i32
      %mul3A_837 = arith.muli %while3A_830, %mul3A_836 : i32
      %add3A_838 = vector.broadcast %mul3A_837 : i32 to vector<16xi32>
      %add3A_839 = arith.addi %add3A_838, %iota3A : vector<16xi32>
      %lt3A_840 = vector.broadcast %while3A_547 : i32 to vector<16xi32>
      %lt3A_841 = arith.cmpi slt, %add3A_839, %lt3A_840 : vector<16xi32>
      %and3A_842 = arith.constant 4095 : i32
      %and3A_843 = vector.broadcast %and3A_842 : i32 to vector<16xi32>
      %and3A_844 = arith.andi %get3A_835, %and3A_843 : vector<16xi32>
      %lt3A_845 = vector.broadcast %scan3A_561#0 : i32 to vector<16xi32>
      %lt3A_846 = arith.cmpi slt, %and3A_844, %lt3A_845 : vector<16xi32>
      %and3A_847 = arith.andi %lt3A_841, %lt3A_846 : vector<16xi1>
      %jit3A = arith.constant 1 : i32
      %jit3A_848 = arith.constant 0 : i32
      %broadcast_in_dim3A_849 = vector.broadcast %jit3A : i32 to vector<16xi32>
      %broadcast_in_dim3A_850 = vector.broadcast %jit3A_848 : i32 to vector<16xi32>
      %select_n3A_851 = arith.select %and3A_847, %broadcast_in_dim3A_849, %broadcast_in_dim3A_850 : vector<16xi1>, vector<16xi32>
      %reduce_sum3A = arith.constant true
      %reduce_sum3A_852 = vector.broadcast %reduce_sum3A : i1 to vector<16xi1>
      %reduce_sum3A_853 = tpu.scan <sum>, %select_n3A_851 masked %reduce_sum3A_852 : vector<16xi32>, vector<16xi1> -> vector<16xi32>
      %reduce_sum3A_854 = vector.extract %reduce_sum3A_853[15] : i32 from vector<16xi32>
      %add3A_855 = arith.addi %while3A_831, %reduce_sum3A_854 : i32
      %eq3A = vector.broadcast %scan3A_561#0 : i32 to vector<16xi32>
      %eq3A_856 = arith.cmpi eq, %and3A_844, %eq3A : vector<16xi32>
      %and3A_857 = arith.andi %lt3A_841, %eq3A_856 : vector<16xi1>
      %jit3A_858 = arith.constant 1 : i32
      %jit3A_859 = arith.constant 0 : i32
      %broadcast_in_dim3A_860 = vector.broadcast %jit3A_858 : i32 to vector<16xi32>
      %broadcast_in_dim3A_861 = vector.broadcast %jit3A_859 : i32 to vector<16xi32>
      %select_n3A_862 = arith.select %and3A_857, %broadcast_in_dim3A_860, %broadcast_in_dim3A_861 : vector<16xi1>, vector<16xi32>
      %reduce_sum3A_863 = arith.constant true
      %reduce_sum3A_864 = vector.broadcast %reduce_sum3A_863 : i1 to vector<16xi1>
      %reduce_sum3A_865 = tpu.scan <sum>, %select_n3A_862 masked %reduce_sum3A_864 : vector<16xi32>, vector<16xi1> -> vector<16xi32>
      %reduce_sum3A_866 = vector.extract %reduce_sum3A_865[15] : i32 from vector<16xi32>
      %add3A_867 = arith.addi %while3A_832, %reduce_sum3A_866 : i32
      scf.yield %add3A_855, %add3A_867 : i32, i32
    }
    %add3A_582 = arith.addi %and3A_480, %and3A_535 : i32
    %add3A_583 = arith.addi %add3A_582, %while3A_581#0 : i32
    %add3A_584 = arith.addi %add3A_583, %while3A_581#1 : i32
    %sub3A_585 = arith.constant 4096 : i32
    %sub3A_586 = arith.subi %add3A_584, %sub3A_585 : i32
    %broadcast_in_dim3A_587 = arith.constant -1 : i32
    %broadcast_in_dim3A_588 = vector.broadcast %broadcast_in_dim3A_587 : i32 to vector<16xi32>
    %while3A_589 = arith.constant 0 : i32
    %while3A_590 = arith.constant 0 : i32
    %while3A_591 = arith.subi %shift_right_arithmetic3A_553, %while3A_589 : i32
    %while3A_592 = arith.addi %while3A_589, %while3A_591 : i32
    %while3A_593 = arith.constant 1 : i32
    %while3A_594 = arith.divsi %while3A_591, %while3A_593 : i32
    %while3A_595 = arith.muli %while3A_594, %while3A_593 : i32
    %while3A_596 = arith.addi %while3A_589, %while3A_595 : i32
    %while3A_597 = arith.constant 1 : i32
    %while3A_598:2 = scf.for %while3A_830 = %while3A_589 to %while3A_596 step %while3A_597 iter_args(%while3A_831 = %while3A_590, %while3A_832 = %broadcast_in_dim3A_588) -> (i32, vector<16xi32>)  : i32 {
      %mul3A_833 = arith.constant 16 : i32
      %mul3A_834 = arith.muli %while3A_830, %mul3A_833 : i32
      %get3A = arith.index_cast %mul3A_834 : i32 to index
      %get3A_835 = tpu.vector_load %arg15[%get3A] {strides = array<i32>} : memref<8208xi32, #tpu.memory_space<vmem>>, vector<16xi32>,
      %mul3A_836 = arith.constant 16 : i32
      %mul3A_837 = arith.muli %while3A_830, %mul3A_836 : i32
      %add3A_838 = vector.broadcast %mul3A_837 : i32 to vector<16xi32>
      %add3A_839 = arith.addi %add3A_838, %iota3A : vector<16xi32>
      %lt3A_840 = vector.broadcast %while3A_547 : i32 to vector<16xi32>
      %lt3A_841 = arith.cmpi slt, %add3A_839, %lt3A_840 : vector<16xi32>
      %eq3A = vector.broadcast %or3A_568 : i32 to vector<16xi32>
      %eq3A_842 = arith.cmpi eq, %get3A_835, %eq3A : vector<16xi32>
      %and3A_843 = arith.andi %lt3A_841, %eq3A_842 : vector<16xi1>
      %jit3A = arith.constant 1 : i32
      %jit3A_844 = arith.constant 0 : i32
      %broadcast_in_dim3A_845 = vector.broadcast %jit3A : i32 to vector<16xi32>
      %broadcast_in_dim3A_846 = vector.broadcast %jit3A_844 : i32 to vector<16xi32>
      %select_n3A_847 = arith.select %and3A_843, %broadcast_in_dim3A_845, %broadcast_in_dim3A_846 : vector<16xi1>, vector<16xi32>
      %broadcast_in_dim3A_848 = arith.constant true
      %broadcast_in_dim3A_849 = vector.broadcast %broadcast_in_dim3A_848 : i1 to vector<16xi1>
      %masked_cumsum3A = tpu.scan <sum>, %select_n3A_847 masked %broadcast_in_dim3A_849 : vector<16xi32>, vector<16xi1> -> vector<16xi32>
      %add3A_850 = vector.broadcast %while3A_831 : i32 to vector<16xi32>
      %add3A_851 = arith.addi %add3A_850, %masked_cumsum3A : vector<16xi32>
      %eq3A_852 = vector.broadcast %sub3A_586 : i32 to vector<16xi32>
      %eq3A_853 = arith.cmpi eq, %add3A_851, %eq3A_852 : vector<16xi32>
      %and3A_854 = arith.andi %and3A_843, %eq3A_853 : vector<16xi1>
      %mul3A_855 = arith.constant 16 : i32
      %mul3A_856 = arith.muli %while3A_830, %mul3A_855 : i32
      %get3A_857 = arith.index_cast %mul3A_856 : i32 to index
      %get3A_858 = tpu.vector_load %arg16[%get3A_857] {strides = array<i32>} : memref<8208xi32, #tpu.memory_space<vmem>>, vector<16xi32>,
      %slice3A = vector.extract_strided_slice %masked_cumsum3A {offsets = [15], sizes = [1], strides = [1]} : vector<16xi32> to vector<1xi32>
      %squeeze3A = vector.extract %slice3A[0] : i32 from vector<1xi32>
      %add3A_859 = arith.addi %while3A_831, %squeeze3A : i32
      %jit3A_860 = arith.constant -1 : i32
      %broadcast_in_dim3A_861 = vector.broadcast %jit3A_860 : i32 to vector<16xi32>
      %select_n3A_862 = arith.select %and3A_854, %get3A_858, %broadcast_in_dim3A_861 : vector<16xi1>, vector<16xi32>
      %max3A = arith.maxsi %while3A_832, %select_n3A_862 : vector<16xi32>
      scf.yield %add3A_859, %max3A : i32, vector<16xi32>
    }
    %while3A_599 = arith.constant 1 : i32
    %while3A_600:2 = scf.for %while3A_830 = %while3A_596 to %while3A_592 step %while3A_599 iter_args(%while3A_831 = %while3A_598#0, %while3A_832 = %while3A_598#1) -> (i32, vector<16xi32>)  : i32 {
      %mul3A_833 = arith.constant 16 : i32
      %mul3A_834 = arith.muli %while3A_830, %mul3A_833 : i32
      %get3A = arith.index_cast %mul3A_834 : i32 to index
      %get3A_835 = tpu.vector_load %arg15[%get3A] {strides = array<i32>} : memref<8208xi32, #tpu.memory_space<vmem>>, vector<16xi32>,
      %mul3A_836 = arith.constant 16 : i32
      %mul3A_837 = arith.muli %while3A_830, %mul3A_836 : i32
      %add3A_838 = vector.broadcast %mul3A_837 : i32 to vector<16xi32>
      %add3A_839 = arith.addi %add3A_838, %iota3A : vector<16xi32>
      %lt3A_840 = vector.broadcast %while3A_547 : i32 to vector<16xi32>
      %lt3A_841 = arith.cmpi slt, %add3A_839, %lt3A_840 : vector<16xi32>
      %eq3A = vector.broadcast %or3A_568 : i32 to vector<16xi32>
      %eq3A_842 = arith.cmpi eq, %get3A_835, %eq3A : vector<16xi32>
      %and3A_843 = arith.andi %lt3A_841, %eq3A_842 : vector<16xi1>
      %jit3A = arith.constant 1 : i32
      %jit3A_844 = arith.constant 0 : i32
      %broadcast_in_dim3A_845 = vector.broadcast %jit3A : i32 to vector<16xi32>
      %broadcast_in_dim3A_846 = vector.broadcast %jit3A_844 : i32 to vector<16xi32>
      %select_n3A_847 = arith.select %and3A_843, %broadcast_in_dim3A_845, %broadcast_in_dim3A_846 : vector<16xi1>, vector<16xi32>
      %broadcast_in_dim3A_848 = arith.constant true
      %broadcast_in_dim3A_849 = vector.broadcast %broadcast_in_dim3A_848 : i1 to vector<16xi1>
      %masked_cumsum3A = tpu.scan <sum>, %select_n3A_847 masked %broadcast_in_dim3A_849 : vector<16xi32>, vector<16xi1> -> vector<16xi32>
      %add3A_850 = vector.broadcast %while3A_831 : i32 to vector<16xi32>
      %add3A_851 = arith.addi %add3A_850, %masked_cumsum3A : vector<16xi32>
      %eq3A_852 = vector.broadcast %sub3A_586 : i32 to vector<16xi32>
      %eq3A_853 = arith.cmpi eq, %add3A_851, %eq3A_852 : vector<16xi32>
      %and3A_854 = arith.andi %and3A_843, %eq3A_853 : vector<16xi1>
      %mul3A_855 = arith.constant 16 : i32
      %mul3A_856 = arith.muli %while3A_830, %mul3A_855 : i32
      %get3A_857 = arith.index_cast %mul3A_856 : i32 to index
      %get3A_858 = tpu.vector_load %arg16[%get3A_857] {strides = array<i32>} : memref<8208xi32, #tpu.memory_space<vmem>>, vector<16xi32>,
      %slice3A = vector.extract_strided_slice %masked_cumsum3A {offsets = [15], sizes = [1], strides = [1]} : vector<16xi32> to vector<1xi32>
      %squeeze3A = vector.extract %slice3A[0] : i32 from vector<1xi32>
      %add3A_859 = arith.addi %while3A_831, %squeeze3A : i32
      %jit3A_860 = arith.constant -1 : i32
      %broadcast_in_dim3A_861 = vector.broadcast %jit3A_860 : i32 to vector<16xi32>
      %select_n3A_862 = arith.select %and3A_854, %get3A_858, %broadcast_in_dim3A_861 : vector<16xi1>, vector<16xi32>
      %max3A = arith.maxsi %while3A_832, %select_n3A_862 : vector<16xi32>
      scf.yield %add3A_859, %max3A : i32, vector<16xi32>
    }
    %reduce_max3A_601 = arith.constant true
    %reduce_max3A_602 = vector.broadcast %reduce_max3A_601 : i1 to vector<16xi1>
    %reduce_max3A_603 = arith.constant -2147483648 : i32
    %reduce_max3A_604 = vector.broadcast %reduce_max3A_603 : i32 to vector<16xi32>
    %reduce_max3A_605 = arith.xori %while3A_600#1, %reduce_max3A_604 : vector<16xi32>
    %reduce_max3A_606 = tpu.scan <max>, %reduce_max3A_605 masked %reduce_max3A_602 : vector<16xi32>, vector<16xi1> -> vector<16xi32>
    %reduce_max3A_607 = arith.xori %reduce_max3A_606, %reduce_max3A_604 : vector<16xi32>
    %reduce_max3A_608 = vector.extract %reduce_max3A_607[15] : i32 from vector<16xi32>
    %dma_wait3A_609 = arith.constant 8192 : i32
    %dma_wait3A_610 = tpu.memref_slice %arg9[%dma_wait3A_609] : memref<16384xi32, #tpu.memory_space<vmem>> -> memref<8192xi32, #tpu.memory_space<vmem>>
    %dma_wait3A_611 = arith.constant 0 : i32
    %dma_wait3A_612 = tpu.memref_slice %arg4[%add3A_40, %dma_wait3A_611] : memref<64x8192xi32, #tpu.memory_space<hbm>> -> memref<1x8192xi32, #tpu.memory_space<hbm>>
    %dma_wait3A_613 = tpu.memref_squeeze %dma_wait3A_612 : memref<1x8192xi32, #tpu.memory_space<hbm>> -> memref<8192xi32, #tpu.memory_space<hbm>>
    %dma_wait3A_614 = arith.constant 8192 : i32
    %dma_wait3A_615 = tpu.memref_slice %arg9[%dma_wait3A_614] : memref<16384xi32, #tpu.memory_space<vmem>> -> memref<8192xi32, #tpu.memory_space<vmem>>
    %dma_wait3A_616 = arith.constant 0 : i32
    %dma_wait3A_617 = tpu.memref_slice %arg4[%add3A_40, %dma_wait3A_616] : memref<64x8192xi32, #tpu.memory_space<hbm>> -> memref<1x8192xi32, #tpu.memory_space<hbm>>
    %dma_wait3A_618 = tpu.memref_squeeze %dma_wait3A_617 : memref<1x8192xi32, #tpu.memory_space<hbm>> -> memref<8192xi32, #tpu.memory_space<hbm>>
    tpu.wait_dma2 semaphore(%arg21 : memref<!tpu.dma_semaphore, #tpu.memory_space<semaphore_mem>>) src(%dma_wait3A_618 : memref<8192xi32, #tpu.memory_space<hbm>>) dst(%dma_wait3A_615 : memref<8192xi32, #tpu.memory_space<vmem>>)
    %dma_wait3A_619 = arith.constant 0 : i32
    %dma_wait3A_620 = tpu.memref_slice %arg5[%add3A_74, %dma_wait3A_619] : memref<64x8192xi32, #tpu.memory_space<hbm>> -> memref<1x8192xi32, #tpu.memory_space<hbm>>
    %dma_wait3A_621 = tpu.memref_squeeze %dma_wait3A_620 : memref<1x8192xi32, #tpu.memory_space<hbm>> -> memref<8192xi32, #tpu.memory_space<hbm>>
    %dma_wait3A_622 = arith.constant 0 : i32
    %dma_wait3A_623 = tpu.memref_slice %arg5[%add3A_74, %dma_wait3A_622] : memref<64x8192xi32, #tpu.memory_space<hbm>> -> memref<1x8192xi32, #tpu.memory_space<hbm>>
    %dma_wait3A_624 = tpu.memref_squeeze %dma_wait3A_623 : memref<1x8192xi32, #tpu.memory_space<hbm>> -> memref<8192xi32, #tpu.memory_space<hbm>>
    tpu.wait_dma2 semaphore(%arg24 : memref<!tpu.dma_semaphore, #tpu.memory_space<semaphore_mem>>) src(%arg11 : memref<8192xi32, #tpu.memory_space<vmem>>) dst(%dma_wait3A_624 : memref<8192xi32, #tpu.memory_space<hbm>>)
    %xor3A_625 = arith.constant -2147483648 : i32
    %xor3A_626 = arith.xori %or3A_568, %xor3A_625 : i32
    %scan3A_627 = arith.constant 0 : i32
    %scan3A_628 = arith.constant 0 : i32
    %scan3A_629 = arith.constant 512 : i32
    %scan3A_630 = arith.addi %scan3A_628, %scan3A_629 : i32
    %scan3A_631 = arith.constant 1 : i32
    %scan3A_632 = scf.for %scan3A_830 = %scan3A_628 to %scan3A_630 step %scan3A_631 iter_args(%scan3A_831 = %scan3A_627) -> (i32)  : i32 {
      %mul3A_832 = arith.constant 1 : i32
      %mul3A_833 = arith.muli %scan3A_830, %mul3A_832 : i32
      %add3A_834 = arith.constant 0 : i32
      %add3A_835 = arith.addi %mul3A_833, %add3A_834 : i32
      %mul3A_836 = arith.constant 16 : i32
      %mul3A_837 = arith.muli %add3A_835, %mul3A_836 : i32
      %get3A = arith.index_cast %mul3A_837 : i32 to index
      %get3A_838 = tpu.vector_load %arg10[%get3A] {strides = array<i32>} : memref<8192xi32, #tpu.memory_space<vmem>>, vector<16xi32>,
      %xor3A_839 = arith.constant -2147483648 : i32
      %xor3A_840 = vector.broadcast %xor3A_839 : i32 to vector<16xi32>
      %xor3A_841 = arith.xori %get3A_838, %xor3A_840 : vector<16xi32>
      %gt3A = vector.broadcast %xor3A_626 : i32 to vector<16xi32>
      %gt3A_842 = arith.cmpi sgt, %xor3A_841, %gt3A : vector<16xi32>
      %eq3A = vector.broadcast %or3A_568 : i32 to vector<16xi32>
      %eq3A_843 = arith.cmpi eq, %get3A_838, %eq3A : vector<16xi32>
      %mul3A_844 = arith.constant 16 : i32
      %mul3A_845 = arith.muli %add3A_835, %mul3A_844 : i32
      %add3A_846 = vector.broadcast %mul3A_845 : i32 to vector<16xi32>
      %add3A_847 = arith.addi %add3A_846, %iota3A : vector<16xi32>
      %le3A = vector.broadcast %reduce_max3A_608 : i32 to vector<16xi32>
      %le3A_848 = arith.cmpi sle, %add3A_847, %le3A : vector<16xi32>
      %and3A_849 = arith.andi %eq3A_843, %le3A_848 : vector<16xi1>
      %or3A_850 = arith.ori %gt3A_842, %and3A_849 : vector<16xi1>
      %mul3A_851 = arith.constant 16 : i32
      %mul3A_852 = arith.muli %add3A_835, %mul3A_851 : i32
      %get3A_853 = arith.constant 8192 : i32
      %get3A_854 = tpu.memref_slice %arg9[%get3A_853] : memref<16384xi32, #tpu.memory_space<vmem>> -> memref<8192xi32, #tpu.memory_space<vmem>>
      %get3A_855 = arith.index_cast %mul3A_852 : i32 to index
      %get3A_856 = tpu.vector_load %get3A_854[%get3A_855] {strides = array<i32>} : memref<8192xi32, #tpu.memory_space<vmem>>, vector<16xi32>,
      %jit3A = arith.constant 1024 : i32
      %broadcast_in_dim3A_857 = vector.broadcast %jit3A : i32 to vector<16xi32>
      %select_n3A_858 = arith.select %or3A_850, %get3A_856, %broadcast_in_dim3A_857 : vector<16xi1>, vector<16xi32>
      %mul3A_859 = arith.constant 16 : i32
      %mul3A_860 = arith.muli %add3A_835, %mul3A_859 : i32
      %swap3A = arith.index_cast %mul3A_860 : i32 to index
      %swap3A_861 = tpu.vector_load %arg11[%swap3A] {strides = array<i32>} : memref<8192xi32, #tpu.memory_space<vmem>>, vector<16xi32>,
      tpu.vector_store %arg11[%swap3A], %select_n3A_858 {strides = array<i32>} : memref<8192xi32, #tpu.memory_space<vmem>>, vector<16xi32>,
      %scan3A_862 = arith.constant 0 : i32
      scf.yield %scan3A_862 : i32
    }
    %scan3A_633 = arith.constant 512 : i32
    %dma_start3A_634 = arith.constant 0 : i32
    %dma_start3A_635 = tpu.memref_slice %arg5[%add3A_434, %dma_start3A_634] : memref<64x8192xi32, #tpu.memory_space<hbm>> -> memref<1x8192xi32, #tpu.memory_space<hbm>>
    %dma_start3A_636 = tpu.memref_squeeze %dma_start3A_635 : memref<1x8192xi32, #tpu.memory_space<hbm>> -> memref<8192xi32, #tpu.memory_space<hbm>>
    %dma_start3A_637 = arith.constant 0 : i32
    %dma_start3A_638 = tpu.memref_slice %arg5[%add3A_434, %dma_start3A_637] : memref<64x8192xi32, #tpu.memory_space<hbm>> -> memref<1x8192xi32, #tpu.memory_space<hbm>>
    %dma_start3A_639 = tpu.memref_squeeze %dma_start3A_638 : memref<1x8192xi32, #tpu.memory_space<hbm>> -> memref<8192xi32, #tpu.memory_space<hbm>>
    tpu.enqueue_dma source(%arg11 : memref<8192xi32, #tpu.memory_space<vmem>>) target(%dma_start3A_639 : memref<8192xi32, #tpu.memory_space<hbm>>) target_semaphore(%arg25 : memref<!tpu.dma_semaphore, #tpu.memory_space<semaphore_mem>>)
    %dma_wait3A_640 = arith.constant 8192 : i32
    %dma_wait3A_641 = tpu.memref_slice %arg8[%dma_wait3A_640] : memref<16384xf32, #tpu.memory_space<vmem>> -> memref<8192xf32, #tpu.memory_space<vmem>>
    %dma_wait3A_642 = arith.constant 0 : i32
    %dma_wait3A_643 = tpu.memref_slice %arg3[%add3A_40, %dma_wait3A_642] : memref<64x8192xf32, #tpu.memory_space<hbm>> -> memref<1x8192xf32, #tpu.memory_space<hbm>>
    %dma_wait3A_644 = tpu.memref_squeeze %dma_wait3A_643 : memref<1x8192xf32, #tpu.memory_space<hbm>> -> memref<8192xf32, #tpu.memory_space<hbm>>
    %dma_wait3A_645 = arith.constant 8192 : i32
    %dma_wait3A_646 = tpu.memref_slice %arg8[%dma_wait3A_645] : memref<16384xf32, #tpu.memory_space<vmem>> -> memref<8192xf32, #tpu.memory_space<vmem>>
    %dma_wait3A_647 = arith.constant 0 : i32
    %dma_wait3A_648 = tpu.memref_slice %arg3[%add3A_40, %dma_wait3A_647] : memref<64x8192xf32, #tpu.memory_space<hbm>> -> memref<1x8192xf32, #tpu.memory_space<hbm>>
    %dma_wait3A_649 = tpu.memref_squeeze %dma_wait3A_648 : memref<1x8192xf32, #tpu.memory_space<hbm>> -> memref<8192xf32, #tpu.memory_space<hbm>>
    tpu.wait_dma2 semaphore(%arg23 : memref<!tpu.dma_semaphore, #tpu.memory_space<semaphore_mem>>) src(%dma_wait3A_649 : memref<8192xf32, #tpu.memory_space<hbm>>) dst(%dma_wait3A_646 : memref<8192xf32, #tpu.memory_space<vmem>>)
    %scan3A_650 = arith.constant 0 : i32
    %scan3A_651 = arith.constant 0 : i32
    %scan3A_652 = arith.constant 32 : i32
    %scan3A_653 = arith.addi %scan3A_651, %scan3A_652 : i32
    %scan3A_654 = arith.constant 1 : i32
    %scan3A_655 = scf.for %scan3A_830 = %scan3A_651 to %scan3A_653 step %scan3A_654 iter_args(%scan3A_831 = %scan3A_650) -> (i32)  : i32 {
      %mul3A_832 = arith.constant 4 : i32
      %mul3A_833 = arith.muli %scan3A_830, %mul3A_832 : i32
      %add3A_834 = arith.constant 0 : i32
      %add3A_835 = arith.addi %mul3A_833, %add3A_834 : i32
      %mul3A_836 = arith.constant 16 : i32
      %mul3A_837 = arith.muli %add3A_835, %mul3A_836 : i32
      %swap3A = arith.index_cast %mul3A_837 : i32 to index
      %swap3A_838 = tpu.vector_load %arg17[%swap3A] {strides = array<i32>} : memref<2048xi32, #tpu.memory_space<vmem>>, vector<16xi32>,
      tpu.vector_store %arg17[%swap3A], %broadcast_in_dim3A_1 {strides = array<i32>} : memref<2048xi32, #tpu.memory_space<vmem>>, vector<16xi32>,
      %mul3A_839 = arith.constant 4 : i32
      %mul3A_840 = arith.muli %scan3A_830, %mul3A_839 : i32
      %add3A_841 = arith.constant 1 : i32
      %add3A_842 = arith.addi %mul3A_840, %add3A_841 : i32
      %mul3A_843 = arith.constant 16 : i32
      %mul3A_844 = arith.muli %add3A_842, %mul3A_843 : i32
      %swap3A_845 = arith.index_cast %mul3A_844 : i32 to index
      %swap3A_846 = tpu.vector_load %arg17[%swap3A_845] {strides = array<i32>} : memref<2048xi32, #tpu.memory_space<vmem>>, vector<16xi32>,
      tpu.vector_store %arg17[%swap3A_845], %broadcast_in_dim3A_1 {strides = array<i32>} : memref<2048xi32, #tpu.memory_space<vmem>>, vector<16xi32>,
      %mul3A_847 = arith.constant 4 : i32
      %mul3A_848 = arith.muli %scan3A_830, %mul3A_847 : i32
      %add3A_849 = arith.constant 2 : i32
      %add3A_850 = arith.addi %mul3A_848, %add3A_849 : i32
      %mul3A_851 = arith.constant 16 : i32
      %mul3A_852 = arith.muli %add3A_850, %mul3A_851 : i32
      %swap3A_853 = arith.index_cast %mul3A_852 : i32 to index
      %swap3A_854 = tpu.vector_load %arg17[%swap3A_853] {strides = array<i32>} : memref<2048xi32, #tpu.memory_space<vmem>>, vector<16xi32>,
      tpu.vector_store %arg17[%swap3A_853], %broadcast_in_dim3A_1 {strides = array<i32>} : memref<2048xi32, #tpu.memory_space<vmem>>, vector<16xi32>,
      %mul3A_855 = arith.constant 4 : i32
      %mul3A_856 = arith.muli %scan3A_830, %mul3A_855 : i32
      %add3A_857 = arith.constant 3 : i32
      %add3A_858 = arith.addi %mul3A_856, %add3A_857 : i32
      %mul3A_859 = arith.constant 16 : i32
      %mul3A_860 = arith.muli %add3A_858, %mul3A_859 : i32
      %swap3A_861 = arith.index_cast %mul3A_860 : i32 to index
      %swap3A_862 = tpu.vector_load %arg17[%swap3A_861] {strides = array<i32>} : memref<2048xi32, #tpu.memory_space<vmem>>, vector<16xi32>,
      tpu.vector_store %arg17[%swap3A_861], %broadcast_in_dim3A_1 {strides = array<i32>} : memref<2048xi32, #tpu.memory_space<vmem>>, vector<16xi32>,
      %scan3A_863 = arith.constant 0 : i32
      scf.yield %scan3A_863 : i32
    }
    %scan3A_656 = arith.constant 32 : i32
    %scan3A_657 = arith.constant 0 : i32
    %scan3A_658 = arith.constant 0 : i32
    %scan3A_659 = arith.constant 512 : i32
    %scan3A_660 = arith.addi %scan3A_658, %scan3A_659 : i32
    %scan3A_661 = arith.constant 1 : i32
    %scan3A_662 = scf.for %scan3A_830 = %scan3A_658 to %scan3A_660 step %scan3A_661 iter_args(%scan3A_831 = %scan3A_657) -> (i32)  : i32 {
      %mul3A_832 = arith.constant 1 : i32
      %mul3A_833 = arith.muli %scan3A_830, %mul3A_832 : i32
      %add3A_834 = arith.constant 0 : i32
      %add3A_835 = arith.addi %mul3A_833, %add3A_834 : i32
      %mul3A_836 = arith.constant 16 : i32
      %mul3A_837 = arith.muli %add3A_835, %mul3A_836 : i32
      %get3A = arith.constant 8192 : i32
      %get3A_838 = tpu.memref_slice %arg8[%get3A] : memref<16384xf32, #tpu.memory_space<vmem>> -> memref<8192xf32, #tpu.memory_space<vmem>>
      %get3A_839 = arith.index_cast %mul3A_837 : i32 to index
      %get3A_840 = tpu.vector_load %get3A_838[%get3A_839] {strides = array<i32>} : memref<8192xf32, #tpu.memory_space<vmem>>, vector<16xf32>,
      %bitcast_convert_type3A_841 = tpu.bitcast %get3A_840 : vector<16xf32> -> vector<16xi32>
      %shift_right_arithmetic3A_842 = arith.constant 31 : i32
      %shift_right_arithmetic3A_843 = vector.broadcast %shift_right_arithmetic3A_842 : i32 to vector<16xi32>
      %shift_right_arithmetic3A_844 = arith.shrsi %bitcast_convert_type3A_841, %shift_right_arithmetic3A_843 : vector<16xi32>
      %or3A_845 = arith.constant -2147483648 : i32
      %or3A_846 = vector.broadcast %or3A_845 : i32 to vector<16xi32>
      %or3A_847 = arith.ori %shift_right_arithmetic3A_844, %or3A_846 : vector<16xi32>
      %xor3A_848 = arith.xori %bitcast_convert_type3A_841, %or3A_847 : vector<16xi32>
      %shift_right_logical3A = arith.constant 21 : i32
      %shift_right_logical3A_849 = vector.broadcast %shift_right_logical3A : i32 to vector<16xi32>
      %shift_right_logical3A_850 = arith.shrui %xor3A_848, %shift_right_logical3A_849 : vector<16xi32>
      tpu.vector_store_idx %arg17[%shift_right_logical3A_850], %broadcast_in_dim3A_3 {add = true} : memref<2048xi32, #tpu.memory_space<vmem>>[vector<16xi32>], vector<16xi32>,
      %scan3A_851 = arith.constant 0 : i32
      scf.yield %scan3A_851 : i32
    }
    %scan3A_663 = arith.constant 512 : i32
    %broadcast_in_dim3A_664 = arith.constant 2147483647 : i32
    %broadcast_in_dim3A_665 = vector.broadcast %broadcast_in_dim3A_664 : i32 to vector<16xi32>
    %scan3A_666 = arith.constant 4095 : i32
    %scan3A_667 = arith.constant 0 : i32
    %scan3A_668 = arith.constant 0 : i32
    %scan3A_669 = arith.constant 128 : i32
    %scan3A_670 = arith.addi %scan3A_668, %scan3A_669 : i32
    %scan3A_671 = arith.constant 1 : i32
    %scan3A_672:2 = scf.for %scan3A_830 = %scan3A_668 to %scan3A_670 step %scan3A_671 iter_args(%scan3A_831 = %scan3A_667, %scan3A_832 = %broadcast_in_dim3A_665) -> (i32, vector<16xi32>)  : i32 {
      %mul3A_833 = arith.constant 16 : i32
      %mul3A_834 = arith.muli %scan3A_830, %mul3A_833 : i32
      %get3A = arith.index_cast %mul3A_834 : i32 to index
      %get3A_835 = tpu.vector_load %arg17[%get3A] {strides = array<i32>} : memref<2048xi32, #tpu.memory_space<vmem>>, vector<16xi32>,
      %broadcast_in_dim3A_836 = arith.constant true
      %broadcast_in_dim3A_837 = vector.broadcast %broadcast_in_dim3A_836 : i1 to vector<16xi1>
      %masked_cumsum3A = tpu.scan <sum>, %get3A_835 masked %broadcast_in_dim3A_837 : vector<16xi32>, vector<16xi1> -> vector<16xi32>
      %add3A_838 = vector.broadcast %scan3A_831 : i32 to vector<16xi32>
      %add3A_839 = arith.addi %add3A_838, %masked_cumsum3A : vector<16xi32>
      %gt3A = vector.broadcast %scan3A_666 : i32 to vector<16xi32>
      %gt3A_840 = arith.cmpi sgt, %add3A_839, %gt3A : vector<16xi32>
      %mul3A_841 = arith.constant 16 : i32
      %mul3A_842 = arith.muli %scan3A_830, %mul3A_841 : i32
      %add3A_843 = vector.broadcast %mul3A_842 : i32 to vector<16xi32>
      %add3A_844 = arith.addi %add3A_843, %iota3A : vector<16xi32>
      %shift_left3A_845 = arith.constant 14 : i32
      %shift_left3A_846 = vector.broadcast %shift_left3A_845 : i32 to vector<16xi32>
      %shift_left3A_847 = arith.shli %add3A_844, %shift_left3A_846 : vector<16xi32>
      %sub3A_848 = arith.subi %add3A_839, %get3A_835 : vector<16xi32>
      %or3A_849 = arith.ori %shift_left3A_847, %sub3A_848 : vector<16xi32>
      %jit3A = arith.constant 2147483647 : i32
      %broadcast_in_dim3A_850 = vector.broadcast %jit3A : i32 to vector<16xi32>
      %select_n3A_851 = arith.select %gt3A_840, %or3A_849, %broadcast_in_dim3A_850 : vector<16xi1>, vector<16xi32>
      %slice3A = vector.extract_strided_slice %masked_cumsum3A {offsets = [15], sizes = [1], strides = [1]} : vector<16xi32> to vector<1xi32>
      %squeeze3A = vector.extract %slice3A[0] : i32 from vector<1xi32>
      %add3A_852 = arith.addi %scan3A_831, %squeeze3A : i32
      %min3A = arith.minsi %scan3A_832, %select_n3A_851 : vector<16xi32>
      scf.yield %add3A_852, %min3A : i32, vector<16xi32>
    }
    %scan3A_673 = arith.constant 128 : i32
    %reduce_min3A_674 = arith.constant true
    %reduce_min3A_675 = vector.broadcast %reduce_min3A_674 : i1 to vector<16xi1>
    %reduce_min3A_676 = arith.constant -2147483648 : i32
    %reduce_min3A_677 = vector.broadcast %reduce_min3A_676 : i32 to vector<16xi32>
    %reduce_min3A_678 = arith.xori %scan3A_672#1, %reduce_min3A_677 : vector<16xi32>
    %reduce_min3A_679 = tpu.scan <min>, %reduce_min3A_678 masked %reduce_min3A_675 : vector<16xi32>, vector<16xi1> -> vector<16xi32>
    %reduce_min3A_680 = arith.xori %reduce_min3A_679, %reduce_min3A_677 : vector<16xi32>
    %reduce_min3A_681 = vector.extract %reduce_min3A_680[15] : i32 from vector<16xi32>
    %shift_right_arithmetic3A_682 = arith.constant 14 : i32
    %shift_right_arithmetic3A_683 = arith.shrsi %reduce_min3A_681, %shift_right_arithmetic3A_682 : i32
    %and3A_684 = arith.constant 16383 : i32
    %and3A_685 = arith.andi %reduce_min3A_681, %and3A_684 : i32
    %scan3A_686 = arith.constant 0 : i32
    %scan3A_687 = arith.constant 0 : i32
    %scan3A_688 = arith.constant 512 : i32
    %scan3A_689 = arith.addi %scan3A_687, %scan3A_688 : i32
    %scan3A_690 = arith.constant 1 : i32
    %scan3A_691 = scf.for %scan3A_830 = %scan3A_687 to %scan3A_689 step %scan3A_690 iter_args(%scan3A_831 = %scan3A_686) -> (i32)  : i32 {
      %mul3A_832 = arith.constant 1 : i32
      %mul3A_833 = arith.muli %scan3A_830, %mul3A_832 : i32
      %add3A_834 = arith.constant 0 : i32
      %add3A_835 = arith.addi %mul3A_833, %add3A_834 : i32
      %mul3A_836 = arith.constant 16 : i32
      %mul3A_837 = arith.muli %add3A_835, %mul3A_836 : i32
      %get3A = arith.constant 8192 : i32
      %get3A_838 = tpu.memref_slice %arg8[%get3A] : memref<16384xf32, #tpu.memory_space<vmem>> -> memref<8192xf32, #tpu.memory_space<vmem>>
      %get3A_839 = arith.index_cast %mul3A_837 : i32 to index
      %get3A_840 = tpu.vector_load %get3A_838[%get3A_839] {strides = array<i32>} : memref<8192xf32, #tpu.memory_space<vmem>>, vector<16xf32>,
      %bitcast_convert_type3A_841 = tpu.bitcast %get3A_840 : vector<16xf32> -> vector<16xi32>
      %shift_right_arithmetic3A_842 = arith.constant 31 : i32
      %shift_right_arithmetic3A_843 = vector.broadcast %shift_right_arithmetic3A_842 : i32 to vector<16xi32>
      %shift_right_arithmetic3A_844 = arith.shrsi %bitcast_convert_type3A_841, %shift_right_arithmetic3A_843 : vector<16xi32>
      %or3A_845 = arith.constant -2147483648 : i32
      %or3A_846 = vector.broadcast %or3A_845 : i32 to vector<16xi32>
      %or3A_847 = arith.ori %shift_right_arithmetic3A_844, %or3A_846 : vector<16xi32>
      %xor3A_848 = arith.xori %bitcast_convert_type3A_841, %or3A_847 : vector<16xi32>
      %shift_right_logical3A = arith.constant 21 : i32
      %shift_right_logical3A_849 = vector.broadcast %shift_right_logical3A : i32 to vector<16xi32>
      %shift_right_logical3A_850 = arith.shrui %xor3A_848, %shift_right_logical3A_849 : vector<16xi32>
      %eq3A = vector.broadcast %shift_right_arithmetic3A_683 : i32 to vector<16xi32>
      %eq3A_851 = arith.cmpi eq, %shift_right_logical3A_850, %eq3A : vector<16xi32>
      %swap3A = arith.index_cast %scan3A_831 : i32 to index
      %swap3A_852 = tpu.vector_load %arg13[%swap3A] masked %eq3A_851 {strides = array<i32>} : memref<8208xi32, #tpu.memory_space<vmem>>, vector<16xi32>, vector<16xi1>
      tpu.vector_store %arg13[%swap3A], %xor3A_848 masked %eq3A_851 {strides = array<i32>} : memref<8208xi32, #tpu.memory_space<vmem>>, vector<16xi32>, vector<16xi1>
      %all_reduce_population_count3A = tpu.all_reduce %eq3A_851 {dim = 0 : i64, kind = #tpu.reduction_kind<sum>} : vector<16xi1> -> vector<16xi32>
      %slice3A = vector.extract_strided_slice %all_reduce_population_count3A {offsets = [0], sizes = [1], strides = [1]} : vector<16xi32> to vector<1xi32>
      %squeeze3A = vector.extract %slice3A[0] : i32 from vector<1xi32>
      %add3A_853 = arith.addi %scan3A_831, %squeeze3A : i32
      scf.yield %add3A_853 : i32
    }
    %scan3A_692 = arith.constant 512 : i32
    %add3A_693 = arith.constant 16 : i32
    %add3A_694 = arith.addi %scan3A_691, %add3A_693 : i32
    %sub3A_695 = arith.constant 1 : i32
    %sub3A_696 = arith.subi %add3A_694, %sub3A_695 : i32
    %shift_right_arithmetic3A_697 = arith.constant 4 : i32
    %shift_right_arithmetic3A_698 = arith.shrsi %sub3A_696, %shift_right_arithmetic3A_697 : i32
    %sub3A_699 = arith.constant 4095 : i32
    %sub3A_700 = arith.subi %sub3A_699, %and3A_685 : i32
    %scan3A_701 = arith.constant 0 : i32
    %scan3A_702 = arith.constant 0 : i32
    %scan3A_703 = arith.constant 8 : i32
    %scan3A_704 = arith.addi %scan3A_702, %scan3A_703 : i32
    %scan3A_705 = arith.constant 1 : i32
    %scan3A_706 = scf.for %scan3A_830 = %scan3A_702 to %scan3A_704 step %scan3A_705 iter_args(%scan3A_831 = %scan3A_701) -> (i32)  : i32 {
      %mul3A_832 = arith.constant 4 : i32
      %mul3A_833 = arith.muli %scan3A_830, %mul3A_832 : i32
      %add3A_834 = arith.constant 0 : i32
      %add3A_835 = arith.addi %mul3A_833, %add3A_834 : i32
      %mul3A_836 = arith.constant 16 : i32
      %mul3A_837 = arith.muli %add3A_835, %mul3A_836 : i32
      %swap3A = arith.index_cast %mul3A_837 : i32 to index
      %swap3A_838 = tpu.vector_load %arg17[%swap3A] {strides = array<i32>} : memref<2048xi32, #tpu.memory_space<vmem>>, vector<16xi32>,
      tpu.vector_store %arg17[%swap3A], %broadcast_in_dim3A_1 {strides = array<i32>} : memref<2048xi32, #tpu.memory_space<vmem>>, vector<16xi32>,
      %mul3A_839 = arith.constant 4 : i32
      %mul3A_840 = arith.muli %scan3A_830, %mul3A_839 : i32
      %add3A_841 = arith.constant 1 : i32
      %add3A_842 = arith.addi %mul3A_840, %add3A_841 : i32
      %mul3A_843 = arith.constant 16 : i32
      %mul3A_844 = arith.muli %add3A_842, %mul3A_843 : i32
      %swap3A_845 = arith.index_cast %mul3A_844 : i32 to index
      %swap3A_846 = tpu.vector_load %arg17[%swap3A_845] {strides = array<i32>} : memref<2048xi32, #tpu.memory_space<vmem>>, vector<16xi32>,
      tpu.vector_store %arg17[%swap3A_845], %broadcast_in_dim3A_1 {strides = array<i32>} : memref<2048xi32, #tpu.memory_space<vmem>>, vector<16xi32>,
      %mul3A_847 = arith.constant 4 : i32
      %mul3A_848 = arith.muli %scan3A_830, %mul3A_847 : i32
      %add3A_849 = arith.constant 2 : i32
      %add3A_850 = arith.addi %mul3A_848, %add3A_849 : i32
      %mul3A_851 = arith.constant 16 : i32
      %mul3A_852 = arith.muli %add3A_850, %mul3A_851 : i32
      %swap3A_853 = arith.index_cast %mul3A_852 : i32 to index
      %swap3A_854 = tpu.vector_load %arg17[%swap3A_853] {strides = array<i32>} : memref<2048xi32, #tpu.memory_space<vmem>>, vector<16xi32>,
      tpu.vector_store %arg17[%swap3A_853], %broadcast_in_dim3A_1 {strides = array<i32>} : memref<2048xi32, #tpu.memory_space<vmem>>, vector<16xi32>,
      %mul3A_855 = arith.constant 4 : i32
      %mul3A_856 = arith.muli %scan3A_830, %mul3A_855 : i32
      %add3A_857 = arith.constant 3 : i32
      %add3A_858 = arith.addi %mul3A_856, %add3A_857 : i32
      %mul3A_859 = arith.constant 16 : i32
      %mul3A_860 = arith.muli %add3A_858, %mul3A_859 : i32
      %swap3A_861 = arith.index_cast %mul3A_860 : i32 to index
      %swap3A_862 = tpu.vector_load %arg17[%swap3A_861] {strides = array<i32>} : memref<2048xi32, #tpu.memory_space<vmem>>, vector<16xi32>,
      tpu.vector_store %arg17[%swap3A_861], %broadcast_in_dim3A_1 {strides = array<i32>} : memref<2048xi32, #tpu.memory_space<vmem>>, vector<16xi32>,
      %scan3A_863 = arith.constant 0 : i32
      scf.yield %scan3A_863 : i32
    }
    %scan3A_707 = arith.constant 8 : i32
    %while3A_708 = arith.constant 0 : i32
    %while3A_709 = arith.constant 0 : i32
    %while3A_710 = arith.subi %shift_right_arithmetic3A_698, %while3A_708 : i32
    %while3A_711 = arith.addi %while3A_708, %while3A_710 : i32
    %while3A_712 = arith.constant 1 : i32
    %while3A_713 = arith.divsi %while3A_710, %while3A_712 : i32
    %while3A_714 = arith.muli %while3A_713, %while3A_712 : i32
    %while3A_715 = arith.addi %while3A_708, %while3A_714 : i32
    %while3A_716 = arith.constant 1 : i32
    %while3A_717 = scf.for %while3A_830 = %while3A_708 to %while3A_715 step %while3A_716 iter_args(%while3A_831 = %while3A_709) -> (i32)  : i32 {
      %mul3A_832 = arith.constant 16 : i32
      %mul3A_833 = arith.muli %while3A_830, %mul3A_832 : i32
      %get3A = arith.index_cast %mul3A_833 : i32 to index
      %get3A_834 = tpu.vector_load %arg13[%get3A] {strides = array<i32>} : memref<8208xi32, #tpu.memory_space<vmem>>, vector<16xi32>,
      %mul3A_835 = arith.constant 16 : i32
      %mul3A_836 = arith.muli %while3A_830, %mul3A_835 : i32
      %add3A_837 = vector.broadcast %mul3A_836 : i32 to vector<16xi32>
      %add3A_838 = arith.addi %add3A_837, %iota3A : vector<16xi32>
      %lt3A_839 = vector.broadcast %scan3A_691 : i32 to vector<16xi32>
      %lt3A_840 = arith.cmpi slt, %add3A_838, %lt3A_839 : vector<16xi32>
      %shift_right_logical3A = arith.constant 12 : i32
      %shift_right_logical3A_841 = vector.broadcast %shift_right_logical3A : i32 to vector<16xi32>
      %shift_right_logical3A_842 = arith.shrui %get3A_834, %shift_right_logical3A_841 : vector<16xi32>
      %and3A_843 = arith.constant 511 : i32
      %and3A_844 = vector.broadcast %and3A_843 : i32 to vector<16xi32>
      %and3A_845 = arith.andi %shift_right_logical3A_842, %and3A_844 : vector<16xi32>
      tpu.vector_store_idx %arg17[%and3A_845], %broadcast_in_dim3A_3 masked %lt3A_840 {add = true} : memref<2048xi32, #tpu.memory_space<vmem>>[vector<16xi32>], vector<16xi32>, vector<16xi1>
      %while3A_846 = arith.constant 0 : i32
      scf.yield %while3A_846 : i32
    }
    %while3A_718 = arith.constant 1 : i32
    %while3A_719 = scf.for %while3A_830 = %while3A_715 to %while3A_711 step %while3A_718 iter_args(%while3A_831 = %while3A_717) -> (i32)  : i32 {
      %mul3A_832 = arith.constant 16 : i32
      %mul3A_833 = arith.muli %while3A_830, %mul3A_832 : i32
      %get3A = arith.index_cast %mul3A_833 : i32 to index
      %get3A_834 = tpu.vector_load %arg13[%get3A] {strides = array<i32>} : memref<8208xi32, #tpu.memory_space<vmem>>, vector<16xi32>,
      %mul3A_835 = arith.constant 16 : i32
      %mul3A_836 = arith.muli %while3A_830, %mul3A_835 : i32
      %add3A_837 = vector.broadcast %mul3A_836 : i32 to vector<16xi32>
      %add3A_838 = arith.addi %add3A_837, %iota3A : vector<16xi32>
      %lt3A_839 = vector.broadcast %scan3A_691 : i32 to vector<16xi32>
      %lt3A_840 = arith.cmpi slt, %add3A_838, %lt3A_839 : vector<16xi32>
      %shift_right_logical3A = arith.constant 12 : i32
      %shift_right_logical3A_841 = vector.broadcast %shift_right_logical3A : i32 to vector<16xi32>
      %shift_right_logical3A_842 = arith.shrui %get3A_834, %shift_right_logical3A_841 : vector<16xi32>
      %and3A_843 = arith.constant 511 : i32
      %and3A_844 = vector.broadcast %and3A_843 : i32 to vector<16xi32>
      %and3A_845 = arith.andi %shift_right_logical3A_842, %and3A_844 : vector<16xi32>
      tpu.vector_store_idx %arg17[%and3A_845], %broadcast_in_dim3A_3 masked %lt3A_840 {add = true} : memref<2048xi32, #tpu.memory_space<vmem>>[vector<16xi32>], vector<16xi32>, vector<16xi1>
      %while3A_846 = arith.constant 0 : i32
      scf.yield %while3A_846 : i32
    }
    %broadcast_in_dim3A_720 = arith.constant 2147483647 : i32
    %broadcast_in_dim3A_721 = vector.broadcast %broadcast_in_dim3A_720 : i32 to vector<16xi32>
    %scan3A_722 = arith.constant 0 : i32
    %scan3A_723 = arith.constant 0 : i32
    %scan3A_724 = arith.constant 32 : i32
    %scan3A_725 = arith.addi %scan3A_723, %scan3A_724 : i32
    %scan3A_726 = arith.constant 1 : i32
    %scan3A_727:2 = scf.for %scan3A_830 = %scan3A_723 to %scan3A_725 step %scan3A_726 iter_args(%scan3A_831 = %scan3A_722, %scan3A_832 = %broadcast_in_dim3A_721) -> (i32, vector<16xi32>)  : i32 {
      %mul3A_833 = arith.constant 16 : i32
      %mul3A_834 = arith.muli %scan3A_830, %mul3A_833 : i32
      %get3A = arith.index_cast %mul3A_834 : i32 to index
      %get3A_835 = tpu.vector_load %arg17[%get3A] {strides = array<i32>} : memref<2048xi32, #tpu.memory_space<vmem>>, vector<16xi32>,
      %broadcast_in_dim3A_836 = arith.constant true
      %broadcast_in_dim3A_837 = vector.broadcast %broadcast_in_dim3A_836 : i1 to vector<16xi1>
      %masked_cumsum3A = tpu.scan <sum>, %get3A_835 masked %broadcast_in_dim3A_837 : vector<16xi32>, vector<16xi1> -> vector<16xi32>
      %add3A_838 = vector.broadcast %scan3A_831 : i32 to vector<16xi32>
      %add3A_839 = arith.addi %add3A_838, %masked_cumsum3A : vector<16xi32>
      %gt3A = vector.broadcast %sub3A_700 : i32 to vector<16xi32>
      %gt3A_840 = arith.cmpi sgt, %add3A_839, %gt3A : vector<16xi32>
      %mul3A_841 = arith.constant 16 : i32
      %mul3A_842 = arith.muli %scan3A_830, %mul3A_841 : i32
      %add3A_843 = vector.broadcast %mul3A_842 : i32 to vector<16xi32>
      %add3A_844 = arith.addi %add3A_843, %iota3A : vector<16xi32>
      %shift_left3A_845 = arith.constant 14 : i32
      %shift_left3A_846 = vector.broadcast %shift_left3A_845 : i32 to vector<16xi32>
      %shift_left3A_847 = arith.shli %add3A_844, %shift_left3A_846 : vector<16xi32>
      %sub3A_848 = arith.subi %add3A_839, %get3A_835 : vector<16xi32>
      %or3A_849 = arith.ori %shift_left3A_847, %sub3A_848 : vector<16xi32>
      %jit3A = arith.constant 2147483647 : i32
      %broadcast_in_dim3A_850 = vector.broadcast %jit3A : i32 to vector<16xi32>
      %select_n3A_851 = arith.select %gt3A_840, %or3A_849, %broadcast_in_dim3A_850 : vector<16xi1>, vector<16xi32>
      %slice3A = vector.extract_strided_slice %masked_cumsum3A {offsets = [15], sizes = [1], strides = [1]} : vector<16xi32> to vector<1xi32>
      %squeeze3A = vector.extract %slice3A[0] : i32 from vector<1xi32>
      %add3A_852 = arith.addi %scan3A_831, %squeeze3A : i32
      %min3A = arith.minsi %scan3A_832, %select_n3A_851 : vector<16xi32>
      scf.yield %add3A_852, %min3A : i32, vector<16xi32>
    }
    %scan3A_728 = arith.constant 32 : i32
    %reduce_min3A_729 = arith.constant true
    %reduce_min3A_730 = vector.broadcast %reduce_min3A_729 : i1 to vector<16xi1>
    %reduce_min3A_731 = arith.constant -2147483648 : i32
    %reduce_min3A_732 = vector.broadcast %reduce_min3A_731 : i32 to vector<16xi32>
    %reduce_min3A_733 = arith.xori %scan3A_727#1, %reduce_min3A_732 : vector<16xi32>
    %reduce_min3A_734 = tpu.scan <min>, %reduce_min3A_733 masked %reduce_min3A_730 : vector<16xi32>, vector<16xi1> -> vector<16xi32>
    %reduce_min3A_735 = arith.xori %reduce_min3A_734, %reduce_min3A_732 : vector<16xi32>
    %reduce_min3A_736 = vector.extract %reduce_min3A_735[15] : i32 from vector<16xi32>
    %shift_right_arithmetic3A_737 = arith.constant 14 : i32
    %shift_right_arithmetic3A_738 = arith.shrsi %reduce_min3A_736, %shift_right_arithmetic3A_737 : i32
    %and3A_739 = arith.constant 16383 : i32
    %and3A_740 = arith.andi %reduce_min3A_736, %and3A_739 : i32
    %while3A_741 = arith.constant 0 : i32
    %while3A_742 = arith.constant 0 : i32
    %while3A_743 = arith.subi %shift_right_arithmetic3A_698, %while3A_741 : i32
    %while3A_744 = arith.addi %while3A_741, %while3A_743 : i32
    %while3A_745 = arith.constant 1 : i32
    %while3A_746 = arith.divsi %while3A_743, %while3A_745 : i32
    %while3A_747 = arith.muli %while3A_746, %while3A_745 : i32
    %while3A_748 = arith.addi %while3A_741, %while3A_747 : i32
    %while3A_749 = arith.constant 1 : i32
    %while3A_750 = scf.for %while3A_830 = %while3A_741 to %while3A_748 step %while3A_749 iter_args(%while3A_831 = %while3A_742) -> (i32)  : i32 {
      %mul3A_832 = arith.constant 16 : i32
      %mul3A_833 = arith.muli %while3A_830, %mul3A_832 : i32
      %get3A = arith.index_cast %mul3A_833 : i32 to index
      %get3A_834 = tpu.vector_load %arg13[%get3A] {strides = array<i32>} : memref<8208xi32, #tpu.memory_space<vmem>>, vector<16xi32>,
      %mul3A_835 = arith.constant 16 : i32
      %mul3A_836 = arith.muli %while3A_830, %mul3A_835 : i32
      %add3A_837 = vector.broadcast %mul3A_836 : i32 to vector<16xi32>
      %add3A_838 = arith.addi %add3A_837, %iota3A : vector<16xi32>
      %lt3A_839 = vector.broadcast %scan3A_691 : i32 to vector<16xi32>
      %lt3A_840 = arith.cmpi slt, %add3A_838, %lt3A_839 : vector<16xi32>
      %shift_right_logical3A = arith.constant 12 : i32
      %shift_right_logical3A_841 = vector.broadcast %shift_right_logical3A : i32 to vector<16xi32>
      %shift_right_logical3A_842 = arith.shrui %get3A_834, %shift_right_logical3A_841 : vector<16xi32>
      %and3A_843 = arith.constant 511 : i32
      %and3A_844 = vector.broadcast %and3A_843 : i32 to vector<16xi32>
      %and3A_845 = arith.andi %shift_right_logical3A_842, %and3A_844 : vector<16xi32>
      %eq3A = vector.broadcast %shift_right_arithmetic3A_738 : i32 to vector<16xi32>
      %eq3A_846 = arith.cmpi eq, %and3A_845, %eq3A : vector<16xi32>
      %and3A_847 = arith.andi %lt3A_840, %eq3A_846 : vector<16xi1>
      %swap3A = arith.index_cast %while3A_831 : i32 to index
      %swap3A_848 = tpu.vector_load %arg15[%swap3A] masked %and3A_847 {strides = array<i32>} : memref<8208xi32, #tpu.memory_space<vmem>>, vector<16xi32>, vector<16xi1>
      tpu.vector_store %arg15[%swap3A], %get3A_834 masked %and3A_847 {strides = array<i32>} : memref<8208xi32, #tpu.memory_space<vmem>>, vector<16xi32>, vector<16xi1>
      %all_reduce_population_count3A = tpu.all_reduce %and3A_847 {dim = 0 : i64, kind = #tpu.reduction_kind<sum>} : vector<16xi1> -> vector<16xi32>
      %slice3A = vector.extract_strided_slice %all_reduce_population_count3A {offsets = [0], sizes = [1], strides = [1]} : vector<16xi32> to vector<1xi32>
      %squeeze3A = vector.extract %slice3A[0] : i32 from vector<1xi32>
      %add3A_849 = arith.addi %while3A_831, %squeeze3A : i32
      scf.yield %add3A_849 : i32
    }
    %while3A_751 = arith.constant 1 : i32
    %while3A_752 = scf.for %while3A_830 = %while3A_748 to %while3A_744 step %while3A_751 iter_args(%while3A_831 = %while3A_750) -> (i32)  : i32 {
      %mul3A_832 = arith.constant 16 : i32
      %mul3A_833 = arith.muli %while3A_830, %mul3A_832 : i32
      %get3A = arith.index_cast %mul3A_833 : i32 to index
      %get3A_834 = tpu.vector_load %arg13[%get3A] {strides = array<i32>} : memref<8208xi32, #tpu.memory_space<vmem>>, vector<16xi32>,
      %mul3A_835 = arith.constant 16 : i32
      %mul3A_836 = arith.muli %while3A_830, %mul3A_835 : i32
      %add3A_837 = vector.broadcast %mul3A_836 : i32 to vector<16xi32>
      %add3A_838 = arith.addi %add3A_837, %iota3A : vector<16xi32>
      %lt3A_839 = vector.broadcast %scan3A_691 : i32 to vector<16xi32>
      %lt3A_840 = arith.cmpi slt, %add3A_838, %lt3A_839 : vector<16xi32>
      %shift_right_logical3A = arith.constant 12 : i32
      %shift_right_logical3A_841 = vector.broadcast %shift_right_logical3A : i32 to vector<16xi32>
      %shift_right_logical3A_842 = arith.shrui %get3A_834, %shift_right_logical3A_841 : vector<16xi32>
      %and3A_843 = arith.constant 511 : i32
      %and3A_844 = vector.broadcast %and3A_843 : i32 to vector<16xi32>
      %and3A_845 = arith.andi %shift_right_logical3A_842, %and3A_844 : vector<16xi32>
      %eq3A = vector.broadcast %shift_right_arithmetic3A_738 : i32 to vector<16xi32>
      %eq3A_846 = arith.cmpi eq, %and3A_845, %eq3A : vector<16xi32>
      %and3A_847 = arith.andi %lt3A_840, %eq3A_846 : vector<16xi1>
      %swap3A = arith.index_cast %while3A_831 : i32 to index
      %swap3A_848 = tpu.vector_load %arg15[%swap3A] masked %and3A_847 {strides = array<i32>} : memref<8208xi32, #tpu.memory_space<vmem>>, vector<16xi32>, vector<16xi1>
      tpu.vector_store %arg15[%swap3A], %get3A_834 masked %and3A_847 {strides = array<i32>} : memref<8208xi32, #tpu.memory_space<vmem>>, vector<16xi32>, vector<16xi1>
      %all_reduce_population_count3A = tpu.all_reduce %and3A_847 {dim = 0 : i64, kind = #tpu.reduction_kind<sum>} : vector<16xi1> -> vector<16xi32>
      %slice3A = vector.extract_strided_slice %all_reduce_population_count3A {offsets = [0], sizes = [1], strides = [1]} : vector<16xi32> to vector<1xi32>
      %squeeze3A = vector.extract %slice3A[0] : i32 from vector<1xi32>
      %add3A_849 = arith.addi %while3A_831, %squeeze3A : i32
      scf.yield %add3A_849 : i32
    }
    %add3A_753 = arith.constant 16 : i32
    %add3A_754 = arith.addi %while3A_752, %add3A_753 : i32
    %sub3A_755 = arith.constant 1 : i32
    %sub3A_756 = arith.subi %add3A_754, %sub3A_755 : i32
    %shift_right_arithmetic3A_757 = arith.constant 4 : i32
    %shift_right_arithmetic3A_758 = arith.shrsi %sub3A_756, %shift_right_arithmetic3A_757 : i32
    %sub3A_759 = arith.subi %sub3A_700, %and3A_740 : i32
    %scan3A_760 = arith.constant 0 : i32
    %scan3A_761 = arith.constant 4095 : i32
    %scan3A_762 = arith.constant 0 : i32
    %scan3A_763 = arith.constant 12 : i32
    %scan3A_764 = arith.addi %scan3A_762, %scan3A_763 : i32
    %scan3A_765 = arith.constant 1 : i32
    %scan3A_766:2 = scf.for %scan3A_830 = %scan3A_762 to %scan3A_764 step %scan3A_765 iter_args(%scan3A_831 = %scan3A_760, %scan3A_832 = %scan3A_761) -> (i32, i32)  : i32 {
      %add3A_833 = arith.addi %scan3A_831, %scan3A_832 : i32
      %shift_right_arithmetic3A_834 = arith.constant 1 : i32
      %shift_right_arithmetic3A_835 = arith.shrsi %add3A_833, %shift_right_arithmetic3A_834 : i32
      %while3A_836 = arith.constant 0 : i32
      %while3A_837 = arith.constant 0 : i32
      %while3A_838 = arith.subi %shift_right_arithmetic3A_758, %while3A_836 : i32
      %while3A_839 = arith.addi %while3A_836, %while3A_838 : i32
      %while3A_840 = arith.constant 1 : i32
      %while3A_841 = arith.divsi %while3A_838, %while3A_840 : i32
      %while3A_842 = arith.muli %while3A_841, %while3A_840 : i32
      %while3A_843 = arith.addi %while3A_836, %while3A_842 : i32
      %while3A_844 = arith.constant 1 : i32
      %while3A_845 = scf.for %while3A_852 = %while3A_836 to %while3A_843 step %while3A_844 iter_args(%while3A_853 = %while3A_837) -> (i32)  : i32 {
        %mul3A_854 = arith.constant 16 : i32
        %mul3A_855 = arith.muli %while3A_852, %mul3A_854 : i32
        %get3A = arith.index_cast %mul3A_855 : i32 to index
        %get3A_856 = tpu.vector_load %arg15[%get3A] {strides = array<i32>} : memref<8208xi32, #tpu.memory_space<vmem>>, vector<16xi32>,
        %mul3A_857 = arith.constant 16 : i32
        %mul3A_858 = arith.muli %while3A_852, %mul3A_857 : i32
        %add3A_859 = vector.broadcast %mul3A_858 : i32 to vector<16xi32>
        %add3A_860 = arith.addi %add3A_859, %iota3A : vector<16xi32>
        %lt3A_861 = vector.broadcast %while3A_752 : i32 to vector<16xi32>
        %lt3A_862 = arith.cmpi slt, %add3A_860, %lt3A_861 : vector<16xi32>
        %and3A_863 = arith.constant 4095 : i32
        %and3A_864 = vector.broadcast %and3A_863 : i32 to vector<16xi32>
        %and3A_865 = arith.andi %get3A_856, %and3A_864 : vector<16xi32>
        %le3A = vector.broadcast %shift_right_arithmetic3A_835 : i32 to vector<16xi32>
        %le3A_866 = arith.cmpi sle, %and3A_865, %le3A : vector<16xi32>
        %and3A_867 = arith.andi %lt3A_862, %le3A_866 : vector<16xi1>
        %jit3A = arith.constant 1 : i32
        %jit3A_868 = arith.constant 0 : i32
        %broadcast_in_dim3A_869 = vector.broadcast %jit3A : i32 to vector<16xi32>
        %broadcast_in_dim3A_870 = vector.broadcast %jit3A_868 : i32 to vector<16xi32>
        %select_n3A_871 = arith.select %and3A_867, %broadcast_in_dim3A_869, %broadcast_in_dim3A_870 : vector<16xi1>, vector<16xi32>
        %reduce_sum3A = arith.constant true
        %reduce_sum3A_872 = vector.broadcast %reduce_sum3A : i1 to vector<16xi1>
        %reduce_sum3A_873 = tpu.scan <sum>, %select_n3A_871 masked %reduce_sum3A_872 : vector<16xi32>, vector<16xi1> -> vector<16xi32>
        %reduce_sum3A_874 = vector.extract %reduce_sum3A_873[15] : i32 from vector<16xi32>
        %add3A_875 = arith.addi %while3A_853, %reduce_sum3A_874 : i32
        scf.yield %add3A_875 : i32
      }
      %while3A_846 = arith.constant 1 : i32
      %while3A_847 = scf.for %while3A_852 = %while3A_843 to %while3A_839 step %while3A_846 iter_args(%while3A_853 = %while3A_845) -> (i32)  : i32 {
        %mul3A_854 = arith.constant 16 : i32
        %mul3A_855 = arith.muli %while3A_852, %mul3A_854 : i32
        %get3A = arith.index_cast %mul3A_855 : i32 to index
        %get3A_856 = tpu.vector_load %arg15[%get3A] {strides = array<i32>} : memref<8208xi32, #tpu.memory_space<vmem>>, vector<16xi32>,
        %mul3A_857 = arith.constant 16 : i32
        %mul3A_858 = arith.muli %while3A_852, %mul3A_857 : i32
        %add3A_859 = vector.broadcast %mul3A_858 : i32 to vector<16xi32>
        %add3A_860 = arith.addi %add3A_859, %iota3A : vector<16xi32>
        %lt3A_861 = vector.broadcast %while3A_752 : i32 to vector<16xi32>
        %lt3A_862 = arith.cmpi slt, %add3A_860, %lt3A_861 : vector<16xi32>
        %and3A_863 = arith.constant 4095 : i32
        %and3A_864 = vector.broadcast %and3A_863 : i32 to vector<16xi32>
        %and3A_865 = arith.andi %get3A_856, %and3A_864 : vector<16xi32>
        %le3A = vector.broadcast %shift_right_arithmetic3A_835 : i32 to vector<16xi32>
        %le3A_866 = arith.cmpi sle, %and3A_865, %le3A : vector<16xi32>
        %and3A_867 = arith.andi %lt3A_862, %le3A_866 : vector<16xi1>
        %jit3A = arith.constant 1 : i32
        %jit3A_868 = arith.constant 0 : i32
        %broadcast_in_dim3A_869 = vector.broadcast %jit3A : i32 to vector<16xi32>
        %broadcast_in_dim3A_870 = vector.broadcast %jit3A_868 : i32 to vector<16xi32>
        %select_n3A_871 = arith.select %and3A_867, %broadcast_in_dim3A_869, %broadcast_in_dim3A_870 : vector<16xi1>, vector<16xi32>
        %reduce_sum3A = arith.constant true
        %reduce_sum3A_872 = vector.broadcast %reduce_sum3A : i1 to vector<16xi1>
        %reduce_sum3A_873 = tpu.scan <sum>, %select_n3A_871 masked %reduce_sum3A_872 : vector<16xi32>, vector<16xi1> -> vector<16xi32>
        %reduce_sum3A_874 = vector.extract %reduce_sum3A_873[15] : i32 from vector<16xi32>
        %add3A_875 = arith.addi %while3A_853, %reduce_sum3A_874 : i32
        scf.yield %add3A_875 : i32
      }
      %gt3A = arith.cmpi sgt, %while3A_847, %sub3A_759 : i32
      %add3A_848 = arith.constant 1 : i32
      %add3A_849 = arith.addi %shift_right_arithmetic3A_835, %add3A_848 : i32
      %select_n3A_850 = arith.select %gt3A, %scan3A_831, %add3A_849 : i32
      %select_n3A_851 = arith.select %gt3A, %shift_right_arithmetic3A_835, %scan3A_832 : i32
      scf.yield %select_n3A_850, %select_n3A_851 : i32, i32
    }
    %scan3A_767 = arith.constant 12 : i32
    %shift_left3A_768 = arith.constant 21 : i32
    %shift_left3A_769 = arith.shli %shift_right_arithmetic3A_683, %shift_left3A_768 : i32
    %shift_left3A_770 = arith.constant 12 : i32
    %shift_left3A_771 = arith.shli %shift_right_arithmetic3A_738, %shift_left3A_770 : i32
    %or3A_772 = arith.ori %shift_left3A_769, %shift_left3A_771 : i32
    %or3A_773 = arith.ori %or3A_772, %scan3A_766#0 : i32
    %while3A_774 = arith.constant 0 : i32
    %while3A_775 = arith.constant 0 : i32
    %while3A_776 = arith.constant 0 : i32
    %while3A_777 = arith.subi %shift_right_arithmetic3A_758, %while3A_774 : i32
    %while3A_778 = arith.addi %while3A_774, %while3A_777 : i32
    %while3A_779 = arith.constant 1 : i32
    %while3A_780 = arith.divsi %while3A_777, %while3A_779 : i32
    %while3A_781 = arith.muli %while3A_780, %while3A_779 : i32
    %while3A_782 = arith.addi %while3A_774, %while3A_781 : i32
    %while3A_783 = arith.constant 1 : i32
    %while3A_784:2 = scf.for %while3A_830 = %while3A_774 to %while3A_782 step %while3A_783 iter_args(%while3A_831 = %while3A_775, %while3A_832 = %while3A_776) -> (i32, i32)  : i32 {
      %mul3A_833 = arith.constant 16 : i32
      %mul3A_834 = arith.muli %while3A_830, %mul3A_833 : i32
      %get3A = arith.index_cast %mul3A_834 : i32 to index
      %get3A_835 = tpu.vector_load %arg15[%get3A] {strides = array<i32>} : memref<8208xi32, #tpu.memory_space<vmem>>, vector<16xi32>,
      %mul3A_836 = arith.constant 16 : i32
      %mul3A_837 = arith.muli %while3A_830, %mul3A_836 : i32
      %add3A_838 = vector.broadcast %mul3A_837 : i32 to vector<16xi32>
      %add3A_839 = arith.addi %add3A_838, %iota3A : vector<16xi32>
      %lt3A_840 = vector.broadcast %while3A_752 : i32 to vector<16xi32>
      %lt3A_841 = arith.cmpi slt, %add3A_839, %lt3A_840 : vector<16xi32>
      %and3A_842 = arith.constant 4095 : i32
      %and3A_843 = vector.broadcast %and3A_842 : i32 to vector<16xi32>
      %and3A_844 = arith.andi %get3A_835, %and3A_843 : vector<16xi32>
      %lt3A_845 = vector.broadcast %scan3A_766#0 : i32 to vector<16xi32>
      %lt3A_846 = arith.cmpi slt, %and3A_844, %lt3A_845 : vector<16xi32>
      %and3A_847 = arith.andi %lt3A_841, %lt3A_846 : vector<16xi1>
      %jit3A = arith.constant 1 : i32
      %jit3A_848 = arith.constant 0 : i32
      %broadcast_in_dim3A_849 = vector.broadcast %jit3A : i32 to vector<16xi32>
      %broadcast_in_dim3A_850 = vector.broadcast %jit3A_848 : i32 to vector<16xi32>
      %select_n3A_851 = arith.select %and3A_847, %broadcast_in_dim3A_849, %broadcast_in_dim3A_850 : vector<16xi1>, vector<16xi32>
      %reduce_sum3A = arith.constant true
      %reduce_sum3A_852 = vector.broadcast %reduce_sum3A : i1 to vector<16xi1>
      %reduce_sum3A_853 = tpu.scan <sum>, %select_n3A_851 masked %reduce_sum3A_852 : vector<16xi32>, vector<16xi1> -> vector<16xi32>
      %reduce_sum3A_854 = vector.extract %reduce_sum3A_853[15] : i32 from vector<16xi32>
      %add3A_855 = arith.addi %while3A_831, %reduce_sum3A_854 : i32
      %eq3A = vector.broadcast %scan3A_766#0 : i32 to vector<16xi32>
      %eq3A_856 = arith.cmpi eq, %and3A_844, %eq3A : vector<16xi32>
      %and3A_857 = arith.andi %lt3A_841, %eq3A_856 : vector<16xi1>
      %jit3A_858 = arith.constant 1 : i32
      %jit3A_859 = arith.constant 0 : i32
      %broadcast_in_dim3A_860 = vector.broadcast %jit3A_858 : i32 to vector<16xi32>
      %broadcast_in_dim3A_861 = vector.broadcast %jit3A_859 : i32 to vector<16xi32>
      %select_n3A_862 = arith.select %and3A_857, %broadcast_in_dim3A_860, %broadcast_in_dim3A_861 : vector<16xi1>, vector<16xi32>
      %reduce_sum3A_863 = arith.constant true
      %reduce_sum3A_864 = vector.broadcast %reduce_sum3A_863 : i1 to vector<16xi1>
      %reduce_sum3A_865 = tpu.scan <sum>, %select_n3A_862 masked %reduce_sum3A_864 : vector<16xi32>, vector<16xi1> -> vector<16xi32>
      %reduce_sum3A_866 = vector.extract %reduce_sum3A_865[15] : i32 from vector<16xi32>
      %add3A_867 = arith.addi %while3A_832, %reduce_sum3A_866 : i32
      scf.yield %add3A_855, %add3A_867 : i32, i32
    }
    %while3A_785 = arith.constant 1 : i32
    %while3A_786:2 = scf.for %while3A_830 = %while3A_782 to %while3A_778 step %while3A_785 iter_args(%while3A_831 = %while3A_784#0, %while3A_832 = %while3A_784#1) -> (i32, i32)  : i32 {
      %mul3A_833 = arith.constant 16 : i32
      %mul3A_834 = arith.muli %while3A_830, %mul3A_833 : i32
      %get3A = arith.index_cast %mul3A_834 : i32 to index
      %get3A_835 = tpu.vector_load %arg15[%get3A] {strides = array<i32>} : memref<8208xi32, #tpu.memory_space<vmem>>, vector<16xi32>,
      %mul3A_836 = arith.constant 16 : i32
      %mul3A_837 = arith.muli %while3A_830, %mul3A_836 : i32
      %add3A_838 = vector.broadcast %mul3A_837 : i32 to vector<16xi32>
      %add3A_839 = arith.addi %add3A_838, %iota3A : vector<16xi32>
      %lt3A_840 = vector.broadcast %while3A_752 : i32 to vector<16xi32>
      %lt3A_841 = arith.cmpi slt, %add3A_839, %lt3A_840 : vector<16xi32>
      %and3A_842 = arith.constant 4095 : i32
      %and3A_843 = vector.broadcast %and3A_842 : i32 to vector<16xi32>
      %and3A_844 = arith.andi %get3A_835, %and3A_843 : vector<16xi32>
      %lt3A_845 = vector.broadcast %scan3A_766#0 : i32 to vector<16xi32>
      %lt3A_846 = arith.cmpi slt, %and3A_844, %lt3A_845 : vector<16xi32>
      %and3A_847 = arith.andi %lt3A_841, %lt3A_846 : vector<16xi1>
      %jit3A = arith.constant 1 : i32
      %jit3A_848 = arith.constant 0 : i32
      %broadcast_in_dim3A_849 = vector.broadcast %jit3A : i32 to vector<16xi32>
      %broadcast_in_dim3A_850 = vector.broadcast %jit3A_848 : i32 to vector<16xi32>
      %select_n3A_851 = arith.select %and3A_847, %broadcast_in_dim3A_849, %broadcast_in_dim3A_850 : vector<16xi1>, vector<16xi32>
      %reduce_sum3A = arith.constant true
      %reduce_sum3A_852 = vector.broadcast %reduce_sum3A : i1 to vector<16xi1>
      %reduce_sum3A_853 = tpu.scan <sum>, %select_n3A_851 masked %reduce_sum3A_852 : vector<16xi32>, vector<16xi1> -> vector<16xi32>
      %reduce_sum3A_854 = vector.extract %reduce_sum3A_853[15] : i32 from vector<16xi32>
      %add3A_855 = arith.addi %while3A_831, %reduce_sum3A_854 : i32
      %eq3A = vector.broadcast %scan3A_766#0 : i32 to vector<16xi32>
      %eq3A_856 = arith.cmpi eq, %and3A_844, %eq3A : vector<16xi32>
      %and3A_857 = arith.andi %lt3A_841, %eq3A_856 : vector<16xi1>
      %jit3A_858 = arith.constant 1 : i32
      %jit3A_859 = arith.constant 0 : i32
      %broadcast_in_dim3A_860 = vector.broadcast %jit3A_858 : i32 to vector<16xi32>
      %broadcast_in_dim3A_861 = vector.broadcast %jit3A_859 : i32 to vector<16xi32>
      %select_n3A_862 = arith.select %and3A_857, %broadcast_in_dim3A_860, %broadcast_in_dim3A_861 : vector<16xi1>, vector<16xi32>
      %reduce_sum3A_863 = arith.constant true
      %reduce_sum3A_864 = vector.broadcast %reduce_sum3A_863 : i1 to vector<16xi1>
      %reduce_sum3A_865 = tpu.scan <sum>, %select_n3A_862 masked %reduce_sum3A_864 : vector<16xi32>, vector<16xi1> -> vector<16xi32>
      %reduce_sum3A_866 = vector.extract %reduce_sum3A_865[15] : i32 from vector<16xi32>
      %add3A_867 = arith.addi %while3A_832, %reduce_sum3A_866 : i32
      scf.yield %add3A_855, %add3A_867 : i32, i32
    }
    %add3A_787 = arith.addi %and3A_685, %and3A_740 : i32
    %add3A_788 = arith.addi %add3A_787, %while3A_786#0 : i32
    %lt3A_789 = arith.constant 0 : i32
    %lt3A_790 = arith.cmpi slt, %or3A_773, %lt3A_789 : i32
    %xor3A_791 = arith.constant -2147483648 : i32
    %xor3A_792 = arith.xori %or3A_773, %xor3A_791 : i32
    %not3A_793 = arith.constant -1 : i32
    %not3A_794 = arith.xori %or3A_773, %not3A_793 : i32
    %select_n3A_795 = arith.select %lt3A_790, %xor3A_792, %not3A_794 : i32
    %add3A_796 = vector.broadcast %select_n3A_795 : i32 to vector<16xi32>
    %add3A_797 = arith.addi %broadcast_in_dim3A_1, %add3A_796 : vector<16xi32>
    %bitcast_convert_type3A_798 = tpu.bitcast %add3A_797 : vector<16xi32> -> vector<16xf32>
    %dma_wait3A_799 = arith.constant 0 : i32
    %dma_wait3A_800 = tpu.memref_slice %arg6[%add3A_74, %dma_wait3A_799] : memref<64x8192xi32, #tpu.memory_space<hbm>> -> memref<1x8192xi32, #tpu.memory_space<hbm>>
    %dma_wait3A_801 = tpu.memref_squeeze %dma_wait3A_800 : memref<1x8192xi32, #tpu.memory_space<hbm>> -> memref<8192xi32, #tpu.memory_space<hbm>>
    %dma_wait3A_802 = arith.constant 0 : i32
    %dma_wait3A_803 = tpu.memref_slice %arg6[%add3A_74, %dma_wait3A_802] : memref<64x8192xi32, #tpu.memory_space<hbm>> -> memref<1x8192xi32, #tpu.memory_space<hbm>>
    %dma_wait3A_804 = tpu.memref_squeeze %dma_wait3A_803 : memref<1x8192xi32, #tpu.memory_space<hbm>> -> memref<8192xi32, #tpu.memory_space<hbm>>
    tpu.wait_dma2 semaphore(%arg26 : memref<!tpu.dma_semaphore, #tpu.memory_space<semaphore_mem>>) src(%arg12 : memref<8192xi32, #tpu.memory_space<vmem>>) dst(%dma_wait3A_804 : memref<8192xi32, #tpu.memory_space<hbm>>)
    %scan3A_805 = arith.constant 0 : i32
    %scan3A_806 = arith.constant 0 : i32
    %scan3A_807 = arith.constant 512 : i32
    %scan3A_808 = arith.addi %scan3A_806, %scan3A_807 : i32
    %scan3A_809 = arith.constant 1 : i32
    %scan3A_810 = scf.for %scan3A_830 = %scan3A_806 to %scan3A_808 step %scan3A_809 iter_args(%scan3A_831 = %scan3A_805) -> (i32)  : i32 {
      %mul3A_832 = arith.constant 1 : i32
      %mul3A_833 = arith.muli %scan3A_830, %mul3A_832 : i32
      %add3A_834 = arith.constant 0 : i32
      %add3A_835 = arith.addi %mul3A_833, %add3A_834 : i32
      %mul3A_836 = arith.constant 16 : i32
      %mul3A_837 = arith.muli %add3A_835, %mul3A_836 : i32
      %get3A = arith.constant 8192 : i32
      %get3A_838 = tpu.memref_slice %arg8[%get3A] : memref<16384xf32, #tpu.memory_space<vmem>> -> memref<8192xf32, #tpu.memory_space<vmem>>
      %get3A_839 = arith.index_cast %mul3A_837 : i32 to index
      %get3A_840 = tpu.vector_load %get3A_838[%get3A_839] {strides = array<i32>} : memref<8192xf32, #tpu.memory_space<vmem>>, vector<16xf32>,
      %lt3A_841 = arith.cmpf olt, %get3A_840, %bitcast_convert_type3A_798 : vector<16xf32>
      %jit3A = arith.constant 1 : i32
      %jit3A_842 = arith.constant 0 : i32
      %broadcast_in_dim3A_843 = vector.broadcast %jit3A : i32 to vector<16xi32>
      %broadcast_in_dim3A_844 = vector.broadcast %jit3A_842 : i32 to vector<16xi32>
      %select_n3A_845 = arith.select %lt3A_841, %broadcast_in_dim3A_843, %broadcast_in_dim3A_844 : vector<16xi1>, vector<16xi32>
      %mul3A_846 = arith.constant 16 : i32
      %mul3A_847 = arith.muli %add3A_835, %mul3A_846 : i32
      %swap3A = arith.index_cast %mul3A_847 : i32 to index
      %swap3A_848 = tpu.vector_load %arg12[%swap3A] {strides = array<i32>} : memref<8192xi32, #tpu.memory_space<vmem>>, vector<16xi32>,
      tpu.vector_store %arg12[%swap3A], %select_n3A_845 {strides = array<i32>} : memref<8192xi32, #tpu.memory_space<vmem>>, vector<16xi32>,
      %scan3A_849 = arith.constant 0 : i32
      scf.yield %scan3A_849 : i32
    }
    %scan3A_811 = arith.constant 512 : i32
    %dma_start3A_812 = arith.constant 0 : i32
    %dma_start3A_813 = tpu.memref_slice %arg6[%add3A_434, %dma_start3A_812] : memref<64x8192xi32, #tpu.memory_space<hbm>> -> memref<1x8192xi32, #tpu.memory_space<hbm>>
    %dma_start3A_814 = tpu.memref_squeeze %dma_start3A_813 : memref<1x8192xi32, #tpu.memory_space<hbm>> -> memref<8192xi32, #tpu.memory_space<hbm>>
    %dma_start3A_815 = arith.constant 0 : i32
    %dma_start3A_816 = tpu.memref_slice %arg6[%add3A_434, %dma_start3A_815] : memref<64x8192xi32, #tpu.memory_space<hbm>> -> memref<1x8192xi32, #tpu.memory_space<hbm>>
    %dma_start3A_817 = tpu.memref_squeeze %dma_start3A_816 : memref<1x8192xi32, #tpu.memory_space<hbm>> -> memref<8192xi32, #tpu.memory_space<hbm>>
    tpu.enqueue_dma source(%arg12 : memref<8192xi32, #tpu.memory_space<vmem>>) target(%dma_start3A_817 : memref<8192xi32, #tpu.memory_space<hbm>>) target_semaphore(%arg27 : memref<!tpu.dma_semaphore, #tpu.memory_space<semaphore_mem>>)
    %dma_wait3A_818 = arith.constant 0 : i32
    %dma_wait3A_819 = tpu.memref_slice %arg5[%add3A_434, %dma_wait3A_818] : memref<64x8192xi32, #tpu.memory_space<hbm>> -> memref<1x8192xi32, #tpu.memory_space<hbm>>
    %dma_wait3A_820 = tpu.memref_squeeze %dma_wait3A_819 : memref<1x8192xi32, #tpu.memory_space<hbm>> -> memref<8192xi32, #tpu.memory_space<hbm>>
    %dma_wait3A_821 = arith.constant 0 : i32
    %dma_wait3A_822 = tpu.memref_slice %arg5[%add3A_434, %dma_wait3A_821] : memref<64x8192xi32, #tpu.memory_space<hbm>> -> memref<1x8192xi32, #tpu.memory_space<hbm>>
    %dma_wait3A_823 = tpu.memref_squeeze %dma_wait3A_822 : memref<1x8192xi32, #tpu.memory_space<hbm>> -> memref<8192xi32, #tpu.memory_space<hbm>>
    tpu.wait_dma2 semaphore(%arg25 : memref<!tpu.dma_semaphore, #tpu.memory_space<semaphore_mem>>) src(%arg11 : memref<8192xi32, #tpu.memory_space<vmem>>) dst(%dma_wait3A_823 : memref<8192xi32, #tpu.memory_space<hbm>>)
    %dma_wait3A_824 = arith.constant 0 : i32
    %dma_wait3A_825 = tpu.memref_slice %arg6[%add3A_434, %dma_wait3A_824] : memref<64x8192xi32, #tpu.memory_space<hbm>> -> memref<1x8192xi32, #tpu.memory_space<hbm>>
    %dma_wait3A_826 = tpu.memref_squeeze %dma_wait3A_825 : memref<1x8192xi32, #tpu.memory_space<hbm>> -> memref<8192xi32, #tpu.memory_space<hbm>>
    %dma_wait3A_827 = arith.constant 0 : i32
    %dma_wait3A_828 = tpu.memref_slice %arg6[%add3A_434, %dma_wait3A_827] : memref<64x8192xi32, #tpu.memory_space<hbm>> -> memref<1x8192xi32, #tpu.memory_space<hbm>>
    %dma_wait3A_829 = tpu.memref_squeeze %dma_wait3A_828 : memref<1x8192xi32, #tpu.memory_space<hbm>> -> memref<8192xi32, #tpu.memory_space<hbm>>
    tpu.wait_dma2 semaphore(%arg27 : memref<!tpu.dma_semaphore, #tpu.memory_space<semaphore_mem>>) src(%arg12 : memref<8192xi32, #tpu.memory_space<vmem>>) dst(%dma_wait3A_829 : memref<8192xi32, #tpu.memory_space<hbm>>)
    return
  }
}

module attributes {stable_mosaic.version = 14 : i64} {
  func.func @_conf_body(%arg0: memref<64x8192xf32, #tpu.memory_space<vmem>>, %arg1: memref<64x8192xf32, #tpu.memory_space<vmem>>, %arg2: memref<64x8192xf32, #tpu.memory_space<vmem>>) attributes {dimension_semantics = [], scalar_prefetch = 0 : i64, scratch_operands = 0 : i64, tpu.core_type = #tpu.core_type<tc>} {
    %get3A = arith.constant 0 : index
    %get3A_0 = arith.constant 0 : index
    %get3A_1 = vector.load %arg0[%get3A, %get3A_0] : memref<64x8192xf32, #tpu.memory_space<vmem>>, vector<64x8192xf32>
    %get3A_2 = arith.constant 0 : index
    %get3A_3 = arith.constant 0 : index
    %get3A_4 = vector.load %arg1[%get3A_2, %get3A_3] : memref<64x8192xf32, #tpu.memory_space<vmem>>, vector<64x8192xf32>
    %max3A = arith.constant 9.99999968E-21 : f32
    %max3A_5 = vector.broadcast %max3A : f32 to vector<64x8192xf32>
    %max3A_6 = arith.maximumf %get3A_4, %max3A_5 : vector<64x8192xf32>
    %log3A = math.log %max3A_6 : vector<64x8192xf32>
    %neg3A = arith.constant 0.000000e+00 : f32
    %neg3A_7 = vector.broadcast %neg3A : f32 to vector<64x8192xf32>
    %neg3A_8 = arith.subf %neg3A_7, %log3A : vector<64x8192xf32>
    %log3A_9 = math.log %neg3A_8 : vector<64x8192xf32>
    %neg3A_10 = arith.constant 0.000000e+00 : f32
    %neg3A_11 = vector.broadcast %neg3A_10 : f32 to vector<64x8192xf32>
    %neg3A_12 = arith.subf %neg3A_11, %log3A_9 : vector<64x8192xf32>
    %max3A_13 = arith.constant 9.99999968E-21 : f32
    %max3A_14 = vector.broadcast %max3A_13 : f32 to vector<64x8192xf32>
    %max3A_15 = arith.maximumf %get3A_1, %max3A_14 : vector<64x8192xf32>
    %log3A_16 = math.log %max3A_15 : vector<64x8192xf32>
    %mul3A = arith.constant 4.000000e+00 : f32
    %mul3A_17 = vector.broadcast %mul3A : f32 to vector<64x8192xf32>
    %mul3A_18 = arith.mulf %mul3A_17, %neg3A_12 : vector<64x8192xf32>
    %add3A = arith.addf %log3A_16, %mul3A_18 : vector<64x8192xf32>
    %swap3A = arith.constant 0 : index
    %swap3A_19 = arith.constant 0 : index
    %swap3A_20 = vector.load %arg2[%swap3A, %swap3A_19] : memref<64x8192xf32, #tpu.memory_space<vmem>>, vector<64x8192xf32>
    tpu.vector_store %arg2[%swap3A, %swap3A_19], %add3A {strides = array<i32>} : memref<64x8192xf32, #tpu.memory_space<vmem>>, vector<64x8192xf32>,
    return
  }
}

</mosaic_0001>

<sc_bundles>
// kernel: kernel.4.cloned.1.call-start
scs
__scs_entry_jumppad:
0x0: {  	(pc) =	sbr.rel $0x88, $3  }
0x1: {  	(tag) =	ssettag $0x0;
	lr =	simm.s32 $0x1  }
0x2: {  	[smem:$0x3F9D] =	sst lr;
	_ =	strace $0xD0000000  }
0x3: {  	_ = 	snop  }
0x4: {  	_ = 	snop  }
0x5: {  	_ = 	snop  }
0x6: {  	_ = 	snop  }
0x7: {  	_ = 	snop  }
__scs_overlays_trampoline_lowered:
0x8: {  	[smem:$0x3FAC] =	sst s0  }
0x9: {  	[smem:$0x3FAD] =	sst s1  }
0xa: {  	[smem:$0x3FAE] =	sst s2  }
0xb: {  	[smem:$0x3FAF] =	sst s3  }
0xc: {  	[smem:$0x3FB0] =	sst s4  }
0xd: {  	[smem:$0x3FB1] =	sst s5  }
0xe: {  	[smem:$0x3FB2] =	sst s6  }
0xf: {  	[smem:$0x3FB3] =	sst s7  }
0x10: {  	[smem:$0x3FB4] =	sst s8  }
0x11: {  	[smem:$0x3FB5] =	sst s9;
	s0 =	simm.s32 @!p0 $0x0  }
0x12: {  	s1 =	sld [smem:$0x3F9B];
	s0 =	simm.s32 @p0 $0x1  }
0x13: {  	[smem:$0x3FB6] =	sst s0;
	s0 =	simm.s32 @!p1 $0x0  }
0x14: {  	s2 =	sld [smem:$0x3F9A];
	s0 =	simm.s32 @p1 $0x1  }
0x15: {  	[smem:$0x3FB7] =	sst s0;
	s0 =	simm.s32 @!p2 $0x0  }
0x16: {  	s3 =	sld [smem:$0x3FDB];
	s0 =	simm.s32 @p2 $0x1  }
0x17: {  	s4 =	simm.s32 $0x1BF5;
	[smem:$0x3FB9] =	sst s0  }
0x18: {  	s0 =	sld [smem:$0x3F9C];
	_ =	swait.ge [sflag:s4], $0x0  }
0x19: {  	s7 =	sld [smem:$0x3F9D]  }
0x1a: {  	s8 =	sadd.s32 $0xFFFFE003, lr  }
0x1b: {  	s9 =	sadd.s32 $0xFFFFFEF7, lr;
	s5 =	simm.s32 $0xFFFFFFFF;
	p2 =	slt.u32 s8, $0xFFFFF086  }
0x1c: {  	p1 =	slt.u32 s9, $0xF7A;
	s5 =	simm.s32 @!p2 $0x0  }
0x1d: {  	s5 =	simm.s32 @p1 $0x1;
	p0 =	seq.s32 s7, s2  }
0x1e: {  	s7 =	smul.u32 @!p0 $0xF7A, s2;
	p2 =	seq.s32 @!p0 s5, $0x0  }
0x1f: {  	s9 =	smul.u32 $0xF7A, s1;
	s8 =	simm.s32 @!p0 $0x1BF5;
	p2 =	por !p2, p0  }
0x20: {  	[sflag:s8] =	ssyncset.s32 @!p0 $0xFFFFF086;
	s6 =	sadd.s32 @!p0 s3, s7;
	s7 =	simm.s32 @!p0 $0x108  }
0x21: {  	s3 =	sadd.s32 s3, s9;
	s6 =	sadd.s32 @!p0 $0x88, s6;
	s7 =	simm.s32 @p2 $0x1082  }
0x22: {  	[simem:s7], [sflag:s8] =	dma.local @!p0 [hbm:s6], $0xF7A  }
0x23: {  	s9 =	sor.u32 $0xD0000000, s2;
	s6 =	simm.s32 $0x108;
	_ =	swait.ge @!p0 [sflag:s8], $0x0  }
0x24: {  	s3 =	sadd.s32 $0x88, s3;
	s6 =	simm.s32 @!p1 $0x1082;
	[sflag:s4] =	ssyncset.s32 $0xFFFFF086  }
0x25: {  	[simem:s6], [sflag:s4] =	dma.local [hbm:s3], $0xF7A  }
0x26: {  	[smem:$0x3F9D] =	sst s1;
	(tag) =	ssettag s2;
	_ =	strace s9  }
0x27: {  	s1 =	sld [smem:$0x3FAD]  }
0x28: {  	s2 =	sld [smem:$0x3FAE]  }
0x29: {  	s4 =	sld [smem:$0x3FB0]  }
0x2a: {  	p0 =	seq.s32 s5, $0x0;
	s5 =	sld [smem:$0x3FB1]  }
0x2b: {  	s6 =	sld [smem:$0x3FB2]  }
0x2c: {  	s7 =	sld [smem:$0x3FB3]  }
0x2d: {  	s3 =	simm.s32 $0x108;
	s8 =	sld [smem:$0x3FB4]  }
0x2e: {  	s3 =	simm.s32 @!p0 $0x1082;
	s9 =	sld [smem:$0x3FB5]  }
0x2f: {  	lr =	sadd.s32 s0, s3;
	s0 =	sld [smem:$0x3FAC]  }
0x30: {  	s3 =	sld [smem:$0x3FAF]  }
0x31: {  	[smem:$0x3FB8] =	sst s10  }
0x32: {  	s10 =	sld [smem:$0x3FB6];
	_ =	sdelay $0x3  }
0x33: {  	p0 =	seq.s32 s10, $0x1;
	s10 =	sld [smem:$0x3FB8];
	_ =	sdelay $0x3  }
0x34: {  	[smem:$0x3FB8] =	sst s10  }
0x35: {  	s10 =	sld [smem:$0x3FB7];
	_ =	sdelay $0x3  }
0x36: {  	p1 =	seq.s32 s10, $0x1;
	s10 =	sld [smem:$0x3FB8];
	_ =	sdelay $0x3  }
0x37: {  	[smem:$0x3FB8] =	sst s10  }
0x38: {  	s10 =	sld [smem:$0x3FB9]  }
0x39: {  	_ = 	snop;
	(pc) =	sbr.ind lr, $3  }
0x3a: {  	_ = 	snop  }
0x3b: {  	_ = 	snop  }
0x3c: {  	p2 =	seq.s32 s10, $0x1;
	s10 =	sld [smem:$0x3FB8]  }
0x3d: {  	_ =	shalt  }
0x3e: {  	_ =	shalt  }
0x3f: {  	_ =	shalt  }
0x40: {  	_ =	shalt  }
0x41: {  	_ =	shalt  }
0x42: {  	_ =	shalt  }
0x43: {  	_ =	shalt  }
0x44: {  	_ =	shalt  }
0x45: {  	_ =	shalt  }
0x46: {  	_ =	shalt  }
0x47: {  	_ =	shalt  }
0x48: {  	_ =	shalt  }
0x49: {  	_ =	shalt  }
0x4a: {  	_ =	shalt  }
0x4b: {  	_ =	shalt  }
0x4c: {  	_ =	shalt  }
0x4d: {  	_ =	shalt  }
0x4e: {  	_ =	shalt  }
0x4f: {  	_ =	shalt  }
0x50: {  	_ =	shalt  }
0x51: {  	_ =	shalt  }
0x52: {  	_ =	shalt  }
0x53: {  	_ =	shalt  }
0x54: {  	_ =	shalt  }
0x55: {  	_ =	shalt  }
0x56: {  	_ =	shalt  }
0x57: {  	_ =	shalt  }
0x58: {  	_ =	shalt  }
0x59: {  	_ =	shalt  }
0x5a: {  	_ =	shalt  }
0x5b: {  	_ =	shalt  }
0x5c: {  	_ =	shalt  }
0x5d: {  	_ =	shalt  }
0x5e: {  	_ =	shalt  }
0x5f: {  	_ =	shalt  }
0x60: {  	_ =	shalt  }
0x61: {  	_ =	shalt  }
0x62: {  	_ =	shalt  }
0x63: {  	_ =	shalt  }
0x64: {  	_ =	shalt  }
0x65: {  	_ =	shalt  }
0x66: {  	_ =	shalt  }
0x67: {  	_ =	shalt  }
0x68: {  	_ =	shalt  }
0x69: {  	_ =	shalt  }
0x6a: {  	_ =	shalt  }
0x6b: {  	_ =	shalt  }
0x6c: {  	_ =	shalt  }
0x6d: {  	_ =	shalt  }
0x6e: {  	_ =	shalt  }
0x6f: {  	_ =	shalt  }
0x70: {  	_ =	shalt  }
0x71: {  	_ =	shalt  }
0x72: {  	_ =	shalt  }
0x73: {  	_ =	shalt  }
0x74: {  	_ =	shalt  }
0x75: {  	_ =	shalt  }
0x76: {  	_ =	shalt  }
0x77: {  	_ =	shalt  }
0x78: {  	_ =	shalt  }
0x79: {  	_ =	shalt  }
0x7a: {  	_ =	shalt  }
0x7b: {  	_ =	shalt  }
0x7c: {  	_ =	shalt  }
0x7d: {  	_ =	shalt  }
0x7e: {  	_ =	shalt  }
0x7f: {  	_ =	shalt  }
0x80: {  	_ =	shalt  }
0x81: {  	_ =	shalt  }
0x82: {  	_ =	shalt  }
0x83: {  	_ =	shalt  }
0x84: {  	_ =	shalt  }
0x85: {  	_ =	shalt  }
0x86: {  	_ =	shalt  }
0x87: {  	_ =	shalt  }
.Lfunc_end0:
.L_simem_size_0:
called_computation_lowered:
.L_overlay_start_0:
0x88: {  	s2 =	sld [smem:$0x3FD9]  }
0x89: {  	s3 =	sld [smem:$0x3FFE];
	_ =	sdelay $0x1  }
0x8a: {  	s1 =	srdreg.scid  }
0x8b: {  	s0 =	sand.u32 $0x1, s1  }
0x8c: {  	s14 =	sshll.u32 s0, $0xA;
	s2 =	sadd.s32 s3, s2  }
0x8d: {  	s2 =	sadd.s32 s2, s14  }
0x8e: {  	[smem:$0x3FC4] =	sst s2  }
0x8f: {  	_ = 	snop  }
0x90: {  	s2 =	sld [smem:$0x3FD0];
	_ =	sdelay $0x1  }
0x91: {  	s15 =	sld [smem:$0x3FC7]  }
0x92: {  	s5 =	simm.s32 $0xA;
	s6 =	simm.s32 $0x10;
	s4 =	sld [smem:$0x3FC6]  }
0x93: {  	[smem:s6], [sflag:s5] =	dma.local [hbm:s2], $0x1  }
0x94: {  	_ =	swait.eq [sflag:s5], $0x1  }
0x95: {  	[sflag:s5] =	ssyncset.done $0x0  }
0x96: {  	s16 =	sld [smem:$0x10];
	[sflag:s5] =	ssyncadd.s32 $0xFFFFFFFF  }
0x97: {  	s17 =	sld [smem:$0x11];
	(tm) =	ssettm $0x1  }
0x98: {  	s18 =	sld [smem:$0x3FFB];
	_ =	sdelay $0x3  }
0x99: {  	_ =	strace s18  }
0x9a: {  	s6 =	sld [smem:$0x3FFC];
	_ =	sdelay $0x3  }
0x9b: {  	_ =	strace s6  }
0x9c: {  	s6 =	sld [smem:$0x3FFD];
	_ =	sdelay $0x3  }
0x9d: {  	_ =	strace s6  }
0x9e: {  	_ =	strace $0x8FFFFFFF  }
0x9f: {  	s19 =	sld [smem:$0x3FDB];
	_ =	sdelay $0x1  }
0xa0: {  	s7 =	simm.s32 $_scs_section_size  }
0xa1: {  	s8 =	simm.s32 $_size__tile_overlayer_lowered;
	s9 =	simm.s32 $_tile_overlayer_lowered  }
0xa2: {  	s22 =	simm.s32 $0x1BFF;
	s21 =	sshll.u32 s9, $0x1;
	s6 =	sadd.s32 s7, s19  }
0xa3: {  	s10 =	simm.s32 $0x0;
	s20 =	sshll.u32 s8, $0x1;
	s8 =	sadd.s32 s21, s6  }
0xa4: {  	[timem:s10], [sflag:s22] =	dma.local [hbm:s8], s20  }
0xa5: {  	_ =	swait.ge [sflag:s22], s20  }
0xa6: {  	s7 =	ssub.s32 $0x0, s20;
	[sflag:s22] =	ssyncset.done $0x0  }
0xa7: {  	[sflag:s22] =	ssyncadd.s32 s7;
	_ =	sdelay $0x1  }
0xa8: {  	s23 =	simm.s32 $0x1B8B  }
0xa9: {  	_ =	swait.ge [sflag:s23], $0x1  }
0xaa: {  	[sflag:s23] =	ssyncset.done $0x0  }
0xab: {  	s25 =	simm.s32 $0x1B8E;
	s24 =	sld [smem:$0x3FFE];
	[sflag:s23] =	ssyncadd.s32 $0xFFFFFFFF  }
0xac: {  	s26 =	simm.s32 $execute0_lowered;
	[smem:$0x3FD2] =	sst s25  }
0xad: {  	s8 =	sshll.u32 s26, $0x1;
	_ =	strace $0x80000046;
	[dreg:$0x1] =	wrdreg $0xFFFFFFFF  }
0xae: {  	s28 =	simm.s32 $_size_execute0_lowered;
	s6 =	sadd.s32 s6, s8;
	[dreg:$0x0] =	wrdreg $0x0  }
0xaf: {  	s8 =	sshll.u32 s28, $0x1;
	[dreg:$0x2] =	wrdreg s6  }
0xb0: {  	[dreg:$0x3] =	wrdreg s8  }
0xb1: {  	[dreg:$0x4] =	wrdreg $0xC0  }
0xb2: {  	_ =	task [dreg:s10], $0x5FFFF  }
0xb3: {  	[dreg:$0x1] =	wrdreg $0xFFFFFFFF  }
0xb4: {  	[dreg:$0x0] =	wrdreg $0x60  }
0xb5: {  	[dreg:$0x2] =	wrdreg s15  }
0xb6: {  	[dreg:$0x3] =	wrdreg s17  }
0xb7: {  	[dreg:$0x4] =	wrdreg s4  }
0xb8: {  	[dreg:$0x5] =	wrdreg s16  }
0xb9: {  	[dreg:$0x6] =	wrdreg s24  }
0xba: {  	[dreg:$0x7] =	wrdreg $0x9  }
0xbb: {  	_ =	task.clear_ibuf [dreg:s10], $0x8FFFF;
	_ =	strace $0x90000046  }
0xbc: {  	s29 =	simm.s32 $0x9;
	_ =	strace $0x80000048  }
0xbd: {  	_ =	swait.ge [sflag:s29], $0x1  }
0xbe: {  	[sflag:s29] =	ssyncadd.s32 $0xFFFFFFFF  }
0xbf: {  	_ =	strace $0x90000048  }
0xc0: {  	_ =	sfence  }
0xc1: {  	s30 =	sld [smem:$0x0];
	_ =	sdelay $0x2  }
0xc2: {  	s31 =	sshll.u32 s1, $0xD;
	s1 =	sshrl.u32 s1, $0x2  }
0xc3: {  	s3 =	sand.u32 $0x4000, s31;
	s1 =	sadd.s32 s1, s30  }
0xc4: {  	s0 =	sor.u32 s3, s0;
	s1 =	sshll.u32 s1, $0x11  }
0xc5: {  	s0 =	sor.u32 s1, s0  }
0xc6: {  	s0 =	sadd.s32 $0x8F2B, s0  }
0xc7: {  	[sflag:s0] =	ssyncadd.remote.s32 $0x1  }
0xc8: {  	_ =	sfence.sel $0xFFFF  }
0xc9: {  	[dreg:$0x0] =	wrdreg $0xFFFFFFFF;
	(pc) =	sbr.abs _section_cstart, $3  }
0xca: {  	[dreg:$0x1] =	wrdreg $0xFFFFFFFF  }
0xcb: {  	_ =	task.clear_ibuf [dreg:s10], $0x2FFFF;
	_ =	strace $0x9FFFFFFF  }
0xcc: {  	(tm) =	ssettm $0x7FFFFFFF  }
0xcd: {  	_ =	shalt  }
tec
execute0_lowered:
.L_overlay_start_1:
0x0: {  	(tag) =	ssettag $0x1  }
0x1: {  	s0 =	rddreg [dreg:$0x0]  }
0x2: {  	s1 =	rddreg [dreg:$0x1]  }
0x3: {  	s2 =	rddreg [dreg:$0x2]  }
0x4: {  	s3 =	rddreg [dreg:$0x3]  }
0x5: {  	s4 =	rddreg [dreg:$0x4];
	s6 =	simm.s32 $0x0;
	s5 =	srdreg.scid  }
0x6: {  	s8 =	stileid.u32;
	s14 =	simm.s32 $0x80;
	s15 =	simm.s32 $0x400  }
0x7: {  	s5 =	sand.u32 $0x1, s5;
	s7 =	sshll.u32 s8, $0x6;
	s8 =	sshll.u32 s8, $0xC  }
0x8: {  	s17 =	ssub.s32 $0x2, s5;
	s5 =	sshll.u32 s5, $0x5;
	s7 =	sand.u32 $0x40, s7  }
0x9: {  	s28 =	simm.s32 $0x2;
	s8 =	sand.u32 $0xE000, s8;
	s5 =	sor.u32 s5, s7  }
0xa: {  	s29 =	simm.s32 $0x4;
	s30 =	simm.s32 $0x7;
	s5 =	sor.u32 s8, s5  }
0xb: {  	s31 =	simm.s32 $0x6;
	[smem:$0x7FF] =	sst s6;
	s18 =	sadd.s32 s0, s5  }
0xc: {  	_ =	strace $0x80000047;
	s19 =	sadd.s32 s2, s5;
	[dreg:$0x6] =	wrdreg s18  }
0xd: {  	s16 =	simm.s32 $0xA;
	s8 =	sadd.s32 s1, s5;
	[dreg:$0x7] =	wrdreg s19  }
0xe: {  	s4 =	sadd.s32 $0xC00, s4;
	s23 =	sadd.s32 s3, s5;
	[dreg:$0x8] =	wrdreg s8  }
0xf: {  	s20 =	sor.u32 $0x10, s5;
	s24 =	sadd.s32 s4, s5;
	[dreg:$0xc] =	wrdreg s23  }
0x10: {  	s9 =	sshrl.u32 s17, $0x1;
	s0 =	sadd.s32 s0, s20;
	[dreg:$0xd] =	wrdreg s24  }
0x11: {  	s6 =	ssub.s32 s17, s9;
	s21 =	sadd.s32 s2, s20;
	[dreg:$0x9] =	wrdreg s0  }
0x12: {  	s17 =	simm.s32 $0x0;
	s22 =	sadd.s32 s1, s20;
	[dreg:$0xa] =	wrdreg s21  }
0x13: {  	s13 =	smax.u32 s6, $0x1;
	s25 =	sadd.s32 s3, s20;
	[dreg:$0xb] =	wrdreg s22  }
0x14: {  	v0 =	vlaneseq.u32;
	s26 =	sadd.s32 s4, s20;
	s23 =	simm.s32 $0x3;
	[dreg:$0xe] =	wrdreg s25  }
0x15: {  	v3 =	vmul.u32 $0x4000, v0;
	s1 =	simm.s32 $0x8;
	[dreg:$0xf] =	wrdreg s26;
	s21 =	simm.s32 $0x1  }
0x16: {  	v1 =	vimm.s32 $0x0;
	v2 =	vimm.s32 $0x1;
	s22 =	simm.s32 $0x1A200;
	s25 =	simm.s32 $0x5;
	s0 =	simm.s32 $0x9  }
.LBB2_1:
0x17: {  	s2 =	simm.s32 $0x0;
	s3 =	rddreg [dreg:$0x6]  }
0x18: {  	[tilespmem:s2], [sflag:$0x1] =	stream.strided.gather [hbm4b:s3+s14], $0x2000, s15, s14, $0x38;
	[tilespmem:$0x1AA00] =	vst v63  }
0x19: {  	s8 =	rddreg [dreg:$0x7];
	s9 =	simm.s32 $0x8000  }
0x1a: {  	[tilespmem:s9], [sflag:$0x3] =	stream.strided.gather [hbm4b:s8+s14], $0x2000, s15, s14, $0x38;
	[tilespmem:$0x1AA00] =	vst v63  }
0x1b: {  	s10 =	rddreg [dreg:$0x8];
	s11 =	simm.s32 $0x4000  }
0x1c: {  	[tilespmem:s11], [sflag:$0x5] =	stream.strided.gather [hbm4b:s10+s14], $0x2000, s15, s14, $0x38;
	[tilespmem:$0x1AA00] =	vst v63  }
0x1d: {  	s12 =	rddreg [dreg:$0x9];
	s18 =	simm.s32 $0x2000  }
0x1e: {  	[tilespmem:s18], [sflag:$0x2] =	stream.strided.gather [hbm4b:s12+s14], $0x2000, s15, s14, $0x38;
	[tilespmem:$0x1AA00] =	vst v63  }
0x1f: {  	s19 =	rddreg [dreg:$0xa];
	s20 =	simm.s32 $0xA000  }
0x20: {  	[tilespmem:s20], [sflag:$0x4] =	stream.strided.gather [hbm4b:s19+s14], $0x2000, s15, s14, $0x38;
	[tilespmem:$0x1AA00] =	vst v63  }
0x21: {  	s24 =	rddreg [dreg:$0xb];
	s26 =	simm.s32 $0x6000  }
0x22: {  	[tilespmem:s26], [sflag:$0x6] =	stream.strided.gather [hbm4b:s24+s14], $0x2000, s15, s14, $0x38;
	[tilespmem:$0x1AA00] =	vst v63  }
0x23: {  	_ =	swait.ge [sflag:s21], $0x2000  }
0x24: {  	[sflag:s21] =	ssyncset.done $0x0  }
0x25: {  	s2 =	simm.s32 $0x100;
	s3 =	simm.s32 $0x0;
	[sflag:s21] =	ssyncadd.s32 $0xFFFFE000  }
.LBB2_2:
0x26: {  	p0 =	sne.s32 s2, $0x1F00;
	[tilespmem:s3+$0x1A230] =	vst v1;
	s4 =	smov.u32 s2;
	s2 =	sadd.s32 $0x100, s2  }
.Ltmp0:
0x27: {  	[tilespmem:s3+$0x1A220] =	vst v1;
	(pc) =	sbr.rel @p0 .LBB2_2-.Ltmp0, $3  }
0x28: {  	[tilespmem:s3+$0x1A200] =	vst v1  }
0x29: {  	[tilespmem:s3+$0x1A210] =	vst v1;
	_ =	sdelay $0x1  }
0x2a: {  	s3 =	sshra.s32 s4, $0x2  }
0x2b: {  	[tilespmem:s3+$0x1A230] =	vst v1  }
0x2c: {  	[tilespmem:s3+$0x1A220] =	vst v1  }
0x2d: {  	[tilespmem:s3+$0x1A200] =	vst v1  }
0x2e: {  	s2 =	simm.s32 $0x0;
	[tilespmem:s3+$0x1A210] =	vst v1;
	s3 =	simm.s32 $0x0  }
.LBB2_4:
0x2f: {  	s4 =	sshra.s32 s3, $0x2  }
0x30: {  	v4 =	vld [tilespmem:s4+$0x0];
	_ =	sdelay $0x4  }
0x31: {  	v5 =	vshra.s32 v4, $0x1F  }
0x32: {  	v5 =	vor.u32 $0x80000000, v5  }
0x33: {  	v4 =	vxor.u32 v4, v5  }
0x34: {  	p0 =	sne.s32 s3, $0x7FC0;
	v5 =	vshrl.u32 v4, $0x15  }
.Ltmp1:
0x35: {  	_ = 	snop;
	(pc) =	sbr.rel @p0 .LBB2_4-.Ltmp1, $3  }
0x36: {  	_ =	sdelay $0x1  }
0x37: {  	[tilespmem:s4+$0xC000] =	vst v4;
	s4 =	simm.s32 $0x1A200  }
0x38: {  	s3 =	sadd.s32 $0x40, s3;
	[tilespmem:v5+s4+$0x0] =	vst.idx.add.s32.msk $0xffff, v2  }
0x39: {  	v8 =	vld [tilespmem:s4+$0x0]  }
0x3a: {  	s3 =	simm.s32 $0x1A210  }
0x3b: {  	v5 =	vld [tilespmem:s3+$0x0];
	_ =	sdelay $0x2  }
0x3c: {  	(xrf0) =	vadd.scan.msk.s32 $0xffff, v8;
	_ =	sdelay $0x1  }
0x3d: {  	(xrf0) =	vadd.scan.msk.s32 $0xffff, v5;
	_ =	sdelay $0x3  }
0x3e: {  	s24 =	simm.s32 $0x1A220;
	v11, _, _ =	vpop (xrf0)  }
0x3f: {  	v4 =	vld [tilespmem:s24+$0x0];
	(v2sf) =	vpush v11, $0xF  }
0x40: {  	v9, _, _ =	vpop (xrf0)  }
0x41: {  	(v2sf) =	vpush v9, $0xF;
	_ =	sdelay $0x2  }
0x42: {  	s26 =	simm.s32 $0x1A230;
	(xrf0) =	vadd.scan.msk.s32 $0xffff, v4  }
0x43: {  	v6 =	vld [tilespmem:s26+$0x0];
	_ =	sdelay $0x3  }
0x44: {  	s5 =	simm.s32 $0x10;
	v12 =	vmov s2;
	s4 =	simm.s32 $0x30  }
0x45: {  	v7 =	vimm.s32 $0x7FFFFFFF;
	s6 =	simm.s32 $0x40;
	s7 =	simm.s32 $0x1A240;
	s3 =	simm.s32 $0x20;
	v12 =	vshll.u32 v12, $0xE;
	(xrf0) =	vadd.scan.msk.s32 $0xffff, v6;
	v11 =	vadd.s32 s2, v11;
	v10, _, _ =	vpop (xrf0)  }
.LBB2_6:
0x46: {  	v13 =	vld [tilespmem:s7+$0x0];
	p0 =	sne.s32 s6, $0x7F0;
	(v2sf) =	vpush v10, $0xF;
	v12 =	vor.u32 v3, v12;
	v14 =	vsub.s32 v11, v8;
	v8 =	vmovc v5;
	v5 =	vmovc v4;
	s8 =	smov.u32 s6;
	s6 =	sadd.s32 $0x10, s6  }
.Ltmp2:
0x47: {  	vm0 =	vgt.s32 v11, $0x1000;
	v4 =	vmovc v6;
	v6 =	vmovc v9;
	v9 =	vmov v10;
	v11 =	vor.u32 v12, v14;
	(pc) =	sbr.rel @p0 .LBB2_6-.Ltmp2, $4  }
0x48: {  	v10 =	vnsel vm0, $0x7FFFFFFF, v11  }
0x49: {  	vm0 =	vlt.s32 v7, v10;
	s9 =	spop (v2sf)  }
0x4a: {  	v12 =	vmov s5;
	s5 =	smov.u32 s3;
	s3 =	smov.u32 s4;
	s2 =	sadd.s32 s2, s9;
	v7 =	vsel vm0, v7, v10  }
0x4b: {  	s7 =	sadd.s32 $0x10, s7;
	s4 =	smov.u32 s8;
	v12 =	vshll.u32 v12, $0xE;
	(xrf0) =	vadd.scan.msk.s32 $0xffff, v13;
	v10, _, _ =	vpop (xrf0);
	v11 =	vadd.s32 s2, v6;
	v6 =	vmov v13  }
0x4c: {  	(v2sf) =	vpush v10, $0xF;
	_ =	sdelay $0x7  }
0x4d: {  	v12 =	vor.u32 v3, v12;
	s6 =	spop (v2sf)  }
0x4e: {  	v8 =	vsub.s32 v11, v8;
	v59 =	vmov s5;
	vm0 =	vgt.s32 v11, $0x1000;
	s2 =	sadd.s32 s2, s6  }
0x4f: {  	v8 =	vor.u32 v12, v8;
	v60 =	vshll.u32 v59, $0xE;
	v9 =	vadd.s32 s2, v9  }
0x50: {  	v8 =	vnsel vm0, $0x7FFFFFFF, v8;
	v11 =	vor.u32 v3, v60;
	v5 =	vsub.s32 v9, v5  }
0x51: {  	vm0 =	vlt.s32 v7, v8;
	vm1 =	vgt.s32 v9, $0x1000;
	v5 =	vor.u32 v11, v5  }
0x52: {  	v61 =	vmov s3;
	v7 =	vsel vm0, v7, v8;
	v5 =	vnsel vm1, $0x7FFFFFFF, v5;
	s19 =	spop (v2sf)  }
0x53: {  	v8 =	vshll.u32 v61, $0xE;
	vm0 =	vlt.s32 v7, v5;
	s2 =	sadd.s32 s2, s19  }
0x54: {  	v8 =	vor.u32 v3, v8;
	v5 =	vsel vm0, v7, v5;
	v7 =	vadd.s32 s2, v10;
	s20 =	spop (v2sf)  }
0x55: {  	v62, _, _ =	vpop (xrf0);
	v4 =	vsub.s32 v7, v4;
	vm13 =	vgt.s32 v7, $0x1000;
	v7 =	vmov s4;
	s2 =	sadd.s32 s2, s20  }
0x56: {  	v4 =	vor.u32 v8, v4;
	v7 =	vshll.u32 v7, $0xE;
	v63 =	vadd.s32 s2, v62  }
0x57: {  	v4 =	vnsel vm13, $0x7FFFFFFF, v4;
	v7 =	vor.u32 v3, v7;
	v6 =	vsub.s32 v63, v6  }
0x58: {  	vm0 =	vlt.s32 v5, v4;
	vm14 =	vgt.s32 v63, $0x1000;
	v6 =	vor.u32 v7, v6  }
0x59: {  	v4 =	vsel vm0, v5, v4;
	v5 =	vnsel vm14, $0x7FFFFFFF, v6  }
0x5a: {  	vm0 =	vlt.s32 v4, v5  }
0x5b: {  	v4 =	vsel vm0, v4, v5  }
0x5c: {  	v4 =	vxor.u32 $0x80000000, v4  }
0x5d: {  	(xrf0) =	vmin.scan.msk.u32 $0xffff, v4;
	_ =	sdelay $0x5  }
0x5e: {  	(v2sf) =	vpush v62, $0xF;
	v4, _, _ =	vpop (xrf0)  }
0x5f: {  	(v2sf) =	vpush v4, $0xF;
	_ =	sdelay $0x8  }
0x60: {  	s2 =	simm.s32 $0x0  }
0x61: {  	v4 =	vld [tilespmem:s2+$0x0];
	_ =	sdelay $0x3  }
0x62: {  	s24 =	spop (v2sf)  }
0x63: {  	v5 =	vshra.s32 v4, $0x1F;
	s3 =	spop (v2sf)  }
0x64: {  	v5 =	vor.u32 $0x80000000, v5;
	s19 =	sshra.s32 s3, $0xE  }
0x65: {  	v5 =	vxor.u32 v4, v5;
	s26 =	sxor.u32 $0xFFFE0000, s19  }
0x66: {  	v6 =	vshrl.u32 v5, $0x15;
	v4 =	vmov s26  }
0x67: {  	vm15 =	veq.s32 v6, v4  }
0x68: {  	v6 =	vmpcnt.ones.xlane vm15;
	_ =	sdelay $0x1  }
0x69: {  	(v2sf) =	vpush v6, $0x0;
	_ =	sdelay $0x1  }
0x6a: {  	[tilespmem:s2+$0x12000] =	vst.msk vm15, v5;
	v5 =	vor.u32 s2, v0  }
0x6b: {  	s4 =	simm.s32 $0x10;
	[tilespmem:s2+$0x14080] =	vst.msk vm15, v5  }
0x6c: {  	s5 =	simm.s32 $0x20;
	s6 =	simm.s32 $0x10;
	v5 =	vld [tilespmem:s4+$0x0]  }
.LBB2_8:
0x6d: {  	p0 =	sne.s32 s5, $0x1FF0;
	_ =	sdelay $0x3  }
0x6e: {  	v6 =	vshra.s32 v5, $0x1F  }
0x6f: {  	v6 =	vor.u32 $0x80000000, v6  }
0x70: {  	v5 =	vxor.u32 v5, v6  }
0x71: {  	v6 =	vshrl.u32 v5, $0x15  }
0x72: {  	vm0 =	veq.s32 v6, v4  }
0x73: {  	v6 =	vmpcnt.ones.xlane vm0  }
0x74: {  	s7 =	spop (v2sf)  }
.Ltmp3:
0x75: {  	(v2sf) =	vpush v6, $0x0;
	s2 =	sadd.s32 s2, s7;
	(pc) =	sbr.rel @p0 .LBB2_8-.Ltmp3, $4  }
0x76: {  	[tilespmem:s2+$0x12000] =	vst.msk vm0, v5;
	v5 =	vor.u32 s4, v0;
	s4 =	smov.u32 s5  }
0x77: {  	[tilespmem:s2+$0x14080] =	vst.msk vm0, v5  }
0x78: {  	s6 =	sadd.s32 $0x10, s6  }
0x79: {  	s5 =	sadd.s32 $0x10, s5;
	v5 =	vld [tilespmem:s6+$0x0]  }
0x7a: {  	_ =	sdelay $0x6  }
0x7b: {  	v6 =	vshra.s32 v5, $0x1F  }
0x7c: {  	v6 =	vor.u32 $0x80000000, v6  }
0x7d: {  	v5 =	vxor.u32 v5, v6  }
0x7e: {  	v6 =	vshrl.u32 v5, $0x15;
	s5 =	spop (v2sf)  }
0x7f: {  	vm0 =	veq.s32 v6, v4;
	s2 =	sadd.s32 s2, s5  }
0x80: {  	v4 =	vor.u32 s4, v0;
	[tilespmem:s2+$0x12000] =	vst.msk vm0, v5  }
0x81: {  	[tilespmem:s2+$0x14080] =	vst.msk vm0, v4  }
0x82: {  	[tilespmem:$0x1A200] =	vst v1  }
0x83: {  	[tilespmem:$0x1A210] =	vst v1  }
0x84: {  	[tilespmem:$0x1A220] =	vst v1  }
0x85: {  	[tilespmem:$0x1A230] =	vst v1  }
0x86: {  	[tilespmem:$0x1A240] =	vst v1  }
0x87: {  	v4 =	vmpcnt.ones.xlane vm0;
	[tilespmem:$0x1A250] =	vst v1  }
0x88: {  	[tilespmem:$0x1A260] =	vst v1  }
0x89: {  	[tilespmem:$0x1A270] =	vst v1;
	(v2sf) =	vpush v4, $0x0  }
0x8a: {  	[tilespmem:$0x1A280] =	vst v1  }
0x8b: {  	[tilespmem:$0x1A290] =	vst v1  }
0x8c: {  	[tilespmem:$0x1A2A0] =	vst v1  }
0x8d: {  	[tilespmem:$0x1A2B0] =	vst v1  }
0x8e: {  	[tilespmem:$0x1A2C0] =	vst v1  }
0x8f: {  	[tilespmem:$0x1A2D0] =	vst v1  }
0x90: {  	[tilespmem:$0x1A2E0] =	vst v1  }
0x91: {  	[tilespmem:$0x1A2F0] =	vst v1  }
0x92: {  	[tilespmem:$0x1A300] =	vst v1  }
0x93: {  	[tilespmem:$0x1A310] =	vst v1  }
0x94: {  	[tilespmem:$0x1A320] =	vst v1  }
0x95: {  	[tilespmem:$0x1A330] =	vst v1  }
0x96: {  	[tilespmem:$0x1A340] =	vst v1  }
0x97: {  	[tilespmem:$0x1A350] =	vst v1  }
0x98: {  	[tilespmem:$0x1A360] =	vst v1;
	s26 =	spop (v2sf)  }
0x99: {  	[tilespmem:$0x1A370] =	vst v1;
	s4 =	sadd.s32 s2, s26  }
0x9a: {  	[tilespmem:$0x1A380] =	vst v1;
	s2 =	sadd.s32 $0xF, s4  }
0x9b: {  	[tilespmem:$0x1A390] =	vst v1;
	s2 =	sshra.s32 s2, $0x4  }
0x9c: {  	[tilespmem:$0x1A3A0] =	vst v1;
	p0 =	slt.s32 s2, $0x1  }
.Ltmp4:
0x9d: {  	[tilespmem:$0x1A3B0] =	vst v1;
	(pc) =	sbr.rel @p0 .LBB2_16-.Ltmp4, $4  }
0x9e: {  	[tilespmem:$0x1A3C0] =	vst v1  }
0x9f: {  	[tilespmem:$0x1A3D0] =	vst v1  }
0xa0: {  	[tilespmem:$0x1A3E0] =	vst v1  }
0xa1: {  	[tilespmem:$0x1A3F0] =	vst v1;
	v4 =	vmov s4  }
0xa2: {  	p2 =	seq.s32 s2, $0x1  }
.Ltmp5:
0xa3: {  	_ = 	snop;
	(pc) =	sbr.rel @p2 .LBB2_11-.Ltmp5, $3  }
0xa4: {  	_ =	sdelay $0x1  }
0xa5: {  	s5 =	simm.s32 $0x12000  }
0xa6: {  	s4 =	simm.s32 $0x0;
	p1 =	por $0x0, $0x0;
	v5 =	vld [tilespmem:s5+$0x0];
	s5 =	sadd.s32 $0xFFFFFFFF, s2  }
0xa7: {  	_ =	sdelay $0x2  }
0xa8: {  	v6 =	vor.u32 s4, v0  }
0xa9: {  	vm0 =	vlt.s32 v6, v4;
	v5 =	vshrl.u32 v5, $0xC  }
0xaa: {  	v5 =	vand.u32 $0x1FF, v5  }
0xab: {  	p2 =	seq.s32 s5, $0x1  }
.Ltmp6:
0xac: {  	_ = 	snop;
	(pc) =	sbr.rel @p2 .LBB2_13-.Ltmp6, $3  }
0xad: {  	_ =	sdelay $0x1  }
0xae: {  	s6 =	simm.s32 $0x12010;
	[tilespmem:v5+s22+$0x0] =	vst.idx.add.s32.msk vm0, v2  }
0xaf: {  	s7 =	sadd.s32 $0xFFFFFFFF, s5;
	p1 =	por $0x1, $0x1;
	s5 =	simm.s32 $0x0;
	v5 =	vld [tilespmem:s6+$0x0]  }
.LBB2_14:
0xb0: {  	p2 =	seq.s32 s7, $0x1;
	_ =	sdelay $0x1  }
0xb1: {  	s5 =	sadd.s32 $0x10, s5  }
0xb2: {  	v6 =	vor.u32 s5, v0  }
0xb3: {  	vm0 =	vlt.s32 v6, v4;
	v5 =	vshrl.u32 v5, $0xC  }
0xb4: {  	v5 =	vand.u32 $0x1FF, v5;
	_ =	sdelay $0x1  }
.Ltmp7:
0xb5: {  	(pc) =	sbr.rel @!p2 .LBB2_14-.Ltmp7, $3  }
0xb6: {  	_ =	sdelay $0x1  }
0xb7: {  	s6 =	sadd.s32 $0x10, s6;
	[tilespmem:v5+s22+$0x0] =	vst.idx.add.s32.msk vm0, v2  }
0xb8: {  	s7 =	sadd.s32 $0xFFFFFFFF, s7;
	v5 =	vld [tilespmem:s6+$0x0]  }
.LBB2_15:
0xb9: {  	_ = 	snop  }
0xba: {  	s5 =	sadd.s32 @p1 $0x10, s5  }
0xbb: {  	s4 =	smov.u32 @p1 s5  }
0xbc: {  	v6 =	vor.u32 s4, v0  }
0xbd: {  	vm0 =	vlt.s32 v6, v4;
	v5 =	vshrl.u32 v5, $0xC  }
0xbe: {  	v5 =	vand.u32 $0x1FF, v5;
	_ =	sdelay $0x4  }
0xbf: {  	[tilespmem:v5+s22+$0x0] =	vst.idx.add.s32.msk vm0, v2  }
.LBB2_16:
0xc0: {  	s5 =	simm.s32 $0x1A200  }
0xc1: {  	v10 =	vld [tilespmem:s5+$0x0]  }
0xc2: {  	s20 =	simm.s32 $0x1A210  }
0xc3: {  	v8 =	vld [tilespmem:s20+$0x0];
	_ =	sdelay $0x2  }
0xc4: {  	(xrf0) =	vadd.scan.msk.s32 $0xffff, v10;
	_ =	sdelay $0x1  }
0xc5: {  	(xrf0) =	vadd.scan.msk.s32 $0xffff, v8;
	_ =	sdelay $0x3  }
0xc6: {  	s24 =	simm.s32 $0x1A220;
	v13, _, _ =	vpop (xrf0)  }
0xc7: {  	v7 =	vld [tilespmem:s24+$0x0];
	(v2sf) =	vpush v13, $0xF  }
0xc8: {  	v11, _, _ =	vpop (xrf0)  }
0xc9: {  	(v2sf) =	vpush v11, $0xF;
	_ =	sdelay $0x2  }
0xca: {  	s26 =	simm.s32 $0x1A230;
	(xrf0) =	vadd.scan.msk.s32 $0xffff, v7  }
0xcb: {  	v9 =	vld [tilespmem:s26+$0x0];
	_ =	sdelay $0x2  }
0xcc: {  	s18 =	sand.u32 $0x3FFF, s3;
	s4 =	simm.s32 $0x0  }
0xcd: {  	v6 =	vimm.s32 $0x7FFFFFFF;
	s7 =	simm.s32 $0x10;
	s6 =	simm.s32 $0x30;
	s3 =	ssub.s32 $0x1000, s18;
	v14 =	vmov s4  }
0xce: {  	s8 =	simm.s32 $0x40;
	s9 =	simm.s32 $0x1A240;
	s5 =	simm.s32 $0x20;
	v5 =	vmov s3;
	v14 =	vshll.u32 v14, $0xE;
	(xrf0) =	vadd.scan.msk.s32 $0xffff, v9;
	v13 =	vadd.s32 s4, v13;
	v12, _, _ =	vpop (xrf0)  }
.LBB2_17:
0xcf: {  	v15 =	vld [tilespmem:s9+$0x0];
	p1 =	sne.s32 s8, $0x1F0;
	(v2sf) =	vpush v12, $0xF;
	v14 =	vor.u32 v3, v14;
	v16 =	vsub.s32 v13, v10;
	v10 =	vmovc v8;
	v8 =	vmovc v7;
	s10 =	smov.u32 s8;
	s8 =	sadd.s32 $0x10, s8  }
.Ltmp8:
0xd0: {  	vm0 =	vgt.s32 v13, v5;
	v7 =	vmovc v9;
	v9 =	vmovc v11;
	v11 =	vmov v12;
	v13 =	vor.u32 v14, v16;
	(pc) =	sbr.rel @p1 .LBB2_17-.Ltmp8, $4  }
0xd1: {  	v12 =	vnsel vm0, $0x7FFFFFFF, v13  }
0xd2: {  	vm0 =	vlt.s32 v6, v12;
	s11 =	spop (v2sf)  }
0xd3: {  	v14 =	vmov s7;
	s7 =	smov.u32 s5;
	s5 =	smov.u32 s6;
	s4 =	sadd.s32 s4, s11;
	v6 =	vsel vm0, v6, v12  }
0xd4: {  	s9 =	sadd.s32 $0x10, s9;
	s6 =	smov.u32 s10;
	v14 =	vshll.u32 v14, $0xE;
	(xrf0) =	vadd.scan.msk.s32 $0xffff, v15;
	v12, _, _ =	vpop (xrf0);
	v13 =	vadd.s32 s4, v9;
	v9 =	vmov v15  }
0xd5: {  	(v2sf) =	vpush v12, $0xF;
	_ =	sdelay $0x8  }
0xd6: {  	v14 =	vor.u32 v3, v14;
	v10 =	vsub.s32 v13, v10;
	s8 =	spop (v2sf);
	v57 =	vmov s7  }
0xd7: {  	vm0 =	vgt.s32 v13, v5;
	v59 =	vmov s5;
	v62 =	vmov s6;
	s4 =	sadd.s32 s4, s8  }
0xd8: {  	v10 =	vor.u32 v14, v10;
	v58 =	vshll.u32 v57, $0xE;
	v11 =	vadd.s32 s4, v11  }
0xd9: {  	v10 =	vnsel vm0, $0x7FFFFFFF, v10;
	v13 =	vor.u32 v3, v58;
	v8 =	vsub.s32 v11, v8  }
0xda: {  	vm0 =	vlt.s32 v6, v10;
	vm1 =	vgt.s32 v11, v5;
	v8 =	vor.u32 v13, v8;
	s12 =	spop (v2sf)  }
0xdb: {  	v6 =	vsel vm0, v6, v10;
	v10 =	vshll.u32 v59, $0xE;
	v8 =	vnsel vm1, $0x7FFFFFFF, v8;
	s4 =	sadd.s32 s4, s12  }
0xdc: {  	v10 =	vor.u32 v3, v10;
	vm0 =	vlt.s32 v6, v8;
	v60 =	vadd.s32 s4, v12;
	s20 =	spop (v2sf)  }
0xdd: {  	v61, _, _ =	vpop (xrf0);
	v6 =	vsel vm0, v6, v8;
	v8 =	vshll.u32 v62, $0xE;
	v7 =	vsub.s32 v60, v7;
	s4 =	sadd.s32 s4, s20  }
0xde: {  	vm14 =	vgt.s32 v60, v5;
	v7 =	vor.u32 v10, v7;
	v63 =	vadd.s32 s4, v61  }
0xdf: {  	v8 =	vor.u32 v3, v8;
	v7 =	vnsel vm14, $0x7FFFFFFF, v7;
	v9 =	vsub.s32 v63, v9  }
0xe0: {  	vm0 =	vlt.s32 v6, v7;
	vm15 =	vgt.s32 v63, v5;
	v5 =	vor.u32 v8, v9  }
0xe1: {  	v6 =	vsel vm0, v6, v7;
	v5 =	vnsel vm15, $0x7FFFFFFF, v5  }
0xe2: {  	vm0 =	vlt.s32 v6, v5  }
0xe3: {  	v5 =	vsel vm0, v6, v5  }
0xe4: {  	v5 =	vxor.u32 $0x80000000, v5  }
0xe5: {  	(xrf0) =	vmin.scan.msk.u32 $0xffff, v5;
	_ =	sdelay $0x5  }
0xe6: {  	(v2sf) =	vpush v61, $0xF;
	v5, _, _ =	vpop (xrf0)  }
0xe7: {  	(v2sf) =	vpush v5, $0xF;
	_ =	sdelay $0xc  }
.Ltmp9:
0xe8: {  	_ = 	snop;
	(pc) =	sbr.rel @p0 .LBB2_25-.Ltmp9, $4  }
0xe9: {  	s24 =	spop (v2sf)  }
0xea: {  	s4 =	spop (v2sf)  }
0xeb: {  	s26 =	sshra.s32 s4, $0xE  }
0xec: {  	s5 =	simm.s32 $0x0;
	s24 =	sxor.u32 $0xFFFE0000, s26;
	s26 =	simm.s32 $0x0  }
0xed: {  	p1 =	sne.s32 s2, $0x1  }
.Ltmp10:
0xee: {  	_ = 	snop;
	(pc) =	sbr.rel @!p1 .LBB2_20-.Ltmp10, $3  }
0xef: {  	_ =	sdelay $0x1  }
0xf0: {  	s7 =	simm.s32 $0x12000;
	s6 =	simm.s32 $0x14080  }
0xf1: {  	v5 =	vmov s24;
	s5 =	simm.s32 $0x0;
	s2 =	sadd.s32 $0xFFFFFFFF, s2;
	p0 =	por $0x0, $0x0;
	v6 =	vld [tilespmem:s7+$0x0]  }
0xf2: {  	_ =	sdelay $0x3  }
0xf3: {  	v7 =	vshrl.u32 v6, $0xC  }
0xf4: {  	v8 =	vor.u32 s5, v0;
	v7 =	vand.u32 $0x1FF, v7  }
0xf5: {  	vm0 =	vlt.s32 v8, v4;
	vm1 =	veq.s32 v7, v5  }
0xf6: {  	vm0 =	vmand vm0, vm1  }
0xf7: {  	v7 =	vmpcnt.ones.xlane vm0;
	_ =	sdelay $0x1  }
0xf8: {  	[tilespmem:s5+$0x16100] =	vst.msk vm0, v6;
	(v2sf) =	vpush v7, $0x0  }
0xf9: {  	v6 =	vld [tilespmem:s6+$0x0]  }
0xfa: {  	p1 =	sne.s32 s2, $0x1  }
.Ltmp11:
0xfb: {  	_ = 	snop;
	(pc) =	sbr.rel @!p1 .LBB2_22-.Ltmp11, $3  }
0xfc: {  	_ =	sdelay $0x1  }
0xfd: {  	s20 =	simm.s32 $0x12010;
	s9 =	sadd.s32 $0xFFFFFFFF, s2;
	p0 =	por $0x1, $0x1;
	[tilespmem:s5+$0x18180] =	vst.msk vm0, v6  }
0xfe: {  	s8 =	simm.s32 $0x0;
	s2 =	simm.s32 $0x0;
	s7 =	simm.s32 $0x14080;
	v6 =	vld [tilespmem:s20+$0x0]  }
.LBB2_23:
0xff: {  	p1 =	sne.s32 s9, $0x1;
	_ =	sdelay $0x3  }
0x100: {  	s8 =	sadd.s32 $0x10, s8;
	v7 =	vshrl.u32 v6, $0xC  }
0x101: {  	v8 =	vor.u32 s8, v0;
	v7 =	vand.u32 $0x1FF, v7  }
0x102: {  	vm0 =	vlt.s32 v8, v4;
	vm1 =	veq.s32 v7, v5  }
0x103: {  	vm0 =	vmand vm0, vm1;
	s10 =	spop (v2sf)  }
0x104: {  	v7 =	vmpcnt.ones.xlane vm0;
	s2 =	sadd.s32 s2, s10  }
0x105: {  	s7 =	sadd.s32 $0x10, s7;
	[tilespmem:s2+$0x16100] =	vst.msk vm0, v6  }
0x106: {  	v6 =	vld [tilespmem:s7+$0x0];
	(v2sf) =	vpush v7, $0x0;
	_ =	sdelay $0x2  }
.Ltmp12:
0x107: {  	(pc) =	sbr.rel @p1 .LBB2_23-.Ltmp12, $4  }
0x108: {  	_ = 	snop  }
0x109: {  	[tilespmem:s2+$0x18180] =	vst.msk vm0, v6  }
0x10a: {  	s20 =	sadd.s32 $0x10, s20  }
0x10b: {  	s9 =	sadd.s32 $0xFFFFFFFF, s9;
	v6 =	vld [tilespmem:s20+$0x0]  }
.LBB2_24:
0x10c: {  	_ =	sdelay $0x2  }
0x10d: {  	s8 =	sadd.s32 @p0 $0x10, s8;
	s9 =	simm.s32 $0x0  }
0x10e: {  	s9 =	smov.u32 @p0 s8;
	v7 =	vshrl.u32 v6, $0xC  }
0x10f: {  	v8 =	vor.u32 s9, v0;
	v7 =	vand.u32 $0x1FF, v7  }
0x110: {  	vm0 =	vlt.s32 v8, v4;
	vm1 =	veq.s32 v7, v5  }
0x111: {  	vm0 =	vmand vm0, vm1  }
0x112: {  	v4 =	vmpcnt.ones.xlane vm0;
	_ =	sdelay $0x1  }
0x113: {  	(v2sf) =	vpush v4, $0x0;
	_ =	sdelay $0x6  }
0x114: {  	s8 =	spop @p0 (v2sf)  }
0x115: {  	s2 =	sadd.s32 @p0 s2, s8  }
0x116: {  	s5 =	smov.u32 @p0 s2;
	s2 =	sadd.s32 @p0 $0x10, s7  }
0x117: {  	[tilespmem:s5+$0x16100] =	vst.msk vm0, v6;
	s6 =	smov.u32 @p0 s2  }
0x118: {  	v4 =	vld [tilespmem:s6+$0x0];
	_ =	sdelay $0x3  }
0x119: {  	s20 =	spop (v2sf)  }
0x11a: {  	[tilespmem:s5+$0x18180] =	vst.msk vm0, v4;
	s5 =	sadd.s32 s5, s20  }
.LBB2_25:
.Ltmp13:
0x11b: {  	(pc) =	sbr.rel .LBB2_26-.Ltmp13, $4  }
0x11c: {  	_ = 	snop  }
0x11d: {  	s20 =	sadd.s32 $0xF, s5  }
0x11e: {  	s2 =	sand.u32 $0x3FFF, s4;
	s4 =	simm.s32 $0xFFF;
	s20 =	sshra.s32 s20, $0x4  }
0x11f: {  	v4 =	vmov s5;
	s5 =	simm.s32 $0x0;
	s3 =	ssub.s32 s3, s2;
	p0 =	slt.s32 s20, $0x1  }
.LBB2_27:
0x120: {  	s7 =	simm.s32 $0x0  }
.LBB2_40:
0x121: {  	s5 =	sadd.s32 $0x1, s5  }
0x122: {  	p2 =	sne.s32 s5, $0xC  }
.Ltmp14:
0x123: {  	_ = 	snop;
	(pc) =	sbr.rel @!p2 .LBB2_41-.Ltmp14, $4  }
0x124: {  	_ = 	snop  }
0x125: {  	p1 =	sgt.s32 s7, s3;
	s7 =	sadd.s32 $0x1, s6  }
0x126: {  	s7 =	smov.u32 @p1 s26  }
0x127: {  	s4 =	smov.u32 @p1 s6;
	s26 =	smov.u32 s7  }
.LBB2_26:
.Ltmp15:
0x128: {  	(pc) =	sbr.rel @p0 .LBB2_27-.Ltmp15, $3  }
0x129: {  	_ =	sdelay $0x1  }
0x12a: {  	s6 =	sadd.s32 s26, s4  }
0x12b: {  	s6 =	sshra.s32 s6, $0x1  }
0x12c: {  	s7 =	simm.s32 $0x16100  }
0x12d: {  	p5 =	sne.s32 s20, $0x1;
	v7 =	vld [tilespmem:s7+$0x0]  }
.Ltmp16:
0x12e: {  	_ = 	snop;
	(pc) =	sbr.rel @!p5 .LBB2_29-.Ltmp16, $4  }
0x12f: {  	_ = 	snop  }
0x130: {  	s8 =	sadd.s32 $0xFFFFFFFF, s20  }
0x131: {  	s9 =	simm.s32 $0x16110;
	p1 =	por $0x0, $0x0;
	s7 =	simm.s32 $0x0  }
0x132: {  	v5 =	vmov s6;
	p2 =	por $0x0, $0x0;
	p3 =	por $0x0, $0x0;
	p4 =	por $0x0, $0x0;
	v6 =	vor.u32 s7, v0;
	v7 =	vand.u32 $0xFFF, v7  }
0x133: {  	v8 =	vld [tilespmem:s9+$0x0];
	p5 =	sne.s32 s8, $0x1  }
.Ltmp17:
0x134: {  	_ = 	snop;
	(pc) =	sbr.rel @!p5 .LBB2_31-.Ltmp17, $4  }
0x135: {  	vm0 =	vlt.s32 v6, v4;
	vm1 =	vle.s32 v7, v5  }
0x136: {  	vm0 =	vmand vm0, vm1  }
0x137: {  	s12 =	simm.s32 $0x10;
	v6 =	vsel vm0, $0x1, v1  }
0x138: {  	s8 =	sadd.s32 $0xFFFFFFFF, s8;
	s9 =	simm.s32 $0x16120;
	p1 =	por $0x1, $0x1;
	(xrf0) =	vadd.scan.msk.s32 $0xffff, v6;
	v6 =	vor.u32 s12, v0;
	v7 =	vand.u32 $0xFFF, v8  }
0x139: {  	_ =	sdelay $0x4  }
0x13a: {  	vm1 =	vle.s32 v7, v5;
	v7, _, _ =	vpop (xrf0)  }
0x13b: {  	(v2sf) =	vpush v7, $0xF;
	_ =	sdelay $0x7  }
0x13c: {  	v8 =	vld [tilespmem:s9+$0x0];
	p5 =	sne.s32 s8, $0x1  }
.Ltmp18:
0x13d: {  	_ = 	snop;
	(pc) =	sbr.rel @!p5 .LBB2_33-.Ltmp18, $4  }
0x13e: {  	vm0 =	vlt.s32 v6, v4  }
0x13f: {  	vm0 =	vmand vm0, vm1  }
0x140: {  	s12 =	simm.s32 $0x20;
	v6 =	vsel vm0, $0x1, v1  }
0x141: {  	s8 =	sadd.s32 $0xFFFFFFFF, s8;
	s9 =	simm.s32 $0x16130;
	p2 =	por $0x1, $0x1;
	(xrf0) =	vadd.scan.msk.s32 $0xffff, v6;
	v6 =	vor.u32 s12, v0;
	v7 =	vand.u32 $0xFFF, v8  }
0x142: {  	_ =	sdelay $0x4  }
0x143: {  	vm1 =	vle.s32 v7, v5;
	v7, _, _ =	vpop (xrf0)  }
0x144: {  	(v2sf) =	vpush v7, $0xF;
	_ =	sdelay $0x3  }
0x145: {  	v8 =	vld [tilespmem:s9+$0x0];
	p5 =	sne.s32 s8, $0x1  }
.Ltmp19:
0x146: {  	_ = 	snop;
	(pc) =	sbr.rel @!p5 .LBB2_35-.Ltmp19, $4  }
0x147: {  	vm0 =	vlt.s32 v6, v4  }
0x148: {  	vm0 =	vmand vm0, vm1  }
0x149: {  	s12 =	simm.s32 $0x30;
	v6 =	vsel vm0, $0x1, v1  }
0x14a: {  	s8 =	sadd.s32 $0xFFFFFFFF, s8;
	s9 =	simm.s32 $0x16140;
	p3 =	por $0x1, $0x1;
	(xrf0) =	vadd.scan.msk.s32 $0xffff, v6;
	v6 =	vor.u32 s12, v0;
	v7 =	vand.u32 $0xFFF, v8  }
0x14b: {  	_ =	sdelay $0x4  }
0x14c: {  	vm1 =	vle.s32 v7, v5;
	v7, _, _ =	vpop (xrf0)  }
0x14d: {  	(v2sf) =	vpush v7, $0xF;
	_ =	sdelay $0x3  }
0x14e: {  	v8 =	vld [tilespmem:s9+$0x0];
	vm0 =	vlt.s32 v6, v4;
	p5 =	sne.s32 s8, $0x1  }
.Ltmp20:
0x14f: {  	vm0 =	vmand vm0, vm1;
	(pc) =	sbr.rel @!p5 .LBB2_37-.Ltmp20, $4  }
0x150: {  	v6 =	vsel vm0, $0x1, v1  }
0x151: {  	(xrf0) =	vadd.scan.msk.s32 $0xffff, v6  }
0x152: {  	s9 =	sadd.s32 $0xFFFFFFFF, s8;
	s10 =	simm.s32 $0x40  }
0x153: {  	s11 =	simm.s32 $0x16150;
	p4 =	por $0x1, $0x1;
	s8 =	simm.s32 $0x0;
	v6 =	vor.u32 s10, v0;
	v7 =	vand.u32 $0xFFF, v8  }
.LBB2_38:
0x154: {  	v8 =	vld [tilespmem:s11+$0x0];
	p5 =	sne.s32 s9, $0x1;
	s9 =	sadd.s32 $0xFFFFFFFF, s9;
	vm0 =	vlt.s32 v6, v4;
	vm1 =	vle.s32 v7, v5  }
.Ltmp21:
0x155: {  	vm0 =	vmand vm0, vm1;
	s12 =	spop (v2sf);
	(pc) =	sbr.rel @p5 .LBB2_38-.Ltmp21, $4  }
0x156: {  	v7 =	vsel vm0, $0x1, v1;
	s8 =	sadd.s32 s8, s12  }
0x157: {  	(xrf0) =	vadd.scan.msk.s32 $0xffff, v7;
	v6, _, _ =	vpop (xrf0)  }
0x158: {  	s10 =	sadd.s32 $0x10, s10;
	(v2sf) =	vpush v6, $0xF  }
0x159: {  	s11 =	sadd.s32 $0x10, s11;
	v6 =	vor.u32 s10, v0;
	v7 =	vand.u32 $0xFFF, v8  }
.LBB2_39:
0x15a: {  	vm0 =	vlt.s32 v6, v4;
	vm1 =	vle.s32 v7, v5  }
0x15b: {  	vm0 =	vmand vm0, vm1  }
0x15c: {  	v5 =	vsel vm0, $0x1, v1  }
0x15d: {  	(xrf0) =	vadd.scan.msk.s32 $0xffff, v5;
	_ =	sdelay $0x3  }
0x15e: {  	v5, _, _ =	vpop @p1 (xrf0)  }
0x15f: {  	(v2sf) =	vpush @p1 v5, $0xF  }
0x160: {  	v5, _, _ =	vpop (xrf0)  }
0x161: {  	(v2sf) =	vpush v5, $0xF;
	_ =	sdelay $0x6  }
0x162: {  	s9 =	spop @p4 (v2sf)  }
0x163: {  	s8 =	sadd.s32 @p4 s8, s9;
	s9 =	simm.s32 $0x0  }
0x164: {  	s9 =	smov.u32 @p4 s8;
	s8 =	spop @p3 (v2sf)  }
0x165: {  	s8 =	sadd.s32 @p3 s9, s8;
	s9 =	simm.s32 $0x0  }
0x166: {  	s9 =	smov.u32 @p3 s8;
	s8 =	spop @p2 (v2sf)  }
.Ltmp22:
0x167: {  	s8 =	sadd.s32 @p2 s9, s8;
	s9 =	simm.s32 $0x0;
	(pc) =	sbr.rel .LBB2_40-.Ltmp22, $4  }
0x168: {  	s9 =	smov.u32 @p2 s8;
	s8 =	spop @p1 (v2sf)  }
0x169: {  	s8 =	sadd.s32 @p1 s9, s8  }
0x16a: {  	s7 =	smov.u32 @p1 s8;
	s12 =	spop (v2sf)  }
0x16b: {  	s7 =	sadd.s32 s7, s12  }
.LBB2_29:
.Ltmp23:
0x16c: {  	(pc) =	sbr.rel .LBB2_39-.Ltmp23, $2  }
0x16d: {  	_ =	sdelay $0x2  }
0x16e: {  	s8 =	simm.s32 $0x0  }
.LBB2_31:
.Ltmp24:
0x16f: {  	(pc) =	sbr.rel .LBB2_39-.Ltmp24, $2  }
0x170: {  	_ =	sdelay $0x2  }
0x171: {  	s8 =	simm.s32 $0x0  }
.LBB2_33:
.Ltmp25:
0x172: {  	(pc) =	sbr.rel .LBB2_39-.Ltmp25, $2  }
0x173: {  	_ =	sdelay $0x2  }
0x174: {  	s8 =	simm.s32 $0x0  }
.LBB2_35:
.Ltmp26:
0x175: {  	(pc) =	sbr.rel .LBB2_39-.Ltmp26, $2  }
0x176: {  	_ =	sdelay $0x3  }
0x177: {  	s8 =	simm.s32 $0x0  }
.LBB2_37:
.Ltmp27:
0x178: {  	(pc) =	sbr.rel .LBB2_39-.Ltmp27, $2  }
0x179: {  	_ =	sdelay $0x2  }
0x17a: {  	s8 =	simm.s32 $0x0  }
.LBB2_41:
.Ltmp28:
0x17b: {  	(pc) =	sbr.rel @p0 .LBB2_219-.Ltmp28, $4  }
0x17c: {  	_ = 	snop  }
0x17d: {  	s3 =	sshll.u32 s19, $0x15;
	s4 =	sshll.u32 s24, $0xC  }
0x17e: {  	s3 =	sor.u32 s3, s4  }
0x17f: {  	s19 =	sor.u32 s7, s3  }
0x180: {  	s3 =	simm.s32 $0x16100  }
0x181: {  	p4 =	seq.s32 s20, $0x1;
	v6 =	vld [tilespmem:s3+$0x0]  }
.Ltmp29:
0x182: {  	_ = 	snop;
	(pc) =	sbr.rel @p4 .LBB2_43-.Ltmp29, $4  }
0x183: {  	_ = 	snop  }
0x184: {  	s26 =	simm.s32 $0x0  }
0x185: {  	s24 =	sadd.s32 $0xFFFFFFFF, s20;
	p0 =	por $0x0, $0x0;
	p1 =	por $0x0, $0x0  }
0x186: {  	v5 =	vmov s7;
	p2 =	por $0x0, $0x0;
	p3 =	por $0x0, $0x0;
	s3 =	simm.s32 $0x16110;
	v7 =	vor.u32 s26, v0;
	v6 =	vand.u32 $0xFFF, v6  }
0x187: {  	v8 =	vld [tilespmem:s3+$0x0];
	p4 =	seq.s32 s24, $0x1  }
.Ltmp30:
0x188: {  	vm0 =	vlt.s32 v7, v4;
	vm1 =	veq.s32 v6, v5;
	(pc) =	sbr.rel @p4 .LBB2_45-.Ltmp30, $4  }
0x189: {  	vm2 =	vlt.s32 v6, v5;
	vm1 =	vmand vm0, vm1  }
0x18a: {  	vm0 =	vmand vm0, vm2;
	v6 =	vsel vm1, $0x1, v1  }
0x18b: {  	s4 =	simm.s32 $0x10;
	v7 =	vsel vm0, $0x1, v1;
	(xrf0) =	vadd.scan.msk.s32 $0xffff, v6  }
0x18c: {  	s3 =	sadd.s32 $0xFFFFFFFF, s24;
	p0 =	por $0x1, $0x1;
	(xrf0) =	vadd.scan.msk.s32 $0xffff, v7;
	v7 =	vor.u32 s4, v0;
	s4 =	simm.s32 $0x16120;
	v6 =	vand.u32 $0xFFF, v8  }
0x18d: {  	_ =	sdelay $0x3  }
0x18e: {  	vm0 =	vlt.s32 v7, v4;
	v7, _, _ =	vpop (xrf0)  }
0x18f: {  	(v2sf) =	vpush v7, $0xF;
	v9, _, _ =	vpop (xrf0)  }
0x190: {  	(v2sf) =	vpush v9, $0xF;
	_ =	sdelay $0x6  }
0x191: {  	v8 =	vld [tilespmem:s4+$0x0];
	p4 =	seq.s32 s3, $0x1  }
.Ltmp31:
0x192: {  	vm1 =	veq.s32 v6, v5;
	(pc) =	sbr.rel @p4 .LBB2_47-.Ltmp31, $4  }
0x193: {  	vm2 =	vlt.s32 v6, v5;
	vm1 =	vmand vm0, vm1  }
0x194: {  	vm0 =	vmand vm0, vm2;
	v6 =	vsel vm1, $0x1, v1  }
0x195: {  	s12 =	simm.s32 $0x20;
	(xrf0) =	vadd.scan.msk.s32 $0xffff, v6;
	v6 =	vsel vm0, $0x1, v1  }
0x196: {  	s3 =	sadd.s32 $0xFFFFFFFF, s3;
	s4 =	simm.s32 $0x16130;
	p1 =	por $0x1, $0x1;
	(xrf0) =	vadd.scan.msk.s32 $0xffff, v6;
	v7 =	vor.u32 s12, v0;
	v6 =	vand.u32 $0xFFF, v8  }
0x197: {  	_ =	sdelay $0x3  }
0x198: {  	vm0 =	vlt.s32 v7, v4;
	v7, _, _ =	vpop (xrf0)  }
0x199: {  	(v2sf) =	vpush v7, $0xF;
	v9, _, _ =	vpop (xrf0)  }
0x19a: {  	(v2sf) =	vpush v9, $0xF;
	_ =	sdelay $0x3  }
0x19b: {  	v8 =	vld [tilespmem:s4+$0x0];
	p4 =	seq.s32 s3, $0x1  }
.Ltmp32:
0x19c: {  	vm1 =	veq.s32 v6, v5;
	(pc) =	sbr.rel @p4 .LBB2_49-.Ltmp32, $4  }
0x19d: {  	vm2 =	vlt.s32 v6, v5;
	vm1 =	vmand vm0, vm1  }
0x19e: {  	vm0 =	vmand vm0, vm2;
	v6 =	vsel vm1, $0x1, v1  }
0x19f: {  	s12 =	simm.s32 $0x30;
	(xrf0) =	vadd.scan.msk.s32 $0xffff, v6;
	v6 =	vsel vm0, $0x1, v1  }
0x1a0: {  	s3 =	sadd.s32 $0xFFFFFFFF, s3;
	s4 =	simm.s32 $0x16140;
	p2 =	por $0x1, $0x1;
	(xrf0) =	vadd.scan.msk.s32 $0xffff, v6;
	v7 =	vor.u32 s12, v0;
	v6 =	vand.u32 $0xFFF, v8  }
0x1a1: {  	_ =	sdelay $0x3  }
0x1a2: {  	vm0 =	vlt.s32 v7, v4;
	v7, _, _ =	vpop (xrf0)  }
0x1a3: {  	(v2sf) =	vpush v7, $0xF;
	v9, _, _ =	vpop (xrf0)  }
0x1a4: {  	(v2sf) =	vpush v9, $0xF;
	_ =	sdelay $0x3  }
0x1a5: {  	v8 =	vld [tilespmem:s4+$0x0];
	vm1 =	veq.s32 v6, v5;
	p4 =	seq.s32 s3, $0x1  }
.Ltmp33:
0x1a6: {  	vm2 =	vlt.s32 v6, v5;
	vm1 =	vmand vm0, vm1;
	(pc) =	sbr.rel @p4 .LBB2_51-.Ltmp33, $4  }
0x1a7: {  	vm0 =	vmand vm0, vm2;
	v6 =	vsel vm1, $0x1, v1  }
0x1a8: {  	(xrf0) =	vadd.scan.msk.s32 $0xffff, v6;
	v6 =	vsel vm0, $0x1, v1  }
0x1a9: {  	s5 =	sadd.s32 $0xFFFFFFFF, s3;
	s6 =	simm.s32 $0x40;
	s7 =	simm.s32 $0x16150;
	(xrf0) =	vadd.scan.msk.s32 $0xffff, v6  }
0x1aa: {  	p3 =	por $0x1, $0x1;
	s3 =	simm.s32 $0x0;
	s4 =	simm.s32 $0x0;
	v7 =	vor.u32 s6, v0;
	v6 =	vand.u32 $0xFFF, v8  }
.LBB2_52:
0x1ab: {  	v8 =	vld [tilespmem:s7+$0x0];
	p4 =	seq.s32 s5, $0x1;
	s5 =	sadd.s32 $0xFFFFFFFF, s5;
	vm0 =	vlt.s32 v7, v4;
	vm1 =	vlt.s32 v6, v5;
	vm2 =	veq.s32 v6, v5  }
.Ltmp34:
0x1ac: {  	vm1 =	vmand vm0, vm1;
	vm0 =	vmand vm0, vm2;
	s8 =	spop (v2sf);
	(pc) =	sbr.rel @!p4 .LBB2_52-.Ltmp34, $4  }
0x1ad: {  	v6 =	vsel vm1, $0x1, v1;
	v10 =	vsel vm0, $0x1, v1;
	s3 =	sadd.s32 s3, s8;
	s8 =	spop (v2sf)  }
0x1ae: {  	(xrf0) =	vadd.scan.msk.s32 $0xffff, v10;
	v7, _, _ =	vpop (xrf0);
	s4 =	sadd.s32 s4, s8  }
0x1af: {  	s6 =	sadd.s32 $0x10, s6;
	(xrf0) =	vadd.scan.msk.s32 $0xffff, v6;
	v9, _, _ =	vpop (xrf0);
	(v2sf) =	vpush v7, $0xF  }
0x1b0: {  	s7 =	sadd.s32 $0x10, s7;
	v7 =	vor.u32 s6, v0;
	v6 =	vand.u32 $0xFFF, v8;
	(v2sf) =	vpush v9, $0xF  }
.LBB2_53:
0x1b1: {  	vm0 =	vlt.s32 v7, v4;
	vm1 =	veq.s32 v6, v5  }
0x1b2: {  	vm2 =	vlt.s32 v6, v5;
	vm1 =	vmand vm0, vm1  }
0x1b3: {  	vm0 =	vmand vm0, vm2;
	v5 =	vsel vm1, $0x1, v1  }
0x1b4: {  	v6 =	vsel vm0, $0x1, v1;
	(xrf0) =	vadd.scan.msk.s32 $0xffff, v5  }
0x1b5: {  	(xrf0) =	vadd.scan.msk.s32 $0xffff, v6;
	_ =	sdelay $0x2  }
0x1b6: {  	v5, _, _ =	vpop @p0 (xrf0)  }
0x1b7: {  	v6, _, _ =	vpop @p0 (xrf0);
	(v2sf) =	vpush @p0 v5, $0xF  }
0x1b8: {  	(v2sf) =	vpush @p0 v6, $0xF;
	v5, _, _ =	vpop (xrf0)  }
0x1b9: {  	v6, _, _ =	vpop (xrf0);
	(v2sf) =	vpush v5, $0xF  }
0x1ba: {  	(v2sf) =	vpush v6, $0xF;
	_ =	sdelay $0x2  }
0x1bb: {  	s5 =	spop @p3 (v2sf)  }
0x1bc: {  	s6 =	spop @p3 (v2sf)  }
0x1bd: {  	s3 =	sadd.s32 @p3 s3, s5;
	s5 =	simm.s32 $0x0;
	s4 =	sadd.s32 @p3 s4, s6  }
0x1be: {  	s5 =	smov.u32 @p3 s3;
	s3 =	simm.s32 $0x0;
	s6 =	spop @p2 (v2sf)  }
0x1bf: {  	s3 =	smov.u32 @p3 s4;
	s4 =	spop @p2 (v2sf);
	s5 =	sadd.s32 @p2 s5, s6  }
0x1c0: {  	s6 =	simm.s32 $0x0;
	s3 =	sadd.s32 @p2 s3, s4;
	s4 =	simm.s32 $0x0  }
0x1c1: {  	s6 =	smov.u32 @p2 s5;
	s4 =	smov.u32 @p2 s3;
	s3 =	spop @p1 (v2sf)  }
0x1c2: {  	s3 =	sadd.s32 @p1 s6, s3;
	s5 =	spop @p1 (v2sf);
	s6 =	simm.s32 $0x0  }
0x1c3: {  	s4 =	sadd.s32 @p1 s4, s5;
	s6 =	smov.u32 @p1 s3;
	s3 =	simm.s32 $0x0  }
0x1c4: {  	s3 =	smov.u32 @p1 s4;
	s4 =	spop @p0 (v2sf)  }
0x1c5: {  	s5 =	spop @p0 (v2sf)  }
0x1c6: {  	s3 =	sadd.s32 @p0 s3, s5;
	s9 =	spop (v2sf)  }
0x1c7: {  	s4 =	sadd.s32 @p0 s6, s4;
	s26 =	smov.u32 @p0 s3;
	s10 =	spop (v2sf)  }
0x1c8: {  	s6 =	simm.s32 $0x0;
	s12 =	sadd.s32 s26, s10;
	s26 =	simm.s32 $0x16100  }
0x1c9: {  	s2 =	sadd.s32 s2, s18;
	p4 =	sne.s32 s20, $0x1;
	s6 =	smov.u32 @p0 s4;
	v8 =	vld [tilespmem:s26+$0x0]  }
.Ltmp35:
0x1ca: {  	s11 =	sadd.s32 s6, s9;
	s2 =	sadd.s32 s12, s2;
	(pc) =	sbr.rel @!p4 .LBB2_54-.Ltmp35, $4  }
0x1cb: {  	s2 =	sadd.s32 s11, s2  }
0x1cc: {  	s3 =	sadd.s32 $0xFFFFF000, s2;
	s2 =	simm.s32 $0x0  }
0x1cd: {  	s18 =	simm.s32 $0x18180;
	v7 =	vimm.s32 $0xFFFFFFFF;
	p3 =	por $0x0, $0x0;
	p2 =	por $0x0, $0x0;
	v5 =	vmov s19;
	v9 =	vor.u32 s2, v0  }
0x1ce: {  	p1 =	por $0x0, $0x0;
	p0 =	por $0x0, $0x0;
	v6 =	vmov s3;
	s3 =	simm.s32 $0x16110;
	vm4 =	vlt.s32 v9, v4;
	vm5 =	veq.s32 v8, v5  }
0x1cf: {  	v8 =	vld [tilespmem:s3+$0x0];
	p4 =	sne.s32 s24, $0x1  }
.Ltmp36:
0x1d0: {  	_ = 	snop;
	(pc) =	sbr.rel @!p4 .LBB2_56-.Ltmp36, $4  }
0x1d1: {  	_ = 	snop  }
0x1d2: {  	vm0 =	vmand vm4, vm5;
	s26 =	simm.s32 $0x10  }
0x1d3: {  	v9 =	vsel vm0, $0x1, v1;
	v10 =	vor.u32 s26, v0  }
0x1d4: {  	s3 =	sadd.s32 $0xFFFFFFFF, s24;
	s4 =	simm.s32 $0x16120;
	p0 =	por $0x1, $0x1;
	vm0 =	vmmov vm0;
	(xrf0) =	vadd.scan.msk.s32 $0xffff, v9;
	vm4 =	vlt.s32 v10, v4;
	vm5 =	veq.s32 v8, v5  }
0x1d5: {  	_ =	sdelay $0x4  }
0x1d6: {  	v8, _, _ =	vpop (xrf0)  }
0x1d7: {  	(v2sf) =	vpush v8, $0xF;
	_ =	sdelay $0x8  }
0x1d8: {  	v9 =	vld [tilespmem:s4+$0x0];
	p4 =	sne.s32 s3, $0x1  }
.Ltmp37:
0x1d9: {  	_ = 	snop;
	(pc) =	sbr.rel @!p4 .LBB2_58-.Ltmp37, $4  }
0x1da: {  	_ = 	snop  }
0x1db: {  	vm1 =	vmand vm4, vm5;
	s26 =	simm.s32 $0x20  }
0x1dc: {  	vm2 =	vmmov vm0;
	v10 =	vsel vm1, $0x1, v1;
	v11 =	vor.u32 s26, v0  }
0x1dd: {  	s3 =	sadd.s32 $0xFFFFFFFF, s3;
	s4 =	simm.s32 $0x16130;
	p1 =	por $0x1, $0x1;
	vm0 =	vmmov vm1;
	vm4 =	vlt.s32 v11, v4;
	(xrf0) =	vadd.scan.msk.s32 $0xffff, v10;
	vm5 =	veq.s32 v9, v5  }
0x1de: {  	_ =	sdelay $0x4  }
0x1df: {  	v9, _, _ =	vpop (xrf0)  }
0x1e0: {  	(v2sf) =	vpush v9, $0xF;
	_ =	sdelay $0x3  }
0x1e1: {  	v10 =	vld [tilespmem:s4+$0x0];
	p4 =	sne.s32 s3, $0x1  }
.Ltmp38:
0x1e2: {  	_ = 	snop;
	(pc) =	sbr.rel @!p4 .LBB2_60-.Ltmp38, $4  }
0x1e3: {  	_ = 	snop  }
0x1e4: {  	vm3 =	vmand vm4, vm5;
	vm2 =	vmmov vm2;
	vm1 =	vmmov vm0;
	s26 =	simm.s32 $0x30  }
0x1e5: {  	v11 =	vsel vm3, $0x1, v1;
	vm0 =	vmmov vm3;
	v12 =	vor.u32 s26, v0  }
0x1e6: {  	s3 =	sadd.s32 $0xFFFFFFFF, s3;
	s4 =	simm.s32 $0x16140;
	p2 =	por $0x1, $0x1;
	vm3 =	vmmov vm2;
	vm4 =	vlt.s32 v12, v4;
	(xrf0) =	vadd.scan.msk.s32 $0xffff, v11;
	vm5 =	veq.s32 v10, v5;
	v10 =	vld [tilespmem:s18+$0x0]  }
0x1e7: {  	_ =	sdelay $0x4  }
0x1e8: {  	v11, _, _ =	vpop (xrf0)  }
0x1e9: {  	(v2sf) =	vpush v11, $0xF;
	_ =	sdelay $0x3  }
0x1ea: {  	v12 =	vld [tilespmem:s4+$0x0];
	vm4 =	vmand vm4, vm5;
	p4 =	sne.s32 s3, $0x1  }
.Ltmp39:
0x1eb: {  	v13 =	vsel vm4, $0x1, v1;
	(pc) =	sbr.rel @!p4 .LBB2_62-.Ltmp39, $4  }
0x1ec: {  	vm5 =	vmmov vm1;
	vm2 =	vmmov vm0;
	v14 =	vadd.s32 s2, v8;
	s5 =	simm.s32 $0x40;
	(xrf0) =	vadd.scan.msk.s32 $0xffff, v13  }
0x1ed: {  	vm0 =	vmmov vm4;
	vm4 =	veq.s32 v14, v6;
	v14 =	vor.u32 s5, v0  }
0x1ee: {  	s6 =	sadd.s32 $0xFFFFFFFF, s3;
	s4 =	simm.s32 $0x18190;
	vm6 =	vmmov vm5;
	vm7 =	vmand vm3, vm4;
	vm4 =	vlt.s32 v14, v4  }
0x1ef: {  	s7 =	simm.s32 $0x16150;
	p3 =	por $0x1, $0x1;
	s3 =	simm.s32 $0x0;
	v15 =	vmovc v9;
	v14 =	vld [tilespmem:s4+$0x0];
	vm5 =	veq.s32 v12, v5;
	v13 =	vnsel vm7, $0xFFFFFFFF, v10;
	v12 =	vimm.s32 $0xFFFFFFFF  }
.LBB2_63:
0x1f0: {  	v16 =	vld [tilespmem:s7+$0x0];
	p4 =	sne.s32 s6, $0x1;
	s6 =	sadd.s32 $0xFFFFFFFF, s6;
	vm4 =	vmand vm4, vm5;
	vm5 =	vgt.s32 v12, v13;
	s8 =	spop (v2sf);
	vm7 =	vmmov vm2  }
.Ltmp40:
0x1f1: {  	vm2 =	vmmov vm0;
	v17 =	vsel vm4, $0x1, v1;
	s3 =	sadd.s32 s3, s8;
	v12 =	vsel vm5, v12, v13;
	(pc) =	sbr.rel @p4 .LBB2_63-.Ltmp40, $4  }
0x1f2: {  	vm0 =	vmmov vm4;
	(xrf0) =	vadd.scan.msk.s32 $0xffff, v17;
	v13 =	vadd.s32 s3, v15;
	v15 =	vmov v11;
	v11, _, _ =	vpop (xrf0)  }
0x1f3: {  	s5 =	sadd.s32 $0x10, s5;
	(v2sf) =	vpush v11, $0xF;
	vm4 =	veq.s32 v13, v6  }
0x1f4: {  	s4 =	sadd.s32 $0x10, s4;
	v13 =	vor.u32 s5, v0;
	vm8 =	vmand vm6, vm4;
	vm6 =	vmmov vm7  }
0x1f5: {  	s7 =	sadd.s32 $0x10, s7;
	vm4 =	vlt.s32 v13, v4;
	vm5 =	veq.s32 v16, v5;
	v13 =	vnsel vm8, $0xFFFFFFFF, v14;
	v14 =	vld [tilespmem:s4+$0x0]  }
.LBB2_64:
0x1f6: {  	_ =	sdelay $0x1  }
0x1f7: {  	v4, _, _ =	vpop @p0 (xrf0)  }
0x1f8: {  	vm4 =	vmand vm4, vm5;
	(v2sf) =	vpush @p0 v4, $0xF  }
0x1f9: {  	v16 =	vsel vm4, $0x1, v1  }
0x1fa: {  	s5 =	spop @p3 (v2sf);
	(xrf0) =	vadd.scan.msk.s32 $0xffff, v16  }
0x1fb: {  	s3 =	sadd.s32 @p3 s3, s5;
	s5 =	simm.s32 $0x0  }
0x1fc: {  	s5 =	smov.u32 @p3 s3;
	s3 =	sadd.s32 @p2 $0x10, s4;
	s4 =	simm.s32 $0x18180  }
0x1fd: {  	vm5 =	vgt.s32 @p3 v12, v13;
	vm2 =	vmmov @p1 vm2;
	v15 =	vadd.s32 @p2 s5, v15;
	s4 =	smov.u32 @p2 s3  }
0x1fe: {  	vm0 =	vmmov @p0 vm0;
	v8 =	vpsel p1, v11, v8;
	vm7 =	veq.s32 @p2 v15, v6;
	v15 =	vld @p1 [tilespmem:s4+$0x0]  }
0x1ff: {  	v12 =	vsel @p3 vm5, v12, v13;
	vm4 =	vmmov vm4;
	vm2 =	vmmov @p1 vm2  }
0x200: {  	s6 =	simm.s32 $0x18180;
	vm1 =	vmmov @p0 vm0;
	v12 =	vpsel p3, v12, v7;
	vm3 =	vmmov @p1 vm2;
	s3 =	spop @p2 (v2sf);
	v61, _, _ =	vpop (xrf0)  }
0x201: {  	vm1 =	vmmov @p0 vm1;
	vm14 =	vmmov vm4;
	s3 =	sadd.s32 @p2 s5, s3;
	s5 =	simm.s32 $0x0;
	s4 =	sadd.s32 @p1 $0x10, s4;
	(v2sf) =	vpush v61, $0xF  }
0x202: {  	v4 =	vpsel p0, v4, v9;
	vm1 =	vmmov @p0 vm1;
	vm5 =	vmand @p2 vm6, vm7;
	s5 =	smov.u32 @p2 s3;
	s6 =	smov.u32 @p1 s4  }
0x203: {  	v13 =	vnsel @p2 vm5, $0xFFFFFFFF, v14;
	v8 =	vadd.s32 @p1 s5, v8;
	v9 =	vpsel p1, v15, v10;
	v10 =	vld @p0 [tilespmem:s6+$0x0];
	s3 =	spop @p1 (v2sf)  }
0x204: {  	v4 =	vpsel p0, v4, v0;
	s4 =	simm.s32 $0x0;
	v13 =	vpsel p2, v13, v0;
	vm2 =	veq.s32 @p1 v8, v6;
	s3 =	sadd.s32 @p1 s5, s3  }
0x205: {  	vm1 =	vmmov @p0 vm1;
	vm0 =	vgt.s32 @p2 v12, v13;
	vm2 =	vmand @p1 vm3, vm2;
	s4 =	smov.u32 @p1 s3  }
0x206: {  	v11 =	vsel @p2 vm0, v12, v13;
	v8 =	vnsel @p1 vm2, $0xFFFFFFFF, v9;
	s3 =	sadd.s32 @p0 $0x10, s6;
	v4 =	vadd.s32 @p0 s4, v4  }
0x207: {  	v9 =	vpsel p2, v11, v7;
	v8 =	vpsel p1, v8, v0;
	s18 =	smov.u32 @p0 s3;
	vm2 =	veq.s32 @p0 v4, v6;
	s3 =	spop @p0 (v2sf)  }
0x208: {  	vm3 =	vgt.s32 @p1 v9, v8;
	v4 =	vpsel p0, v10, v0;
	v62 =	vld [tilespmem:s18+$0x0];
	vm1 =	vmand @p0 vm1, vm2;
	s3 =	sadd.s32 @p0 s4, s3  }
0x209: {  	vm0 =	vmmov vm14;
	v8 =	vsel @p1 vm3, v9, v8;
	v4 =	vnsel @p0 vm1, $0xFFFFFFFF, v4;
	s2 =	smov.u32 @p0 s3  }
0x20a: {  	v8 =	vpsel p1, v8, v7;
	v4 =	vpsel p0, v4, v0;
	v63 =	vadd.s32 s2, v61  }
0x20b: {  	vm0 =	vmmov vm0;
	vm1 =	vgt.s32 @p0 v8, v4;
	vm15 =	veq.s32 v63, v6  }
.Ltmp41:
0x20c: {  	v4 =	vsel @p0 vm1, v8, v4;
	vm0 =	vmand vm0, vm15;
	(pc) =	sbr.rel .LBB2_65-.Ltmp41, $4  }
0x20d: {  	v4 =	vpsel p0, v4, v7;
	v6 =	vnsel vm0, $0xFFFFFFFF, v62  }
0x20e: {  	vm0 =	vgt.s32 v4, v6  }
0x20f: {  	v4 =	vsel vm0, v4, v6  }
0x210: {  	s26 =	spop (v2sf);
	v4 =	vxor.u32 $0x80000000, v4  }
.LBB2_219:
0x211: {  	v5 =	vmov s19;
	v4 =	vimm.s32 $0x7FFFFFFF  }
.LBB2_65:
0x212: {  	(xrf0) =	vmax.scan.msk.u32 $0xffff, v4;
	_ =	sdelay $0x5  }
0x213: {  	v4, _, _ =	vpop (xrf0)  }
0x214: {  	(v2sf) =	vpush v4, $0xF;
	_ =	sdelay $0xe  }
0x215: {  	s3 =	spop (v2sf)  }
0x216: {  	_ =	swait.ge [sflag:s23], $0x2000  }
0x217: {  	[sflag:s23] =	ssyncset.done $0x0  }
0x218: {  	s2 =	simm.s32 $0xC000;
	[sflag:s23] =	ssyncadd.s32 $0xFFFFE000  }
0x219: {  	v7 =	vld [tilespmem:s2+$0x0];
	_ =	sdelay $0x1  }
0x21a: {  	s2 =	simm.s32 $0x8000  }
0x21b: {  	s4 =	sxor.u32 $0x80000000, s19;
	s5 =	simm.s32 $0x0;
	s3 =	sxor.u32 $0x80000000, s3;
	v8 =	vld [tilespmem:s2+$0x0]  }
0x21c: {  	v9 =	vor.u32 s5, v0;
	v4 =	vmov s4;
	v6 =	vmov s3  }
0x21d: {  	vm1 =	vle.s32 v9, v6;
	v10 =	vxor.u32 $0x80000000, v7;
	vm0 =	veq.s32 v7, v5  }
0x21e: {  	vm2 =	vgt.s32 v10, v4;
	vm0 =	vmand vm1, vm0  }
0x21f: {  	vm0 =	vmor vm2, vm0  }
0x220: {  	s3 =	simm.s32 $0xE000;
	v7 =	vnsel vm0, $0x400, v8  }
0x221: {  	s5 =	simm.s32 $0xC010;
	[tilespmem:s3+$0x0] =	vst v7  }
0x222: {  	s6 =	simm.s32 $0x20;
	s4 =	simm.s32 $0x10;
	v7 =	vld [tilespmem:s5+$0x0]  }
.LBB2_66:
0x223: {  	p0 =	sne.s32 s6, $0x1FF0  }
0x224: {  	s2 =	sadd.s32 $0x10, s2  }
0x225: {  	v8 =	vld [tilespmem:s2+$0x0]  }
0x226: {  	v9 =	vor.u32 s4, v0;
	s4 =	smov.u32 s6  }
0x227: {  	vm1 =	vle.s32 v9, v6;
	v10 =	vxor.u32 $0x80000000, v7;
	vm0 =	veq.s32 v7, v5  }
.Ltmp42:
0x228: {  	vm2 =	vgt.s32 v10, v4;
	vm0 =	vmand vm1, vm0;
	(pc) =	sbr.rel @p0 .LBB2_66-.Ltmp42, $4  }
0x229: {  	vm0 =	vmor vm2, vm0  }
0x22a: {  	s3 =	sadd.s32 $0x10, s3;
	v7 =	vnsel vm0, $0x400, v8  }
0x22b: {  	s5 =	sadd.s32 $0x10, s5;
	[tilespmem:s3+$0x0] =	vst v7  }
0x22c: {  	s6 =	sadd.s32 $0x10, s6;
	v7 =	vld [tilespmem:s5+$0x0]  }
0x22d: {  	_ = 	snop  }
0x22e: {  	s2 =	sadd.s32 $0x10, s2  }
0x22f: {  	v8 =	vld [tilespmem:s2+$0x0]  }
0x230: {  	v9 =	vor.u32 s4, v0  }
0x231: {  	vm1 =	vle.s32 v9, v6;
	v10 =	vxor.u32 $0x80000000, v7;
	vm0 =	veq.s32 v7, v5  }
0x232: {  	vm2 =	vgt.s32 v10, v4;
	vm0 =	vmand vm1, vm0  }
0x233: {  	vm0 =	vmor vm2, vm0  }
0x234: {  	s20 =	sadd.s32 $0x10, s3;
	v4 =	vnsel vm0, $0x400, v8  }
0x235: {  	s24 =	rddreg [dreg:$0xc];
	s26 =	simm.s32 $0xE000;
	[tilespmem:s20+$0x0] =	vst v4  }
0x236: {  	[hbm4b:s24+s14] =	stream.strided.scatter [tilespmem:s26], [sflag:$0x7], $0x2000, s15, s14, $0x38;
	[tilespmem:$0x1AA00] =	vst v63  }
0x237: {  	_ =	swait.ge [sflag:s25], $0x2000  }
0x238: {  	s4 =	simm.s32 $0x100;
	[sflag:s25] =	ssyncset.done $0x0  }
0x239: {  	s3 =	simm.s32 $0x0;
	s2 =	simm.s32 $0x0;
	[sflag:s25] =	ssyncadd.s32 $0xFFFFE000  }
.LBB2_68:
0x23a: {  	p0 =	sne.s32 s4, $0x1F00;
	[tilespmem:s3+$0x1A230] =	vst v1;
	s5 =	smov.u32 s4;
	s4 =	sadd.s32 $0x100, s4  }
.Ltmp43:
0x23b: {  	[tilespmem:s3+$0x1A220] =	vst v1;
	(pc) =	sbr.rel @p0 .LBB2_68-.Ltmp43, $3  }
0x23c: {  	[tilespmem:s3+$0x1A200] =	vst v1  }
0x23d: {  	[tilespmem:s3+$0x1A210] =	vst v1;
	_ =	sdelay $0x1  }
0x23e: {  	s3 =	sshra.s32 s5, $0x2  }
0x23f: {  	[tilespmem:s3+$0x1A230] =	vst v1  }
0x240: {  	[tilespmem:s3+$0x1A220] =	vst v1  }
0x241: {  	[tilespmem:s3+$0x1A200] =	vst v1  }
0x242: {  	[tilespmem:s3+$0x1A210] =	vst v1  }
.LBB2_70:
0x243: {  	s3 =	sshra.s32 s2, $0x2  }
0x244: {  	v4 =	vld [tilespmem:s3+$0x4000];
	_ =	sdelay $0x4  }
0x245: {  	v5 =	vshra.s32 v4, $0x1F  }
0x246: {  	v5 =	vor.u32 $0x80000000, v5  }
0x247: {  	v4 =	vxor.u32 v4, v5  }
0x248: {  	p0 =	sne.s32 s2, $0x7FC0;
	v4 =	vshrl.u32 v4, $0x15  }
.Ltmp44:
0x249: {  	_ = 	snop;
	(pc) =	sbr.rel @p0 .LBB2_70-.Ltmp44, $3  }
0x24a: {  	_ =	sdelay $0x1  }
0x24b: {  	s3 =	simm.s32 $0x1A200  }
0x24c: {  	s2 =	sadd.s32 $0x40, s2;
	[tilespmem:v4+s3+$0x0] =	vst.idx.add.s32.msk $0xffff, v2  }
0x24d: {  	v8 =	vld [tilespmem:s3+$0x0]  }
0x24e: {  	s2 =	simm.s32 $0x1A210  }
0x24f: {  	v5 =	vld [tilespmem:s2+$0x0];
	_ =	sdelay $0x2  }
0x250: {  	(xrf0) =	vadd.scan.msk.s32 $0xffff, v8;
	_ =	sdelay $0x1  }
0x251: {  	(xrf0) =	vadd.scan.msk.s32 $0xffff, v5;
	_ =	sdelay $0x3  }
0x252: {  	s24 =	simm.s32 $0x1A220;
	v11, _, _ =	vpop (xrf0)  }
0x253: {  	v4 =	vld [tilespmem:s24+$0x0];
	(v2sf) =	vpush v11, $0xF  }
0x254: {  	v9, _, _ =	vpop (xrf0)  }
0x255: {  	(v2sf) =	vpush v9, $0xF;
	_ =	sdelay $0x2  }
0x256: {  	s26 =	simm.s32 $0x1A230;
	(xrf0) =	vadd.scan.msk.s32 $0xffff, v4  }
0x257: {  	v6 =	vld [tilespmem:s26+$0x0];
	_ =	sdelay $0x2  }
0x258: {  	s4 =	simm.s32 $0x0  }
0x259: {  	s5 =	simm.s32 $0x10;
	s3 =	simm.s32 $0x30;
	v12 =	vmov s4  }
0x25a: {  	v7 =	vimm.s32 $0x7FFFFFFF;
	s6 =	simm.s32 $0x40;
	s7 =	simm.s32 $0x1A240;
	s2 =	simm.s32 $0x20;
	v12 =	vshll.u32 v12, $0xE;
	(xrf0) =	vadd.scan.msk.s32 $0xffff, v6;
	v11 =	vadd.s32 s4, v11;
	v10, _, _ =	vpop (xrf0)  }
.LBB2_72:
0x25b: {  	v13 =	vld [tilespmem:s7+$0x0];
	p0 =	sne.s32 s6, $0x7F0;
	(v2sf) =	vpush v10, $0xF;
	v12 =	vor.u32 v3, v12;
	v14 =	vsub.s32 v11, v8;
	v8 =	vmovc v5;
	v5 =	vmovc v4;
	s8 =	smov.u32 s6;
	s6 =	sadd.s32 $0x10, s6  }
.Ltmp45:
0x25c: {  	vm0 =	vgt.s32 v11, $0xFFF;
	v4 =	vmovc v6;
	v6 =	vmovc v9;
	v9 =	vmov v10;
	v11 =	vor.u32 v12, v14;
	(pc) =	sbr.rel @p0 .LBB2_72-.Ltmp45, $4  }
0x25d: {  	v10 =	vnsel vm0, $0x7FFFFFFF, v11  }
0x25e: {  	vm0 =	vlt.s32 v7, v10;
	s9 =	spop (v2sf)  }
0x25f: {  	v12 =	vmov s5;
	s5 =	smov.u32 s2;
	s2 =	smov.u32 s3;
	s4 =	sadd.s32 s4, s9;
	v7 =	vsel vm0, v7, v10  }
0x260: {  	s7 =	sadd.s32 $0x10, s7;
	s3 =	smov.u32 s8;
	v12 =	vshll.u32 v12, $0xE;
	(xrf0) =	vadd.scan.msk.s32 $0xffff, v13;
	v10, _, _ =	vpop (xrf0);
	v11 =	vadd.s32 s4, v6;
	v6 =	vmov v13  }
0x261: {  	(v2sf) =	vpush v10, $0xF;
	_ =	sdelay $0x7  }
0x262: {  	v12 =	vor.u32 v3, v12;
	s6 =	spop (v2sf)  }
0x263: {  	v8 =	vsub.s32 v11, v8;
	v59 =	vmov s5;
	vm0 =	vgt.s32 v11, $0xFFF;
	s4 =	sadd.s32 s4, s6  }
0x264: {  	v8 =	vor.u32 v12, v8;
	v60 =	vshll.u32 v59, $0xE;
	v9 =	vadd.s32 s4, v9  }
0x265: {  	v8 =	vnsel vm0, $0x7FFFFFFF, v8;
	v11 =	vor.u32 v3, v60;
	v5 =	vsub.s32 v9, v5  }
0x266: {  	vm0 =	vlt.s32 v7, v8;
	vm1 =	vgt.s32 v9, $0xFFF;
	v5 =	vor.u32 v11, v5  }
0x267: {  	v61 =	vmov s2;
	v7 =	vsel vm0, v7, v8;
	v5 =	vnsel vm1, $0x7FFFFFFF, v5;
	s12 =	spop (v2sf)  }
0x268: {  	v8 =	vshll.u32 v61, $0xE;
	vm0 =	vlt.s32 v7, v5;
	s18 =	sadd.s32 s4, s12  }
0x269: {  	v8 =	vor.u32 v3, v8;
	v5 =	vsel vm0, v7, v5;
	v7 =	vadd.s32 s18, v10;
	s19 =	spop (v2sf)  }
0x26a: {  	v62, _, _ =	vpop (xrf0);
	v4 =	vsub.s32 v7, v4;
	vm13 =	vgt.s32 v7, $0xFFF;
	v7 =	vmov s3;
	s2 =	sadd.s32 s18, s19  }
0x26b: {  	v4 =	vor.u32 v8, v4;
	v7 =	vshll.u32 v7, $0xE;
	v63 =	vadd.s32 s2, v62  }
0x26c: {  	v4 =	vnsel vm13, $0x7FFFFFFF, v4;
	v7 =	vor.u32 v3, v7;
	v6 =	vsub.s32 v63, v6  }
0x26d: {  	vm0 =	vlt.s32 v5, v4;
	vm14 =	vgt.s32 v63, $0xFFF;
	v6 =	vor.u32 v7, v6  }
0x26e: {  	v4 =	vsel vm0, v5, v4;
	v5 =	vnsel vm14, $0x7FFFFFFF, v6  }
0x26f: {  	vm0 =	vlt.s32 v4, v5  }
0x270: {  	v4 =	vsel vm0, v4, v5  }
0x271: {  	v4 =	vxor.u32 $0x80000000, v4  }
0x272: {  	(xrf0) =	vmin.scan.msk.u32 $0xffff, v4;
	_ =	sdelay $0x5  }
0x273: {  	(v2sf) =	vpush v62, $0xF;
	v4, _, _ =	vpop (xrf0)  }
0x274: {  	(v2sf) =	vpush v4, $0xF;
	_ =	sdelay $0x8  }
0x275: {  	s20 =	simm.s32 $0x0  }
0x276: {  	v4 =	vld [tilespmem:s20+$0x4000];
	_ =	sdelay $0x3  }
0x277: {  	s24 =	spop (v2sf)  }
0x278: {  	v5 =	vshra.s32 v4, $0x1F;
	s2 =	spop (v2sf)  }
0x279: {  	v5 =	vor.u32 $0x80000000, v5;
	s18 =	sshra.s32 s2, $0xE  }
0x27a: {  	v5 =	vxor.u32 v4, v5;
	s26 =	sxor.u32 $0xFFFE0000, s18  }
0x27b: {  	v6 =	vshrl.u32 v5, $0x15;
	v4 =	vmov s26  }
0x27c: {  	vm15 =	veq.s32 v6, v4  }
0x27d: {  	v6 =	vmpcnt.ones.xlane vm15;
	_ =	sdelay $0x1  }
0x27e: {  	(v2sf) =	vpush v6, $0x0;
	_ =	sdelay $0x1  }
0x27f: {  	s3 =	simm.s32 $0x0  }
0x280: {  	s5 =	simm.s32 $0x10;
	s4 =	simm.s32 $0x80;
	[tilespmem:s3+$0x12000] =	vst.msk vm15, v5  }
.LBB2_74:
0x281: {  	p0 =	sne.s32 s4, $0x7FC0;
	v5 =	vld [tilespmem:s5+$0x4000];
	_ =	sdelay $0x4  }
0x282: {  	v6 =	vshra.s32 v5, $0x1F  }
0x283: {  	v6 =	vor.u32 $0x80000000, v6  }
0x284: {  	v5 =	vxor.u32 v5, v6  }
0x285: {  	v6 =	vshrl.u32 v5, $0x15  }
0x286: {  	vm0 =	veq.s32 v6, v4  }
0x287: {  	v6 =	vmpcnt.ones.xlane vm0  }
.Ltmp46:
0x288: {  	s5 =	spop (v2sf);
	(pc) =	sbr.rel @p0 .LBB2_74-.Ltmp46, $3  }
0x289: {  	(v2sf) =	vpush v6, $0x0;
	s3 =	sadd.s32 s3, s5  }
0x28a: {  	[tilespmem:s3+$0x12000] =	vst.msk vm0, v5;
	_ =	sdelay $0x1  }
0x28b: {  	s5 =	sshra.s32 s4, $0x2;
	s4 =	sadd.s32 $0x40, s4  }
0x28c: {  	_ =	sdelay $0x2  }
0x28d: {  	v5 =	vld [tilespmem:s5+$0x4000];
	_ =	sdelay $0x4  }
0x28e: {  	v6 =	vshra.s32 v5, $0x1F  }
0x28f: {  	v6 =	vor.u32 $0x80000000, v6  }
0x290: {  	v5 =	vxor.u32 v5, v6  }
0x291: {  	v6 =	vshrl.u32 v5, $0x15;
	s4 =	spop (v2sf)  }
0x292: {  	vm0 =	veq.s32 v6, v4;
	s3 =	sadd.s32 s3, s4  }
0x293: {  	[tilespmem:s3+$0x12000] =	vst.msk vm0, v5  }
0x294: {  	[tilespmem:$0x1A200] =	vst v1  }
0x295: {  	[tilespmem:$0x1A210] =	vst v1  }
0x296: {  	[tilespmem:$0x1A220] =	vst v1  }
0x297: {  	[tilespmem:$0x1A230] =	vst v1  }
0x298: {  	[tilespmem:$0x1A240] =	vst v1  }
0x299: {  	v4 =	vmpcnt.ones.xlane vm0;
	[tilespmem:$0x1A250] =	vst v1  }
0x29a: {  	[tilespmem:$0x1A260] =	vst v1  }
0x29b: {  	(v2sf) =	vpush v4, $0x0;
	[tilespmem:$0x1A270] =	vst v1  }
0x29c: {  	[tilespmem:$0x1A280] =	vst v1  }
0x29d: {  	[tilespmem:$0x1A290] =	vst v1  }
0x29e: {  	[tilespmem:$0x1A2A0] =	vst v1  }
0x29f: {  	[tilespmem:$0x1A2B0] =	vst v1  }
0x2a0: {  	[tilespmem:$0x1A2C0] =	vst v1  }
0x2a1: {  	[tilespmem:$0x1A2D0] =	vst v1  }
0x2a2: {  	[tilespmem:$0x1A2E0] =	vst v1  }
0x2a3: {  	[tilespmem:$0x1A2F0] =	vst v1  }
0x2a4: {  	[tilespmem:$0x1A300] =	vst v1  }
0x2a5: {  	[tilespmem:$0x1A310] =	vst v1  }
0x2a6: {  	[tilespmem:$0x1A320] =	vst v1  }
0x2a7: {  	[tilespmem:$0x1A330] =	vst v1  }
0x2a8: {  	[tilespmem:$0x1A340] =	vst v1  }
0x2a9: {  	[tilespmem:$0x1A350] =	vst v1  }
0x2aa: {  	[tilespmem:$0x1A360] =	vst v1;
	s26 =	spop (v2sf)  }
0x2ab: {  	[tilespmem:$0x1A370] =	vst v1;
	s3 =	sadd.s32 s3, s26  }
0x2ac: {  	[tilespmem:$0x1A380] =	vst v1;
	s4 =	sadd.s32 $0xF, s3  }
0x2ad: {  	[tilespmem:$0x1A390] =	vst v1;
	s20 =	sshra.s32 s4, $0x4  }
0x2ae: {  	[tilespmem:$0x1A3A0] =	vst v1;
	p0 =	slt.s32 s20, $0x1  }
.Ltmp47:
0x2af: {  	[tilespmem:$0x1A3B0] =	vst v1;
	(pc) =	sbr.rel @p0 .LBB2_82-.Ltmp47, $4  }
0x2b0: {  	[tilespmem:$0x1A3C0] =	vst v1  }
0x2b1: {  	[tilespmem:$0x1A3D0] =	vst v1  }
0x2b2: {  	[tilespmem:$0x1A3E0] =	vst v1  }
0x2b3: {  	[tilespmem:$0x1A3F0] =	vst v1;
	v4 =	vmov s3  }
0x2b4: {  	p2 =	seq.s32 s20, $0x1  }
.Ltmp48:
0x2b5: {  	_ = 	snop;
	(pc) =	sbr.rel @p2 .LBB2_77-.Ltmp48, $3  }
0x2b6: {  	_ =	sdelay $0x1  }
0x2b7: {  	s4 =	simm.s32 $0x12000  }
0x2b8: {  	s3 =	simm.s32 $0x0;
	p1 =	por $0x0, $0x0;
	v5 =	vld [tilespmem:s4+$0x0];
	s4 =	sadd.s32 $0xFFFFFFFF, s20  }
0x2b9: {  	_ =	sdelay $0x2  }
0x2ba: {  	v6 =	vor.u32 s3, v0  }
0x2bb: {  	vm0 =	vlt.s32 v6, v4;
	v5 =	vshrl.u32 v5, $0xC  }
0x2bc: {  	v5 =	vand.u32 $0x1FF, v5  }
0x2bd: {  	p2 =	seq.s32 s4, $0x1  }
.Ltmp49:
0x2be: {  	_ = 	snop;
	(pc) =	sbr.rel @p2 .LBB2_79-.Ltmp49, $3  }
0x2bf: {  	_ =	sdelay $0x1  }
0x2c0: {  	s5 =	simm.s32 $0x12010;
	[tilespmem:v5+s22+$0x0] =	vst.idx.add.s32.msk vm0, v2  }
0x2c1: {  	s6 =	sadd.s32 $0xFFFFFFFF, s4;
	p1 =	por $0x1, $0x1;
	s4 =	simm.s32 $0x0;
	v5 =	vld [tilespmem:s5+$0x0]  }
.LBB2_80:
0x2c2: {  	p2 =	seq.s32 s6, $0x1;
	_ =	sdelay $0x1  }
0x2c3: {  	s4 =	sadd.s32 $0x10, s4  }
0x2c4: {  	v6 =	vor.u32 s4, v0  }
0x2c5: {  	vm0 =	vlt.s32 v6, v4;
	v5 =	vshrl.u32 v5, $0xC  }
0x2c6: {  	v5 =	vand.u32 $0x1FF, v5;
	_ =	sdelay $0x1  }
.Ltmp50:
0x2c7: {  	(pc) =	sbr.rel @!p2 .LBB2_80-.Ltmp50, $3  }
0x2c8: {  	_ =	sdelay $0x1  }
0x2c9: {  	s5 =	sadd.s32 $0x10, s5;
	[tilespmem:v5+s22+$0x0] =	vst.idx.add.s32.msk vm0, v2  }
0x2ca: {  	s6 =	sadd.s32 $0xFFFFFFFF, s6;
	v5 =	vld [tilespmem:s5+$0x0]  }
.LBB2_81:
0x2cb: {  	_ = 	snop  }
0x2cc: {  	s4 =	sadd.s32 @p1 $0x10, s4  }
0x2cd: {  	s3 =	smov.u32 @p1 s4  }
0x2ce: {  	v6 =	vor.u32 s3, v0  }
0x2cf: {  	vm0 =	vlt.s32 v6, v4;
	v5 =	vshrl.u32 v5, $0xC  }
0x2d0: {  	v5 =	vand.u32 $0x1FF, v5;
	_ =	sdelay $0x4  }
0x2d1: {  	[tilespmem:v5+s22+$0x0] =	vst.idx.add.s32.msk vm0, v2  }
.LBB2_82:
0x2d2: {  	s4 =	simm.s32 $0x1A200  }
0x2d3: {  	v10 =	vld [tilespmem:s4+$0x0]  }
0x2d4: {  	s19 =	simm.s32 $0x1A210  }
0x2d5: {  	v8 =	vld [tilespmem:s19+$0x0];
	_ =	sdelay $0x2  }
0x2d6: {  	(xrf0) =	vadd.scan.msk.s32 $0xffff, v10;
	_ =	sdelay $0x1  }
0x2d7: {  	(xrf0) =	vadd.scan.msk.s32 $0xffff, v8;
	_ =	sdelay $0x3  }
0x2d8: {  	s24 =	simm.s32 $0x1A220;
	v13, _, _ =	vpop (xrf0)  }
0x2d9: {  	v7 =	vld [tilespmem:s24+$0x0];
	(v2sf) =	vpush v13, $0xF  }
0x2da: {  	v11, _, _ =	vpop (xrf0)  }
0x2db: {  	(v2sf) =	vpush v11, $0xF;
	_ =	sdelay $0x2  }
0x2dc: {  	s26 =	simm.s32 $0x1A230;
	(xrf0) =	vadd.scan.msk.s32 $0xffff, v7  }
0x2dd: {  	v9 =	vld [tilespmem:s26+$0x0];
	_ =	sdelay $0x1  }
0x2de: {  	s2 =	sand.u32 $0x3FFF, s2  }
0x2df: {  	s3 =	ssub.s32 $0xFFF, s2;
	s2 =	simm.s32 $0x0  }
0x2e0: {  	v6 =	vimm.s32 $0x7FFFFFFF;
	s6 =	simm.s32 $0x10;
	s5 =	simm.s32 $0x30;
	v14 =	vmov s2  }
0x2e1: {  	s7 =	simm.s32 $0x40;
	s8 =	simm.s32 $0x1A240;
	s4 =	simm.s32 $0x20;
	v5 =	vmov s3;
	v14 =	vshll.u32 v14, $0xE;
	(xrf0) =	vadd.scan.msk.s32 $0xffff, v9;
	v13 =	vadd.s32 s2, v13;
	v12, _, _ =	vpop (xrf0)  }
.LBB2_83:
0x2e2: {  	v15 =	vld [tilespmem:s8+$0x0];
	p1 =	sne.s32 s7, $0x1F0;
	(v2sf) =	vpush v12, $0xF;
	v14 =	vor.u32 v3, v14;
	v16 =	vsub.s32 v13, v10;
	v10 =	vmovc v8;
	v8 =	vmovc v7;
	s9 =	smov.u32 s7;
	s7 =	sadd.s32 $0x10, s7  }
.Ltmp51:
0x2e3: {  	vm0 =	vgt.s32 v13, v5;
	v7 =	vmovc v9;
	v9 =	vmovc v11;
	v11 =	vmov v12;
	v13 =	vor.u32 v14, v16;
	(pc) =	sbr.rel @p1 .LBB2_83-.Ltmp51, $4  }
0x2e4: {  	v12 =	vnsel vm0, $0x7FFFFFFF, v13  }
0x2e5: {  	vm0 =	vlt.s32 v6, v12;
	s10 =	spop (v2sf)  }
0x2e6: {  	v14 =	vmov s6;
	s6 =	smov.u32 s4;
	s4 =	smov.u32 s5;
	s2 =	sadd.s32 s2, s10;
	v6 =	vsel vm0, v6, v12  }
0x2e7: {  	s8 =	sadd.s32 $0x10, s8;
	s5 =	smov.u32 s9;
	v14 =	vshll.u32 v14, $0xE;
	(xrf0) =	vadd.scan.msk.s32 $0xffff, v15;
	v12, _, _ =	vpop (xrf0);
	v13 =	vadd.s32 s2, v9;
	v9 =	vmov v15  }
0x2e8: {  	(v2sf) =	vpush v12, $0xF;
	_ =	sdelay $0x8  }
0x2e9: {  	v14 =	vor.u32 v3, v14;
	v10 =	vsub.s32 v13, v10;
	s7 =	spop (v2sf);
	v57 =	vmov s6  }
0x2ea: {  	vm0 =	vgt.s32 v13, v5;
	v59 =	vmov s4;
	v62 =	vmov s5;
	s2 =	sadd.s32 s2, s7  }
0x2eb: {  	v10 =	vor.u32 v14, v10;
	v58 =	vshll.u32 v57, $0xE;
	v11 =	vadd.s32 s2, v11  }
0x2ec: {  	v10 =	vnsel vm0, $0x7FFFFFFF, v10;
	v13 =	vor.u32 v3, v58;
	v8 =	vsub.s32 v11, v8  }
0x2ed: {  	vm0 =	vlt.s32 v6, v10;
	vm1 =	vgt.s32 v11, v5;
	v8 =	vor.u32 v13, v8;
	s19 =	spop (v2sf)  }
0x2ee: {  	v6 =	vsel vm0, v6, v10;
	v10 =	vshll.u32 v59, $0xE;
	v8 =	vnsel vm1, $0x7FFFFFFF, v8;
	s2 =	sadd.s32 s2, s19  }
0x2ef: {  	v10 =	vor.u32 v3, v10;
	vm0 =	vlt.s32 v6, v8;
	v60 =	vadd.s32 s2, v12;
	s24 =	spop (v2sf)  }
0x2f0: {  	v61, _, _ =	vpop (xrf0);
	v6 =	vsel vm0, v6, v8;
	v8 =	vshll.u32 v62, $0xE;
	v7 =	vsub.s32 v60, v7;
	s2 =	sadd.s32 s2, s24  }
0x2f1: {  	vm14 =	vgt.s32 v60, v5;
	v7 =	vor.u32 v10, v7;
	v63 =	vadd.s32 s2, v61  }
0x2f2: {  	v8 =	vor.u32 v3, v8;
	v7 =	vnsel vm14, $0x7FFFFFFF, v7;
	v9 =	vsub.s32 v63, v9  }
0x2f3: {  	vm0 =	vlt.s32 v6, v7;
	vm15 =	vgt.s32 v63, v5;
	v5 =	vor.u32 v8, v9  }
0x2f4: {  	v6 =	vsel vm0, v6, v7;
	v5 =	vnsel vm15, $0x7FFFFFFF, v5  }
0x2f5: {  	vm0 =	vlt.s32 v6, v5  }
0x2f6: {  	v5 =	vsel vm0, v6, v5  }
0x2f7: {  	v5 =	vxor.u32 $0x80000000, v5  }
0x2f8: {  	(xrf0) =	vmin.scan.msk.u32 $0xffff, v5;
	_ =	sdelay $0x5  }
0x2f9: {  	(v2sf) =	vpush v61, $0xF;
	v5, _, _ =	vpop (xrf0)  }
0x2fa: {  	(v2sf) =	vpush v5, $0xF;
	_ =	sdelay $0xc  }
.Ltmp52:
0x2fb: {  	_ = 	snop;
	(pc) =	sbr.rel @p0 .LBB2_91-.Ltmp52, $4  }
0x2fc: {  	s26 =	spop (v2sf)  }
0x2fd: {  	s4 =	spop (v2sf)  }
0x2fe: {  	s2 =	sshra.s32 s4, $0xE  }
0x2ff: {  	s5 =	simm.s32 $0x0;
	s19 =	simm.s32 $0x0;
	s2 =	sxor.u32 $0xFFFE0000, s2  }
0x300: {  	p1 =	sne.s32 s20, $0x1  }
.Ltmp53:
0x301: {  	_ = 	snop;
	(pc) =	sbr.rel @!p1 .LBB2_86-.Ltmp53, $3  }
0x302: {  	_ =	sdelay $0x1  }
0x303: {  	s6 =	simm.s32 $0x12000  }
0x304: {  	v5 =	vmov s2;
	s5 =	simm.s32 $0x0;
	p0 =	por $0x0, $0x0;
	v6 =	vld [tilespmem:s6+$0x0];
	s6 =	sadd.s32 $0xFFFFFFFF, s20  }
0x305: {  	_ =	sdelay $0x3  }
0x306: {  	v7 =	vshrl.u32 v6, $0xC  }
0x307: {  	v8 =	vor.u32 s5, v0;
	v7 =	vand.u32 $0x1FF, v7  }
0x308: {  	vm0 =	vlt.s32 v8, v4;
	vm1 =	veq.s32 v7, v5  }
0x309: {  	vm0 =	vmand vm0, vm1  }
0x30a: {  	v7 =	vmpcnt.ones.xlane vm0;
	_ =	sdelay $0x1  }
0x30b: {  	p1 =	sne.s32 s6, $0x1;
	(v2sf) =	vpush v7, $0x0  }
.Ltmp54:
0x30c: {  	_ = 	snop;
	(pc) =	sbr.rel @!p1 .LBB2_88-.Ltmp54, $3  }
0x30d: {  	_ =	sdelay $0x1  }
0x30e: {  	s8 =	simm.s32 $0x12010;
	s9 =	sadd.s32 $0xFFFFFFFF, s6;
	[tilespmem:s5+$0x16100] =	vst.msk vm0, v6  }
0x30f: {  	p0 =	por $0x1, $0x1;
	s7 =	simm.s32 $0x0;
	s6 =	simm.s32 $0x0;
	v6 =	vld [tilespmem:s8+$0x0]  }
.LBB2_89:
0x310: {  	p1 =	sne.s32 s9, $0x1;
	_ =	sdelay $0x3  }
0x311: {  	s7 =	sadd.s32 $0x10, s7;
	v7 =	vshrl.u32 v6, $0xC  }
0x312: {  	v8 =	vor.u32 s7, v0;
	v7 =	vand.u32 $0x1FF, v7  }
0x313: {  	vm0 =	vlt.s32 v8, v4;
	vm1 =	veq.s32 v7, v5  }
0x314: {  	vm0 =	vmand vm0, vm1  }
0x315: {  	v7 =	vmpcnt.ones.xlane vm0  }
0x316: {  	s10 =	spop (v2sf)  }
0x317: {  	(v2sf) =	vpush v7, $0x0;
	s6 =	sadd.s32 s6, s10  }
.Ltmp55:
0x318: {  	[tilespmem:s6+$0x16100] =	vst.msk vm0, v6;
	(pc) =	sbr.rel @p1 .LBB2_89-.Ltmp55, $3  }
0x319: {  	_ =	sdelay $0x1  }
0x31a: {  	s8 =	sadd.s32 $0x10, s8  }
0x31b: {  	s9 =	sadd.s32 $0xFFFFFFFF, s9;
	v6 =	vld [tilespmem:s8+$0x0]  }
.LBB2_90:
0x31c: {  	_ =	sdelay $0x2  }
0x31d: {  	s7 =	sadd.s32 @p0 $0x10, s7;
	s8 =	simm.s32 $0x0  }
0x31e: {  	s8 =	smov.u32 @p0 s7;
	v7 =	vshrl.u32 v6, $0xC  }
0x31f: {  	v8 =	vor.u32 s8, v0;
	v7 =	vand.u32 $0x1FF, v7  }
0x320: {  	vm0 =	vlt.s32 v8, v4;
	vm1 =	veq.s32 v7, v5  }
0x321: {  	vm0 =	vmand vm0, vm1  }
0x322: {  	v4 =	vmpcnt.ones.xlane vm0;
	_ =	sdelay $0x1  }
0x323: {  	(v2sf) =	vpush v4, $0x0;
	_ =	sdelay $0xc  }
0x324: {  	s7 =	spop @p0 (v2sf)  }
0x325: {  	s6 =	sadd.s32 @p0 s6, s7  }
0x326: {  	s5 =	smov.u32 @p0 s6;
	s26 =	spop (v2sf)  }
0x327: {  	[tilespmem:s5+$0x16100] =	vst.msk vm0, v6;
	s5 =	sadd.s32 s5, s26  }
.LBB2_91:
.Ltmp56:
0x328: {  	(pc) =	sbr.rel .LBB2_92-.Ltmp56, $4  }
0x329: {  	_ = 	snop  }
0x32a: {  	s6 =	sadd.s32 $0xF, s5  }
0x32b: {  	s4 =	sand.u32 $0x3FFF, s4;
	v4 =	vmov s5;
	s5 =	simm.s32 $0x0;
	s20 =	sshra.s32 s6, $0x4  }
0x32c: {  	s3 =	ssub.s32 s3, s4;
	s4 =	simm.s32 $0xFFF;
	p0 =	slt.s32 s20, $0x1  }
.LBB2_93:
0x32d: {  	s7 =	simm.s32 $0x0  }
.LBB2_106:
0x32e: {  	s5 =	sadd.s32 $0x1, s5  }
0x32f: {  	p2 =	sne.s32 s5, $0xC  }
.Ltmp57:
0x330: {  	_ = 	snop;
	(pc) =	sbr.rel @!p2 .LBB2_107-.Ltmp57, $4  }
0x331: {  	_ = 	snop  }
0x332: {  	p1 =	sgt.s32 s7, s3;
	s7 =	sadd.s32 $0x1, s6  }
0x333: {  	s7 =	smov.u32 @p1 s19  }
0x334: {  	s4 =	smov.u32 @p1 s6;
	s19 =	smov.u32 s7  }
.LBB2_92:
.Ltmp58:
0x335: {  	(pc) =	sbr.rel @p0 .LBB2_93-.Ltmp58, $3  }
0x336: {  	_ =	sdelay $0x1  }
0x337: {  	s6 =	sadd.s32 s19, s4  }
0x338: {  	s6 =	sshra.s32 s6, $0x1  }
0x339: {  	s7 =	simm.s32 $0x16100  }
0x33a: {  	p5 =	sne.s32 s20, $0x1;
	v7 =	vld [tilespmem:s7+$0x0]  }
.Ltmp59:
0x33b: {  	_ = 	snop;
	(pc) =	sbr.rel @!p5 .LBB2_95-.Ltmp59, $4  }
0x33c: {  	_ = 	snop  }
0x33d: {  	s8 =	sadd.s32 $0xFFFFFFFF, s20  }
0x33e: {  	s9 =	simm.s32 $0x16110;
	p1 =	por $0x0, $0x0;
	s7 =	simm.s32 $0x0  }
0x33f: {  	v5 =	vmov s6;
	p2 =	por $0x0, $0x0;
	p3 =	por $0x0, $0x0;
	p4 =	por $0x0, $0x0;
	v6 =	vor.u32 s7, v0;
	v7 =	vand.u32 $0xFFF, v7  }
0x340: {  	v8 =	vld [tilespmem:s9+$0x0];
	p5 =	sne.s32 s8, $0x1  }
.Ltmp60:
0x341: {  	_ = 	snop;
	(pc) =	sbr.rel @!p5 .LBB2_97-.Ltmp60, $4  }
0x342: {  	vm0 =	vlt.s32 v6, v4;
	vm1 =	vle.s32 v7, v5  }
0x343: {  	vm0 =	vmand vm0, vm1  }
0x344: {  	s26 =	simm.s32 $0x10;
	v6 =	vsel vm0, $0x1, v1  }
0x345: {  	s8 =	sadd.s32 $0xFFFFFFFF, s8;
	s9 =	simm.s32 $0x16120;
	p1 =	por $0x1, $0x1;
	(xrf0) =	vadd.scan.msk.s32 $0xffff, v6;
	v6 =	vor.u32 s26, v0;
	v7 =	vand.u32 $0xFFF, v8  }
0x346: {  	_ =	sdelay $0x4  }
0x347: {  	vm1 =	vle.s32 v7, v5;
	v7, _, _ =	vpop (xrf0)  }
0x348: {  	(v2sf) =	vpush v7, $0xF;
	_ =	sdelay $0x7  }
0x349: {  	v8 =	vld [tilespmem:s9+$0x0];
	p5 =	sne.s32 s8, $0x1  }
.Ltmp61:
0x34a: {  	_ = 	snop;
	(pc) =	sbr.rel @!p5 .LBB2_99-.Ltmp61, $4  }
0x34b: {  	vm0 =	vlt.s32 v6, v4  }
0x34c: {  	vm0 =	vmand vm0, vm1  }
0x34d: {  	s26 =	simm.s32 $0x20;
	v6 =	vsel vm0, $0x1, v1  }
0x34e: {  	s8 =	sadd.s32 $0xFFFFFFFF, s8;
	s9 =	simm.s32 $0x16130;
	p2 =	por $0x1, $0x1;
	(xrf0) =	vadd.scan.msk.s32 $0xffff, v6;
	v6 =	vor.u32 s26, v0;
	v7 =	vand.u32 $0xFFF, v8  }
0x34f: {  	_ =	sdelay $0x4  }
0x350: {  	vm1 =	vle.s32 v7, v5;
	v7, _, _ =	vpop (xrf0)  }
0x351: {  	(v2sf) =	vpush v7, $0xF;
	_ =	sdelay $0x3  }
0x352: {  	v8 =	vld [tilespmem:s9+$0x0];
	p5 =	sne.s32 s8, $0x1  }
.Ltmp62:
0x353: {  	_ = 	snop;
	(pc) =	sbr.rel @!p5 .LBB2_101-.Ltmp62, $4  }
0x354: {  	vm0 =	vlt.s32 v6, v4  }
0x355: {  	vm0 =	vmand vm0, vm1  }
0x356: {  	s26 =	simm.s32 $0x30;
	v6 =	vsel vm0, $0x1, v1  }
0x357: {  	s8 =	sadd.s32 $0xFFFFFFFF, s8;
	s9 =	simm.s32 $0x16140;
	p3 =	por $0x1, $0x1;
	(xrf0) =	vadd.scan.msk.s32 $0xffff, v6;
	v6 =	vor.u32 s26, v0;
	v7 =	vand.u32 $0xFFF, v8  }
0x358: {  	_ =	sdelay $0x4  }
0x359: {  	vm1 =	vle.s32 v7, v5;
	v7, _, _ =	vpop (xrf0)  }
0x35a: {  	(v2sf) =	vpush v7, $0xF;
	_ =	sdelay $0x3  }
0x35b: {  	v8 =	vld [tilespmem:s9+$0x0];
	vm0 =	vlt.s32 v6, v4;
	p5 =	sne.s32 s8, $0x1  }
.Ltmp63:
0x35c: {  	vm0 =	vmand vm0, vm1;
	(pc) =	sbr.rel @!p5 .LBB2_103-.Ltmp63, $4  }
0x35d: {  	v6 =	vsel vm0, $0x1, v1  }
0x35e: {  	(xrf0) =	vadd.scan.msk.s32 $0xffff, v6  }
0x35f: {  	s9 =	sadd.s32 $0xFFFFFFFF, s8;
	s10 =	simm.s32 $0x40  }
0x360: {  	s11 =	simm.s32 $0x16150;
	p4 =	por $0x1, $0x1;
	s8 =	simm.s32 $0x0;
	v6 =	vor.u32 s10, v0;
	v7 =	vand.u32 $0xFFF, v8  }
.LBB2_104:
0x361: {  	v8 =	vld [tilespmem:s11+$0x0];
	p5 =	sne.s32 s9, $0x1;
	s9 =	sadd.s32 $0xFFFFFFFF, s9;
	vm0 =	vlt.s32 v6, v4;
	vm1 =	vle.s32 v7, v5  }
.Ltmp64:
0x362: {  	vm0 =	vmand vm0, vm1;
	s12 =	spop (v2sf);
	(pc) =	sbr.rel @p5 .LBB2_104-.Ltmp64, $4  }
0x363: {  	v7 =	vsel vm0, $0x1, v1;
	s8 =	sadd.s32 s8, s12  }
0x364: {  	(xrf0) =	vadd.scan.msk.s32 $0xffff, v7;
	v6, _, _ =	vpop (xrf0)  }
0x365: {  	s10 =	sadd.s32 $0x10, s10;
	(v2sf) =	vpush v6, $0xF  }
0x366: {  	s11 =	sadd.s32 $0x10, s11;
	v6 =	vor.u32 s10, v0;
	v7 =	vand.u32 $0xFFF, v8  }
.LBB2_105:
0x367: {  	vm0 =	vlt.s32 v6, v4;
	vm1 =	vle.s32 v7, v5  }
0x368: {  	vm0 =	vmand vm0, vm1  }
0x369: {  	v5 =	vsel vm0, $0x1, v1  }
0x36a: {  	(xrf0) =	vadd.scan.msk.s32 $0xffff, v5;
	_ =	sdelay $0x3  }
0x36b: {  	v5, _, _ =	vpop @p1 (xrf0)  }
0x36c: {  	(v2sf) =	vpush @p1 v5, $0xF  }
0x36d: {  	v5, _, _ =	vpop (xrf0)  }
0x36e: {  	(v2sf) =	vpush v5, $0xF;
	_ =	sdelay $0x6  }
0x36f: {  	s9 =	spop @p4 (v2sf)  }
0x370: {  	s8 =	sadd.s32 @p4 s8, s9;
	s9 =	simm.s32 $0x0  }
0x371: {  	s9 =	smov.u32 @p4 s8;
	s8 =	spop @p3 (v2sf)  }
0x372: {  	s8 =	sadd.s32 @p3 s9, s8;
	s9 =	simm.s32 $0x0  }
0x373: {  	s9 =	smov.u32 @p3 s8;
	s8 =	spop @p2 (v2sf)  }
.Ltmp65:
0x374: {  	s8 =	sadd.s32 @p2 s9, s8;
	s9 =	simm.s32 $0x0;
	(pc) =	sbr.rel .LBB2_106-.Ltmp65, $4  }
0x375: {  	s9 =	smov.u32 @p2 s8;
	s8 =	spop @p1 (v2sf)  }
0x376: {  	s8 =	sadd.s32 @p1 s9, s8  }
0x377: {  	s7 =	smov.u32 @p1 s8;
	s26 =	spop (v2sf)  }
0x378: {  	s7 =	sadd.s32 s7, s26  }
.LBB2_95:
.Ltmp66:
0x379: {  	(pc) =	sbr.rel .LBB2_105-.Ltmp66, $2  }
0x37a: {  	_ =	sdelay $0x2  }
0x37b: {  	s8 =	simm.s32 $0x0  }
.LBB2_97:
.Ltmp67:
0x37c: {  	(pc) =	sbr.rel .LBB2_105-.Ltmp67, $2  }
0x37d: {  	_ =	sdelay $0x2  }
0x37e: {  	s8 =	simm.s32 $0x0  }
.LBB2_99:
.Ltmp68:
0x37f: {  	(pc) =	sbr.rel .LBB2_105-.Ltmp68, $2  }
0x380: {  	_ =	sdelay $0x2  }
0x381: {  	s8 =	simm.s32 $0x0  }
.LBB2_101:
.Ltmp69:
0x382: {  	(pc) =	sbr.rel .LBB2_105-.Ltmp69, $2  }
0x383: {  	_ =	sdelay $0x3  }
0x384: {  	s8 =	simm.s32 $0x0  }
.LBB2_103:
.Ltmp70:
0x385: {  	(pc) =	sbr.rel .LBB2_105-.Ltmp70, $2  }
0x386: {  	_ =	sdelay $0x2  }
0x387: {  	s8 =	simm.s32 $0x0  }
.LBB2_107:
0x388: {  	s3 =	sshll.u32 s18, $0x15;
	s2 =	sshll.u32 s2, $0xC  }
0x389: {  	s2 =	sor.u32 s3, s2  }
0x38a: {  	s2 =	sor.u32 s7, s2  }
0x38b: {  	s3 =	simm.s32 $0xFFFFFFFF;
	p0 =	sgt.s32 s2, $0xFFFFFFFF  }
0x38c: {  	s3 =	simm.s32 @!p0 $0x80000000  }
0x38d: {  	s2 =	sxor.u32 s2, s3  }
0x38e: {  	v4 =	vmov s2;
	s2 =	simm.s32 $0x0  }
0x38f: {  	v5 =	vld [tilespmem:s2+$0x4000]  }
0x390: {  	s3 =	simm.s32 $0x40;
	v4 =	vbroadcast v4, $0x0  }
.LBB2_108:
0x391: {  	p0 =	sne.s32 s3, $0x7FC0  }
.Ltmp71:
0x392: {  	_ = 	snop;
	(pc) =	sbr.rel @p0 .LBB2_108-.Ltmp71, $4  }
0x393: {  	_ = 	snop  }
0x394: {  	s4 =	sshra.s32 s3, $0x2;
	s3 =	sadd.s32 $0x40, s3;
	vm0 =	vlt.f32 v5, v4  }
0x395: {  	v5 =	vld [tilespmem:s4+$0x4000];
	v6 =	vsel vm0, $0x1, v1  }
0x396: {  	[tilespmem:s2+$0x10000] =	vst v6;
	s2 =	smov.u32 s4  }
0x397: {  	_ =	sdelay $0x2  }
0x398: {  	vm0 =	vlt.f32 v5, v4  }
0x399: {  	v4 =	vsel vm0, $0x1, v1  }
0x39a: {  	s26 =	rddreg [dreg:$0xd];
	s3 =	simm.s32 $0x10000;
	[tilespmem:s2+$0x10000] =	vst v4  }
0x39b: {  	[hbm4b:s26+s14] =	stream.strided.scatter [tilespmem:s3], [sflag:$0x9], $0x2000, s15, s14, $0x38;
	[tilespmem:$0x1AA00] =	vst v63  }
0x39c: {  	_ =	swait.ge [sflag:s28], $0x2000  }
0x39d: {  	s4 =	simm.s32 $0x100;
	[sflag:s28] =	ssyncset.done $0x0  }
0x39e: {  	s2 =	simm.s32 $0x0;
	s3 =	simm.s32 $0x0;
	[sflag:s28] =	ssyncadd.s32 $0xFFFFE000  }
.LBB2_110:
0x39f: {  	p0 =	sne.s32 s4, $0x1F00;
	[tilespmem:s3+$0x1A230] =	vst v1;
	s5 =	smov.u32 s4;
	s4 =	sadd.s32 $0x100, s4  }
.Ltmp72:
0x3a0: {  	[tilespmem:s3+$0x1A220] =	vst v1;
	(pc) =	sbr.rel @p0 .LBB2_110-.Ltmp72, $3  }
0x3a1: {  	[tilespmem:s3+$0x1A200] =	vst v1  }
0x3a2: {  	[tilespmem:s3+$0x1A210] =	vst v1;
	_ =	sdelay $0x1  }
0x3a3: {  	s3 =	sshra.s32 s5, $0x2  }
0x3a4: {  	[tilespmem:s3+$0x1A230] =	vst v1  }
0x3a5: {  	[tilespmem:s3+$0x1A220] =	vst v1  }
0x3a6: {  	[tilespmem:s3+$0x1A200] =	vst v1  }
0x3a7: {  	[tilespmem:s3+$0x1A210] =	vst v1  }
.LBB2_112:
0x3a8: {  	s3 =	sshra.s32 s2, $0x2  }
0x3a9: {  	v4 =	vld [tilespmem:s3+$0x2000];
	_ =	sdelay $0x4  }
0x3aa: {  	v5 =	vshra.s32 v4, $0x1F  }
0x3ab: {  	v5 =	vor.u32 $0x80000000, v5  }
0x3ac: {  	v4 =	vxor.u32 v4, v5  }
0x3ad: {  	p0 =	sne.s32 s2, $0x7FC0;
	v5 =	vshrl.u32 v4, $0x15  }
.Ltmp73:
0x3ae: {  	_ = 	snop;
	(pc) =	sbr.rel @p0 .LBB2_112-.Ltmp73, $3  }
0x3af: {  	_ =	sdelay $0x1  }
0x3b0: {  	[tilespmem:s3+$0xC000] =	vst v4;
	s3 =	simm.s32 $0x1A200  }
0x3b1: {  	s2 =	sadd.s32 $0x40, s2;
	[tilespmem:v5+s3+$0x0] =	vst.idx.add.s32.msk $0xffff, v2  }
0x3b2: {  	v8 =	vld [tilespmem:s3+$0x0]  }
0x3b3: {  	s2 =	simm.s32 $0x1A210  }
0x3b4: {  	v5 =	vld [tilespmem:s2+$0x0];
	_ =	sdelay $0x2  }
0x3b5: {  	(xrf0) =	vadd.scan.msk.s32 $0xffff, v8;
	_ =	sdelay $0x1  }
0x3b6: {  	(xrf0) =	vadd.scan.msk.s32 $0xffff, v5;
	_ =	sdelay $0x3  }
0x3b7: {  	s24 =	simm.s32 $0x1A220;
	v11, _, _ =	vpop (xrf0)  }
0x3b8: {  	v4 =	vld [tilespmem:s24+$0x0];
	(v2sf) =	vpush v11, $0xF  }
0x3b9: {  	v9, _, _ =	vpop (xrf0)  }
0x3ba: {  	(v2sf) =	vpush v9, $0xF;
	_ =	sdelay $0x2  }
0x3bb: {  	s26 =	simm.s32 $0x1A230;
	(xrf0) =	vadd.scan.msk.s32 $0xffff, v4  }
0x3bc: {  	v6 =	vld [tilespmem:s26+$0x0];
	_ =	sdelay $0x2  }
0x3bd: {  	s4 =	simm.s32 $0x0  }
0x3be: {  	s5 =	simm.s32 $0x10;
	s3 =	simm.s32 $0x30;
	v12 =	vmov s4  }
0x3bf: {  	v7 =	vimm.s32 $0x7FFFFFFF;
	s6 =	simm.s32 $0x40;
	s7 =	simm.s32 $0x1A240;
	s2 =	simm.s32 $0x20;
	v12 =	vshll.u32 v12, $0xE;
	(xrf0) =	vadd.scan.msk.s32 $0xffff, v6;
	v11 =	vadd.s32 s4, v11;
	v10, _, _ =	vpop (xrf0)  }
.LBB2_114:
0x3c0: {  	v13 =	vld [tilespmem:s7+$0x0];
	p0 =	sne.s32 s6, $0x7F0;
	(v2sf) =	vpush v10, $0xF;
	v12 =	vor.u32 v3, v12;
	v14 =	vsub.s32 v11, v8;
	v8 =	vmovc v5;
	v5 =	vmovc v4;
	s8 =	smov.u32 s6;
	s6 =	sadd.s32 $0x10, s6  }
.Ltmp74:
0x3c1: {  	vm0 =	vgt.s32 v11, $0x1000;
	v4 =	vmovc v6;
	v6 =	vmovc v9;
	v9 =	vmov v10;
	v11 =	vor.u32 v12, v14;
	(pc) =	sbr.rel @p0 .LBB2_114-.Ltmp74, $4  }
0x3c2: {  	v10 =	vnsel vm0, $0x7FFFFFFF, v11  }
0x3c3: {  	vm0 =	vlt.s32 v7, v10;
	s9 =	spop (v2sf)  }
0x3c4: {  	v12 =	vmov s5;
	s5 =	smov.u32 s2;
	s2 =	smov.u32 s3;
	s4 =	sadd.s32 s4, s9;
	v7 =	vsel vm0, v7, v10  }
0x3c5: {  	s7 =	sadd.s32 $0x10, s7;
	s3 =	smov.u32 s8;
	v12 =	vshll.u32 v12, $0xE;
	(xrf0) =	vadd.scan.msk.s32 $0xffff, v13;
	v10, _, _ =	vpop (xrf0);
	v11 =	vadd.s32 s4, v6;
	v6 =	vmov v13  }
0x3c6: {  	(v2sf) =	vpush v10, $0xF;
	_ =	sdelay $0x7  }
0x3c7: {  	v12 =	vor.u32 v3, v12;
	s6 =	spop (v2sf)  }
0x3c8: {  	v8 =	vsub.s32 v11, v8;
	v59 =	vmov s5;
	vm0 =	vgt.s32 v11, $0x1000;
	s4 =	sadd.s32 s4, s6  }
0x3c9: {  	v8 =	vor.u32 v12, v8;
	v60 =	vshll.u32 v59, $0xE;
	v9 =	vadd.s32 s4, v9  }
0x3ca: {  	v8 =	vnsel vm0, $0x7FFFFFFF, v8;
	v11 =	vor.u32 v3, v60;
	v5 =	vsub.s32 v9, v5  }
0x3cb: {  	vm0 =	vlt.s32 v7, v8;
	vm1 =	vgt.s32 v9, $0x1000;
	v5 =	vor.u32 v11, v5  }
0x3cc: {  	v61 =	vmov s2;
	v7 =	vsel vm0, v7, v8;
	v5 =	vnsel vm1, $0x7FFFFFFF, v5;
	s18 =	spop (v2sf)  }
0x3cd: {  	v8 =	vshll.u32 v61, $0xE;
	vm0 =	vlt.s32 v7, v5;
	s19 =	sadd.s32 s4, s18  }
0x3ce: {  	v8 =	vor.u32 v3, v8;
	v5 =	vsel vm0, v7, v5;
	v7 =	vadd.s32 s19, v10;
	s20 =	spop (v2sf)  }
0x3cf: {  	v62, _, _ =	vpop (xrf0);
	v4 =	vsub.s32 v7, v4;
	vm13 =	vgt.s32 v7, $0x1000;
	v7 =	vmov s3;
	s2 =	sadd.s32 s19, s20  }
0x3d0: {  	v4 =	vor.u32 v8, v4;
	v7 =	vshll.u32 v7, $0xE;
	v63 =	vadd.s32 s2, v62  }
0x3d1: {  	v4 =	vnsel vm13, $0x7FFFFFFF, v4;
	v7 =	vor.u32 v3, v7;
	v6 =	vsub.s32 v63, v6  }
0x3d2: {  	vm0 =	vlt.s32 v5, v4;
	vm14 =	vgt.s32 v63, $0x1000;
	v6 =	vor.u32 v7, v6  }
0x3d3: {  	v4 =	vsel vm0, v5, v4;
	v5 =	vnsel vm14, $0x7FFFFFFF, v6  }
0x3d4: {  	vm0 =	vlt.s32 v4, v5  }
0x3d5: {  	v4 =	vsel vm0, v4, v5  }
0x3d6: {  	v4 =	vxor.u32 $0x80000000, v4  }
0x3d7: {  	(xrf0) =	vmin.scan.msk.u32 $0xffff, v4;
	_ =	sdelay $0x5  }
0x3d8: {  	(v2sf) =	vpush v62, $0xF;
	v4, _, _ =	vpop (xrf0)  }
0x3d9: {  	(v2sf) =	vpush v4, $0xF;
	_ =	sdelay $0x8  }
0x3da: {  	s24 =	simm.s32 $0x2000  }
0x3db: {  	v4 =	vld [tilespmem:s24+$0x0];
	_ =	sdelay $0x3  }
0x3dc: {  	s26 =	spop (v2sf)  }
0x3dd: {  	v5 =	vshra.s32 v4, $0x1F;
	s3 =	spop (v2sf)  }
0x3de: {  	v5 =	vor.u32 $0x80000000, v5;
	s19 =	sshra.s32 s3, $0xE  }
0x3df: {  	v5 =	vxor.u32 v4, v5;
	s2 =	sxor.u32 $0xFFFE0000, s19  }
0x3e0: {  	v6 =	vshrl.u32 v5, $0x15;
	v4 =	vmov s2  }
0x3e1: {  	vm15 =	veq.s32 v6, v4  }
0x3e2: {  	v6 =	vmpcnt.ones.xlane vm15;
	_ =	sdelay $0x1  }
0x3e3: {  	(v2sf) =	vpush v6, $0x0  }
0x3e4: {  	s2 =	simm.s32 $0x0  }
0x3e5: {  	[tilespmem:s2+$0x12000] =	vst.msk vm15, v5;
	v5 =	vor.u32 s2, v0  }
0x3e6: {  	s5 =	simm.s32 $0x2010;
	[tilespmem:s2+$0x14080] =	vst.msk vm15, v5  }
0x3e7: {  	s6 =	simm.s32 $0x20;
	s4 =	simm.s32 $0x10;
	v5 =	vld [tilespmem:s5+$0x0]  }
.LBB2_116:
0x3e8: {  	p0 =	sne.s32 s6, $0x1FF0;
	_ =	sdelay $0x3  }
0x3e9: {  	v6 =	vshra.s32 v5, $0x1F  }
0x3ea: {  	v6 =	vor.u32 $0x80000000, v6  }
0x3eb: {  	v5 =	vxor.u32 v5, v6  }
0x3ec: {  	v6 =	vshrl.u32 v5, $0x15  }
0x3ed: {  	vm0 =	veq.s32 v6, v4  }
0x3ee: {  	v6 =	vmpcnt.ones.xlane vm0  }
0x3ef: {  	s7 =	spop (v2sf)  }
.Ltmp75:
0x3f0: {  	(v2sf) =	vpush v6, $0x0;
	s2 =	sadd.s32 s2, s7;
	(pc) =	sbr.rel @p0 .LBB2_116-.Ltmp75, $4  }
0x3f1: {  	[tilespmem:s2+$0x12000] =	vst.msk vm0, v5;
	v5 =	vor.u32 s4, v0;
	s4 =	smov.u32 s6  }
0x3f2: {  	[tilespmem:s2+$0x14080] =	vst.msk vm0, v5  }
0x3f3: {  	s5 =	sadd.s32 $0x10, s5  }
0x3f4: {  	s6 =	sadd.s32 $0x10, s6;
	v5 =	vld [tilespmem:s5+$0x0]  }
0x3f5: {  	_ =	sdelay $0x6  }
0x3f6: {  	v6 =	vshra.s32 v5, $0x1F  }
0x3f7: {  	v6 =	vor.u32 $0x80000000, v6  }
0x3f8: {  	v5 =	vxor.u32 v5, v6  }
0x3f9: {  	v6 =	vshrl.u32 v5, $0x15;
	s5 =	spop (v2sf)  }
0x3fa: {  	vm0 =	veq.s32 v6, v4;
	s2 =	sadd.s32 s2, s5  }
0x3fb: {  	v4 =	vor.u32 s4, v0;
	[tilespmem:s2+$0x12000] =	vst.msk vm0, v5  }
0x3fc: {  	[tilespmem:s2+$0x14080] =	vst.msk vm0, v4  }
0x3fd: {  	[tilespmem:$0x1A200] =	vst v1  }
0x3fe: {  	[tilespmem:$0x1A210] =	vst v1  }
0x3ff: {  	[tilespmem:$0x1A220] =	vst v1  }
0x400: {  	[tilespmem:$0x1A230] =	vst v1  }
0x401: {  	[tilespmem:$0x1A240] =	vst v1  }
0x402: {  	v4 =	vmpcnt.ones.xlane vm0;
	[tilespmem:$0x1A250] =	vst v1  }
0x403: {  	[tilespmem:$0x1A260] =	vst v1  }
0x404: {  	[tilespmem:$0x1A270] =	vst v1;
	(v2sf) =	vpush v4, $0x0  }
0x405: {  	[tilespmem:$0x1A280] =	vst v1  }
0x406: {  	[tilespmem:$0x1A290] =	vst v1  }
0x407: {  	[tilespmem:$0x1A2A0] =	vst v1  }
0x408: {  	[tilespmem:$0x1A2B0] =	vst v1  }
0x409: {  	[tilespmem:$0x1A2C0] =	vst v1  }
0x40a: {  	[tilespmem:$0x1A2D0] =	vst v1  }
0x40b: {  	[tilespmem:$0x1A2E0] =	vst v1  }
0x40c: {  	[tilespmem:$0x1A2F0] =	vst v1  }
0x40d: {  	[tilespmem:$0x1A300] =	vst v1  }
0x40e: {  	[tilespmem:$0x1A310] =	vst v1  }
0x40f: {  	[tilespmem:$0x1A320] =	vst v1  }
0x410: {  	[tilespmem:$0x1A330] =	vst v1  }
0x411: {  	[tilespmem:$0x1A340] =	vst v1  }
0x412: {  	[tilespmem:$0x1A350] =	vst v1  }
0x413: {  	[tilespmem:$0x1A360] =	vst v1;
	s26 =	spop (v2sf)  }
0x414: {  	[tilespmem:$0x1A370] =	vst v1;
	s4 =	sadd.s32 s2, s26  }
0x415: {  	[tilespmem:$0x1A380] =	vst v1;
	s2 =	sadd.s32 $0xF, s4  }
0x416: {  	[tilespmem:$0x1A390] =	vst v1;
	s2 =	sshra.s32 s2, $0x4  }
0x417: {  	[tilespmem:$0x1A3A0] =	vst v1;
	p0 =	slt.s32 s2, $0x1  }
.Ltmp76:
0x418: {  	[tilespmem:$0x1A3B0] =	vst v1;
	(pc) =	sbr.rel @p0 .LBB2_124-.Ltmp76, $4  }
0x419: {  	[tilespmem:$0x1A3C0] =	vst v1  }
0x41a: {  	[tilespmem:$0x1A3D0] =	vst v1  }
0x41b: {  	[tilespmem:$0x1A3E0] =	vst v1  }
0x41c: {  	[tilespmem:$0x1A3F0] =	vst v1;
	v4 =	vmov s4  }
0x41d: {  	p2 =	seq.s32 s2, $0x1  }
.Ltmp77:
0x41e: {  	_ = 	snop;
	(pc) =	sbr.rel @p2 .LBB2_119-.Ltmp77, $3  }
0x41f: {  	_ =	sdelay $0x1  }
0x420: {  	s5 =	simm.s32 $0x12000  }
0x421: {  	s4 =	simm.s32 $0x0;
	p1 =	por $0x0, $0x0;
	v5 =	vld [tilespmem:s5+$0x0];
	s5 =	sadd.s32 $0xFFFFFFFF, s2  }
0x422: {  	_ =	sdelay $0x2  }
0x423: {  	v6 =	vor.u32 s4, v0  }
0x424: {  	vm0 =	vlt.s32 v6, v4;
	v5 =	vshrl.u32 v5, $0xC  }
0x425: {  	v5 =	vand.u32 $0x1FF, v5  }
0x426: {  	p2 =	seq.s32 s5, $0x1  }
.Ltmp78:
0x427: {  	_ = 	snop;
	(pc) =	sbr.rel @p2 .LBB2_121-.Ltmp78, $3  }
0x428: {  	_ =	sdelay $0x1  }
0x429: {  	s6 =	simm.s32 $0x12010;
	[tilespmem:v5+s22+$0x0] =	vst.idx.add.s32.msk vm0, v2  }
0x42a: {  	s7 =	sadd.s32 $0xFFFFFFFF, s5;
	p1 =	por $0x1, $0x1;
	s5 =	simm.s32 $0x0;
	v5 =	vld [tilespmem:s6+$0x0]  }
.LBB2_122:
0x42b: {  	p2 =	seq.s32 s7, $0x1;
	_ =	sdelay $0x1  }
0x42c: {  	s5 =	sadd.s32 $0x10, s5  }
0x42d: {  	v6 =	vor.u32 s5, v0  }
0x42e: {  	vm0 =	vlt.s32 v6, v4;
	v5 =	vshrl.u32 v5, $0xC  }
0x42f: {  	v5 =	vand.u32 $0x1FF, v5;
	_ =	sdelay $0x1  }
.Ltmp79:
0x430: {  	(pc) =	sbr.rel @!p2 .LBB2_122-.Ltmp79, $3  }
0x431: {  	_ =	sdelay $0x1  }
0x432: {  	s6 =	sadd.s32 $0x10, s6;
	[tilespmem:v5+s22+$0x0] =	vst.idx.add.s32.msk vm0, v2  }
0x433: {  	s7 =	sadd.s32 $0xFFFFFFFF, s7;
	v5 =	vld [tilespmem:s6+$0x0]  }
.LBB2_123:
0x434: {  	_ = 	snop  }
0x435: {  	s5 =	sadd.s32 @p1 $0x10, s5  }
0x436: {  	s4 =	smov.u32 @p1 s5  }
0x437: {  	v6 =	vor.u32 s4, v0  }
0x438: {  	vm0 =	vlt.s32 v6, v4;
	v5 =	vshrl.u32 v5, $0xC  }
0x439: {  	v5 =	vand.u32 $0x1FF, v5;
	_ =	sdelay $0x4  }
0x43a: {  	[tilespmem:v5+s22+$0x0] =	vst.idx.add.s32.msk vm0, v2  }
.LBB2_124:
0x43b: {  	s5 =	simm.s32 $0x1A200  }
0x43c: {  	v10 =	vld [tilespmem:s5+$0x0]  }
0x43d: {  	s20 =	simm.s32 $0x1A210  }
0x43e: {  	v8 =	vld [tilespmem:s20+$0x0];
	_ =	sdelay $0x2  }
0x43f: {  	(xrf0) =	vadd.scan.msk.s32 $0xffff, v10;
	_ =	sdelay $0x1  }
0x440: {  	(xrf0) =	vadd.scan.msk.s32 $0xffff, v8;
	_ =	sdelay $0x3  }
0x441: {  	s24 =	simm.s32 $0x1A220;
	v13, _, _ =	vpop (xrf0)  }
0x442: {  	v7 =	vld [tilespmem:s24+$0x0];
	(v2sf) =	vpush v13, $0xF  }
0x443: {  	v11, _, _ =	vpop (xrf0)  }
0x444: {  	(v2sf) =	vpush v11, $0xF;
	_ =	sdelay $0x2  }
0x445: {  	s26 =	simm.s32 $0x1A230;
	(xrf0) =	vadd.scan.msk.s32 $0xffff, v7  }
0x446: {  	v9 =	vld [tilespmem:s26+$0x0];
	_ =	sdelay $0x2  }
0x447: {  	s18 =	sand.u32 $0x3FFF, s3;
	s4 =	simm.s32 $0x0  }
0x448: {  	v6 =	vimm.s32 $0x7FFFFFFF;
	s7 =	simm.s32 $0x10;
	s6 =	simm.s32 $0x30;
	s3 =	ssub.s32 $0x1000, s18;
	v14 =	vmov s4  }
0x449: {  	s8 =	simm.s32 $0x40;
	s9 =	simm.s32 $0x1A240;
	s5 =	simm.s32 $0x20;
	v5 =	vmov s3;
	v14 =	vshll.u32 v14, $0xE;
	(xrf0) =	vadd.scan.msk.s32 $0xffff, v9;
	v13 =	vadd.s32 s4, v13;
	v12, _, _ =	vpop (xrf0)  }
.LBB2_125:
0x44a: {  	v15 =	vld [tilespmem:s9+$0x0];
	p1 =	sne.s32 s8, $0x1F0;
	(v2sf) =	vpush v12, $0xF;
	v14 =	vor.u32 v3, v14;
	v16 =	vsub.s32 v13, v10;
	v10 =	vmovc v8;
	v8 =	vmovc v7;
	s10 =	smov.u32 s8;
	s8 =	sadd.s32 $0x10, s8  }
.Ltmp80:
0x44b: {  	vm0 =	vgt.s32 v13, v5;
	v7 =	vmovc v9;
	v9 =	vmovc v11;
	v11 =	vmov v12;
	v13 =	vor.u32 v14, v16;
	(pc) =	sbr.rel @p1 .LBB2_125-.Ltmp80, $4  }
0x44c: {  	v12 =	vnsel vm0, $0x7FFFFFFF, v13  }
0x44d: {  	vm0 =	vlt.s32 v6, v12;
	s11 =	spop (v2sf)  }
0x44e: {  	v14 =	vmov s7;
	s7 =	smov.u32 s5;
	s5 =	smov.u32 s6;
	s4 =	sadd.s32 s4, s11;
	v6 =	vsel vm0, v6, v12  }
0x44f: {  	s9 =	sadd.s32 $0x10, s9;
	s6 =	smov.u32 s10;
	v14 =	vshll.u32 v14, $0xE;
	(xrf0) =	vadd.scan.msk.s32 $0xffff, v15;
	v12, _, _ =	vpop (xrf0);
	v13 =	vadd.s32 s4, v9;
	v9 =	vmov v15  }
0x450: {  	(v2sf) =	vpush v12, $0xF;
	_ =	sdelay $0x8  }
0x451: {  	v14 =	vor.u32 v3, v14;
	v10 =	vsub.s32 v13, v10;
	s8 =	spop (v2sf);
	v57 =	vmov s7  }
0x452: {  	vm0 =	vgt.s32 v13, v5;
	v59 =	vmov s5;
	v62 =	vmov s6;
	s4 =	sadd.s32 s4, s8  }
0x453: {  	v10 =	vor.u32 v14, v10;
	v58 =	vshll.u32 v57, $0xE;
	v11 =	vadd.s32 s4, v11  }
0x454: {  	v10 =	vnsel vm0, $0x7FFFFFFF, v10;
	v13 =	vor.u32 v3, v58;
	v8 =	vsub.s32 v11, v8  }
0x455: {  	vm0 =	vlt.s32 v6, v10;
	vm1 =	vgt.s32 v11, v5;
	v8 =	vor.u32 v13, v8;
	s12 =	spop (v2sf)  }
0x456: {  	v6 =	vsel vm0, v6, v10;
	v10 =	vshll.u32 v59, $0xE;
	v8 =	vnsel vm1, $0x7FFFFFFF, v8;
	s4 =	sadd.s32 s4, s12  }
0x457: {  	v10 =	vor.u32 v3, v10;
	vm0 =	vlt.s32 v6, v8;
	v60 =	vadd.s32 s4, v12;
	s20 =	spop (v2sf)  }
0x458: {  	v61, _, _ =	vpop (xrf0);
	v6 =	vsel vm0, v6, v8;
	v8 =	vshll.u32 v62, $0xE;
	v7 =	vsub.s32 v60, v7;
	s4 =	sadd.s32 s4, s20  }
0x459: {  	vm14 =	vgt.s32 v60, v5;
	v7 =	vor.u32 v10, v7;
	v63 =	vadd.s32 s4, v61  }
0x45a: {  	v8 =	vor.u32 v3, v8;
	v7 =	vnsel vm14, $0x7FFFFFFF, v7;
	v9 =	vsub.s32 v63, v9  }
0x45b: {  	vm0 =	vlt.s32 v6, v7;
	vm15 =	vgt.s32 v63, v5;
	v5 =	vor.u32 v8, v9  }
0x45c: {  	v6 =	vsel vm0, v6, v7;
	v5 =	vnsel vm15, $0x7FFFFFFF, v5  }
0x45d: {  	vm0 =	vlt.s32 v6, v5  }
0x45e: {  	v5 =	vsel vm0, v6, v5  }
0x45f: {  	v5 =	vxor.u32 $0x80000000, v5  }
0x460: {  	(xrf0) =	vmin.scan.msk.u32 $0xffff, v5;
	_ =	sdelay $0x5  }
0x461: {  	(v2sf) =	vpush v61, $0xF;
	v5, _, _ =	vpop (xrf0)  }
0x462: {  	(v2sf) =	vpush v5, $0xF;
	_ =	sdelay $0xc  }
.Ltmp81:
0x463: {  	_ = 	snop;
	(pc) =	sbr.rel @p0 .LBB2_133-.Ltmp81, $4  }
0x464: {  	s24 =	spop (v2sf)  }
0x465: {  	s4 =	spop (v2sf)  }
0x466: {  	s26 =	sshra.s32 s4, $0xE  }
0x467: {  	s5 =	simm.s32 $0x0;
	s24 =	sxor.u32 $0xFFFE0000, s26;
	s26 =	simm.s32 $0x0  }
0x468: {  	p1 =	sne.s32 s2, $0x1  }
.Ltmp82:
0x469: {  	_ = 	snop;
	(pc) =	sbr.rel @!p1 .LBB2_128-.Ltmp82, $3  }
0x46a: {  	_ =	sdelay $0x1  }
0x46b: {  	s7 =	simm.s32 $0x12000;
	s6 =	simm.s32 $0x14080  }
0x46c: {  	v5 =	vmov s24;
	s5 =	simm.s32 $0x0;
	s2 =	sadd.s32 $0xFFFFFFFF, s2;
	p0 =	por $0x0, $0x0;
	v6 =	vld [tilespmem:s7+$0x0]  }
0x46d: {  	_ =	sdelay $0x3  }
0x46e: {  	v7 =	vshrl.u32 v6, $0xC  }
0x46f: {  	v8 =	vor.u32 s5, v0;
	v7 =	vand.u32 $0x1FF, v7  }
0x470: {  	vm0 =	vlt.s32 v8, v4;
	vm1 =	veq.s32 v7, v5  }
0x471: {  	vm0 =	vmand vm0, vm1  }
0x472: {  	v7 =	vmpcnt.ones.xlane vm0;
	_ =	sdelay $0x1  }
0x473: {  	[tilespmem:s5+$0x16100] =	vst.msk vm0, v6;
	(v2sf) =	vpush v7, $0x0  }
0x474: {  	v6 =	vld [tilespmem:s6+$0x0]  }
0x475: {  	p1 =	sne.s32 s2, $0x1  }
.Ltmp83:
0x476: {  	_ = 	snop;
	(pc) =	sbr.rel @!p1 .LBB2_130-.Ltmp83, $3  }
0x477: {  	_ =	sdelay $0x1  }
0x478: {  	s20 =	simm.s32 $0x12010;
	s9 =	sadd.s32 $0xFFFFFFFF, s2;
	p0 =	por $0x1, $0x1;
	[tilespmem:s5+$0x18180] =	vst.msk vm0, v6  }
0x479: {  	s8 =	simm.s32 $0x0;
	s2 =	simm.s32 $0x0;
	s7 =	simm.s32 $0x14080;
	v6 =	vld [tilespmem:s20+$0x0]  }
.LBB2_131:
0x47a: {  	p1 =	sne.s32 s9, $0x1;
	_ =	sdelay $0x3  }
0x47b: {  	s8 =	sadd.s32 $0x10, s8;
	v7 =	vshrl.u32 v6, $0xC  }
0x47c: {  	v8 =	vor.u32 s8, v0;
	v7 =	vand.u32 $0x1FF, v7  }
0x47d: {  	vm0 =	vlt.s32 v8, v4;
	vm1 =	veq.s32 v7, v5  }
0x47e: {  	vm0 =	vmand vm0, vm1;
	s10 =	spop (v2sf)  }
0x47f: {  	v7 =	vmpcnt.ones.xlane vm0;
	s2 =	sadd.s32 s2, s10  }
0x480: {  	s7 =	sadd.s32 $0x10, s7;
	[tilespmem:s2+$0x16100] =	vst.msk vm0, v6  }
0x481: {  	v6 =	vld [tilespmem:s7+$0x0];
	(v2sf) =	vpush v7, $0x0;
	_ =	sdelay $0x2  }
.Ltmp84:
0x482: {  	(pc) =	sbr.rel @p1 .LBB2_131-.Ltmp84, $4  }
0x483: {  	_ = 	snop  }
0x484: {  	[tilespmem:s2+$0x18180] =	vst.msk vm0, v6  }
0x485: {  	s20 =	sadd.s32 $0x10, s20  }
0x486: {  	s9 =	sadd.s32 $0xFFFFFFFF, s9;
	v6 =	vld [tilespmem:s20+$0x0]  }
.LBB2_132:
0x487: {  	_ =	sdelay $0x2  }
0x488: {  	s8 =	sadd.s32 @p0 $0x10, s8;
	s9 =	simm.s32 $0x0  }
0x489: {  	s9 =	smov.u32 @p0 s8;
	v7 =	vshrl.u32 v6, $0xC  }
0x48a: {  	v8 =	vor.u32 s9, v0;
	v7 =	vand.u32 $0x1FF, v7  }
0x48b: {  	vm0 =	vlt.s32 v8, v4;
	vm1 =	veq.s32 v7, v5  }
0x48c: {  	vm0 =	vmand vm0, vm1  }
0x48d: {  	v4 =	vmpcnt.ones.xlane vm0;
	_ =	sdelay $0x1  }
0x48e: {  	(v2sf) =	vpush v4, $0x0;
	_ =	sdelay $0x6  }
0x48f: {  	s8 =	spop @p0 (v2sf)  }
0x490: {  	s2 =	sadd.s32 @p0 s2, s8  }
0x491: {  	s5 =	smov.u32 @p0 s2;
	s2 =	sadd.s32 @p0 $0x10, s7  }
0x492: {  	[tilespmem:s5+$0x16100] =	vst.msk vm0, v6;
	s6 =	smov.u32 @p0 s2  }
0x493: {  	v4 =	vld [tilespmem:s6+$0x0];
	_ =	sdelay $0x3  }
0x494: {  	s20 =	spop (v2sf)  }
0x495: {  	[tilespmem:s5+$0x18180] =	vst.msk vm0, v4;
	s5 =	sadd.s32 s5, s20  }
.LBB2_133:
.Ltmp85:
0x496: {  	(pc) =	sbr.rel .LBB2_134-.Ltmp85, $4  }
0x497: {  	_ = 	snop  }
0x498: {  	s20 =	sadd.s32 $0xF, s5  }
0x499: {  	s2 =	sand.u32 $0x3FFF, s4;
	s4 =	simm.s32 $0xFFF;
	s20 =	sshra.s32 s20, $0x4  }
0x49a: {  	v4 =	vmov s5;
	s5 =	simm.s32 $0x0;
	s3 =	ssub.s32 s3, s2;
	p0 =	slt.s32 s20, $0x1  }
.LBB2_135:
0x49b: {  	s7 =	simm.s32 $0x0  }
.LBB2_148:
0x49c: {  	s5 =	sadd.s32 $0x1, s5  }
0x49d: {  	p2 =	sne.s32 s5, $0xC  }
.Ltmp86:
0x49e: {  	_ = 	snop;
	(pc) =	sbr.rel @!p2 .LBB2_149-.Ltmp86, $4  }
0x49f: {  	_ = 	snop  }
0x4a0: {  	p1 =	sgt.s32 s7, s3;
	s7 =	sadd.s32 $0x1, s6  }
0x4a1: {  	s7 =	smov.u32 @p1 s26  }
0x4a2: {  	s4 =	smov.u32 @p1 s6;
	s26 =	smov.u32 s7  }
.LBB2_134:
.Ltmp87:
0x4a3: {  	(pc) =	sbr.rel @p0 .LBB2_135-.Ltmp87, $3  }
0x4a4: {  	_ =	sdelay $0x1  }
0x4a5: {  	s6 =	sadd.s32 s26, s4  }
0x4a6: {  	s6 =	sshra.s32 s6, $0x1  }
0x4a7: {  	s7 =	simm.s32 $0x16100  }
0x4a8: {  	p5 =	sne.s32 s20, $0x1;
	v7 =	vld [tilespmem:s7+$0x0]  }
.Ltmp88:
0x4a9: {  	_ = 	snop;
	(pc) =	sbr.rel @!p5 .LBB2_137-.Ltmp88, $4  }
0x4aa: {  	_ = 	snop  }
0x4ab: {  	s8 =	sadd.s32 $0xFFFFFFFF, s20  }
0x4ac: {  	s9 =	simm.s32 $0x16110;
	p1 =	por $0x0, $0x0;
	s7 =	simm.s32 $0x0  }
0x4ad: {  	v5 =	vmov s6;
	p2 =	por $0x0, $0x0;
	p3 =	por $0x0, $0x0;
	p4 =	por $0x0, $0x0;
	v6 =	vor.u32 s7, v0;
	v7 =	vand.u32 $0xFFF, v7  }
0x4ae: {  	v8 =	vld [tilespmem:s9+$0x0];
	p5 =	sne.s32 s8, $0x1  }
.Ltmp89:
0x4af: {  	_ = 	snop;
	(pc) =	sbr.rel @!p5 .LBB2_139-.Ltmp89, $4  }
0x4b0: {  	vm0 =	vlt.s32 v6, v4;
	vm1 =	vle.s32 v7, v5  }
0x4b1: {  	vm0 =	vmand vm0, vm1  }
0x4b2: {  	s12 =	simm.s32 $0x10;
	v6 =	vsel vm0, $0x1, v1  }
0x4b3: {  	s8 =	sadd.s32 $0xFFFFFFFF, s8;
	s9 =	simm.s32 $0x16120;
	p1 =	por $0x1, $0x1;
	(xrf0) =	vadd.scan.msk.s32 $0xffff, v6;
	v6 =	vor.u32 s12, v0;
	v7 =	vand.u32 $0xFFF, v8  }
0x4b4: {  	_ =	sdelay $0x4  }
0x4b5: {  	vm1 =	vle.s32 v7, v5;
	v7, _, _ =	vpop (xrf0)  }
0x4b6: {  	(v2sf) =	vpush v7, $0xF;
	_ =	sdelay $0x7  }
0x4b7: {  	v8 =	vld [tilespmem:s9+$0x0];
	p5 =	sne.s32 s8, $0x1  }
.Ltmp90:
0x4b8: {  	_ = 	snop;
	(pc) =	sbr.rel @!p5 .LBB2_141-.Ltmp90, $4  }
0x4b9: {  	vm0 =	vlt.s32 v6, v4  }
0x4ba: {  	vm0 =	vmand vm0, vm1  }
0x4bb: {  	s12 =	simm.s32 $0x20;
	v6 =	vsel vm0, $0x1, v1  }
0x4bc: {  	s8 =	sadd.s32 $0xFFFFFFFF, s8;
	s9 =	simm.s32 $0x16130;
	p2 =	por $0x1, $0x1;
	(xrf0) =	vadd.scan.msk.s32 $0xffff, v6;
	v6 =	vor.u32 s12, v0;
	v7 =	vand.u32 $0xFFF, v8  }
0x4bd: {  	_ =	sdelay $0x4  }
0x4be: {  	vm1 =	vle.s32 v7, v5;
	v7, _, _ =	vpop (xrf0)  }
0x4bf: {  	(v2sf) =	vpush v7, $0xF;
	_ =	sdelay $0x3  }
0x4c0: {  	v8 =	vld [tilespmem:s9+$0x0];
	p5 =	sne.s32 s8, $0x1  }
.Ltmp91:
0x4c1: {  	_ = 	snop;
	(pc) =	sbr.rel @!p5 .LBB2_143-.Ltmp91, $4  }
0x4c2: {  	vm0 =	vlt.s32 v6, v4  }
0x4c3: {  	vm0 =	vmand vm0, vm1  }
0x4c4: {  	s12 =	simm.s32 $0x30;
	v6 =	vsel vm0, $0x1, v1  }
0x4c5: {  	s8 =	sadd.s32 $0xFFFFFFFF, s8;
	s9 =	simm.s32 $0x16140;
	p3 =	por $0x1, $0x1;
	(xrf0) =	vadd.scan.msk.s32 $0xffff, v6;
	v6 =	vor.u32 s12, v0;
	v7 =	vand.u32 $0xFFF, v8  }
0x4c6: {  	_ =	sdelay $0x4  }
0x4c7: {  	vm1 =	vle.s32 v7, v5;
	v7, _, _ =	vpop (xrf0)  }
0x4c8: {  	(v2sf) =	vpush v7, $0xF;
	_ =	sdelay $0x3  }
0x4c9: {  	v8 =	vld [tilespmem:s9+$0x0];
	vm0 =	vlt.s32 v6, v4;
	p5 =	sne.s32 s8, $0x1  }
.Ltmp92:
0x4ca: {  	vm0 =	vmand vm0, vm1;
	(pc) =	sbr.rel @!p5 .LBB2_145-.Ltmp92, $4  }
0x4cb: {  	v6 =	vsel vm0, $0x1, v1  }
0x4cc: {  	(xrf0) =	vadd.scan.msk.s32 $0xffff, v6  }
0x4cd: {  	s9 =	sadd.s32 $0xFFFFFFFF, s8;
	s10 =	simm.s32 $0x40  }
0x4ce: {  	s11 =	simm.s32 $0x16150;
	p4 =	por $0x1, $0x1;
	s8 =	simm.s32 $0x0;
	v6 =	vor.u32 s10, v0;
	v7 =	vand.u32 $0xFFF, v8  }
.LBB2_146:
0x4cf: {  	v8 =	vld [tilespmem:s11+$0x0];
	p5 =	sne.s32 s9, $0x1;
	s9 =	sadd.s32 $0xFFFFFFFF, s9;
	vm0 =	vlt.s32 v6, v4;
	vm1 =	vle.s32 v7, v5  }
.Ltmp93:
0x4d0: {  	vm0 =	vmand vm0, vm1;
	s12 =	spop (v2sf);
	(pc) =	sbr.rel @p5 .LBB2_146-.Ltmp93, $4  }
0x4d1: {  	v7 =	vsel vm0, $0x1, v1;
	s8 =	sadd.s32 s8, s12  }
0x4d2: {  	(xrf0) =	vadd.scan.msk.s32 $0xffff, v7;
	v6, _, _ =	vpop (xrf0)  }
0x4d3: {  	s10 =	sadd.s32 $0x10, s10;
	(v2sf) =	vpush v6, $0xF  }
0x4d4: {  	s11 =	sadd.s32 $0x10, s11;
	v6 =	vor.u32 s10, v0;
	v7 =	vand.u32 $0xFFF, v8  }
.LBB2_147:
0x4d5: {  	vm0 =	vlt.s32 v6, v4;
	vm1 =	vle.s32 v7, v5  }
0x4d6: {  	vm0 =	vmand vm0, vm1  }
0x4d7: {  	v5 =	vsel vm0, $0x1, v1  }
0x4d8: {  	(xrf0) =	vadd.scan.msk.s32 $0xffff, v5;
	_ =	sdelay $0x3  }
0x4d9: {  	v5, _, _ =	vpop @p1 (xrf0)  }
0x4da: {  	(v2sf) =	vpush @p1 v5, $0xF  }
0x4db: {  	v5, _, _ =	vpop (xrf0)  }
0x4dc: {  	(v2sf) =	vpush v5, $0xF;
	_ =	sdelay $0x6  }
0x4dd: {  	s9 =	spop @p4 (v2sf)  }
0x4de: {  	s8 =	sadd.s32 @p4 s8, s9;
	s9 =	simm.s32 $0x0  }
0x4df: {  	s9 =	smov.u32 @p4 s8;
	s8 =	spop @p3 (v2sf)  }
0x4e0: {  	s8 =	sadd.s32 @p3 s9, s8;
	s9 =	simm.s32 $0x0  }
0x4e1: {  	s9 =	smov.u32 @p3 s8;
	s8 =	spop @p2 (v2sf)  }
.Ltmp94:
0x4e2: {  	s8 =	sadd.s32 @p2 s9, s8;
	s9 =	simm.s32 $0x0;
	(pc) =	sbr.rel .LBB2_148-.Ltmp94, $4  }
0x4e3: {  	s9 =	smov.u32 @p2 s8;
	s8 =	spop @p1 (v2sf)  }
0x4e4: {  	s8 =	sadd.s32 @p1 s9, s8  }
0x4e5: {  	s7 =	smov.u32 @p1 s8;
	s12 =	spop (v2sf)  }
0x4e6: {  	s7 =	sadd.s32 s7, s12  }
.LBB2_137:
.Ltmp95:
0x4e7: {  	(pc) =	sbr.rel .LBB2_147-.Ltmp95, $2  }
0x4e8: {  	_ =	sdelay $0x2  }
0x4e9: {  	s8 =	simm.s32 $0x0  }
.LBB2_139:
.Ltmp96:
0x4ea: {  	(pc) =	sbr.rel .LBB2_147-.Ltmp96, $2  }
0x4eb: {  	_ =	sdelay $0x2  }
0x4ec: {  	s8 =	simm.s32 $0x0  }
.LBB2_141:
.Ltmp97:
0x4ed: {  	(pc) =	sbr.rel .LBB2_147-.Ltmp97, $2  }
0x4ee: {  	_ =	sdelay $0x2  }
0x4ef: {  	s8 =	simm.s32 $0x0  }
.LBB2_143:
.Ltmp98:
0x4f0: {  	(pc) =	sbr.rel .LBB2_147-.Ltmp98, $2  }
0x4f1: {  	_ =	sdelay $0x3  }
0x4f2: {  	s8 =	simm.s32 $0x0  }
.LBB2_145:
.Ltmp99:
0x4f3: {  	(pc) =	sbr.rel .LBB2_147-.Ltmp99, $2  }
0x4f4: {  	_ =	sdelay $0x2  }
0x4f5: {  	s8 =	simm.s32 $0x0  }
.LBB2_149:
.Ltmp100:
0x4f6: {  	(pc) =	sbr.rel @p0 .LBB2_220-.Ltmp100, $4  }
0x4f7: {  	_ = 	snop  }
0x4f8: {  	s3 =	sshll.u32 s19, $0x15;
	s4 =	sshll.u32 s24, $0xC  }
0x4f9: {  	s3 =	sor.u32 s3, s4  }
0x4fa: {  	s19 =	sor.u32 s7, s3  }
0x4fb: {  	s3 =	simm.s32 $0x16100  }
0x4fc: {  	p4 =	seq.s32 s20, $0x1;
	v6 =	vld [tilespmem:s3+$0x0]  }
.Ltmp101:
0x4fd: {  	_ = 	snop;
	(pc) =	sbr.rel @p4 .LBB2_151-.Ltmp101, $4  }
0x4fe: {  	_ = 	snop  }
0x4ff: {  	s26 =	simm.s32 $0x0  }
0x500: {  	s24 =	sadd.s32 $0xFFFFFFFF, s20;
	p0 =	por $0x0, $0x0;
	p1 =	por $0x0, $0x0  }
0x501: {  	v5 =	vmov s7;
	p2 =	por $0x0, $0x0;
	p3 =	por $0x0, $0x0;
	s3 =	simm.s32 $0x16110;
	v7 =	vor.u32 s26, v0;
	v6 =	vand.u32 $0xFFF, v6  }
0x502: {  	v8 =	vld [tilespmem:s3+$0x0];
	p4 =	seq.s32 s24, $0x1  }
.Ltmp102:
0x503: {  	vm0 =	vlt.s32 v7, v4;
	vm1 =	veq.s32 v6, v5;
	(pc) =	sbr.rel @p4 .LBB2_153-.Ltmp102, $4  }
0x504: {  	vm2 =	vlt.s32 v6, v5;
	vm1 =	vmand vm0, vm1  }
0x505: {  	vm0 =	vmand vm0, vm2;
	v6 =	vsel vm1, $0x1, v1  }
0x506: {  	s4 =	simm.s32 $0x10;
	v7 =	vsel vm0, $0x1, v1;
	(xrf0) =	vadd.scan.msk.s32 $0xffff, v6  }
0x507: {  	s3 =	sadd.s32 $0xFFFFFFFF, s24;
	p0 =	por $0x1, $0x1;
	(xrf0) =	vadd.scan.msk.s32 $0xffff, v7;
	v7 =	vor.u32 s4, v0;
	s4 =	simm.s32 $0x16120;
	v6 =	vand.u32 $0xFFF, v8  }
0x508: {  	_ =	sdelay $0x3  }
0x509: {  	vm0 =	vlt.s32 v7, v4;
	v7, _, _ =	vpop (xrf0)  }
0x50a: {  	(v2sf) =	vpush v7, $0xF;
	v9, _, _ =	vpop (xrf0)  }
0x50b: {  	(v2sf) =	vpush v9, $0xF;
	_ =	sdelay $0x6  }
0x50c: {  	v8 =	vld [tilespmem:s4+$0x0];
	p4 =	seq.s32 s3, $0x1  }
.Ltmp103:
0x50d: {  	vm1 =	veq.s32 v6, v5;
	(pc) =	sbr.rel @p4 .LBB2_155-.Ltmp103, $4  }
0x50e: {  	vm2 =	vlt.s32 v6, v5;
	vm1 =	vmand vm0, vm1  }
0x50f: {  	vm0 =	vmand vm0, vm2;
	v6 =	vsel vm1, $0x1, v1  }
0x510: {  	s12 =	simm.s32 $0x20;
	(xrf0) =	vadd.scan.msk.s32 $0xffff, v6;
	v6 =	vsel vm0, $0x1, v1  }
0x511: {  	s3 =	sadd.s32 $0xFFFFFFFF, s3;
	s4 =	simm.s32 $0x16130;
	p1 =	por $0x1, $0x1;
	(xrf0) =	vadd.scan.msk.s32 $0xffff, v6;
	v7 =	vor.u32 s12, v0;
	v6 =	vand.u32 $0xFFF, v8  }
0x512: {  	_ =	sdelay $0x3  }
0x513: {  	vm0 =	vlt.s32 v7, v4;
	v7, _, _ =	vpop (xrf0)  }
0x514: {  	(v2sf) =	vpush v7, $0xF;
	v9, _, _ =	vpop (xrf0)  }
0x515: {  	(v2sf) =	vpush v9, $0xF;
	_ =	sdelay $0x3  }
0x516: {  	v8 =	vld [tilespmem:s4+$0x0];
	p4 =	seq.s32 s3, $0x1  }
.Ltmp104:
0x517: {  	vm1 =	veq.s32 v6, v5;
	(pc) =	sbr.rel @p4 .LBB2_157-.Ltmp104, $4  }
0x518: {  	vm2 =	vlt.s32 v6, v5;
	vm1 =	vmand vm0, vm1  }
0x519: {  	vm0 =	vmand vm0, vm2;
	v6 =	vsel vm1, $0x1, v1  }
0x51a: {  	s12 =	simm.s32 $0x30;
	(xrf0) =	vadd.scan.msk.s32 $0xffff, v6;
	v6 =	vsel vm0, $0x1, v1  }
0x51b: {  	s3 =	sadd.s32 $0xFFFFFFFF, s3;
	s4 =	simm.s32 $0x16140;
	p2 =	por $0x1, $0x1;
	(xrf0) =	vadd.scan.msk.s32 $0xffff, v6;
	v7 =	vor.u32 s12, v0;
	v6 =	vand.u32 $0xFFF, v8  }
0x51c: {  	_ =	sdelay $0x3  }
0x51d: {  	vm0 =	vlt.s32 v7, v4;
	v7, _, _ =	vpop (xrf0)  }
0x51e: {  	(v2sf) =	vpush v7, $0xF;
	v9, _, _ =	vpop (xrf0)  }
0x51f: {  	(v2sf) =	vpush v9, $0xF;
	_ =	sdelay $0x3  }
0x520: {  	v8 =	vld [tilespmem:s4+$0x0];
	vm1 =	veq.s32 v6, v5;
	p4 =	seq.s32 s3, $0x1  }
.Ltmp105:
0x521: {  	vm2 =	vlt.s32 v6, v5;
	vm1 =	vmand vm0, vm1;
	(pc) =	sbr.rel @p4 .LBB2_159-.Ltmp105, $4  }
0x522: {  	vm0 =	vmand vm0, vm2;
	v6 =	vsel vm1, $0x1, v1  }
0x523: {  	(xrf0) =	vadd.scan.msk.s32 $0xffff, v6;
	v6 =	vsel vm0, $0x1, v1  }
0x524: {  	s5 =	sadd.s32 $0xFFFFFFFF, s3;
	s6 =	simm.s32 $0x40;
	s7 =	simm.s32 $0x16150;
	(xrf0) =	vadd.scan.msk.s32 $0xffff, v6  }
0x525: {  	p3 =	por $0x1, $0x1;
	s3 =	simm.s32 $0x0;
	s4 =	simm.s32 $0x0;
	v7 =	vor.u32 s6, v0;
	v6 =	vand.u32 $0xFFF, v8  }
.LBB2_160:
0x526: {  	v8 =	vld [tilespmem:s7+$0x0];
	p4 =	seq.s32 s5, $0x1;
	s5 =	sadd.s32 $0xFFFFFFFF, s5;
	vm0 =	vlt.s32 v7, v4;
	vm1 =	vlt.s32 v6, v5;
	vm2 =	veq.s32 v6, v5  }
.Ltmp106:
0x527: {  	vm1 =	vmand vm0, vm1;
	vm0 =	vmand vm0, vm2;
	s8 =	spop (v2sf);
	(pc) =	sbr.rel @!p4 .LBB2_160-.Ltmp106, $4  }
0x528: {  	v6 =	vsel vm1, $0x1, v1;
	v10 =	vsel vm0, $0x1, v1;
	s3 =	sadd.s32 s3, s8;
	s8 =	spop (v2sf)  }
0x529: {  	(xrf0) =	vadd.scan.msk.s32 $0xffff, v10;
	v7, _, _ =	vpop (xrf0);
	s4 =	sadd.s32 s4, s8  }
0x52a: {  	s6 =	sadd.s32 $0x10, s6;
	(xrf0) =	vadd.scan.msk.s32 $0xffff, v6;
	v9, _, _ =	vpop (xrf0);
	(v2sf) =	vpush v7, $0xF  }
0x52b: {  	s7 =	sadd.s32 $0x10, s7;
	v7 =	vor.u32 s6, v0;
	v6 =	vand.u32 $0xFFF, v8;
	(v2sf) =	vpush v9, $0xF  }
.LBB2_161:
0x52c: {  	vm0 =	vlt.s32 v7, v4;
	vm1 =	veq.s32 v6, v5  }
0x52d: {  	vm2 =	vlt.s32 v6, v5;
	vm1 =	vmand vm0, vm1  }
0x52e: {  	vm0 =	vmand vm0, vm2;
	v5 =	vsel vm1, $0x1, v1  }
0x52f: {  	v6 =	vsel vm0, $0x1, v1;
	(xrf0) =	vadd.scan.msk.s32 $0xffff, v5  }
0x530: {  	(xrf0) =	vadd.scan.msk.s32 $0xffff, v6;
	_ =	sdelay $0x2  }
0x531: {  	v5, _, _ =	vpop @p0 (xrf0)  }
0x532: {  	v6, _, _ =	vpop @p0 (xrf0);
	(v2sf) =	vpush @p0 v5, $0xF  }
0x533: {  	(v2sf) =	vpush @p0 v6, $0xF;
	v5, _, _ =	vpop (xrf0)  }
0x534: {  	v6, _, _ =	vpop (xrf0);
	(v2sf) =	vpush v5, $0xF  }
0x535: {  	(v2sf) =	vpush v6, $0xF;
	_ =	sdelay $0x2  }
0x536: {  	s5 =	spop @p3 (v2sf)  }
0x537: {  	s6 =	spop @p3 (v2sf)  }
0x538: {  	s3 =	sadd.s32 @p3 s3, s5;
	s5 =	simm.s32 $0x0;
	s4 =	sadd.s32 @p3 s4, s6  }
0x539: {  	s5 =	smov.u32 @p3 s3;
	s3 =	simm.s32 $0x0;
	s6 =	spop @p2 (v2sf)  }
0x53a: {  	s3 =	smov.u32 @p3 s4;
	s4 =	spop @p2 (v2sf);
	s5 =	sadd.s32 @p2 s5, s6  }
0x53b: {  	s6 =	simm.s32 $0x0;
	s3 =	sadd.s32 @p2 s3, s4;
	s4 =	simm.s32 $0x0  }
0x53c: {  	s6 =	smov.u32 @p2 s5;
	s4 =	smov.u32 @p2 s3;
	s3 =	spop @p1 (v2sf)  }
0x53d: {  	s3 =	sadd.s32 @p1 s6, s3;
	s5 =	spop @p1 (v2sf);
	s6 =	simm.s32 $0x0  }
0x53e: {  	s4 =	sadd.s32 @p1 s4, s5;
	s6 =	smov.u32 @p1 s3;
	s3 =	simm.s32 $0x0  }
0x53f: {  	s3 =	smov.u32 @p1 s4;
	s4 =	spop @p0 (v2sf)  }
0x540: {  	s5 =	spop @p0 (v2sf)  }
0x541: {  	s3 =	sadd.s32 @p0 s3, s5;
	s9 =	spop (v2sf)  }
0x542: {  	s4 =	sadd.s32 @p0 s6, s4;
	s26 =	smov.u32 @p0 s3;
	s10 =	spop (v2sf)  }
0x543: {  	s6 =	simm.s32 $0x0;
	s12 =	sadd.s32 s26, s10;
	s26 =	simm.s32 $0x16100  }
0x544: {  	s2 =	sadd.s32 s2, s18;
	p4 =	sne.s32 s20, $0x1;
	s6 =	smov.u32 @p0 s4;
	v8 =	vld [tilespmem:s26+$0x0]  }
.Ltmp107:
0x545: {  	s11 =	sadd.s32 s6, s9;
	s2 =	sadd.s32 s12, s2;
	(pc) =	sbr.rel @!p4 .LBB2_162-.Ltmp107, $4  }
0x546: {  	s2 =	sadd.s32 s11, s2  }
0x547: {  	s3 =	sadd.s32 $0xFFFFF000, s2;
	s2 =	simm.s32 $0x0  }
0x548: {  	s18 =	simm.s32 $0x18180;
	v7 =	vimm.s32 $0xFFFFFFFF;
	p3 =	por $0x0, $0x0;
	p2 =	por $0x0, $0x0;
	v5 =	vmov s19;
	v9 =	vor.u32 s2, v0  }
0x549: {  	p1 =	por $0x0, $0x0;
	p0 =	por $0x0, $0x0;
	v6 =	vmov s3;
	s3 =	simm.s32 $0x16110;
	vm4 =	vlt.s32 v9, v4;
	vm5 =	veq.s32 v8, v5  }
0x54a: {  	v8 =	vld [tilespmem:s3+$0x0];
	p4 =	sne.s32 s24, $0x1  }
.Ltmp108:
0x54b: {  	_ = 	snop;
	(pc) =	sbr.rel @!p4 .LBB2_164-.Ltmp108, $4  }
0x54c: {  	_ = 	snop  }
0x54d: {  	vm0 =	vmand vm4, vm5;
	s26 =	simm.s32 $0x10  }
0x54e: {  	v9 =	vsel vm0, $0x1, v1;
	v10 =	vor.u32 s26, v0  }
0x54f: {  	s3 =	sadd.s32 $0xFFFFFFFF, s24;
	s4 =	simm.s32 $0x16120;
	p0 =	por $0x1, $0x1;
	vm0 =	vmmov vm0;
	(xrf0) =	vadd.scan.msk.s32 $0xffff, v9;
	vm4 =	vlt.s32 v10, v4;
	vm5 =	veq.s32 v8, v5  }
0x550: {  	_ =	sdelay $0x4  }
0x551: {  	v8, _, _ =	vpop (xrf0)  }
0x552: {  	(v2sf) =	vpush v8, $0xF;
	_ =	sdelay $0x8  }
0x553: {  	v9 =	vld [tilespmem:s4+$0x0];
	p4 =	sne.s32 s3, $0x1  }
.Ltmp109:
0x554: {  	_ = 	snop;
	(pc) =	sbr.rel @!p4 .LBB2_166-.Ltmp109, $4  }
0x555: {  	_ = 	snop  }
0x556: {  	vm1 =	vmand vm4, vm5;
	s26 =	simm.s32 $0x20  }
0x557: {  	vm2 =	vmmov vm0;
	v10 =	vsel vm1, $0x1, v1;
	v11 =	vor.u32 s26, v0  }
0x558: {  	s3 =	sadd.s32 $0xFFFFFFFF, s3;
	s4 =	simm.s32 $0x16130;
	p1 =	por $0x1, $0x1;
	vm0 =	vmmov vm1;
	vm4 =	vlt.s32 v11, v4;
	(xrf0) =	vadd.scan.msk.s32 $0xffff, v10;
	vm5 =	veq.s32 v9, v5  }
0x559: {  	_ =	sdelay $0x4  }
0x55a: {  	v9, _, _ =	vpop (xrf0)  }
0x55b: {  	(v2sf) =	vpush v9, $0xF;
	_ =	sdelay $0x3  }
0x55c: {  	v10 =	vld [tilespmem:s4+$0x0];
	p4 =	sne.s32 s3, $0x1  }
.Ltmp110:
0x55d: {  	_ = 	snop;
	(pc) =	sbr.rel @!p4 .LBB2_168-.Ltmp110, $4  }
0x55e: {  	_ = 	snop  }
0x55f: {  	vm3 =	vmand vm4, vm5;
	vm2 =	vmmov vm2;
	vm1 =	vmmov vm0;
	s26 =	simm.s32 $0x30  }
0x560: {  	v11 =	vsel vm3, $0x1, v1;
	vm0 =	vmmov vm3;
	v12 =	vor.u32 s26, v0  }
0x561: {  	s3 =	sadd.s32 $0xFFFFFFFF, s3;
	s4 =	simm.s32 $0x16140;
	p2 =	por $0x1, $0x1;
	vm3 =	vmmov vm2;
	vm4 =	vlt.s32 v12, v4;
	(xrf0) =	vadd.scan.msk.s32 $0xffff, v11;
	vm5 =	veq.s32 v10, v5;
	v10 =	vld [tilespmem:s18+$0x0]  }
0x562: {  	_ =	sdelay $0x4  }
0x563: {  	v11, _, _ =	vpop (xrf0)  }
0x564: {  	(v2sf) =	vpush v11, $0xF;
	_ =	sdelay $0x3  }
0x565: {  	v12 =	vld [tilespmem:s4+$0x0];
	vm4 =	vmand vm4, vm5;
	p4 =	sne.s32 s3, $0x1  }
.Ltmp111:
0x566: {  	v13 =	vsel vm4, $0x1, v1;
	(pc) =	sbr.rel @!p4 .LBB2_170-.Ltmp111, $4  }
0x567: {  	vm5 =	vmmov vm1;
	vm2 =	vmmov vm0;
	v14 =	vadd.s32 s2, v8;
	s5 =	simm.s32 $0x40;
	(xrf0) =	vadd.scan.msk.s32 $0xffff, v13  }
0x568: {  	vm0 =	vmmov vm4;
	vm4 =	veq.s32 v14, v6;
	v14 =	vor.u32 s5, v0  }
0x569: {  	s6 =	sadd.s32 $0xFFFFFFFF, s3;
	s4 =	simm.s32 $0x18190;
	vm6 =	vmmov vm5;
	vm7 =	vmand vm3, vm4;
	vm4 =	vlt.s32 v14, v4  }
0x56a: {  	s7 =	simm.s32 $0x16150;
	p3 =	por $0x1, $0x1;
	s3 =	simm.s32 $0x0;
	v15 =	vmovc v9;
	v14 =	vld [tilespmem:s4+$0x0];
	vm5 =	veq.s32 v12, v5;
	v13 =	vnsel vm7, $0xFFFFFFFF, v10;
	v12 =	vimm.s32 $0xFFFFFFFF  }
.LBB2_171:
0x56b: {  	v16 =	vld [tilespmem:s7+$0x0];
	p4 =	sne.s32 s6, $0x1;
	s6 =	sadd.s32 $0xFFFFFFFF, s6;
	vm4 =	vmand vm4, vm5;
	vm5 =	vgt.s32 v12, v13;
	s8 =	spop (v2sf);
	vm7 =	vmmov vm2  }
.Ltmp112:
0x56c: {  	vm2 =	vmmov vm0;
	v17 =	vsel vm4, $0x1, v1;
	s3 =	sadd.s32 s3, s8;
	v12 =	vsel vm5, v12, v13;
	(pc) =	sbr.rel @p4 .LBB2_171-.Ltmp112, $4  }
0x56d: {  	vm0 =	vmmov vm4;
	(xrf0) =	vadd.scan.msk.s32 $0xffff, v17;
	v13 =	vadd.s32 s3, v15;
	v15 =	vmov v11;
	v11, _, _ =	vpop (xrf0)  }
0x56e: {  	s5 =	sadd.s32 $0x10, s5;
	(v2sf) =	vpush v11, $0xF;
	vm4 =	veq.s32 v13, v6  }
0x56f: {  	s4 =	sadd.s32 $0x10, s4;
	v13 =	vor.u32 s5, v0;
	vm8 =	vmand vm6, vm4;
	vm6 =	vmmov vm7  }
0x570: {  	s7 =	sadd.s32 $0x10, s7;
	vm4 =	vlt.s32 v13, v4;
	vm5 =	veq.s32 v16, v5;
	v13 =	vnsel vm8, $0xFFFFFFFF, v14;
	v14 =	vld [tilespmem:s4+$0x0]  }
.LBB2_172:
0x571: {  	_ =	sdelay $0x1  }
0x572: {  	v4, _, _ =	vpop @p0 (xrf0)  }
0x573: {  	vm4 =	vmand vm4, vm5;
	(v2sf) =	vpush @p0 v4, $0xF  }
0x574: {  	v16 =	vsel vm4, $0x1, v1  }
0x575: {  	s5 =	spop @p3 (v2sf);
	(xrf0) =	vadd.scan.msk.s32 $0xffff, v16  }
0x576: {  	s3 =	sadd.s32 @p3 s3, s5;
	s5 =	simm.s32 $0x0  }
0x577: {  	s5 =	smov.u32 @p3 s3;
	s3 =	sadd.s32 @p2 $0x10, s4;
	s4 =	simm.s32 $0x18180  }
0x578: {  	vm5 =	vgt.s32 @p3 v12, v13;
	vm2 =	vmmov @p1 vm2;
	v15 =	vadd.s32 @p2 s5, v15;
	s4 =	smov.u32 @p2 s3  }
0x579: {  	vm0 =	vmmov @p0 vm0;
	v8 =	vpsel p1, v11, v8;
	vm7 =	veq.s32 @p2 v15, v6;
	v15 =	vld @p1 [tilespmem:s4+$0x0]  }
0x57a: {  	v12 =	vsel @p3 vm5, v12, v13;
	vm4 =	vmmov vm4;
	vm2 =	vmmov @p1 vm2  }
0x57b: {  	s6 =	simm.s32 $0x18180;
	vm1 =	vmmov @p0 vm0;
	v12 =	vpsel p3, v12, v7;
	vm3 =	vmmov @p1 vm2;
	s3 =	spop @p2 (v2sf);
	v61, _, _ =	vpop (xrf0)  }
0x57c: {  	vm1 =	vmmov @p0 vm1;
	vm14 =	vmmov vm4;
	s3 =	sadd.s32 @p2 s5, s3;
	s5 =	simm.s32 $0x0;
	s4 =	sadd.s32 @p1 $0x10, s4;
	(v2sf) =	vpush v61, $0xF  }
0x57d: {  	v4 =	vpsel p0, v4, v9;
	vm1 =	vmmov @p0 vm1;
	vm5 =	vmand @p2 vm6, vm7;
	s5 =	smov.u32 @p2 s3;
	s6 =	smov.u32 @p1 s4  }
0x57e: {  	v13 =	vnsel @p2 vm5, $0xFFFFFFFF, v14;
	v8 =	vadd.s32 @p1 s5, v8;
	v9 =	vpsel p1, v15, v10;
	v10 =	vld @p0 [tilespmem:s6+$0x0];
	s3 =	spop @p1 (v2sf)  }
0x57f: {  	v4 =	vpsel p0, v4, v0;
	s4 =	simm.s32 $0x0;
	v13 =	vpsel p2, v13, v0;
	vm2 =	veq.s32 @p1 v8, v6;
	s3 =	sadd.s32 @p1 s5, s3  }
0x580: {  	vm1 =	vmmov @p0 vm1;
	vm0 =	vgt.s32 @p2 v12, v13;
	vm2 =	vmand @p1 vm3, vm2;
	s4 =	smov.u32 @p1 s3  }
0x581: {  	v11 =	vsel @p2 vm0, v12, v13;
	v8 =	vnsel @p1 vm2, $0xFFFFFFFF, v9;
	s3 =	sadd.s32 @p0 $0x10, s6;
	v4 =	vadd.s32 @p0 s4, v4  }
0x582: {  	v9 =	vpsel p2, v11, v7;
	v8 =	vpsel p1, v8, v0;
	s18 =	smov.u32 @p0 s3;
	vm2 =	veq.s32 @p0 v4, v6;
	s3 =	spop @p0 (v2sf)  }
0x583: {  	vm3 =	vgt.s32 @p1 v9, v8;
	v4 =	vpsel p0, v10, v0;
	v62 =	vld [tilespmem:s18+$0x0];
	vm1 =	vmand @p0 vm1, vm2;
	s3 =	sadd.s32 @p0 s4, s3  }
0x584: {  	vm0 =	vmmov vm14;
	v8 =	vsel @p1 vm3, v9, v8;
	v4 =	vnsel @p0 vm1, $0xFFFFFFFF, v4;
	s2 =	smov.u32 @p0 s3  }
0x585: {  	v8 =	vpsel p1, v8, v7;
	v4 =	vpsel p0, v4, v0;
	v63 =	vadd.s32 s2, v61  }
0x586: {  	vm0 =	vmmov vm0;
	vm1 =	vgt.s32 @p0 v8, v4;
	vm15 =	veq.s32 v63, v6  }
.Ltmp113:
0x587: {  	v4 =	vsel @p0 vm1, v8, v4;
	vm0 =	vmand vm0, vm15;
	(pc) =	sbr.rel .LBB2_173-.Ltmp113, $4  }
0x588: {  	v4 =	vpsel p0, v4, v7;
	v6 =	vnsel vm0, $0xFFFFFFFF, v62  }
0x589: {  	vm0 =	vgt.s32 v4, v6  }
0x58a: {  	v4 =	vsel vm0, v4, v6  }
0x58b: {  	s26 =	spop (v2sf);
	v4 =	vxor.u32 $0x80000000, v4  }
.LBB2_220:
0x58c: {  	v5 =	vmov s19;
	v4 =	vimm.s32 $0x7FFFFFFF  }
.LBB2_173:
0x58d: {  	(xrf0) =	vmax.scan.msk.u32 $0xffff, v4;
	_ =	sdelay $0x5  }
0x58e: {  	v4, _, _ =	vpop (xrf0)  }
0x58f: {  	(v2sf) =	vpush v4, $0xF;
	_ =	sdelay $0xe  }
0x590: {  	s3 =	spop (v2sf)  }
0x591: {  	_ =	swait.ge [sflag:s29], $0x2000  }
0x592: {  	[sflag:s29] =	ssyncset.done $0x0  }
0x593: {  	[sflag:s29] =	ssyncadd.s32 $0xFFFFE000  }
0x594: {  	_ =	swait.ge [sflag:s30], $0x2000  }
0x595: {  	[sflag:s30] =	ssyncset.done $0x0  }
0x596: {  	s2 =	simm.s32 $0xC000;
	[sflag:s30] =	ssyncadd.s32 $0xFFFFE000  }
0x597: {  	v7 =	vld [tilespmem:s2+$0x0];
	_ =	sdelay $0x1  }
0x598: {  	s2 =	simm.s32 $0xA000  }
0x599: {  	s4 =	sxor.u32 $0x80000000, s19;
	s5 =	simm.s32 $0x0;
	s3 =	sxor.u32 $0x80000000, s3;
	v8 =	vld [tilespmem:s2+$0x0]  }
0x59a: {  	v9 =	vor.u32 s5, v0;
	v4 =	vmov s4;
	v6 =	vmov s3  }
0x59b: {  	vm1 =	vle.s32 v9, v6;
	v10 =	vxor.u32 $0x80000000, v7;
	vm0 =	veq.s32 v7, v5  }
0x59c: {  	vm2 =	vgt.s32 v10, v4;
	vm0 =	vmand vm1, vm0  }
0x59d: {  	vm0 =	vmor vm2, vm0  }
0x59e: {  	s3 =	simm.s32 $0xE000;
	v7 =	vnsel vm0, $0x400, v8  }
0x59f: {  	s5 =	simm.s32 $0xC010;
	[tilespmem:s3+$0x0] =	vst v7  }
0x5a0: {  	s6 =	simm.s32 $0x20;
	s4 =	simm.s32 $0x10;
	v7 =	vld [tilespmem:s5+$0x0]  }
.LBB2_174:
0x5a1: {  	p0 =	sne.s32 s6, $0x1FF0  }
0x5a2: {  	s2 =	sadd.s32 $0x10, s2  }
0x5a3: {  	v8 =	vld [tilespmem:s2+$0x0]  }
0x5a4: {  	v9 =	vor.u32 s4, v0;
	s4 =	smov.u32 s6  }
0x5a5: {  	vm1 =	vle.s32 v9, v6;
	v10 =	vxor.u32 $0x80000000, v7;
	vm0 =	veq.s32 v7, v5  }
.Ltmp114:
0x5a6: {  	vm2 =	vgt.s32 v10, v4;
	vm0 =	vmand vm1, vm0;
	(pc) =	sbr.rel @p0 .LBB2_174-.Ltmp114, $4  }
0x5a7: {  	vm0 =	vmor vm2, vm0  }
0x5a8: {  	s3 =	sadd.s32 $0x10, s3;
	v7 =	vnsel vm0, $0x400, v8  }
0x5a9: {  	s5 =	sadd.s32 $0x10, s5;
	[tilespmem:s3+$0x0] =	vst v7  }
0x5aa: {  	s6 =	sadd.s32 $0x10, s6;
	v7 =	vld [tilespmem:s5+$0x0]  }
0x5ab: {  	_ = 	snop  }
0x5ac: {  	s2 =	sadd.s32 $0x10, s2  }
0x5ad: {  	v8 =	vld [tilespmem:s2+$0x0]  }
0x5ae: {  	v9 =	vor.u32 s4, v0  }
0x5af: {  	vm1 =	vle.s32 v9, v6;
	v10 =	vxor.u32 $0x80000000, v7;
	vm0 =	veq.s32 v7, v5  }
0x5b0: {  	vm2 =	vgt.s32 v10, v4;
	vm0 =	vmand vm1, vm0  }
0x5b1: {  	vm0 =	vmor vm2, vm0  }
0x5b2: {  	s20 =	sadd.s32 $0x10, s3;
	v4 =	vnsel vm0, $0x400, v8  }
0x5b3: {  	s24 =	rddreg [dreg:$0xe];
	s26 =	simm.s32 $0xE000;
	[tilespmem:s20+$0x0] =	vst v4  }
0x5b4: {  	[hbm4b:s24+s14] =	stream.strided.scatter [tilespmem:s26], [sflag:$0x8], $0x2000, s15, s14, $0x38;
	[tilespmem:$0x1AA00] =	vst v63  }
0x5b5: {  	_ =	swait.ge [sflag:s31], $0x2000  }
0x5b6: {  	s4 =	simm.s32 $0x100;
	[sflag:s31] =	ssyncset.done $0x0  }
0x5b7: {  	s3 =	simm.s32 $0x0;
	s2 =	simm.s32 $0x0;
	[sflag:s31] =	ssyncadd.s32 $0xFFFFE000  }
.LBB2_176:
0x5b8: {  	p0 =	sne.s32 s4, $0x1F00;
	[tilespmem:s3+$0x1A230] =	vst v1;
	s5 =	smov.u32 s4;
	s4 =	sadd.s32 $0x100, s4  }
.Ltmp115:
0x5b9: {  	[tilespmem:s3+$0x1A220] =	vst v1;
	(pc) =	sbr.rel @p0 .LBB2_176-.Ltmp115, $3  }
0x5ba: {  	[tilespmem:s3+$0x1A200] =	vst v1  }
0x5bb: {  	[tilespmem:s3+$0x1A210] =	vst v1;
	_ =	sdelay $0x1  }
0x5bc: {  	s3 =	sshra.s32 s5, $0x2  }
0x5bd: {  	[tilespmem:s3+$0x1A230] =	vst v1  }
0x5be: {  	[tilespmem:s3+$0x1A220] =	vst v1  }
0x5bf: {  	[tilespmem:s3+$0x1A200] =	vst v1  }
0x5c0: {  	[tilespmem:s3+$0x1A210] =	vst v1  }
.LBB2_178:
0x5c1: {  	s3 =	sshra.s32 s2, $0x2  }
0x5c2: {  	v4 =	vld [tilespmem:s3+$0x6000];
	_ =	sdelay $0x4  }
0x5c3: {  	v5 =	vshra.s32 v4, $0x1F  }
0x5c4: {  	v5 =	vor.u32 $0x80000000, v5  }
0x5c5: {  	v4 =	vxor.u32 v4, v5  }
0x5c6: {  	p0 =	sne.s32 s2, $0x7FC0;
	v4 =	vshrl.u32 v4, $0x15  }
.Ltmp116:
0x5c7: {  	_ = 	snop;
	(pc) =	sbr.rel @p0 .LBB2_178-.Ltmp116, $3  }
0x5c8: {  	_ =	sdelay $0x1  }
0x5c9: {  	s3 =	simm.s32 $0x1A200  }
0x5ca: {  	s2 =	sadd.s32 $0x40, s2;
	[tilespmem:v4+s3+$0x0] =	vst.idx.add.s32.msk $0xffff, v2  }
0x5cb: {  	v8 =	vld [tilespmem:s3+$0x0]  }
0x5cc: {  	s2 =	simm.s32 $0x1A210  }
0x5cd: {  	v5 =	vld [tilespmem:s2+$0x0];
	_ =	sdelay $0x2  }
0x5ce: {  	(xrf0) =	vadd.scan.msk.s32 $0xffff, v8;
	_ =	sdelay $0x1  }
0x5cf: {  	(xrf0) =	vadd.scan.msk.s32 $0xffff, v5;
	_ =	sdelay $0x3  }
0x5d0: {  	s24 =	simm.s32 $0x1A220;
	v11, _, _ =	vpop (xrf0)  }
0x5d1: {  	v4 =	vld [tilespmem:s24+$0x0];
	(v2sf) =	vpush v11, $0xF  }
0x5d2: {  	v9, _, _ =	vpop (xrf0)  }
0x5d3: {  	(v2sf) =	vpush v9, $0xF;
	_ =	sdelay $0x2  }
0x5d4: {  	s26 =	simm.s32 $0x1A230;
	(xrf0) =	vadd.scan.msk.s32 $0xffff, v4  }
0x5d5: {  	v6 =	vld [tilespmem:s26+$0x0];
	_ =	sdelay $0x2  }
0x5d6: {  	s4 =	simm.s32 $0x0  }
0x5d7: {  	s5 =	simm.s32 $0x10;
	s3 =	simm.s32 $0x30;
	v12 =	vmov s4  }
0x5d8: {  	v7 =	vimm.s32 $0x7FFFFFFF;
	s6 =	simm.s32 $0x40;
	s7 =	simm.s32 $0x1A240;
	s2 =	simm.s32 $0x20;
	v12 =	vshll.u32 v12, $0xE;
	(xrf0) =	vadd.scan.msk.s32 $0xffff, v6;
	v11 =	vadd.s32 s4, v11;
	v10, _, _ =	vpop (xrf0)  }
.LBB2_180:
0x5d9: {  	v13 =	vld [tilespmem:s7+$0x0];
	p0 =	sne.s32 s6, $0x7F0;
	(v2sf) =	vpush v10, $0xF;
	v12 =	vor.u32 v3, v12;
	v14 =	vsub.s32 v11, v8;
	v8 =	vmovc v5;
	v5 =	vmovc v4;
	s8 =	smov.u32 s6;
	s6 =	sadd.s32 $0x10, s6  }
.Ltmp117:
0x5da: {  	vm0 =	vgt.s32 v11, $0xFFF;
	v4 =	vmovc v6;
	v6 =	vmovc v9;
	v9 =	vmov v10;
	v11 =	vor.u32 v12, v14;
	(pc) =	sbr.rel @p0 .LBB2_180-.Ltmp117, $4  }
0x5db: {  	v10 =	vnsel vm0, $0x7FFFFFFF, v11  }
0x5dc: {  	vm0 =	vlt.s32 v7, v10;
	s9 =	spop (v2sf)  }
0x5dd: {  	v12 =	vmov s5;
	s5 =	smov.u32 s2;
	s2 =	smov.u32 s3;
	s4 =	sadd.s32 s4, s9;
	v7 =	vsel vm0, v7, v10  }
0x5de: {  	s7 =	sadd.s32 $0x10, s7;
	s3 =	smov.u32 s8;
	v12 =	vshll.u32 v12, $0xE;
	(xrf0) =	vadd.scan.msk.s32 $0xffff, v13;
	v10, _, _ =	vpop (xrf0);
	v11 =	vadd.s32 s4, v6;
	v6 =	vmov v13  }
0x5df: {  	(v2sf) =	vpush v10, $0xF;
	_ =	sdelay $0x7  }
0x5e0: {  	v12 =	vor.u32 v3, v12;
	s6 =	spop (v2sf)  }
0x5e1: {  	v8 =	vsub.s32 v11, v8;
	v59 =	vmov s5;
	vm0 =	vgt.s32 v11, $0xFFF;
	s4 =	sadd.s32 s4, s6  }
0x5e2: {  	v8 =	vor.u32 v12, v8;
	v60 =	vshll.u32 v59, $0xE;
	v9 =	vadd.s32 s4, v9  }
0x5e3: {  	v8 =	vnsel vm0, $0x7FFFFFFF, v8;
	v11 =	vor.u32 v3, v60;
	v5 =	vsub.s32 v9, v5  }
0x5e4: {  	vm0 =	vlt.s32 v7, v8;
	vm1 =	vgt.s32 v9, $0xFFF;
	v5 =	vor.u32 v11, v5  }
0x5e5: {  	v61 =	vmov s2;
	v7 =	vsel vm0, v7, v8;
	v5 =	vnsel vm1, $0x7FFFFFFF, v5;
	s12 =	spop (v2sf)  }
0x5e6: {  	v8 =	vshll.u32 v61, $0xE;
	vm0 =	vlt.s32 v7, v5;
	s18 =	sadd.s32 s4, s12  }
0x5e7: {  	v8 =	vor.u32 v3, v8;
	v5 =	vsel vm0, v7, v5;
	v7 =	vadd.s32 s18, v10;
	s19 =	spop (v2sf)  }
0x5e8: {  	v62, _, _ =	vpop (xrf0);
	v4 =	vsub.s32 v7, v4;
	vm13 =	vgt.s32 v7, $0xFFF;
	v7 =	vmov s3;
	s2 =	sadd.s32 s18, s19  }
0x5e9: {  	v4 =	vor.u32 v8, v4;
	v7 =	vshll.u32 v7, $0xE;
	v63 =	vadd.s32 s2, v62  }
0x5ea: {  	v4 =	vnsel vm13, $0x7FFFFFFF, v4;
	v7 =	vor.u32 v3, v7;
	v6 =	vsub.s32 v63, v6  }
0x5eb: {  	vm0 =	vlt.s32 v5, v4;
	vm14 =	vgt.s32 v63, $0xFFF;
	v6 =	vor.u32 v7, v6  }
0x5ec: {  	v4 =	vsel vm0, v5, v4;
	v5 =	vnsel vm14, $0x7FFFFFFF, v6  }
0x5ed: {  	vm0 =	vlt.s32 v4, v5  }
0x5ee: {  	v4 =	vsel vm0, v4, v5  }
0x5ef: {  	v4 =	vxor.u32 $0x80000000, v4  }
0x5f0: {  	(xrf0) =	vmin.scan.msk.u32 $0xffff, v4;
	_ =	sdelay $0x5  }
0x5f1: {  	(v2sf) =	vpush v62, $0xF;
	v4, _, _ =	vpop (xrf0)  }
0x5f2: {  	(v2sf) =	vpush v4, $0xF;
	_ =	sdelay $0x8  }
0x5f3: {  	s20 =	simm.s32 $0x0  }
0x5f4: {  	v4 =	vld [tilespmem:s20+$0x6000];
	_ =	sdelay $0x3  }
0x5f5: {  	s24 =	spop (v2sf)  }
0x5f6: {  	v5 =	vshra.s32 v4, $0x1F;
	s2 =	spop (v2sf)  }
0x5f7: {  	v5 =	vor.u32 $0x80000000, v5;
	s18 =	sshra.s32 s2, $0xE  }
0x5f8: {  	v5 =	vxor.u32 v4, v5;
	s26 =	sxor.u32 $0xFFFE0000, s18  }
0x5f9: {  	v6 =	vshrl.u32 v5, $0x15;
	v4 =	vmov s26  }
0x5fa: {  	vm15 =	veq.s32 v6, v4  }
0x5fb: {  	v6 =	vmpcnt.ones.xlane vm15;
	_ =	sdelay $0x1  }
0x5fc: {  	(v2sf) =	vpush v6, $0x0;
	_ =	sdelay $0x1  }
0x5fd: {  	s3 =	simm.s32 $0x0  }
0x5fe: {  	s5 =	simm.s32 $0x10;
	s4 =	simm.s32 $0x80;
	[tilespmem:s3+$0x12000] =	vst.msk vm15, v5  }
.LBB2_182:
0x5ff: {  	p0 =	sne.s32 s4, $0x7FC0;
	v5 =	vld [tilespmem:s5+$0x6000];
	_ =	sdelay $0x4  }
0x600: {  	v6 =	vshra.s32 v5, $0x1F  }
0x601: {  	v6 =	vor.u32 $0x80000000, v6  }
0x602: {  	v5 =	vxor.u32 v5, v6  }
0x603: {  	v6 =	vshrl.u32 v5, $0x15  }
0x604: {  	vm0 =	veq.s32 v6, v4  }
0x605: {  	v6 =	vmpcnt.ones.xlane vm0  }
.Ltmp118:
0x606: {  	s5 =	spop (v2sf);
	(pc) =	sbr.rel @p0 .LBB2_182-.Ltmp118, $3  }
0x607: {  	(v2sf) =	vpush v6, $0x0;
	s3 =	sadd.s32 s3, s5  }
0x608: {  	[tilespmem:s3+$0x12000] =	vst.msk vm0, v5;
	_ =	sdelay $0x1  }
0x609: {  	s5 =	sshra.s32 s4, $0x2;
	s4 =	sadd.s32 $0x40, s4  }
0x60a: {  	_ =	sdelay $0x2  }
0x60b: {  	v5 =	vld [tilespmem:s5+$0x6000];
	_ =	sdelay $0x4  }
0x60c: {  	v6 =	vshra.s32 v5, $0x1F  }
0x60d: {  	v6 =	vor.u32 $0x80000000, v6  }
0x60e: {  	v5 =	vxor.u32 v5, v6  }
0x60f: {  	v6 =	vshrl.u32 v5, $0x15;
	s4 =	spop (v2sf)  }
0x610: {  	vm0 =	veq.s32 v6, v4;
	s3 =	sadd.s32 s3, s4  }
0x611: {  	[tilespmem:s3+$0x12000] =	vst.msk vm0, v5  }
0x612: {  	[tilespmem:$0x1A200] =	vst v1  }
0x613: {  	[tilespmem:$0x1A210] =	vst v1  }
0x614: {  	[tilespmem:$0x1A220] =	vst v1  }
0x615: {  	[tilespmem:$0x1A230] =	vst v1  }
0x616: {  	[tilespmem:$0x1A240] =	vst v1  }
0x617: {  	v4 =	vmpcnt.ones.xlane vm0;
	[tilespmem:$0x1A250] =	vst v1  }
0x618: {  	[tilespmem:$0x1A260] =	vst v1  }
0x619: {  	(v2sf) =	vpush v4, $0x0;
	[tilespmem:$0x1A270] =	vst v1  }
0x61a: {  	[tilespmem:$0x1A280] =	vst v1  }
0x61b: {  	[tilespmem:$0x1A290] =	vst v1  }
0x61c: {  	[tilespmem:$0x1A2A0] =	vst v1  }
0x61d: {  	[tilespmem:$0x1A2B0] =	vst v1  }
0x61e: {  	[tilespmem:$0x1A2C0] =	vst v1  }
0x61f: {  	[tilespmem:$0x1A2D0] =	vst v1  }
0x620: {  	[tilespmem:$0x1A2E0] =	vst v1  }
0x621: {  	[tilespmem:$0x1A2F0] =	vst v1  }
0x622: {  	[tilespmem:$0x1A300] =	vst v1  }
0x623: {  	[tilespmem:$0x1A310] =	vst v1  }
0x624: {  	[tilespmem:$0x1A320] =	vst v1  }
0x625: {  	[tilespmem:$0x1A330] =	vst v1  }
0x626: {  	[tilespmem:$0x1A340] =	vst v1  }
0x627: {  	[tilespmem:$0x1A350] =	vst v1  }
0x628: {  	[tilespmem:$0x1A360] =	vst v1;
	s26 =	spop (v2sf)  }
0x629: {  	[tilespmem:$0x1A370] =	vst v1;
	s3 =	sadd.s32 s3, s26  }
0x62a: {  	[tilespmem:$0x1A380] =	vst v1;
	s4 =	sadd.s32 $0xF, s3  }
0x62b: {  	[tilespmem:$0x1A390] =	vst v1;
	s20 =	sshra.s32 s4, $0x4  }
0x62c: {  	[tilespmem:$0x1A3A0] =	vst v1;
	p0 =	slt.s32 s20, $0x1  }
.Ltmp119:
0x62d: {  	[tilespmem:$0x1A3B0] =	vst v1;
	(pc) =	sbr.rel @p0 .LBB2_190-.Ltmp119, $4  }
0x62e: {  	[tilespmem:$0x1A3C0] =	vst v1  }
0x62f: {  	[tilespmem:$0x1A3D0] =	vst v1  }
0x630: {  	[tilespmem:$0x1A3E0] =	vst v1  }
0x631: {  	[tilespmem:$0x1A3F0] =	vst v1;
	v4 =	vmov s3  }
0x632: {  	p2 =	seq.s32 s20, $0x1  }
.Ltmp120:
0x633: {  	_ = 	snop;
	(pc) =	sbr.rel @p2 .LBB2_185-.Ltmp120, $3  }
0x634: {  	_ =	sdelay $0x1  }
0x635: {  	s4 =	simm.s32 $0x12000  }
0x636: {  	s3 =	simm.s32 $0x0;
	p1 =	por $0x0, $0x0;
	v5 =	vld [tilespmem:s4+$0x0];
	s4 =	sadd.s32 $0xFFFFFFFF, s20  }
0x637: {  	_ =	sdelay $0x2  }
0x638: {  	v6 =	vor.u32 s3, v0  }
0x639: {  	vm0 =	vlt.s32 v6, v4;
	v5 =	vshrl.u32 v5, $0xC  }
0x63a: {  	v5 =	vand.u32 $0x1FF, v5  }
0x63b: {  	p2 =	seq.s32 s4, $0x1  }
.Ltmp121:
0x63c: {  	_ = 	snop;
	(pc) =	sbr.rel @p2 .LBB2_187-.Ltmp121, $3  }
0x63d: {  	_ =	sdelay $0x1  }
0x63e: {  	s5 =	simm.s32 $0x12010;
	[tilespmem:v5+s22+$0x0] =	vst.idx.add.s32.msk vm0, v2  }
0x63f: {  	s6 =	sadd.s32 $0xFFFFFFFF, s4;
	p1 =	por $0x1, $0x1;
	s4 =	simm.s32 $0x0;
	v5 =	vld [tilespmem:s5+$0x0]  }
.LBB2_188:
0x640: {  	p2 =	seq.s32 s6, $0x1;
	_ =	sdelay $0x1  }
0x641: {  	s4 =	sadd.s32 $0x10, s4  }
0x642: {  	v6 =	vor.u32 s4, v0  }
0x643: {  	vm0 =	vlt.s32 v6, v4;
	v5 =	vshrl.u32 v5, $0xC  }
0x644: {  	v5 =	vand.u32 $0x1FF, v5;
	_ =	sdelay $0x1  }
.Ltmp122:
0x645: {  	(pc) =	sbr.rel @!p2 .LBB2_188-.Ltmp122, $3  }
0x646: {  	_ =	sdelay $0x1  }
0x647: {  	s5 =	sadd.s32 $0x10, s5;
	[tilespmem:v5+s22+$0x0] =	vst.idx.add.s32.msk vm0, v2  }
0x648: {  	s6 =	sadd.s32 $0xFFFFFFFF, s6;
	v5 =	vld [tilespmem:s5+$0x0]  }
.LBB2_189:
0x649: {  	_ = 	snop  }
0x64a: {  	s4 =	sadd.s32 @p1 $0x10, s4  }
0x64b: {  	s3 =	smov.u32 @p1 s4  }
0x64c: {  	v6 =	vor.u32 s3, v0  }
0x64d: {  	vm0 =	vlt.s32 v6, v4;
	v5 =	vshrl.u32 v5, $0xC  }
0x64e: {  	v5 =	vand.u32 $0x1FF, v5;
	_ =	sdelay $0x4  }
0x64f: {  	[tilespmem:v5+s22+$0x0] =	vst.idx.add.s32.msk vm0, v2  }
.LBB2_190:
0x650: {  	s4 =	simm.s32 $0x1A200  }
0x651: {  	v10 =	vld [tilespmem:s4+$0x0]  }
0x652: {  	s19 =	simm.s32 $0x1A210  }
0x653: {  	v8 =	vld [tilespmem:s19+$0x0];
	_ =	sdelay $0x2  }
0x654: {  	(xrf0) =	vadd.scan.msk.s32 $0xffff, v10;
	_ =	sdelay $0x1  }
0x655: {  	(xrf0) =	vadd.scan.msk.s32 $0xffff, v8;
	_ =	sdelay $0x3  }
0x656: {  	s24 =	simm.s32 $0x1A220;
	v13, _, _ =	vpop (xrf0)  }
0x657: {  	v7 =	vld [tilespmem:s24+$0x0];
	(v2sf) =	vpush v13, $0xF  }
0x658: {  	v11, _, _ =	vpop (xrf0)  }
0x659: {  	(v2sf) =	vpush v11, $0xF;
	_ =	sdelay $0x2  }
0x65a: {  	s26 =	simm.s32 $0x1A230;
	(xrf0) =	vadd.scan.msk.s32 $0xffff, v7  }
0x65b: {  	v9 =	vld [tilespmem:s26+$0x0];
	_ =	sdelay $0x1  }
0x65c: {  	s2 =	sand.u32 $0x3FFF, s2  }
0x65d: {  	s3 =	ssub.s32 $0xFFF, s2;
	s2 =	simm.s32 $0x0  }
0x65e: {  	v6 =	vimm.s32 $0x7FFFFFFF;
	s6 =	simm.s32 $0x10;
	s5 =	simm.s32 $0x30;
	v14 =	vmov s2  }
0x65f: {  	s7 =	simm.s32 $0x40;
	s8 =	simm.s32 $0x1A240;
	s4 =	simm.s32 $0x20;
	v5 =	vmov s3;
	v14 =	vshll.u32 v14, $0xE;
	(xrf0) =	vadd.scan.msk.s32 $0xffff, v9;
	v13 =	vadd.s32 s2, v13;
	v12, _, _ =	vpop (xrf0)  }
.LBB2_191:
0x660: {  	v15 =	vld [tilespmem:s8+$0x0];
	p1 =	sne.s32 s7, $0x1F0;
	(v2sf) =	vpush v12, $0xF;
	v14 =	vor.u32 v3, v14;
	v16 =	vsub.s32 v13, v10;
	v10 =	vmovc v8;
	v8 =	vmovc v7;
	s9 =	smov.u32 s7;
	s7 =	sadd.s32 $0x10, s7  }
.Ltmp123:
0x661: {  	vm0 =	vgt.s32 v13, v5;
	v7 =	vmovc v9;
	v9 =	vmovc v11;
	v11 =	vmov v12;
	v13 =	vor.u32 v14, v16;
	(pc) =	sbr.rel @p1 .LBB2_191-.Ltmp123, $4  }
0x662: {  	v12 =	vnsel vm0, $0x7FFFFFFF, v13  }
0x663: {  	vm0 =	vlt.s32 v6, v12;
	s10 =	spop (v2sf)  }
0x664: {  	v14 =	vmov s6;
	s6 =	smov.u32 s4;
	s4 =	smov.u32 s5;
	s2 =	sadd.s32 s2, s10;
	v6 =	vsel vm0, v6, v12  }
0x665: {  	s8 =	sadd.s32 $0x10, s8;
	s5 =	smov.u32 s9;
	v14 =	vshll.u32 v14, $0xE;
	(xrf0) =	vadd.scan.msk.s32 $0xffff, v15;
	v12, _, _ =	vpop (xrf0);
	v13 =	vadd.s32 s2, v9;
	v9 =	vmov v15  }
0x666: {  	(v2sf) =	vpush v12, $0xF;
	_ =	sdelay $0x8  }
0x667: {  	v14 =	vor.u32 v3, v14;
	v10 =	vsub.s32 v13, v10;
	s7 =	spop (v2sf);
	v57 =	vmov s6  }
0x668: {  	vm0 =	vgt.s32 v13, v5;
	v59 =	vmov s4;
	v62 =	vmov s5;
	s2 =	sadd.s32 s2, s7  }
0x669: {  	v10 =	vor.u32 v14, v10;
	v58 =	vshll.u32 v57, $0xE;
	v11 =	vadd.s32 s2, v11  }
0x66a: {  	v10 =	vnsel vm0, $0x7FFFFFFF, v10;
	v13 =	vor.u32 v3, v58;
	v8 =	vsub.s32 v11, v8  }
0x66b: {  	vm0 =	vlt.s32 v6, v10;
	vm1 =	vgt.s32 v11, v5;
	v8 =	vor.u32 v13, v8;
	s19 =	spop (v2sf)  }
0x66c: {  	v6 =	vsel vm0, v6, v10;
	v10 =	vshll.u32 v59, $0xE;
	v8 =	vnsel vm1, $0x7FFFFFFF, v8;
	s2 =	sadd.s32 s2, s19  }
0x66d: {  	v10 =	vor.u32 v3, v10;
	vm0 =	vlt.s32 v6, v8;
	v60 =	vadd.s32 s2, v12;
	s24 =	spop (v2sf)  }
0x66e: {  	v61, _, _ =	vpop (xrf0);
	v6 =	vsel vm0, v6, v8;
	v8 =	vshll.u32 v62, $0xE;
	v7 =	vsub.s32 v60, v7;
	s2 =	sadd.s32 s2, s24  }
0x66f: {  	vm14 =	vgt.s32 v60, v5;
	v7 =	vor.u32 v10, v7;
	v63 =	vadd.s32 s2, v61  }
0x670: {  	v8 =	vor.u32 v3, v8;
	v7 =	vnsel vm14, $0x7FFFFFFF, v7;
	v9 =	vsub.s32 v63, v9  }
0x671: {  	vm0 =	vlt.s32 v6, v7;
	vm15 =	vgt.s32 v63, v5;
	v5 =	vor.u32 v8, v9  }
0x672: {  	v6 =	vsel vm0, v6, v7;
	v5 =	vnsel vm15, $0x7FFFFFFF, v5  }
0x673: {  	vm0 =	vlt.s32 v6, v5  }
0x674: {  	v5 =	vsel vm0, v6, v5  }
0x675: {  	v5 =	vxor.u32 $0x80000000, v5  }
0x676: {  	(xrf0) =	vmin.scan.msk.u32 $0xffff, v5;
	_ =	sdelay $0x5  }
0x677: {  	(v2sf) =	vpush v61, $0xF;
	v5, _, _ =	vpop (xrf0)  }
0x678: {  	(v2sf) =	vpush v5, $0xF;
	_ =	sdelay $0xc  }
.Ltmp124:
0x679: {  	_ = 	snop;
	(pc) =	sbr.rel @p0 .LBB2_199-.Ltmp124, $4  }
0x67a: {  	s26 =	spop (v2sf)  }
0x67b: {  	s4 =	spop (v2sf)  }
0x67c: {  	s2 =	sshra.s32 s4, $0xE  }
0x67d: {  	s5 =	simm.s32 $0x0;
	s19 =	simm.s32 $0x0;
	s2 =	sxor.u32 $0xFFFE0000, s2  }
0x67e: {  	p1 =	sne.s32 s20, $0x1  }
.Ltmp125:
0x67f: {  	_ = 	snop;
	(pc) =	sbr.rel @!p1 .LBB2_194-.Ltmp125, $3  }
0x680: {  	_ =	sdelay $0x1  }
0x681: {  	s6 =	simm.s32 $0x12000  }
0x682: {  	v5 =	vmov s2;
	s5 =	simm.s32 $0x0;
	p0 =	por $0x0, $0x0;
	v6 =	vld [tilespmem:s6+$0x0];
	s6 =	sadd.s32 $0xFFFFFFFF, s20  }
0x683: {  	_ =	sdelay $0x3  }
0x684: {  	v7 =	vshrl.u32 v6, $0xC  }
0x685: {  	v8 =	vor.u32 s5, v0;
	v7 =	vand.u32 $0x1FF, v7  }
0x686: {  	vm0 =	vlt.s32 v8, v4;
	vm1 =	veq.s32 v7, v5  }
0x687: {  	vm0 =	vmand vm0, vm1  }
0x688: {  	v7 =	vmpcnt.ones.xlane vm0;
	_ =	sdelay $0x1  }
0x689: {  	p1 =	sne.s32 s6, $0x1;
	(v2sf) =	vpush v7, $0x0  }
.Ltmp126:
0x68a: {  	_ = 	snop;
	(pc) =	sbr.rel @!p1 .LBB2_196-.Ltmp126, $3  }
0x68b: {  	_ =	sdelay $0x1  }
0x68c: {  	s8 =	simm.s32 $0x12010;
	s9 =	sadd.s32 $0xFFFFFFFF, s6;
	[tilespmem:s5+$0x16100] =	vst.msk vm0, v6  }
0x68d: {  	p0 =	por $0x1, $0x1;
	s7 =	simm.s32 $0x0;
	s6 =	simm.s32 $0x0;
	v6 =	vld [tilespmem:s8+$0x0]  }
.LBB2_197:
0x68e: {  	p1 =	sne.s32 s9, $0x1;
	_ =	sdelay $0x3  }
0x68f: {  	s7 =	sadd.s32 $0x10, s7;
	v7 =	vshrl.u32 v6, $0xC  }
0x690: {  	v8 =	vor.u32 s7, v0;
	v7 =	vand.u32 $0x1FF, v7  }
0x691: {  	vm0 =	vlt.s32 v8, v4;
	vm1 =	veq.s32 v7, v5  }
0x692: {  	vm0 =	vmand vm0, vm1  }
0x693: {  	v7 =	vmpcnt.ones.xlane vm0  }
0x694: {  	s10 =	spop (v2sf)  }
0x695: {  	(v2sf) =	vpush v7, $0x0;
	s6 =	sadd.s32 s6, s10  }
.Ltmp127:
0x696: {  	[tilespmem:s6+$0x16100] =	vst.msk vm0, v6;
	(pc) =	sbr.rel @p1 .LBB2_197-.Ltmp127, $3  }
0x697: {  	_ =	sdelay $0x1  }
0x698: {  	s8 =	sadd.s32 $0x10, s8  }
0x699: {  	s9 =	sadd.s32 $0xFFFFFFFF, s9;
	v6 =	vld [tilespmem:s8+$0x0]  }
.LBB2_198:
0x69a: {  	_ =	sdelay $0x2  }
0x69b: {  	s7 =	sadd.s32 @p0 $0x10, s7;
	s8 =	simm.s32 $0x0  }
0x69c: {  	s8 =	smov.u32 @p0 s7;
	v7 =	vshrl.u32 v6, $0xC  }
0x69d: {  	v8 =	vor.u32 s8, v0;
	v7 =	vand.u32 $0x1FF, v7  }
0x69e: {  	vm0 =	vlt.s32 v8, v4;
	vm1 =	veq.s32 v7, v5  }
0x69f: {  	vm0 =	vmand vm0, vm1  }
0x6a0: {  	v4 =	vmpcnt.ones.xlane vm0;
	_ =	sdelay $0x1  }
0x6a1: {  	(v2sf) =	vpush v4, $0x0;
	_ =	sdelay $0xc  }
0x6a2: {  	s7 =	spop @p0 (v2sf)  }
0x6a3: {  	s6 =	sadd.s32 @p0 s6, s7  }
0x6a4: {  	s5 =	smov.u32 @p0 s6;
	s26 =	spop (v2sf)  }
0x6a5: {  	[tilespmem:s5+$0x16100] =	vst.msk vm0, v6;
	s5 =	sadd.s32 s5, s26  }
.LBB2_199:
.Ltmp128:
0x6a6: {  	(pc) =	sbr.rel .LBB2_200-.Ltmp128, $4  }
0x6a7: {  	_ = 	snop  }
0x6a8: {  	s6 =	sadd.s32 $0xF, s5  }
0x6a9: {  	s4 =	sand.u32 $0x3FFF, s4;
	v4 =	vmov s5;
	s5 =	simm.s32 $0x0;
	s20 =	sshra.s32 s6, $0x4  }
0x6aa: {  	s3 =	ssub.s32 s3, s4;
	s4 =	simm.s32 $0xFFF;
	p0 =	slt.s32 s20, $0x1  }
.LBB2_201:
0x6ab: {  	s7 =	simm.s32 $0x0  }
.LBB2_214:
0x6ac: {  	s5 =	sadd.s32 $0x1, s5  }
0x6ad: {  	p2 =	sne.s32 s5, $0xC  }
.Ltmp129:
0x6ae: {  	_ = 	snop;
	(pc) =	sbr.rel @!p2 .LBB2_215-.Ltmp129, $4  }
0x6af: {  	_ = 	snop  }
0x6b0: {  	p1 =	sgt.s32 s7, s3;
	s7 =	sadd.s32 $0x1, s6  }
0x6b1: {  	s7 =	smov.u32 @p1 s19  }
0x6b2: {  	s4 =	smov.u32 @p1 s6;
	s19 =	smov.u32 s7  }
.LBB2_200:
.Ltmp130:
0x6b3: {  	(pc) =	sbr.rel @p0 .LBB2_201-.Ltmp130, $3  }
0x6b4: {  	_ =	sdelay $0x1  }
0x6b5: {  	s6 =	sadd.s32 s19, s4  }
0x6b6: {  	s6 =	sshra.s32 s6, $0x1  }
0x6b7: {  	s7 =	simm.s32 $0x16100  }
0x6b8: {  	p5 =	sne.s32 s20, $0x1;
	v7 =	vld [tilespmem:s7+$0x0]  }
.Ltmp131:
0x6b9: {  	_ = 	snop;
	(pc) =	sbr.rel @!p5 .LBB2_203-.Ltmp131, $4  }
0x6ba: {  	_ = 	snop  }
0x6bb: {  	s8 =	sadd.s32 $0xFFFFFFFF, s20  }
0x6bc: {  	s9 =	simm.s32 $0x16110;
	p1 =	por $0x0, $0x0;
	s7 =	simm.s32 $0x0  }
0x6bd: {  	v5 =	vmov s6;
	p2 =	por $0x0, $0x0;
	p3 =	por $0x0, $0x0;
	p4 =	por $0x0, $0x0;
	v6 =	vor.u32 s7, v0;
	v7 =	vand.u32 $0xFFF, v7  }
0x6be: {  	v8 =	vld [tilespmem:s9+$0x0];
	p5 =	sne.s32 s8, $0x1  }
.Ltmp132:
0x6bf: {  	_ = 	snop;
	(pc) =	sbr.rel @!p5 .LBB2_205-.Ltmp132, $4  }
0x6c0: {  	vm0 =	vlt.s32 v6, v4;
	vm1 =	vle.s32 v7, v5  }
0x6c1: {  	vm0 =	vmand vm0, vm1  }
0x6c2: {  	s26 =	simm.s32 $0x10;
	v6 =	vsel vm0, $0x1, v1  }
0x6c3: {  	s8 =	sadd.s32 $0xFFFFFFFF, s8;
	s9 =	simm.s32 $0x16120;
	p1 =	por $0x1, $0x1;
	(xrf0) =	vadd.scan.msk.s32 $0xffff, v6;
	v6 =	vor.u32 s26, v0;
	v7 =	vand.u32 $0xFFF, v8  }
0x6c4: {  	_ =	sdelay $0x4  }
0x6c5: {  	vm1 =	vle.s32 v7, v5;
	v7, _, _ =	vpop (xrf0)  }
0x6c6: {  	(v2sf) =	vpush v7, $0xF;
	_ =	sdelay $0x7  }
0x6c7: {  	v8 =	vld [tilespmem:s9+$0x0];
	p5 =	sne.s32 s8, $0x1  }
.Ltmp133:
0x6c8: {  	_ = 	snop;
	(pc) =	sbr.rel @!p5 .LBB2_207-.Ltmp133, $4  }
0x6c9: {  	vm0 =	vlt.s32 v6, v4  }
0x6ca: {  	vm0 =	vmand vm0, vm1  }
0x6cb: {  	s26 =	simm.s32 $0x20;
	v6 =	vsel vm0, $0x1, v1  }
0x6cc: {  	s8 =	sadd.s32 $0xFFFFFFFF, s8;
	s9 =	simm.s32 $0x16130;
	p2 =	por $0x1, $0x1;
	(xrf0) =	vadd.scan.msk.s32 $0xffff, v6;
	v6 =	vor.u32 s26, v0;
	v7 =	vand.u32 $0xFFF, v8  }
0x6cd: {  	_ =	sdelay $0x4  }
0x6ce: {  	vm1 =	vle.s32 v7, v5;
	v7, _, _ =	vpop (xrf0)  }
0x6cf: {  	(v2sf) =	vpush v7, $0xF;
	_ =	sdelay $0x3  }
0x6d0: {  	v8 =	vld [tilespmem:s9+$0x0];
	p5 =	sne.s32 s8, $0x1  }
.Ltmp134:
0x6d1: {  	_ = 	snop;
	(pc) =	sbr.rel @!p5 .LBB2_209-.Ltmp134, $4  }
0x6d2: {  	vm0 =	vlt.s32 v6, v4  }
0x6d3: {  	vm0 =	vmand vm0, vm1  }
0x6d4: {  	s26 =	simm.s32 $0x30;
	v6 =	vsel vm0, $0x1, v1  }
0x6d5: {  	s8 =	sadd.s32 $0xFFFFFFFF, s8;
	s9 =	simm.s32 $0x16140;
	p3 =	por $0x1, $0x1;
	(xrf0) =	vadd.scan.msk.s32 $0xffff, v6;
	v6 =	vor.u32 s26, v0;
	v7 =	vand.u32 $0xFFF, v8  }
0x6d6: {  	_ =	sdelay $0x4  }
0x6d7: {  	vm1 =	vle.s32 v7, v5;
	v7, _, _ =	vpop (xrf0)  }
0x6d8: {  	(v2sf) =	vpush v7, $0xF;
	_ =	sdelay $0x3  }
0x6d9: {  	v8 =	vld [tilespmem:s9+$0x0];
	vm0 =	vlt.s32 v6, v4;
	p5 =	sne.s32 s8, $0x1  }
.Ltmp135:
0x6da: {  	vm0 =	vmand vm0, vm1;
	(pc) =	sbr.rel @!p5 .LBB2_211-.Ltmp135, $4  }
0x6db: {  	v6 =	vsel vm0, $0x1, v1  }
0x6dc: {  	(xrf0) =	vadd.scan.msk.s32 $0xffff, v6  }
0x6dd: {  	s9 =	sadd.s32 $0xFFFFFFFF, s8;
	s10 =	simm.s32 $0x40  }
0x6de: {  	s11 =	simm.s32 $0x16150;
	p4 =	por $0x1, $0x1;
	s8 =	simm.s32 $0x0;
	v6 =	vor.u32 s10, v0;
	v7 =	vand.u32 $0xFFF, v8  }
.LBB2_212:
0x6df: {  	v8 =	vld [tilespmem:s11+$0x0];
	p5 =	sne.s32 s9, $0x1;
	s9 =	sadd.s32 $0xFFFFFFFF, s9;
	vm0 =	vlt.s32 v6, v4;
	vm1 =	vle.s32 v7, v5  }
.Ltmp136:
0x6e0: {  	vm0 =	vmand vm0, vm1;
	s12 =	spop (v2sf);
	(pc) =	sbr.rel @p5 .LBB2_212-.Ltmp136, $4  }
0x6e1: {  	v7 =	vsel vm0, $0x1, v1;
	s8 =	sadd.s32 s8, s12  }
0x6e2: {  	(xrf0) =	vadd.scan.msk.s32 $0xffff, v7;
	v6, _, _ =	vpop (xrf0)  }
0x6e3: {  	s10 =	sadd.s32 $0x10, s10;
	(v2sf) =	vpush v6, $0xF  }
0x6e4: {  	s11 =	sadd.s32 $0x10, s11;
	v6 =	vor.u32 s10, v0;
	v7 =	vand.u32 $0xFFF, v8  }
.LBB2_213:
0x6e5: {  	vm0 =	vlt.s32 v6, v4;
	vm1 =	vle.s32 v7, v5  }
0x6e6: {  	vm0 =	vmand vm0, vm1  }
0x6e7: {  	v5 =	vsel vm0, $0x1, v1  }
0x6e8: {  	(xrf0) =	vadd.scan.msk.s32 $0xffff, v5;
	_ =	sdelay $0x3  }
0x6e9: {  	v5, _, _ =	vpop @p1 (xrf0)  }
0x6ea: {  	(v2sf) =	vpush @p1 v5, $0xF  }
0x6eb: {  	v5, _, _ =	vpop (xrf0)  }
0x6ec: {  	(v2sf) =	vpush v5, $0xF;
	_ =	sdelay $0x6  }
0x6ed: {  	s9 =	spop @p4 (v2sf)  }
0x6ee: {  	s8 =	sadd.s32 @p4 s8, s9;
	s9 =	simm.s32 $0x0  }
0x6ef: {  	s9 =	smov.u32 @p4 s8;
	s8 =	spop @p3 (v2sf)  }
0x6f0: {  	s8 =	sadd.s32 @p3 s9, s8;
	s9 =	simm.s32 $0x0  }
0x6f1: {  	s9 =	smov.u32 @p3 s8;
	s8 =	spop @p2 (v2sf)  }
.Ltmp137:
0x6f2: {  	s8 =	sadd.s32 @p2 s9, s8;
	s9 =	simm.s32 $0x0;
	(pc) =	sbr.rel .LBB2_214-.Ltmp137, $4  }
0x6f3: {  	s9 =	smov.u32 @p2 s8;
	s8 =	spop @p1 (v2sf)  }
0x6f4: {  	s8 =	sadd.s32 @p1 s9, s8  }
0x6f5: {  	s7 =	smov.u32 @p1 s8;
	s26 =	spop (v2sf)  }
0x6f6: {  	s7 =	sadd.s32 s7, s26  }
.LBB2_203:
.Ltmp138:
0x6f7: {  	(pc) =	sbr.rel .LBB2_213-.Ltmp138, $2  }
0x6f8: {  	_ =	sdelay $0x2  }
0x6f9: {  	s8 =	simm.s32 $0x0  }
.LBB2_205:
.Ltmp139:
0x6fa: {  	(pc) =	sbr.rel .LBB2_213-.Ltmp139, $2  }
0x6fb: {  	_ =	sdelay $0x2  }
0x6fc: {  	s8 =	simm.s32 $0x0  }
.LBB2_207:
.Ltmp140:
0x6fd: {  	(pc) =	sbr.rel .LBB2_213-.Ltmp140, $2  }
0x6fe: {  	_ =	sdelay $0x2  }
0x6ff: {  	s8 =	simm.s32 $0x0  }
.LBB2_209:
.Ltmp141:
0x700: {  	(pc) =	sbr.rel .LBB2_213-.Ltmp141, $2  }
0x701: {  	_ =	sdelay $0x3  }
0x702: {  	s8 =	simm.s32 $0x0  }
.LBB2_211:
.Ltmp142:
0x703: {  	(pc) =	sbr.rel .LBB2_213-.Ltmp142, $2  }
0x704: {  	_ =	sdelay $0x2  }
0x705: {  	s8 =	simm.s32 $0x0  }
.LBB2_215:
0x706: {  	s3 =	sshll.u32 s18, $0x15;
	s2 =	sshll.u32 s2, $0xC  }
0x707: {  	s2 =	sor.u32 s3, s2  }
0x708: {  	s2 =	sor.u32 s7, s2  }
0x709: {  	s3 =	simm.s32 $0xFFFFFFFF;
	p0 =	sgt.s32 s2, $0xFFFFFFFF  }
0x70a: {  	_ =	swait.ge [sflag:s0], $0x2000;
	s3 =	simm.s32 @!p0 $0x80000000  }
0x70b: {  	[sflag:s0] =	ssyncset.done $0x0;
	s2 =	sxor.u32 s2, s3  }
0x70c: {  	[sflag:s0] =	ssyncadd.s32 $0xFFFFE000;
	v4 =	vmov s2;
	s2 =	simm.s32 $0x0  }
0x70d: {  	v5 =	vld [tilespmem:s2+$0x6000]  }
0x70e: {  	s3 =	simm.s32 $0x40;
	v4 =	vbroadcast v4, $0x0  }
.LBB2_216:
0x70f: {  	p0 =	sne.s32 s3, $0x7FC0  }
.Ltmp143:
0x710: {  	_ = 	snop;
	(pc) =	sbr.rel @p0 .LBB2_216-.Ltmp143, $4  }
0x711: {  	_ = 	snop  }
0x712: {  	s4 =	sshra.s32 s3, $0x2;
	s3 =	sadd.s32 $0x40, s3;
	vm0 =	vlt.f32 v5, v4  }
0x713: {  	v5 =	vld [tilespmem:s4+$0x6000];
	v6 =	vsel vm0, $0x1, v1  }
0x714: {  	[tilespmem:s2+$0x10000] =	vst v6;
	s2 =	smov.u32 s4  }
0x715: {  	_ =	sdelay $0x2  }
0x716: {  	vm0 =	vlt.f32 v5, v4  }
0x717: {  	v4 =	vsel vm0, $0x1, v1  }
0x718: {  	s26 =	rddreg [dreg:$0xf];
	s3 =	simm.s32 $0x10000;
	s17 =	sadd.s32 $0x1, s17;
	[tilespmem:s2+$0x10000] =	vst v4  }
0x719: {  	[hbm4b:s26+s14] =	stream.strided.scatter [tilespmem:s3], [sflag:$0xA], $0x2000, s15, s14, $0x38;
	[tilespmem:$0x1AA00] =	vst v63  }
0x71a: {  	p0 =	sne.s32 s17, s13;
	_ =	swait.ge [sflag:s1], $0x2000  }
.Ltmp144:
0x71b: {  	[sflag:s1] =	ssyncset.done $0x0;
	(pc) =	sbr.rel @p0 .LBB2_1-.Ltmp144, $4  }
.Ltmp145:
0x71c: {  	[sflag:s1] =	ssyncadd.s32 $0xFFFFE000;
	(pc) =	sbr.rel @!p0 .LBB2_218-.Ltmp145, $4  }
0x71d: {  	_ =	swait.ge [sflag:s16], $0x2000  }
0x71e: {  	[sflag:s16] =	ssyncset.done $0x0  }
0x71f: {  	[sflag:s16] =	ssyncadd.s32 $0xFFFFE000  }
0x720: {  	_ = 	snop  }
.LBB2_11:
.Ltmp146:
0x721: {  	(pc) =	sbr.rel .LBB2_15-.Ltmp146, $2  }
0x722: {  	_ =	sdelay $0x2  }
0x723: {  	s5 =	simm.s32 $0x0  }
.LBB2_20:
.Ltmp147:
0x724: {  	(pc) =	sbr.rel .LBB2_24-.Ltmp147, $2  }
0x725: {  	_ =	sdelay $0x2  }
0x726: {  	s8 =	simm.s32 $0x0;
	s2 =	simm.s32 $0x0;
	s7 =	simm.s32 $0x14080  }
.LBB2_43:
.Ltmp148:
0x727: {  	(pc) =	sbr.rel .LBB2_53-.Ltmp148, $2  }
0x728: {  	_ =	sdelay $0x2  }
0x729: {  	s3 =	simm.s32 $0x0;
	s4 =	simm.s32 $0x0  }
.LBB2_54:
.Ltmp149:
0x72a: {  	(pc) =	sbr.rel .LBB2_64-.Ltmp149, $2  }
0x72b: {  	_ =	sdelay $0x2  }
0x72c: {  	v12 =	vimm.s32 $0xFFFFFFFF;
	s3 =	simm.s32 $0x0;
	s4 =	simm.s32 $0x18180  }
.LBB2_77:
.Ltmp150:
0x72d: {  	(pc) =	sbr.rel .LBB2_81-.Ltmp150, $2  }
0x72e: {  	_ =	sdelay $0x2  }
0x72f: {  	s4 =	simm.s32 $0x0  }
.LBB2_86:
.Ltmp151:
0x730: {  	(pc) =	sbr.rel .LBB2_90-.Ltmp151, $2  }
0x731: {  	_ =	sdelay $0x2  }
0x732: {  	s7 =	simm.s32 $0x0;
	s6 =	simm.s32 $0x0  }
.LBB2_119:
.Ltmp152:
0x733: {  	(pc) =	sbr.rel .LBB2_123-.Ltmp152, $2  }
0x734: {  	_ =	sdelay $0x2  }
0x735: {  	s5 =	simm.s32 $0x0  }
.LBB2_128:
.Ltmp153:
0x736: {  	(pc) =	sbr.rel .LBB2_132-.Ltmp153, $2  }
0x737: {  	_ =	sdelay $0x2  }
0x738: {  	s8 =	simm.s32 $0x0;
	s2 =	simm.s32 $0x0;
	s7 =	simm.s32 $0x14080  }
.LBB2_151:
.Ltmp154:
0x739: {  	(pc) =	sbr.rel .LBB2_161-.Ltmp154, $2  }
0x73a: {  	_ =	sdelay $0x2  }
0x73b: {  	s3 =	simm.s32 $0x0;
	s4 =	simm.s32 $0x0  }
.LBB2_162:
.Ltmp155:
0x73c: {  	(pc) =	sbr.rel .LBB2_172-.Ltmp155, $2  }
0x73d: {  	_ =	sdelay $0x2  }
0x73e: {  	v12 =	vimm.s32 $0xFFFFFFFF;
	s3 =	simm.s32 $0x0;
	s4 =	simm.s32 $0x18180  }
.LBB2_185:
.Ltmp156:
0x73f: {  	(pc) =	sbr.rel .LBB2_189-.Ltmp156, $2  }
0x740: {  	_ =	sdelay $0x2  }
0x741: {  	s4 =	simm.s32 $0x0  }
.LBB2_194:
.Ltmp157:
0x742: {  	(pc) =	sbr.rel .LBB2_198-.Ltmp157, $2  }
0x743: {  	_ =	sdelay $0x2  }
0x744: {  	s7 =	simm.s32 $0x0;
	s6 =	simm.s32 $0x0  }
.LBB2_13:
.Ltmp158:
0x745: {  	(pc) =	sbr.rel .LBB2_15-.Ltmp158, $2  }
0x746: {  	_ =	sdelay $0x2  }
0x747: {  	s5 =	simm.s32 $0x0  }
.LBB2_22:
.Ltmp159:
0x748: {  	(pc) =	sbr.rel .LBB2_24-.Ltmp159, $2  }
0x749: {  	_ =	sdelay $0x2  }
0x74a: {  	s8 =	simm.s32 $0x0;
	s2 =	simm.s32 $0x0;
	s7 =	simm.s32 $0x14080  }
.LBB2_45:
.Ltmp160:
0x74b: {  	(pc) =	sbr.rel .LBB2_53-.Ltmp160, $2  }
0x74c: {  	_ =	sdelay $0x2  }
0x74d: {  	s3 =	simm.s32 $0x0;
	s4 =	simm.s32 $0x0  }
.LBB2_56:
.Ltmp161:
0x74e: {  	(pc) =	sbr.rel .LBB2_64-.Ltmp161, $2  }
0x74f: {  	_ =	sdelay $0x2  }
0x750: {  	v12 =	vimm.s32 $0xFFFFFFFF;
	s3 =	simm.s32 $0x0;
	s4 =	simm.s32 $0x18180  }
.LBB2_79:
.Ltmp162:
0x751: {  	(pc) =	sbr.rel .LBB2_81-.Ltmp162, $2  }
0x752: {  	_ =	sdelay $0x2  }
0x753: {  	s4 =	simm.s32 $0x0  }
.LBB2_88:
.Ltmp163:
0x754: {  	(pc) =	sbr.rel .LBB2_90-.Ltmp163, $2  }
0x755: {  	_ =	sdelay $0x2  }
0x756: {  	s7 =	simm.s32 $0x0;
	s6 =	simm.s32 $0x0  }
.LBB2_121:
.Ltmp164:
0x757: {  	(pc) =	sbr.rel .LBB2_123-.Ltmp164, $2  }
0x758: {  	_ =	sdelay $0x2  }
0x759: {  	s5 =	simm.s32 $0x0  }
.LBB2_130:
.Ltmp165:
0x75a: {  	(pc) =	sbr.rel .LBB2_132-.Ltmp165, $2  }
0x75b: {  	_ =	sdelay $0x2  }
0x75c: {  	s8 =	simm.s32 $0x0;
	s2 =	simm.s32 $0x0;
	s7 =	simm.s32 $0x14080  }
.LBB2_153:
.Ltmp166:
0x75d: {  	(pc) =	sbr.rel .LBB2_161-.Ltmp166, $2  }
0x75e: {  	_ =	sdelay $0x2  }
0x75f: {  	s3 =	simm.s32 $0x0;
	s4 =	simm.s32 $0x0  }
.LBB2_164:
.Ltmp167:
0x760: {  	(pc) =	sbr.rel .LBB2_172-.Ltmp167, $2  }
0x761: {  	_ =	sdelay $0x2  }
0x762: {  	v12 =	vimm.s32 $0xFFFFFFFF;
	s3 =	simm.s32 $0x0;
	s4 =	simm.s32 $0x18180  }
.LBB2_187:
.Ltmp168:
0x763: {  	(pc) =	sbr.rel .LBB2_189-.Ltmp168, $2  }
0x764: {  	_ =	sdelay $0x2  }
0x765: {  	s4 =	simm.s32 $0x0  }
.LBB2_196:
.Ltmp169:
0x766: {  	(pc) =	sbr.rel .LBB2_198-.Ltmp169, $2  }
0x767: {  	_ =	sdelay $0x2  }
0x768: {  	s7 =	simm.s32 $0x0;
	s6 =	simm.s32 $0x0  }
.LBB2_47:
.Ltmp170:
0x769: {  	(pc) =	sbr.rel .LBB2_53-.Ltmp170, $2  }
0x76a: {  	_ =	sdelay $0x2  }
0x76b: {  	s3 =	simm.s32 $0x0;
	s4 =	simm.s32 $0x0  }
.LBB2_58:
.Ltmp171:
0x76c: {  	(pc) =	sbr.rel .LBB2_64-.Ltmp171, $2  }
0x76d: {  	_ =	sdelay $0x2  }
0x76e: {  	v11 =	vmov v8;
	v12 =	vimm.s32 $0xFFFFFFFF;
	s3 =	simm.s32 $0x0;
	s4 =	simm.s32 $0x18180  }
.LBB2_155:
.Ltmp172:
0x76f: {  	(pc) =	sbr.rel .LBB2_161-.Ltmp172, $2  }
0x770: {  	_ =	sdelay $0x2  }
0x771: {  	s3 =	simm.s32 $0x0;
	s4 =	simm.s32 $0x0  }
.LBB2_166:
.Ltmp173:
0x772: {  	(pc) =	sbr.rel .LBB2_172-.Ltmp173, $2  }
0x773: {  	_ =	sdelay $0x2  }
0x774: {  	v11 =	vmov v8;
	v12 =	vimm.s32 $0xFFFFFFFF;
	s3 =	simm.s32 $0x0;
	s4 =	simm.s32 $0x18180  }
.LBB2_49:
.Ltmp174:
0x775: {  	(pc) =	sbr.rel .LBB2_53-.Ltmp174, $2  }
0x776: {  	_ =	sdelay $0x3  }
0x777: {  	s3 =	simm.s32 $0x0;
	s4 =	simm.s32 $0x0  }
.LBB2_60:
.Ltmp175:
0x778: {  	_ = 	snop;
	(pc) =	sbr.rel .LBB2_64-.Ltmp175, $3  }
0x779: {  	_ =	sdelay $0x1  }
0x77a: {  	v12 =	vimm.s32 $0xFFFFFFFF;
	_ =	sdelay $0x1  }
0x77b: {  	vm2 =	vmmov vm1;
	s3 =	simm.s32 $0x0;
	v15 =	vmovc v8;
	v11 =	vmovc v9;
	vm6 =	vmmov vm3;
	s4 =	simm.s32 $0x18180;
	v14 =	vmov v10  }
.LBB2_157:
.Ltmp176:
0x77c: {  	(pc) =	sbr.rel .LBB2_161-.Ltmp176, $2  }
0x77d: {  	_ =	sdelay $0x3  }
0x77e: {  	s3 =	simm.s32 $0x0;
	s4 =	simm.s32 $0x0  }
.LBB2_168:
.Ltmp177:
0x77f: {  	_ = 	snop;
	(pc) =	sbr.rel .LBB2_172-.Ltmp177, $3  }
0x780: {  	_ =	sdelay $0x1  }
0x781: {  	v12 =	vimm.s32 $0xFFFFFFFF;
	_ =	sdelay $0x1  }
0x782: {  	vm2 =	vmmov vm1;
	s3 =	simm.s32 $0x0;
	v15 =	vmovc v8;
	v11 =	vmovc v9;
	vm6 =	vmmov vm3;
	s4 =	simm.s32 $0x18180;
	v14 =	vmov v10  }
.LBB2_51:
.Ltmp178:
0x783: {  	(pc) =	sbr.rel .LBB2_53-.Ltmp178, $2  }
0x784: {  	_ =	sdelay $0x2  }
0x785: {  	s3 =	simm.s32 $0x0;
	s4 =	simm.s32 $0x0  }
.LBB2_62:
.Ltmp179:
0x786: {  	(pc) =	sbr.rel .LBB2_64-.Ltmp179, $2  }
0x787: {  	_ =	sdelay $0x2  }
0x788: {  	v12 =	vimm.s32 $0xFFFFFFFF;
	s3 =	simm.s32 $0x0;
	v15 =	vmov v9  }
.LBB2_159:
.Ltmp180:
0x789: {  	(pc) =	sbr.rel .LBB2_161-.Ltmp180, $2  }
0x78a: {  	_ =	sdelay $0x2  }
0x78b: {  	s3 =	simm.s32 $0x0;
	s4 =	simm.s32 $0x0  }
.LBB2_170:
.Ltmp181:
0x78c: {  	(pc) =	sbr.rel .LBB2_172-.Ltmp181, $2  }
0x78d: {  	_ =	sdelay $0x2  }
0x78e: {  	v12 =	vimm.s32 $0xFFFFFFFF;
	s3 =	simm.s32 $0x0;
	v15 =	vmov v9  }
.LBB2_218:
0x78f: {  	_ =	sfence.sel $0x180000  }
0x790: {  	[bflag:$0x0] =	sbarrier.arrive $0xFFFF  }
0x791: {  	_ =	strace $0x90000047  }
0x792: {  	s0 =	stileid.u32;
	[bflag:$0x2] =	sbarrier.arrive $0xFFFF  }
0x793: {  	p0 =	sne.s32 s0, $0x0;
	s0 =	rddreg [dreg:$0x5]  }
0x794: {  	s0 =	sadd.s32 @!p0 $0x100000, s0  }
0x795: {  	[sflag:s0] =	ssyncadd.tile.s32 @!p0 $0x1;
	_ =	shalt  }
.Lfunc_end2:
_tile_overlayer_lowered:
.L_overlay_start_2:
0x796: {  	(tag) =	ssettag $0x2  }
0x797: {  	s0 =	rddreg [dreg:$0x0];
	s2 =	stileid.u32  }
0x798: {  	s1 =	rddreg [dreg:$0x1];
	p0 =	sne.s32 s2, $0x0  }
0x799: {  	s3 =	rddreg [dreg:$0x2];
	[bflag:$0x3] =	sbarrier.arrive $0xFFFF;
	s2 =	simm.s32 @!p0 $0x1C0B  }
0x79a: {  	[timem:s3], [sflag:s2] =	dma.local @!p0 [hbm:s0], s1  }
0x79b: {  	s0 =	simm.s32 @!p0 $0xB  }
0x79c: {  	_ =	swait.ge @!p0 [sflag:s0], s1  }
0x79d: {  	s1 =	ssub.s32 @!p0 $0x0, s1;
	[sflag:s0] =	ssyncset.done @!p0 $0x0  }
0x79e: {  	[sflag:s0] =	ssyncadd.s32 @!p0 s1  }
0x79f: {  	[bflag:$0x3] =	sbarrier.arrive $0xFFFF  }
0x7a0: {  	_ =	shalt  }

</sc_bundles>
